<compile_context>
chip_gen: v7x
topology: tpu7x:2x2x1
jax: 0.10.2.dev20260603
libtpu: 0.0.44.dev20260713+nightly
codegen_flags: <defaults>
</compile_context>

<pallas_src>
import functools

import jax
import jax.numpy as jnp
import numpy as np
from jax import lax
from jax.experimental import pallas as pl
from jax.experimental.pallas import tpu as pltpu
from jax.experimental.pallas import tpu_sc as plsc

_CROP = 7
_C = 256
_N = 1000
_NPAD = 1024
_NC = 2
_NS = 16
_NW = _NC * _NS
_P_TILE = _NPAD // _NW
_PIX = _CROP * _CROP
_JS = 8
_T_TILE = _P_TILE * _CROP * _JS
_BATCH = 32
_NBATCH = _T_TILE // _BATCH
_ROWS = 4 * _BATCH
_TAB = 4096 + 1024 + 256 + 64

_T1 = (224.0 / 512.0) ** 2
_T2 = (448.0 / 512.0) ** 2
_T3 = (896.0 / 512.0) ** 2

_mesh = plsc.VectorSubcoreMesh(core_axis_name="c", subcore_axis_name="s")


@functools.partial(
    pl.kernel,
    mesh=_mesh,
    compiler_params=pltpu.CompilerParams(needs_layout_passes=False),
    out_type=jax.ShapeDtypeStruct((_NPAD * _CROP * _JS, _C // 2), jnp.int32),
    scratch_types=[
        pltpu.VMEM((4 * _P_TILE,), jnp.float32),
        pltpu.VMEM((_T_TILE,), jnp.int32),
        pltpu.VMEM((_T_TILE,), jnp.float32),
        pltpu.VMEM((_T_TILE,), jnp.float32),
        pltpu.VMEM((_P_TILE,), jnp.float32),
        pltpu.VMEM((_P_TILE,), jnp.float32),
        pltpu.VMEM((_P_TILE,), jnp.float32),
        pltpu.VMEM((_P_TILE,), jnp.float32),
        pltpu.VMEM((_P_TILE,), jnp.int32),
        pltpu.VMEM((_P_TILE,), jnp.int32),
        pltpu.VMEM((2, _ROWS), jnp.int32),
        pltpu.VMEM((2, _BATCH), jnp.float32),
        pltpu.VMEM((2, _BATCH), jnp.float32),
        pltpu.VMEM((2, _ROWS, _C // 2), jnp.int32),
        pltpu.VMEM((2, _BATCH, _C // 2), jnp.int32),
        pltpu.SemaphoreType.DMA,
        pltpu.SemaphoreType.DMA,
        pltpu.SemaphoreType.DMA,
        pltpu.SemaphoreType.DMA,
    ],
)
def _roi_kernel(table_h, box_h, pp_h, ti_h, tj_h, out_h,
                box_v, pp_v, ti_v, tj_v, ay_v, by_v, ax_v, bx_v,
                base_v, hm1_v, idx_v, wy_v, wx_v, rows_v, outb_v,
                gsem0, gsem1, osem0, osem1):
    wid = lax.axis_index("s") * _NC + lax.axis_index("c")
    gsem = (gsem0, gsem1)
    osem = (osem0, osem1)

    pltpu.sync_copy(box_h.at[pl.ds(wid * (4 * _P_TILE), 4 * _P_TILE)], box_v)
    pltpu.sync_copy(pp_h, pp_v)
    pltpu.sync_copy(ti_h, ti_v)
    pltpu.sync_copy(tj_h, tj_v)

    lanes = jnp.arange(16, dtype=jnp.int32)
    for q in range(_P_TILE // 16):
        fb = (q * 16 + lanes) * 4
        y1 = plsc.load_gather(box_v, [fb])
        x1 = plsc.load_gather(box_v, [fb + 1])
        y2 = plsc.load_gather(box_v, [fb + 2])
        x2 = plsc.load_gather(box_v, [fb + 3])
        area = (y2 - y1) * (x2 - x1)
        lvl = (jnp.full((16,), 3, jnp.int32)
               + (area >= _T1).astype(jnp.int32)
               + (area >= _T2).astype(jnp.int32)
               + (area >= _T3).astype(jnp.int32))
        hm1 = (jnp.full((16,), 1, jnp.int32) << (9 - lvl)) - 1
        base = jnp.where(lvl == 3, 0,
                         jnp.where(lvl == 4, 4096,
                                   jnp.where(lvl == 5, 5120, 5376)))
        hm1f = hm1.astype(jnp.float32)
        sl = pl.ds(q * 16, 16)
        ay_v[sl] = y1 * hm1f
        by_v[sl] = (y2 - y1) * hm1f
        ax_v[sl] = x1 * hm1f
        bx_v[sl] = (x2 - x1) * hm1f
        base_v[sl] = base
        hm1_v[sl] = hm1

    def stage_a(b, s):
        for c in range(_BATCH // 16):
            t0 = b * _BATCH + c * 16
            ppv = pp_v[pl.ds(t0, 16)]
            tiv = ti_v[pl.ds(t0, 16)]
            tjv = tj_v[pl.ds(t0, 16)]
            ayv = plsc.load_gather(ay_v, [ppv])
            byv = plsc.load_gather(by_v, [ppv])
            axv = plsc.load_gather(ax_v, [ppv])
            bxv = plsc.load_gather(bx_v, [ppv])
            basev = plsc.load_gather(base_v, [ppv])
            hm1v = plsc.load_gather(hm1_v, [ppv])
            ys = ayv + tiv * byv
            y0 = jnp.minimum(ys.astype(jnp.int32), hm1v)
            wy = ys - y0.astype(jnp.float32)
            y1i = jnp.minimum(y0 + 1, hm1v)
            xs = axv + tjv * bxv
            x0 = jnp.minimum(xs.astype(jnp.int32), hm1v)
            wx = xs - x0.astype(jnp.float32)
            x1i = jnp.minimum(x0 + 1, hm1v)
            wv = hm1v + 1
            r0 = basev + y0 * wv
            r1 = basev + y1i * wv
            idx_v[s, pl.ds(c * 16, 16)] = r0 + x0
            idx_v[s, pl.ds(_BATCH + c * 16, 16)] = r0 + x1i
            idx_v[s, pl.ds(2 * _BATCH + c * 16, 16)] = r1 + x0
            idx_v[s, pl.ds(3 * _BATCH + c * 16, 16)] = r1 + x1i
            wy_v[s, pl.ds(c * 16, 16)] = wy
            wx_v[s, pl.ds(c * 16, 16)] = wx
        pltpu.async_copy(table_h.at[idx_v.at[s]], rows_v.at[s], gsem[s])

    _M16 = jnp.int32(-65536)

    def blend_pixel(m, s):
        ms = jnp.full((16,), m, jnp.int32)
        ss = jnp.full((16,), s, jnp.int32)
        wym = plsc.load_gather(wy_v, [ss, ms])
        wxm = plsc.load_gather(wx_v, [ss, ms])
        b11 = wym * wxm
        b10 = wym - b11
        b01 = wxm - b11
        b00 = 1.0 - wym - wxm + b11
        for k in range(_C // 32):
            sl = pl.ds(k * 16, 16)
            w00 = rows_v[s, m, sl]
            w01 = rows_v[s, _BATCH + m, sl]
            w10 = rows_v[s, 2 * _BATCH + m, sl]
            w11 = rows_v[s, 3 * _BATCH + m, sl]
            e = (plsc.bitcast(w00 << 16, jnp.float32) * b00
                 + plsc.bitcast(w01 << 16, jnp.float32) * b01
                 + plsc.bitcast(w10 << 16, jnp.float32) * b10
                 + plsc.bitcast(w11 << 16, jnp.float32) * b11)
            o = (plsc.bitcast(w00 & _M16, jnp.float32) * b00
                 + plsc.bitcast(w01 & _M16, jnp.float32) * b01
                 + plsc.bitcast(w10 & _M16, jnp.float32) * b10
                 + plsc.bitcast(w11 & _M16, jnp.float32) * b11)
            ei = plsc.bitcast(e, jnp.int32) + 0x8000
            oi = plsc.bitcast(o, jnp.int32) + 0x8000
            outb_v[s, m, sl] = ((ei >> 16) & 0xFFFF) | (oi & _M16)

    def out_do(b, s, start):
        obase = wid * _T_TILE + b * _BATCH
        c = pltpu.make_async_copy(outb_v.at[s],
                                  out_h.at[pl.ds(obase, _BATCH)], osem[s])
        c.start() if start else c.wait()

    def stage_b(b, s):
        pltpu.make_async_copy(table_h.at[idx_v.at[s]], rows_v.at[s],
                              gsem[s]).wait()
        if isinstance(b, int):
            if b >= 2:
                out_do(b - 2, s, start=False)
        else:
            @pl.when(b >= 2)
            def _():
                out_do(b - 2, s, start=False)
        lax.fori_loop(0, _BATCH, lambda m, _: (blend_pixel(m, s), 0)[1], 0)
        out_do(b, s, start=True)

    stage_a(0, 0)

    def body(k, carry):
        b = 2 * k
        stage_a(b + 1, 1)
        stage_b(b, 0)
        stage_a(b + 2, 0)
        stage_b(b + 1, 1)
        return carry

    lax.fori_loop(0, (_NBATCH - 2) // 2, body, 0)

    stage_a(_NBATCH - 1, 1)
    stage_b(_NBATCH - 2, 0)
    stage_b(_NBATCH - 1, 1)
    out_do(_NBATCH - 2, 0, start=False)
    out_do(_NBATCH - 1, 1, start=False)


def kernel(p3, p4, p5, p6, proposal):
    table = jnp.concatenate(
        [p3.reshape(4096, _C), p4.reshape(1024, _C),
         p5.reshape(256, _C), p6.reshape(64, _C)], axis=0)
    table = table.astype(jnp.bfloat16)
    lo = jax.lax.bitcast_convert_type(table[:, :_C // 2], jnp.uint16)
    hi = jax.lax.bitcast_convert_type(table[:, _C // 2:], jnp.uint16)
    table = (hi.astype(jnp.int32) << 16) | lo.astype(jnp.int32)
    prop = jnp.pad(proposal, ((0, _NPAD - proposal.shape[0]), (0, 0)))
    t = np.arange(_T_TILE)
    g = t // _JS
    j = np.minimum(t % _JS, _CROP - 1)
    pp = (g // _CROP).astype(np.int32)
    tif = ((g % _CROP) / (_CROP - 1.0)).astype(np.float32)
    tjf = (j / (_CROP - 1.0)).astype(np.float32)
    out = _roi_kernel(table, prop.reshape(-1), jnp.asarray(pp),
                      jnp.asarray(tif), jnp.asarray(tjf))
    e = jax.lax.bitcast_convert_type(out << 16, jnp.float32)
    o = jax.lax.bitcast_convert_type(out & jnp.int32(-65536), jnp.float32)
    full = jnp.concatenate([e, o], axis=-1).reshape(_NPAD, _CROP, _JS, _C)
    return full[:_N, :, :_CROP, :]

# --- scband reference (transcript-rebuilt; emitter-appended) ---
"""Pipeline reference for scband-roialign-88390426952235 (READ-ONLY COPY).

The authoritative reference and input builder live on the scoring server;
editing this copy changes nothing except your own understanding.
"""

import jax, jax.numpy as jnp
import numpy as np

CROP = 7
IMG = 512


def _crop_level(feat, boxes, crop=CROP):
    # feat: [H, W, C]; boxes: [N, 4] normalized (y1, x1, y2, x2)
    H, W, C = feat.shape
    y1, x1, y2, x2 = boxes[:, 0], boxes[:, 1], boxes[:, 2], boxes[:, 3]
    t = jnp.arange(crop, dtype=jnp.float32) / (crop - 1)
    ys = y1[:, None] * (H - 1) + t[None, :] * ((y2 - y1)[:, None] * (H - 1))  # [N, crop]
    xs = x1[:, None] * (W - 1) + t[None, :] * ((x2 - x1)[:, None] * (W - 1))  # [N, crop]
    y0f = jnp.floor(ys)
    x0f = jnp.floor(xs)
    wy = (ys - y0f)[:, :, None, None]  # [N, crop, 1, 1]
    wx = (xs - x0f)[:, None, :, None]  # [N, 1, crop, 1]
    y0 = jnp.clip(y0f, 0, H - 1).astype(jnp.int32)
    y1i = jnp.clip(y0f + 1, 0, H - 1).astype(jnp.int32)
    x0 = jnp.clip(x0f, 0, W - 1).astype(jnp.int32)
    x1i = jnp.clip(x0f + 1, 0, W - 1).astype(jnp.int32)
    ya = y0[:, :, None]
    yb = y1i[:, :, None]
    xa = x0[:, None, :]
    xb = x1i[:, None, :]
    f00 = feat[ya, xa]  # [N, crop, crop, C]
    f01 = feat[ya, xb]
    f10 = feat[yb, xa]
    f11 = feat[yb, xb]
    top = f00 * (1.0 - wx) + f01 * wx
    bot = f10 * (1.0 - wx) + f11 * wx
    return top * (1.0 - wy) + bot * wy


def setup_inputs(seed: int = 0) -> dict:
    key = jax.random.key(seed)
    k3, k4, k5, k6, kb = (jax.random.fold_in(key, i) for i in range(5))
    p3 = jax.random.normal(k3, (1, 64, 64, 256), dtype=jnp.float32)
    p4 = jax.random.normal(k4, (1, 32, 32, 256), dtype=jnp.float32)
    p5 = jax.random.normal(k5, (1, 16, 16, 256), dtype=jnp.float32)
    p6 = jax.random.normal(k6, (1, 8, 8, 256), dtype=jnp.float32)
    raw = jax.random.uniform(kb, (1000, 4), dtype=jnp.float32)
    y1 = raw[:, 0] * 0.75
    x1 = raw[:, 1] * 0.75
    h = 0.05 + raw[:, 2] * 0.20
    w = 0.05 + raw[:, 3] * 0.20
    y2 = jnp.clip(y1 + h, 0.0, 1.0)
    x2 = jnp.clip(x1 + w, 0.0, 1.0)
    proposal = jnp.stack([y1, x1, y2, x2], axis=1)
    return {"p3": p3, "p4": p4, "p5": p5, "p6": p6, "proposal": proposal}


def reference(p3, p4, p5, p6, proposal):
    feats = [p3[0], p4[0], p5[0], p6[0]]
    y1, x1, y2, x2 = proposal[:, 0], proposal[:, 1], proposal[:, 2], proposal[:, 3]
    area = jnp.clip((y2 - y1) * (x2 - x1), 1e-12, None)
    scale = jnp.sqrt(area) * IMG
    lvl = jnp.floor(4.0 + jnp.log2(scale / 224.0))
    lvl = jnp.clip(lvl, 3, 6).astype(jnp.int32)
    N = proposal.shape[0]
    C = feats[0].shape[-1]
    out = jnp.zeros((N, CROP, CROP, C), dtype=jnp.float32)
    for i, f in enumerate(feats):
        crop = _crop_level(f, proposal)
        mask = (lvl == (i + 3)).astype(jnp.float32)[:, None, None, None]
        out = out + mask * crop
    return out

if __name__ == "__main__":
    import jax
    _d = setup_inputs()
    print(jax.jit(kernel)(*tuple(_d.values())))

</pallas_src>

<mosaic_0001>
#map = affine_map<(d0, d1) -> (0, 0)>
#map1 = affine_map<(d0, d1) -> (0)>
module attributes {stable_mosaic.version = 14 : i64} {
  func.func @_roi_kernel(%arg0: i32, %arg1: i32, %arg2: memref<5440x128xi32, #tpu.memory_space<hbm>>, %arg3: memref<4096xf32, #tpu.memory_space<hbm>>, %arg4: memref<1792xi32, #tpu.memory_space<hbm>>, %arg5: memref<1792xf32, #tpu.memory_space<hbm>>, %arg6: memref<1792xf32, #tpu.memory_space<hbm>>, %arg7: memref<57344x128xi32, #tpu.memory_space<hbm>>, %arg8: memref<128xf32, #tpu.memory_space<vmem>>, %arg9: memref<1792xi32, #tpu.memory_space<vmem>>, %arg10: memref<1792xf32, #tpu.memory_space<vmem>>, %arg11: memref<1792xf32, #tpu.memory_space<vmem>>, %arg12: memref<32xf32, #tpu.memory_space<vmem>>, %arg13: memref<32xf32, #tpu.memory_space<vmem>>, %arg14: memref<32xf32, #tpu.memory_space<vmem>>, %arg15: memref<32xf32, #tpu.memory_space<vmem>>, %arg16: memref<32xi32, #tpu.memory_space<vmem>>, %arg17: memref<32xi32, #tpu.memory_space<vmem>>, %arg18: memref<2x128xi32, #tpu.memory_space<vmem>>, %arg19: memref<2x32xf32, #tpu.memory_space<vmem>>, %arg20: memref<2x32xf32, #tpu.memory_space<vmem>>, %arg21: memref<2x128x128xi32, #tpu.memory_space<vmem>>, %arg22: memref<2x32x128xi32, #tpu.memory_space<vmem>>, %arg23: memref<!tpu.dma_semaphore, #tpu.memory_space<semaphore_mem>>, %arg24: memref<!tpu.dma_semaphore, #tpu.memory_space<semaphore_mem>>, %arg25: memref<!tpu.dma_semaphore, #tpu.memory_space<semaphore_mem>>, %arg26: memref<!tpu.dma_semaphore, #tpu.memory_space<semaphore_mem>>) attributes {dimension_semantics = [#tpu.dimension_semantics<core_parallel>, #tpu.dimension_semantics<subcore_parallel>], iteration_bounds = array<i64: 2, 16>, scalar_prefetch = 0 : i64, scratch_operands = 19 : i64, tpu.core_type = #tpu.core_type<sc_vector_subcore>, window_params = [{transform_indices = #map}, {transform_indices = #map1}, {transform_indices = #map1}, {transform_indices = #map1}, {transform_indices = #map1}, {transform_indices = #map}]} {
    %mul3A = arith.constant 2 : i32
    %mul3A_0 = arith.muli %arg1, %mul3A : i32
    %add3A = arith.addi %mul3A_0, %arg0 : i32
    %mul3A_1 = arith.constant 128 : i32
    %mul3A_2 = arith.muli %add3A, %mul3A_1 : i32
    "tpu.region"() ({
      %run_scoped3A = tpu.sem_alloc : memref<!tpu.dma_semaphore, #tpu.memory_space<semaphore_mem>>
      %dma_start3A_603 = tpu.memref_slice %arg3[%mul3A_2] : memref<4096xf32, #tpu.memory_space<hbm>> -> memref<128xf32, #tpu.memory_space<hbm>>
      %dma_start3A_604 = tpu.memref_slice %arg3[%mul3A_2] : memref<4096xf32, #tpu.memory_space<hbm>> -> memref<128xf32, #tpu.memory_space<hbm>>
      tpu.enqueue_dma source(%dma_start3A_604 : memref<128xf32, #tpu.memory_space<hbm>>) target(%arg8 : memref<128xf32, #tpu.memory_space<vmem>>) target_semaphore(%run_scoped3A : memref<!tpu.dma_semaphore, #tpu.memory_space<semaphore_mem>>)
      %dma_wait3A_605 = tpu.memref_slice %arg3[%mul3A_2] : memref<4096xf32, #tpu.memory_space<hbm>> -> memref<128xf32, #tpu.memory_space<hbm>>
      %dma_wait3A_606 = tpu.memref_slice %arg3[%mul3A_2] : memref<4096xf32, #tpu.memory_space<hbm>> -> memref<128xf32, #tpu.memory_space<hbm>>
      tpu.wait_dma2 semaphore(%run_scoped3A : memref<!tpu.dma_semaphore, #tpu.memory_space<semaphore_mem>>) src(%dma_wait3A_606 : memref<128xf32, #tpu.memory_space<hbm>>) dst(%arg8 : memref<128xf32, #tpu.memory_space<vmem>>)
      tpu.yield
    }) : () -> ()
    "tpu.region"() ({
      %run_scoped3A = tpu.sem_alloc : memref<!tpu.dma_semaphore, #tpu.memory_space<semaphore_mem>>
      tpu.enqueue_dma source(%arg4 : memref<1792xi32, #tpu.memory_space<hbm>>) target(%arg9 : memref<1792xi32, #tpu.memory_space<vmem>>) target_semaphore(%run_scoped3A : memref<!tpu.dma_semaphore, #tpu.memory_space<semaphore_mem>>)
      tpu.wait_dma2 semaphore(%run_scoped3A : memref<!tpu.dma_semaphore, #tpu.memory_space<semaphore_mem>>) src(%arg4 : memref<1792xi32, #tpu.memory_space<hbm>>) dst(%arg9 : memref<1792xi32, #tpu.memory_space<vmem>>)
      tpu.yield
    }) : () -> ()
    "tpu.region"() ({
      %run_scoped3A = tpu.sem_alloc : memref<!tpu.dma_semaphore, #tpu.memory_space<semaphore_mem>>
      tpu.enqueue_dma source(%arg5 : memref<1792xf32, #tpu.memory_space<hbm>>) target(%arg10 : memref<1792xf32, #tpu.memory_space<vmem>>) target_semaphore(%run_scoped3A : memref<!tpu.dma_semaphore, #tpu.memory_space<semaphore_mem>>)
      tpu.wait_dma2 semaphore(%run_scoped3A : memref<!tpu.dma_semaphore, #tpu.memory_space<semaphore_mem>>) src(%arg5 : memref<1792xf32, #tpu.memory_space<hbm>>) dst(%arg10 : memref<1792xf32, #tpu.memory_space<vmem>>)
      tpu.yield
    }) : () -> ()
    "tpu.region"() ({
      %run_scoped3A = tpu.sem_alloc : memref<!tpu.dma_semaphore, #tpu.memory_space<semaphore_mem>>
      tpu.enqueue_dma source(%arg6 : memref<1792xf32, #tpu.memory_space<hbm>>) target(%arg11 : memref<1792xf32, #tpu.memory_space<vmem>>) target_semaphore(%run_scoped3A : memref<!tpu.dma_semaphore, #tpu.memory_space<semaphore_mem>>)
      tpu.wait_dma2 semaphore(%run_scoped3A : memref<!tpu.dma_semaphore, #tpu.memory_space<semaphore_mem>>) src(%arg6 : memref<1792xf32, #tpu.memory_space<hbm>>) dst(%arg11 : memref<1792xf32, #tpu.memory_space<vmem>>)
      tpu.yield
    }) : () -> ()
    %iota3A = tpu.iota {dimensions = array<i32: 0>} : vector<16xi32>
    %add3A_3 = arith.constant 0 : i32
    %add3A_4 = vector.broadcast %add3A_3 : i32 to vector<16xi32>
    %add3A_5 = arith.addi %add3A_4, %iota3A : vector<16xi32>
    %mul3A_6 = arith.constant 4 : i32
    %mul3A_7 = vector.broadcast %mul3A_6 : i32 to vector<16xi32>
    %mul3A_8 = arith.muli %add3A_5, %mul3A_7 : vector<16xi32>
    %gather3A = tpu.vector_load_idx %arg8[%mul3A_8] : memref<128xf32, #tpu.memory_space<vmem>>[vector<16xi32>], vector<16xf32>,
    %add3A_9 = arith.constant 1 : i32
    %add3A_10 = vector.broadcast %add3A_9 : i32 to vector<16xi32>
    %add3A_11 = arith.addi %mul3A_8, %add3A_10 : vector<16xi32>
    %gather3A_12 = tpu.vector_load_idx %arg8[%add3A_11] : memref<128xf32, #tpu.memory_space<vmem>>[vector<16xi32>], vector<16xf32>,
    %add3A_13 = arith.constant 2 : i32
    %add3A_14 = vector.broadcast %add3A_13 : i32 to vector<16xi32>
    %add3A_15 = arith.addi %mul3A_8, %add3A_14 : vector<16xi32>
    %gather3A_16 = tpu.vector_load_idx %arg8[%add3A_15] : memref<128xf32, #tpu.memory_space<vmem>>[vector<16xi32>], vector<16xf32>,
    %add3A_17 = arith.constant 3 : i32
    %add3A_18 = vector.broadcast %add3A_17 : i32 to vector<16xi32>
    %add3A_19 = arith.addi %mul3A_8, %add3A_18 : vector<16xi32>
    %gather3A_20 = tpu.vector_load_idx %arg8[%add3A_19] : memref<128xf32, #tpu.memory_space<vmem>>[vector<16xi32>], vector<16xf32>,
    %sub3A = arith.subf %gather3A_16, %gather3A : vector<16xf32>
    %sub3A_21 = arith.subf %gather3A_20, %gather3A_12 : vector<16xf32>
    %mul3A_22 = arith.mulf %sub3A, %sub3A_21 : vector<16xf32>
    %broadcast_in_dim3A = arith.constant 3 : i32
    %broadcast_in_dim3A_23 = vector.broadcast %broadcast_in_dim3A : i32 to vector<16xi32>
    %ge3A = arith.constant 0.19140625 : f32
    %ge3A_24 = vector.broadcast %ge3A : f32 to vector<16xf32>
    %ge3A_25 = arith.cmpf oge, %mul3A_22, %ge3A_24 : vector<16xf32>
    %convert_element_type3A = arith.extui %ge3A_25 : vector<16xi1> to vector<16xi32>
    %add3A_26 = arith.addi %broadcast_in_dim3A_23, %convert_element_type3A : vector<16xi32>
    %ge3A_27 = arith.constant 7.656250e-01 : f32
    %ge3A_28 = vector.broadcast %ge3A_27 : f32 to vector<16xf32>
    %ge3A_29 = arith.cmpf oge, %mul3A_22, %ge3A_28 : vector<16xf32>
    %convert_element_type3A_30 = arith.extui %ge3A_29 : vector<16xi1> to vector<16xi32>
    %add3A_31 = arith.addi %add3A_26, %convert_element_type3A_30 : vector<16xi32>
    %ge3A_32 = arith.constant 3.062500e+00 : f32
    %ge3A_33 = vector.broadcast %ge3A_32 : f32 to vector<16xf32>
    %ge3A_34 = arith.cmpf oge, %mul3A_22, %ge3A_33 : vector<16xf32>
    %convert_element_type3A_35 = arith.extui %ge3A_34 : vector<16xi1> to vector<16xi32>
    %add3A_36 = arith.addi %add3A_31, %convert_element_type3A_35 : vector<16xi32>
    %broadcast_in_dim3A_37 = arith.constant 1 : i32
    %broadcast_in_dim3A_38 = vector.broadcast %broadcast_in_dim3A_37 : i32 to vector<16xi32>
    %sub3A_39 = arith.constant 9 : i32
    %sub3A_40 = vector.broadcast %sub3A_39 : i32 to vector<16xi32>
    %sub3A_41 = arith.subi %sub3A_40, %add3A_36 : vector<16xi32>
    %shift_left3A = arith.shli %broadcast_in_dim3A_38, %sub3A_41 : vector<16xi32>
    %sub3A_42 = arith.constant 1 : i32
    %sub3A_43 = vector.broadcast %sub3A_42 : i32 to vector<16xi32>
    %sub3A_44 = arith.subi %shift_left3A, %sub3A_43 : vector<16xi32>
    %eq3A = arith.constant 3 : i32
    %eq3A_45 = vector.broadcast %eq3A : i32 to vector<16xi32>
    %eq3A_46 = arith.cmpi eq, %add3A_36, %eq3A_45 : vector<16xi32>
    %eq3A_47 = arith.constant 4 : i32
    %eq3A_48 = vector.broadcast %eq3A_47 : i32 to vector<16xi32>
    %eq3A_49 = arith.cmpi eq, %add3A_36, %eq3A_48 : vector<16xi32>
    %eq3A_50 = arith.constant 5 : i32
    %eq3A_51 = vector.broadcast %eq3A_50 : i32 to vector<16xi32>
    %eq3A_52 = arith.cmpi eq, %add3A_36, %eq3A_51 : vector<16xi32>
    %jit3A = arith.constant 5120 : i32
    %jit3A_53 = arith.constant 5376 : i32
    %broadcast_in_dim3A_54 = vector.broadcast %jit3A : i32 to vector<16xi32>
    %broadcast_in_dim3A_55 = vector.broadcast %jit3A_53 : i32 to vector<16xi32>
    %select_n3A = arith.select %eq3A_52, %broadcast_in_dim3A_54, %broadcast_in_dim3A_55 : vector<16xi1>, vector<16xi32>
    %jit3A_56 = arith.constant 4096 : i32
    %broadcast_in_dim3A_57 = vector.broadcast %jit3A_56 : i32 to vector<16xi32>
    %select_n3A_58 = arith.select %eq3A_49, %broadcast_in_dim3A_57, %select_n3A : vector<16xi1>, vector<16xi32>
    %jit3A_59 = arith.constant 0 : i32
    %broadcast_in_dim3A_60 = vector.broadcast %jit3A_59 : i32 to vector<16xi32>
    %select_n3A_61 = arith.select %eq3A_46, %broadcast_in_dim3A_60, %select_n3A_58 : vector<16xi1>, vector<16xi32>
    %convert_element_type3A_62 = arith.sitofp %sub3A_44 : vector<16xi32> to vector<16xf32>
    %mul3A_63 = arith.mulf %gather3A, %convert_element_type3A_62 : vector<16xf32>
    %swap3A = arith.constant 0 : index
    %swap3A_64 = tpu.vector_load %arg12[%swap3A] {strides = array<i32>} : memref<32xf32, #tpu.memory_space<vmem>>, vector<16xf32>,
    tpu.vector_store %arg12[%swap3A], %mul3A_63 {strides = array<i32>} : memref<32xf32, #tpu.memory_space<vmem>>, vector<16xf32>,
    %sub3A_65 = arith.subf %gather3A_16, %gather3A : vector<16xf32>
    %mul3A_66 = arith.mulf %sub3A_65, %convert_element_type3A_62 : vector<16xf32>
    %swap3A_67 = arith.constant 0 : index
    %swap3A_68 = tpu.vector_load %arg13[%swap3A_67] {strides = array<i32>} : memref<32xf32, #tpu.memory_space<vmem>>, vector<16xf32>,
    tpu.vector_store %arg13[%swap3A_67], %mul3A_66 {strides = array<i32>} : memref<32xf32, #tpu.memory_space<vmem>>, vector<16xf32>,
    %mul3A_69 = arith.mulf %gather3A_12, %convert_element_type3A_62 : vector<16xf32>
    %swap3A_70 = arith.constant 0 : index
    %swap3A_71 = tpu.vector_load %arg14[%swap3A_70] {strides = array<i32>} : memref<32xf32, #tpu.memory_space<vmem>>, vector<16xf32>,
    tpu.vector_store %arg14[%swap3A_70], %mul3A_69 {strides = array<i32>} : memref<32xf32, #tpu.memory_space<vmem>>, vector<16xf32>,
    %sub3A_72 = arith.subf %gather3A_20, %gather3A_12 : vector<16xf32>
    %mul3A_73 = arith.mulf %sub3A_72, %convert_element_type3A_62 : vector<16xf32>
    %swap3A_74 = arith.constant 0 : index
    %swap3A_75 = tpu.vector_load %arg15[%swap3A_74] {strides = array<i32>} : memref<32xf32, #tpu.memory_space<vmem>>, vector<16xf32>,
    tpu.vector_store %arg15[%swap3A_74], %mul3A_73 {strides = array<i32>} : memref<32xf32, #tpu.memory_space<vmem>>, vector<16xf32>,
    %swap3A_76 = arith.constant 0 : index
    %swap3A_77 = tpu.vector_load %arg16[%swap3A_76] {strides = array<i32>} : memref<32xi32, #tpu.memory_space<vmem>>, vector<16xi32>,
    tpu.vector_store %arg16[%swap3A_76], %select_n3A_61 {strides = array<i32>} : memref<32xi32, #tpu.memory_space<vmem>>, vector<16xi32>,
    %swap3A_78 = arith.constant 0 : index
    %swap3A_79 = tpu.vector_load %arg17[%swap3A_78] {strides = array<i32>} : memref<32xi32, #tpu.memory_space<vmem>>, vector<16xi32>,
    tpu.vector_store %arg17[%swap3A_78], %sub3A_44 {strides = array<i32>} : memref<32xi32, #tpu.memory_space<vmem>>, vector<16xi32>,
    %add3A_80 = arith.constant 16 : i32
    %add3A_81 = vector.broadcast %add3A_80 : i32 to vector<16xi32>
    %add3A_82 = arith.addi %add3A_81, %iota3A : vector<16xi32>
    %mul3A_83 = arith.constant 4 : i32
    %mul3A_84 = vector.broadcast %mul3A_83 : i32 to vector<16xi32>
    %mul3A_85 = arith.muli %add3A_82, %mul3A_84 : vector<16xi32>
    %gather3A_86 = tpu.vector_load_idx %arg8[%mul3A_85] : memref<128xf32, #tpu.memory_space<vmem>>[vector<16xi32>], vector<16xf32>,
    %add3A_87 = arith.constant 1 : i32
    %add3A_88 = vector.broadcast %add3A_87 : i32 to vector<16xi32>
    %add3A_89 = arith.addi %mul3A_85, %add3A_88 : vector<16xi32>
    %gather3A_90 = tpu.vector_load_idx %arg8[%add3A_89] : memref<128xf32, #tpu.memory_space<vmem>>[vector<16xi32>], vector<16xf32>,
    %add3A_91 = arith.constant 2 : i32
    %add3A_92 = vector.broadcast %add3A_91 : i32 to vector<16xi32>
    %add3A_93 = arith.addi %mul3A_85, %add3A_92 : vector<16xi32>
    %gather3A_94 = tpu.vector_load_idx %arg8[%add3A_93] : memref<128xf32, #tpu.memory_space<vmem>>[vector<16xi32>], vector<16xf32>,
    %add3A_95 = arith.constant 3 : i32
    %add3A_96 = vector.broadcast %add3A_95 : i32 to vector<16xi32>
    %add3A_97 = arith.addi %mul3A_85, %add3A_96 : vector<16xi32>
    %gather3A_98 = tpu.vector_load_idx %arg8[%add3A_97] : memref<128xf32, #tpu.memory_space<vmem>>[vector<16xi32>], vector<16xf32>,
    %sub3A_99 = arith.subf %gather3A_94, %gather3A_86 : vector<16xf32>
    %sub3A_100 = arith.subf %gather3A_98, %gather3A_90 : vector<16xf32>
    %mul3A_101 = arith.mulf %sub3A_99, %sub3A_100 : vector<16xf32>
    %broadcast_in_dim3A_102 = arith.constant 3 : i32
    %broadcast_in_dim3A_103 = vector.broadcast %broadcast_in_dim3A_102 : i32 to vector<16xi32>
    %ge3A_104 = arith.constant 0.19140625 : f32
    %ge3A_105 = vector.broadcast %ge3A_104 : f32 to vector<16xf32>
    %ge3A_106 = arith.cmpf oge, %mul3A_101, %ge3A_105 : vector<16xf32>
    %convert_element_type3A_107 = arith.extui %ge3A_106 : vector<16xi1> to vector<16xi32>
    %add3A_108 = arith.addi %broadcast_in_dim3A_103, %convert_element_type3A_107 : vector<16xi32>
    %ge3A_109 = arith.constant 7.656250e-01 : f32
    %ge3A_110 = vector.broadcast %ge3A_109 : f32 to vector<16xf32>
    %ge3A_111 = arith.cmpf oge, %mul3A_101, %ge3A_110 : vector<16xf32>
    %convert_element_type3A_112 = arith.extui %ge3A_111 : vector<16xi1> to vector<16xi32>
    %add3A_113 = arith.addi %add3A_108, %convert_element_type3A_112 : vector<16xi32>
    %ge3A_114 = arith.constant 3.062500e+00 : f32
    %ge3A_115 = vector.broadcast %ge3A_114 : f32 to vector<16xf32>
    %ge3A_116 = arith.cmpf oge, %mul3A_101, %ge3A_115 : vector<16xf32>
    %convert_element_type3A_117 = arith.extui %ge3A_116 : vector<16xi1> to vector<16xi32>
    %add3A_118 = arith.addi %add3A_113, %convert_element_type3A_117 : vector<16xi32>
    %broadcast_in_dim3A_119 = arith.constant 1 : i32
    %broadcast_in_dim3A_120 = vector.broadcast %broadcast_in_dim3A_119 : i32 to vector<16xi32>
    %sub3A_121 = arith.constant 9 : i32
    %sub3A_122 = vector.broadcast %sub3A_121 : i32 to vector<16xi32>
    %sub3A_123 = arith.subi %sub3A_122, %add3A_118 : vector<16xi32>
    %shift_left3A_124 = arith.shli %broadcast_in_dim3A_120, %sub3A_123 : vector<16xi32>
    %sub3A_125 = arith.constant 1 : i32
    %sub3A_126 = vector.broadcast %sub3A_125 : i32 to vector<16xi32>
    %sub3A_127 = arith.subi %shift_left3A_124, %sub3A_126 : vector<16xi32>
    %eq3A_128 = arith.constant 3 : i32
    %eq3A_129 = vector.broadcast %eq3A_128 : i32 to vector<16xi32>
    %eq3A_130 = arith.cmpi eq, %add3A_118, %eq3A_129 : vector<16xi32>
    %eq3A_131 = arith.constant 4 : i32
    %eq3A_132 = vector.broadcast %eq3A_131 : i32 to vector<16xi32>
    %eq3A_133 = arith.cmpi eq, %add3A_118, %eq3A_132 : vector<16xi32>
    %eq3A_134 = arith.constant 5 : i32
    %eq3A_135 = vector.broadcast %eq3A_134 : i32 to vector<16xi32>
    %eq3A_136 = arith.cmpi eq, %add3A_118, %eq3A_135 : vector<16xi32>
    %jit3A_137 = arith.constant 5120 : i32
    %jit3A_138 = arith.constant 5376 : i32
    %broadcast_in_dim3A_139 = vector.broadcast %jit3A_137 : i32 to vector<16xi32>
    %broadcast_in_dim3A_140 = vector.broadcast %jit3A_138 : i32 to vector<16xi32>
    %select_n3A_141 = arith.select %eq3A_136, %broadcast_in_dim3A_139, %broadcast_in_dim3A_140 : vector<16xi1>, vector<16xi32>
    %jit3A_142 = arith.constant 4096 : i32
    %broadcast_in_dim3A_143 = vector.broadcast %jit3A_142 : i32 to vector<16xi32>
    %select_n3A_144 = arith.select %eq3A_133, %broadcast_in_dim3A_143, %select_n3A_141 : vector<16xi1>, vector<16xi32>
    %jit3A_145 = arith.constant 0 : i32
    %broadcast_in_dim3A_146 = vector.broadcast %jit3A_145 : i32 to vector<16xi32>
    %select_n3A_147 = arith.select %eq3A_130, %broadcast_in_dim3A_146, %select_n3A_144 : vector<16xi1>, vector<16xi32>
    %convert_element_type3A_148 = arith.sitofp %sub3A_127 : vector<16xi32> to vector<16xf32>
    %mul3A_149 = arith.mulf %gather3A_86, %convert_element_type3A_148 : vector<16xf32>
    %swap3A_150 = arith.constant 16 : index
    %swap3A_151 = tpu.vector_load %arg12[%swap3A_150] {strides = array<i32>} : memref<32xf32, #tpu.memory_space<vmem>>, vector<16xf32>,
    tpu.vector_store %arg12[%swap3A_150], %mul3A_149 {strides = array<i32>} : memref<32xf32, #tpu.memory_space<vmem>>, vector<16xf32>,
    %sub3A_152 = arith.subf %gather3A_94, %gather3A_86 : vector<16xf32>
    %mul3A_153 = arith.mulf %sub3A_152, %convert_element_type3A_148 : vector<16xf32>
    %swap3A_154 = arith.constant 16 : index
    %swap3A_155 = tpu.vector_load %arg13[%swap3A_154] {strides = array<i32>} : memref<32xf32, #tpu.memory_space<vmem>>, vector<16xf32>,
    tpu.vector_store %arg13[%swap3A_154], %mul3A_153 {strides = array<i32>} : memref<32xf32, #tpu.memory_space<vmem>>, vector<16xf32>,
    %mul3A_156 = arith.mulf %gather3A_90, %convert_element_type3A_148 : vector<16xf32>
    %swap3A_157 = arith.constant 16 : index
    %swap3A_158 = tpu.vector_load %arg14[%swap3A_157] {strides = array<i32>} : memref<32xf32, #tpu.memory_space<vmem>>, vector<16xf32>,
    tpu.vector_store %arg14[%swap3A_157], %mul3A_156 {strides = array<i32>} : memref<32xf32, #tpu.memory_space<vmem>>, vector<16xf32>,
    %sub3A_159 = arith.subf %gather3A_98, %gather3A_90 : vector<16xf32>
    %mul3A_160 = arith.mulf %sub3A_159, %convert_element_type3A_148 : vector<16xf32>
    %swap3A_161 = arith.constant 16 : index
    %swap3A_162 = tpu.vector_load %arg15[%swap3A_161] {strides = array<i32>} : memref<32xf32, #tpu.memory_space<vmem>>, vector<16xf32>,
    tpu.vector_store %arg15[%swap3A_161], %mul3A_160 {strides = array<i32>} : memref<32xf32, #tpu.memory_space<vmem>>, vector<16xf32>,
    %swap3A_163 = arith.constant 16 : index
    %swap3A_164 = tpu.vector_load %arg16[%swap3A_163] {strides = array<i32>} : memref<32xi32, #tpu.memory_space<vmem>>, vector<16xi32>,
    tpu.vector_store %arg16[%swap3A_163], %select_n3A_147 {strides = array<i32>} : memref<32xi32, #tpu.memory_space<vmem>>, vector<16xi32>,
    %swap3A_165 = arith.constant 16 : index
    %swap3A_166 = tpu.vector_load %arg17[%swap3A_165] {strides = array<i32>} : memref<32xi32, #tpu.memory_space<vmem>>, vector<16xi32>,
    tpu.vector_store %arg17[%swap3A_165], %sub3A_127 {strides = array<i32>} : memref<32xi32, #tpu.memory_space<vmem>>, vector<16xi32>,
    %get3A = arith.constant 0 : index
    %get3A_167 = tpu.vector_load %arg9[%get3A] {strides = array<i32>} : memref<1792xi32, #tpu.memory_space<vmem>>, vector<16xi32>,
    %get3A_168 = arith.constant 0 : index
    %get3A_169 = tpu.vector_load %arg10[%get3A_168] {strides = array<i32>} : memref<1792xf32, #tpu.memory_space<vmem>>, vector<16xf32>,
    %get3A_170 = arith.constant 0 : index
    %get3A_171 = tpu.vector_load %arg11[%get3A_170] {strides = array<i32>} : memref<1792xf32, #tpu.memory_space<vmem>>, vector<16xf32>,
    %gather3A_172 = tpu.vector_load_idx %arg12[%get3A_167] : memref<32xf32, #tpu.memory_space<vmem>>[vector<16xi32>], vector<16xf32>,
    %gather3A_173 = tpu.vector_load_idx %arg13[%get3A_167] : memref<32xf32, #tpu.memory_space<vmem>>[vector<16xi32>], vector<16xf32>,
    %gather3A_174 = tpu.vector_load_idx %arg14[%get3A_167] : memref<32xf32, #tpu.memory_space<vmem>>[vector<16xi32>], vector<16xf32>,
    %gather3A_175 = tpu.vector_load_idx %arg15[%get3A_167] : memref<32xf32, #tpu.memory_space<vmem>>[vector<16xi32>], vector<16xf32>,
    %gather3A_176 = tpu.vector_load_idx %arg16[%get3A_167] : memref<32xi32, #tpu.memory_space<vmem>>[vector<16xi32>], vector<16xi32>,
    %gather3A_177 = tpu.vector_load_idx %arg17[%get3A_167] : memref<32xi32, #tpu.memory_space<vmem>>[vector<16xi32>], vector<16xi32>,
    %mul3A_178 = arith.mulf %get3A_169, %gather3A_173 : vector<16xf32>
    %add3A_179 = arith.addf %gather3A_172, %mul3A_178 : vector<16xf32>
    %convert_element_type3A_180 = arith.fptosi %add3A_179 : vector<16xf32> to vector<16xi32>
    %min3A = arith.minsi %convert_element_type3A_180, %gather3A_177 : vector<16xi32>
    %convert_element_type3A_181 = arith.sitofp %min3A : vector<16xi32> to vector<16xf32>
    %sub3A_182 = arith.subf %add3A_179, %convert_element_type3A_181 : vector<16xf32>
    %add3A_183 = arith.constant 1 : i32
    %add3A_184 = vector.broadcast %add3A_183 : i32 to vector<16xi32>
    %add3A_185 = arith.addi %min3A, %add3A_184 : vector<16xi32>
    %min3A_186 = arith.minsi %add3A_185, %gather3A_177 : vector<16xi32>
    %mul3A_187 = arith.mulf %get3A_171, %gather3A_175 : vector<16xf32>
    %add3A_188 = arith.addf %gather3A_174, %mul3A_187 : vector<16xf32>
    %convert_element_type3A_189 = arith.fptosi %add3A_188 : vector<16xf32> to vector<16xi32>
    %min3A_190 = arith.minsi %convert_element_type3A_189, %gather3A_177 : vector<16xi32>
    %convert_element_type3A_191 = arith.sitofp %min3A_190 : vector<16xi32> to vector<16xf32>
    %sub3A_192 = arith.subf %add3A_188, %convert_element_type3A_191 : vector<16xf32>
    %add3A_193 = arith.constant 1 : i32
    %add3A_194 = vector.broadcast %add3A_193 : i32 to vector<16xi32>
    %add3A_195 = arith.addi %min3A_190, %add3A_194 : vector<16xi32>
    %min3A_196 = arith.minsi %add3A_195, %gather3A_177 : vector<16xi32>
    %add3A_197 = arith.constant 1 : i32
    %add3A_198 = vector.broadcast %add3A_197 : i32 to vector<16xi32>
    %add3A_199 = arith.addi %gather3A_177, %add3A_198 : vector<16xi32>
    %mul3A_200 = arith.muli %min3A, %add3A_199 : vector<16xi32>
    %add3A_201 = arith.addi %gather3A_176, %mul3A_200 : vector<16xi32>
    %mul3A_202 = arith.muli %min3A_186, %add3A_199 : vector<16xi32>
    %add3A_203 = arith.addi %gather3A_176, %mul3A_202 : vector<16xi32>
    %add3A_204 = arith.addi %add3A_201, %min3A_190 : vector<16xi32>
    %swap3A_205 = arith.constant 0 : i32
    %swap3A_206 = arith.index_cast %swap3A_205 : i32 to index
    %swap3A_207 = arith.constant 0 : index
    %swap3A_208 = tpu.vector_load %arg18[%swap3A_206, %swap3A_207] {strides = array<i32>} : memref<2x128xi32, #tpu.memory_space<vmem>>, vector<16xi32>,
    tpu.vector_store %arg18[%swap3A_206, %swap3A_207], %add3A_204 {strides = array<i32>} : memref<2x128xi32, #tpu.memory_space<vmem>>, vector<16xi32>,
    %add3A_209 = arith.addi %add3A_201, %min3A_196 : vector<16xi32>
    %swap3A_210 = arith.constant 0 : i32
    %swap3A_211 = arith.index_cast %swap3A_210 : i32 to index
    %swap3A_212 = arith.constant 32 : index
    %swap3A_213 = tpu.vector_load %arg18[%swap3A_211, %swap3A_212] {strides = array<i32>} : memref<2x128xi32, #tpu.memory_space<vmem>>, vector<16xi32>,
    tpu.vector_store %arg18[%swap3A_211, %swap3A_212], %add3A_209 {strides = array<i32>} : memref<2x128xi32, #tpu.memory_space<vmem>>, vector<16xi32>,
    %add3A_214 = arith.addi %add3A_203, %min3A_190 : vector<16xi32>
    %swap3A_215 = arith.constant 0 : i32
    %swap3A_216 = arith.index_cast %swap3A_215 : i32 to index
    %swap3A_217 = arith.constant 64 : index
    %swap3A_218 = tpu.vector_load %arg18[%swap3A_216, %swap3A_217] {strides = array<i32>} : memref<2x128xi32, #tpu.memory_space<vmem>>, vector<16xi32>,
    tpu.vector_store %arg18[%swap3A_216, %swap3A_217], %add3A_214 {strides = array<i32>} : memref<2x128xi32, #tpu.memory_space<vmem>>, vector<16xi32>,
    %add3A_219 = arith.addi %add3A_203, %min3A_196 : vector<16xi32>
    %swap3A_220 = arith.constant 0 : i32
    %swap3A_221 = arith.index_cast %swap3A_220 : i32 to index
    %swap3A_222 = arith.constant 96 : index
    %swap3A_223 = tpu.vector_load %arg18[%swap3A_221, %swap3A_222] {strides = array<i32>} : memref<2x128xi32, #tpu.memory_space<vmem>>, vector<16xi32>,
    tpu.vector_store %arg18[%swap3A_221, %swap3A_222], %add3A_219 {strides = array<i32>} : memref<2x128xi32, #tpu.memory_space<vmem>>, vector<16xi32>,
    %swap3A_224 = arith.constant 0 : i32
    %swap3A_225 = arith.index_cast %swap3A_224 : i32 to index
    %swap3A_226 = arith.constant 0 : index
    %swap3A_227 = tpu.vector_load %arg19[%swap3A_225, %swap3A_226] {strides = array<i32>} : memref<2x32xf32, #tpu.memory_space<vmem>>, vector<16xf32>,
    tpu.vector_store %arg19[%swap3A_225, %swap3A_226], %sub3A_182 {strides = array<i32>} : memref<2x32xf32, #tpu.memory_space<vmem>>, vector<16xf32>,
    %swap3A_228 = arith.constant 0 : i32
    %swap3A_229 = arith.index_cast %swap3A_228 : i32 to index
    %swap3A_230 = arith.constant 0 : index
    %swap3A_231 = tpu.vector_load %arg20[%swap3A_229, %swap3A_230] {strides = array<i32>} : memref<2x32xf32, #tpu.memory_space<vmem>>, vector<16xf32>,
    tpu.vector_store %arg20[%swap3A_229, %swap3A_230], %sub3A_192 {strides = array<i32>} : memref<2x32xf32, #tpu.memory_space<vmem>>, vector<16xf32>,
    %get3A_232 = arith.constant 16 : index
    %get3A_233 = tpu.vector_load %arg9[%get3A_232] {strides = array<i32>} : memref<1792xi32, #tpu.memory_space<vmem>>, vector<16xi32>,
    %get3A_234 = arith.constant 16 : index
    %get3A_235 = tpu.vector_load %arg10[%get3A_234] {strides = array<i32>} : memref<1792xf32, #tpu.memory_space<vmem>>, vector<16xf32>,
    %get3A_236 = arith.constant 16 : index
    %get3A_237 = tpu.vector_load %arg11[%get3A_236] {strides = array<i32>} : memref<1792xf32, #tpu.memory_space<vmem>>, vector<16xf32>,
    %gather3A_238 = tpu.vector_load_idx %arg12[%get3A_233] : memref<32xf32, #tpu.memory_space<vmem>>[vector<16xi32>], vector<16xf32>,
    %gather3A_239 = tpu.vector_load_idx %arg13[%get3A_233] : memref<32xf32, #tpu.memory_space<vmem>>[vector<16xi32>], vector<16xf32>,
    %gather3A_240 = tpu.vector_load_idx %arg14[%get3A_233] : memref<32xf32, #tpu.memory_space<vmem>>[vector<16xi32>], vector<16xf32>,
    %gather3A_241 = tpu.vector_load_idx %arg15[%get3A_233] : memref<32xf32, #tpu.memory_space<vmem>>[vector<16xi32>], vector<16xf32>,
    %gather3A_242 = tpu.vector_load_idx %arg16[%get3A_233] : memref<32xi32, #tpu.memory_space<vmem>>[vector<16xi32>], vector<16xi32>,
    %gather3A_243 = tpu.vector_load_idx %arg17[%get3A_233] : memref<32xi32, #tpu.memory_space<vmem>>[vector<16xi32>], vector<16xi32>,
    %mul3A_244 = arith.mulf %get3A_235, %gather3A_239 : vector<16xf32>
    %add3A_245 = arith.addf %gather3A_238, %mul3A_244 : vector<16xf32>
    %convert_element_type3A_246 = arith.fptosi %add3A_245 : vector<16xf32> to vector<16xi32>
    %min3A_247 = arith.minsi %convert_element_type3A_246, %gather3A_243 : vector<16xi32>
    %convert_element_type3A_248 = arith.sitofp %min3A_247 : vector<16xi32> to vector<16xf32>
    %sub3A_249 = arith.subf %add3A_245, %convert_element_type3A_248 : vector<16xf32>
    %add3A_250 = arith.constant 1 : i32
    %add3A_251 = vector.broadcast %add3A_250 : i32 to vector<16xi32>
    %add3A_252 = arith.addi %min3A_247, %add3A_251 : vector<16xi32>
    %min3A_253 = arith.minsi %add3A_252, %gather3A_243 : vector<16xi32>
    %mul3A_254 = arith.mulf %get3A_237, %gather3A_241 : vector<16xf32>
    %add3A_255 = arith.addf %gather3A_240, %mul3A_254 : vector<16xf32>
    %convert_element_type3A_256 = arith.fptosi %add3A_255 : vector<16xf32> to vector<16xi32>
    %min3A_257 = arith.minsi %convert_element_type3A_256, %gather3A_243 : vector<16xi32>
    %convert_element_type3A_258 = arith.sitofp %min3A_257 : vector<16xi32> to vector<16xf32>
    %sub3A_259 = arith.subf %add3A_255, %convert_element_type3A_258 : vector<16xf32>
    %add3A_260 = arith.constant 1 : i32
    %add3A_261 = vector.broadcast %add3A_260 : i32 to vector<16xi32>
    %add3A_262 = arith.addi %min3A_257, %add3A_261 : vector<16xi32>
    %min3A_263 = arith.minsi %add3A_262, %gather3A_243 : vector<16xi32>
    %add3A_264 = arith.constant 1 : i32
    %add3A_265 = vector.broadcast %add3A_264 : i32 to vector<16xi32>
    %add3A_266 = arith.addi %gather3A_243, %add3A_265 : vector<16xi32>
    %mul3A_267 = arith.muli %min3A_247, %add3A_266 : vector<16xi32>
    %add3A_268 = arith.addi %gather3A_242, %mul3A_267 : vector<16xi32>
    %mul3A_269 = arith.muli %min3A_253, %add3A_266 : vector<16xi32>
    %add3A_270 = arith.addi %gather3A_242, %mul3A_269 : vector<16xi32>
    %add3A_271 = arith.addi %add3A_268, %min3A_257 : vector<16xi32>
    %swap3A_272 = arith.constant 0 : i32
    %swap3A_273 = arith.index_cast %swap3A_272 : i32 to index
    %swap3A_274 = arith.constant 16 : index
    %swap3A_275 = tpu.vector_load %arg18[%swap3A_273, %swap3A_274] {strides = array<i32>} : memref<2x128xi32, #tpu.memory_space<vmem>>, vector<16xi32>,
    tpu.vector_store %arg18[%swap3A_273, %swap3A_274], %add3A_271 {strides = array<i32>} : memref<2x128xi32, #tpu.memory_space<vmem>>, vector<16xi32>,
    %add3A_276 = arith.addi %add3A_268, %min3A_263 : vector<16xi32>
    %swap3A_277 = arith.constant 0 : i32
    %swap3A_278 = arith.index_cast %swap3A_277 : i32 to index
    %swap3A_279 = arith.constant 48 : index
    %swap3A_280 = tpu.vector_load %arg18[%swap3A_278, %swap3A_279] {strides = array<i32>} : memref<2x128xi32, #tpu.memory_space<vmem>>, vector<16xi32>,
    tpu.vector_store %arg18[%swap3A_278, %swap3A_279], %add3A_276 {strides = array<i32>} : memref<2x128xi32, #tpu.memory_space<vmem>>, vector<16xi32>,
    %add3A_281 = arith.addi %add3A_270, %min3A_257 : vector<16xi32>
    %swap3A_282 = arith.constant 0 : i32
    %swap3A_283 = arith.index_cast %swap3A_282 : i32 to index
    %swap3A_284 = arith.constant 80 : index
    %swap3A_285 = tpu.vector_load %arg18[%swap3A_283, %swap3A_284] {strides = array<i32>} : memref<2x128xi32, #tpu.memory_space<vmem>>, vector<16xi32>,
    tpu.vector_store %arg18[%swap3A_283, %swap3A_284], %add3A_281 {strides = array<i32>} : memref<2x128xi32, #tpu.memory_space<vmem>>, vector<16xi32>,
    %add3A_286 = arith.addi %add3A_270, %min3A_263 : vector<16xi32>
    %swap3A_287 = arith.constant 0 : i32
    %swap3A_288 = arith.index_cast %swap3A_287 : i32 to index
    %swap3A_289 = arith.constant 112 : index
    %swap3A_290 = tpu.vector_load %arg18[%swap3A_288, %swap3A_289] {strides = array<i32>} : memref<2x128xi32, #tpu.memory_space<vmem>>, vector<16xi32>,
    tpu.vector_store %arg18[%swap3A_288, %swap3A_289], %add3A_286 {strides = array<i32>} : memref<2x128xi32, #tpu.memory_space<vmem>>, vector<16xi32>,
    %swap3A_291 = arith.constant 0 : i32
    %swap3A_292 = arith.index_cast %swap3A_291 : i32 to index
    %swap3A_293 = arith.constant 16 : index
    %swap3A_294 = tpu.vector_load %arg19[%swap3A_292, %swap3A_293] {strides = array<i32>} : memref<2x32xf32, #tpu.memory_space<vmem>>, vector<16xf32>,
    tpu.vector_store %arg19[%swap3A_292, %swap3A_293], %sub3A_249 {strides = array<i32>} : memref<2x32xf32, #tpu.memory_space<vmem>>, vector<16xf32>,
    %swap3A_295 = arith.constant 0 : i32
    %swap3A_296 = arith.index_cast %swap3A_295 : i32 to index
    %swap3A_297 = arith.constant 16 : index
    %swap3A_298 = tpu.vector_load %arg20[%swap3A_296, %swap3A_297] {strides = array<i32>} : memref<2x32xf32, #tpu.memory_space<vmem>>, vector<16xf32>,
    tpu.vector_store %arg20[%swap3A_296, %swap3A_297], %sub3A_259 {strides = array<i32>} : memref<2x32xf32, #tpu.memory_space<vmem>>, vector<16xf32>,
    %dma_start3A = arith.constant 0 : i32
    %dma_start3A_299 = arith.constant 0 : i32
    %dma_start3A_300 = arith.constant 0 : i32
    %dma_start3A_301 = arith.constant 0 : i32
    %dma_start3A_302 = tpu.memref_slice %arg21[%dma_start3A_299, %dma_start3A_300, %dma_start3A_301] : memref<2x128x128xi32, #tpu.memory_space<vmem>> -> memref<1x128x128xi32, #tpu.memory_space<vmem>>
    %dma_start3A_303 = tpu.memref_squeeze %dma_start3A_302 : memref<1x128x128xi32, #tpu.memory_space<vmem>> -> memref<128x128xi32, #tpu.memory_space<vmem>>
    %dma_start3A_304 = arith.constant 0 : i32
    %dma_start3A_305 = tpu.memref_slice %arg18[%dma_start3A, %dma_start3A_304] : memref<2x128xi32, #tpu.memory_space<vmem>> -> memref<1x128xi32, #tpu.memory_space<vmem>>
    %dma_start3A_306 = tpu.memref_squeeze %dma_start3A_305 : memref<1x128xi32, #tpu.memory_space<vmem>> -> memref<128xi32, #tpu.memory_space<vmem>>
    %dma_start3A_307 = arith.constant 0 : i32
    %dma_start3A_308 = arith.constant 0 : i32
    %dma_start3A_309 = tpu.memref_slice %arg2[%dma_start3A_307, %dma_start3A_308] : memref<5440x128xi32, #tpu.memory_space<hbm>> -> memref<5440x128xi32, #tpu.memory_space<hbm>>
    tpu.enqueue_indirect_dma source(%dma_start3A_309 : memref<5440x128xi32, #tpu.memory_space<hbm>>) target(%dma_start3A_303 : memref<128x128xi32, #tpu.memory_space<vmem>>) offsets(%dma_start3A_306 : memref<128xi32, #tpu.memory_space<vmem>>) semaphore(%arg23 : memref<!tpu.dma_semaphore, #tpu.memory_space<semaphore_mem>>)
    %scan3A = arith.constant 0 : i32
    %scan3A_310 = arith.constant -65536 : i32
    %scan3A_311 = arith.constant 0 : i32
    %scan3A_312 = arith.constant 27 : i32
    %scan3A_313 = arith.addi %scan3A_311, %scan3A_312 : i32
    %scan3A_314 = arith.constant 1 : i32
    scf.for %scan3A_603 = %scan3A_311 to %scan3A_313 step %scan3A_314  : i32 {
      %mul3A_604 = arith.constant 2 : i32
      %mul3A_605 = arith.muli %mul3A_604, %scan3A_603 : i32
      %add3A_606 = arith.constant 1 : i32
      %add3A_607 = arith.addi %mul3A_605, %add3A_606 : i32
      %mul3A_608 = arith.constant 32 : i32
      %mul3A_609 = arith.muli %add3A_607, %mul3A_608 : i32
      %add3A_610 = arith.constant 0 : i32
      %add3A_611 = arith.addi %mul3A_609, %add3A_610 : i32
      %get3A_612 = arith.index_cast %add3A_611 : i32 to index
      %get3A_613 = tpu.vector_load %arg9[%get3A_612] {strides = array<i32>} : memref<1792xi32, #tpu.memory_space<vmem>>, vector<16xi32>,
      %get3A_614 = arith.index_cast %add3A_611 : i32 to index
      %get3A_615 = tpu.vector_load %arg10[%get3A_614] {strides = array<i32>} : memref<1792xf32, #tpu.memory_space<vmem>>, vector<16xf32>,
      %get3A_616 = arith.index_cast %add3A_611 : i32 to index
      %get3A_617 = tpu.vector_load %arg11[%get3A_616] {strides = array<i32>} : memref<1792xf32, #tpu.memory_space<vmem>>, vector<16xf32>,
      %gather3A_618 = tpu.vector_load_idx %arg12[%get3A_613] : memref<32xf32, #tpu.memory_space<vmem>>[vector<16xi32>], vector<16xf32>,
      %gather3A_619 = tpu.vector_load_idx %arg13[%get3A_613] : memref<32xf32, #tpu.memory_space<vmem>>[vector<16xi32>], vector<16xf32>,
      %gather3A_620 = tpu.vector_load_idx %arg14[%get3A_613] : memref<32xf32, #tpu.memory_space<vmem>>[vector<16xi32>], vector<16xf32>,
      %gather3A_621 = tpu.vector_load_idx %arg15[%get3A_613] : memref<32xf32, #tpu.memory_space<vmem>>[vector<16xi32>], vector<16xf32>,
      %gather3A_622 = tpu.vector_load_idx %arg16[%get3A_613] : memref<32xi32, #tpu.memory_space<vmem>>[vector<16xi32>], vector<16xi32>,
      %gather3A_623 = tpu.vector_load_idx %arg17[%get3A_613] : memref<32xi32, #tpu.memory_space<vmem>>[vector<16xi32>], vector<16xi32>,
      %mul3A_624 = arith.mulf %get3A_615, %gather3A_619 : vector<16xf32>
      %add3A_625 = arith.addf %gather3A_618, %mul3A_624 : vector<16xf32>
      %convert_element_type3A_626 = arith.fptosi %add3A_625 : vector<16xf32> to vector<16xi32>
      %min3A_627 = arith.minsi %convert_element_type3A_626, %gather3A_623 : vector<16xi32>
      %convert_element_type3A_628 = arith.sitofp %min3A_627 : vector<16xi32> to vector<16xf32>
      %sub3A_629 = arith.subf %add3A_625, %convert_element_type3A_628 : vector<16xf32>
      %add3A_630 = arith.constant 1 : i32
      %add3A_631 = vector.broadcast %add3A_630 : i32 to vector<16xi32>
      %add3A_632 = arith.addi %min3A_627, %add3A_631 : vector<16xi32>
      %min3A_633 = arith.minsi %add3A_632, %gather3A_623 : vector<16xi32>
      %mul3A_634 = arith.mulf %get3A_617, %gather3A_621 : vector<16xf32>
      %add3A_635 = arith.addf %gather3A_620, %mul3A_634 : vector<16xf32>
      %convert_element_type3A_636 = arith.fptosi %add3A_635 : vector<16xf32> to vector<16xi32>
      %min3A_637 = arith.minsi %convert_element_type3A_636, %gather3A_623 : vector<16xi32>
      %convert_element_type3A_638 = arith.sitofp %min3A_637 : vector<16xi32> to vector<16xf32>
      %sub3A_639 = arith.subf %add3A_635, %convert_element_type3A_638 : vector<16xf32>
      %add3A_640 = arith.constant 1 : i32
      %add3A_641 = vector.broadcast %add3A_640 : i32 to vector<16xi32>
      %add3A_642 = arith.addi %min3A_637, %add3A_641 : vector<16xi32>
      %min3A_643 = arith.minsi %add3A_642, %gather3A_623 : vector<16xi32>
      %add3A_644 = arith.constant 1 : i32
      %add3A_645 = vector.broadcast %add3A_644 : i32 to vector<16xi32>
      %add3A_646 = arith.addi %gather3A_623, %add3A_645 : vector<16xi32>
      %mul3A_647 = arith.muli %min3A_627, %add3A_646 : vector<16xi32>
      %add3A_648 = arith.addi %gather3A_622, %mul3A_647 : vector<16xi32>
      %mul3A_649 = arith.muli %min3A_633, %add3A_646 : vector<16xi32>
      %add3A_650 = arith.addi %gather3A_622, %mul3A_649 : vector<16xi32>
      %add3A_651 = arith.addi %add3A_648, %min3A_637 : vector<16xi32>
      %swap3A_652 = arith.constant 1 : i32
      %swap3A_653 = arith.index_cast %swap3A_652 : i32 to index
      %swap3A_654 = arith.constant 0 : index
      %swap3A_655 = tpu.vector_load %arg18[%swap3A_653, %swap3A_654] {strides = array<i32>} : memref<2x128xi32, #tpu.memory_space<vmem>>, vector<16xi32>,
      tpu.vector_store %arg18[%swap3A_653, %swap3A_654], %add3A_651 {strides = array<i32>} : memref<2x128xi32, #tpu.memory_space<vmem>>, vector<16xi32>,
      %add3A_656 = arith.addi %add3A_648, %min3A_643 : vector<16xi32>
      %swap3A_657 = arith.constant 1 : i32
      %swap3A_658 = arith.index_cast %swap3A_657 : i32 to index
      %swap3A_659 = arith.constant 32 : index
      %swap3A_660 = tpu.vector_load %arg18[%swap3A_658, %swap3A_659] {strides = array<i32>} : memref<2x128xi32, #tpu.memory_space<vmem>>, vector<16xi32>,
      tpu.vector_store %arg18[%swap3A_658, %swap3A_659], %add3A_656 {strides = array<i32>} : memref<2x128xi32, #tpu.memory_space<vmem>>, vector<16xi32>,
      %add3A_661 = arith.addi %add3A_650, %min3A_637 : vector<16xi32>
      %swap3A_662 = arith.constant 1 : i32
      %swap3A_663 = arith.index_cast %swap3A_662 : i32 to index
      %swap3A_664 = arith.constant 64 : index
      %swap3A_665 = tpu.vector_load %arg18[%swap3A_663, %swap3A_664] {strides = array<i32>} : memref<2x128xi32, #tpu.memory_space<vmem>>, vector<16xi32>,
      tpu.vector_store %arg18[%swap3A_663, %swap3A_664], %add3A_661 {strides = array<i32>} : memref<2x128xi32, #tpu.memory_space<vmem>>, vector<16xi32>,
      %add3A_666 = arith.addi %add3A_650, %min3A_643 : vector<16xi32>
      %swap3A_667 = arith.constant 1 : i32
      %swap3A_668 = arith.index_cast %swap3A_667 : i32 to index
      %swap3A_669 = arith.constant 96 : index
      %swap3A_670 = tpu.vector_load %arg18[%swap3A_668, %swap3A_669] {strides = array<i32>} : memref<2x128xi32, #tpu.memory_space<vmem>>, vector<16xi32>,
      tpu.vector_store %arg18[%swap3A_668, %swap3A_669], %add3A_666 {strides = array<i32>} : memref<2x128xi32, #tpu.memory_space<vmem>>, vector<16xi32>,
      %swap3A_671 = arith.constant 1 : i32
      %swap3A_672 = arith.index_cast %swap3A_671 : i32 to index
      %swap3A_673 = arith.constant 0 : index
      %swap3A_674 = tpu.vector_load %arg19[%swap3A_672, %swap3A_673] {strides = array<i32>} : memref<2x32xf32, #tpu.memory_space<vmem>>, vector<16xf32>,
      tpu.vector_store %arg19[%swap3A_672, %swap3A_673], %sub3A_629 {strides = array<i32>} : memref<2x32xf32, #tpu.memory_space<vmem>>, vector<16xf32>,
      %swap3A_675 = arith.constant 1 : i32
      %swap3A_676 = arith.index_cast %swap3A_675 : i32 to index
      %swap3A_677 = arith.constant 0 : index
      %swap3A_678 = tpu.vector_load %arg20[%swap3A_676, %swap3A_677] {strides = array<i32>} : memref<2x32xf32, #tpu.memory_space<vmem>>, vector<16xf32>,
      tpu.vector_store %arg20[%swap3A_676, %swap3A_677], %sub3A_639 {strides = array<i32>} : memref<2x32xf32, #tpu.memory_space<vmem>>, vector<16xf32>,
      %mul3A_679 = arith.constant 32 : i32
      %mul3A_680 = arith.muli %add3A_607, %mul3A_679 : i32
      %add3A_681 = arith.constant 16 : i32
      %add3A_682 = arith.addi %mul3A_680, %add3A_681 : i32
      %get3A_683 = arith.index_cast %add3A_682 : i32 to index
      %get3A_684 = tpu.vector_load %arg9[%get3A_683] {strides = array<i32>} : memref<1792xi32, #tpu.memory_space<vmem>>, vector<16xi32>,
      %get3A_685 = arith.index_cast %add3A_682 : i32 to index
      %get3A_686 = tpu.vector_load %arg10[%get3A_685] {strides = array<i32>} : memref<1792xf32, #tpu.memory_space<vmem>>, vector<16xf32>,
      %get3A_687 = arith.index_cast %add3A_682 : i32 to index
      %get3A_688 = tpu.vector_load %arg11[%get3A_687] {strides = array<i32>} : memref<1792xf32, #tpu.memory_space<vmem>>, vector<16xf32>,
      %gather3A_689 = tpu.vector_load_idx %arg12[%get3A_684] : memref<32xf32, #tpu.memory_space<vmem>>[vector<16xi32>], vector<16xf32>,
      %gather3A_690 = tpu.vector_load_idx %arg13[%get3A_684] : memref<32xf32, #tpu.memory_space<vmem>>[vector<16xi32>], vector<16xf32>,
      %gather3A_691 = tpu.vector_load_idx %arg14[%get3A_684] : memref<32xf32, #tpu.memory_space<vmem>>[vector<16xi32>], vector<16xf32>,
      %gather3A_692 = tpu.vector_load_idx %arg15[%get3A_684] : memref<32xf32, #tpu.memory_space<vmem>>[vector<16xi32>], vector<16xf32>,
      %gather3A_693 = tpu.vector_load_idx %arg16[%get3A_684] : memref<32xi32, #tpu.memory_space<vmem>>[vector<16xi32>], vector<16xi32>,
      %gather3A_694 = tpu.vector_load_idx %arg17[%get3A_684] : memref<32xi32, #tpu.memory_space<vmem>>[vector<16xi32>], vector<16xi32>,
      %mul3A_695 = arith.mulf %get3A_686, %gather3A_690 : vector<16xf32>
      %add3A_696 = arith.addf %gather3A_689, %mul3A_695 : vector<16xf32>
      %convert_element_type3A_697 = arith.fptosi %add3A_696 : vector<16xf32> to vector<16xi32>
      %min3A_698 = arith.minsi %convert_element_type3A_697, %gather3A_694 : vector<16xi32>
      %convert_element_type3A_699 = arith.sitofp %min3A_698 : vector<16xi32> to vector<16xf32>
      %sub3A_700 = arith.subf %add3A_696, %convert_element_type3A_699 : vector<16xf32>
      %add3A_701 = arith.constant 1 : i32
      %add3A_702 = vector.broadcast %add3A_701 : i32 to vector<16xi32>
      %add3A_703 = arith.addi %min3A_698, %add3A_702 : vector<16xi32>
      %min3A_704 = arith.minsi %add3A_703, %gather3A_694 : vector<16xi32>
      %mul3A_705 = arith.mulf %get3A_688, %gather3A_692 : vector<16xf32>
      %add3A_706 = arith.addf %gather3A_691, %mul3A_705 : vector<16xf32>
      %convert_element_type3A_707 = arith.fptosi %add3A_706 : vector<16xf32> to vector<16xi32>
      %min3A_708 = arith.minsi %convert_element_type3A_707, %gather3A_694 : vector<16xi32>
      %convert_element_type3A_709 = arith.sitofp %min3A_708 : vector<16xi32> to vector<16xf32>
      %sub3A_710 = arith.subf %add3A_706, %convert_element_type3A_709 : vector<16xf32>
      %add3A_711 = arith.constant 1 : i32
      %add3A_712 = vector.broadcast %add3A_711 : i32 to vector<16xi32>
      %add3A_713 = arith.addi %min3A_708, %add3A_712 : vector<16xi32>
      %min3A_714 = arith.minsi %add3A_713, %gather3A_694 : vector<16xi32>
      %add3A_715 = arith.constant 1 : i32
      %add3A_716 = vector.broadcast %add3A_715 : i32 to vector<16xi32>
      %add3A_717 = arith.addi %gather3A_694, %add3A_716 : vector<16xi32>
      %mul3A_718 = arith.muli %min3A_698, %add3A_717 : vector<16xi32>
      %add3A_719 = arith.addi %gather3A_693, %mul3A_718 : vector<16xi32>
      %mul3A_720 = arith.muli %min3A_704, %add3A_717 : vector<16xi32>
      %add3A_721 = arith.addi %gather3A_693, %mul3A_720 : vector<16xi32>
      %add3A_722 = arith.addi %add3A_719, %min3A_708 : vector<16xi32>
      %swap3A_723 = arith.constant 1 : i32
      %swap3A_724 = arith.index_cast %swap3A_723 : i32 to index
      %swap3A_725 = arith.constant 16 : index
      %swap3A_726 = tpu.vector_load %arg18[%swap3A_724, %swap3A_725] {strides = array<i32>} : memref<2x128xi32, #tpu.memory_space<vmem>>, vector<16xi32>,
      tpu.vector_store %arg18[%swap3A_724, %swap3A_725], %add3A_722 {strides = array<i32>} : memref<2x128xi32, #tpu.memory_space<vmem>>, vector<16xi32>,
      %add3A_727 = arith.addi %add3A_719, %min3A_714 : vector<16xi32>
      %swap3A_728 = arith.constant 1 : i32
      %swap3A_729 = arith.index_cast %swap3A_728 : i32 to index
      %swap3A_730 = arith.constant 48 : index
      %swap3A_731 = tpu.vector_load %arg18[%swap3A_729, %swap3A_730] {strides = array<i32>} : memref<2x128xi32, #tpu.memory_space<vmem>>, vector<16xi32>,
      tpu.vector_store %arg18[%swap3A_729, %swap3A_730], %add3A_727 {strides = array<i32>} : memref<2x128xi32, #tpu.memory_space<vmem>>, vector<16xi32>,
      %add3A_732 = arith.addi %add3A_721, %min3A_708 : vector<16xi32>
      %swap3A_733 = arith.constant 1 : i32
      %swap3A_734 = arith.index_cast %swap3A_733 : i32 to index
      %swap3A_735 = arith.constant 80 : index
      %swap3A_736 = tpu.vector_load %arg18[%swap3A_734, %swap3A_735] {strides = array<i32>} : memref<2x128xi32, #tpu.memory_space<vmem>>, vector<16xi32>,
      tpu.vector_store %arg18[%swap3A_734, %swap3A_735], %add3A_732 {strides = array<i32>} : memref<2x128xi32, #tpu.memory_space<vmem>>, vector<16xi32>,
      %add3A_737 = arith.addi %add3A_721, %min3A_714 : vector<16xi32>
      %swap3A_738 = arith.constant 1 : i32
      %swap3A_739 = arith.index_cast %swap3A_738 : i32 to index
      %swap3A_740 = arith.constant 112 : index
      %swap3A_741 = tpu.vector_load %arg18[%swap3A_739, %swap3A_740] {strides = array<i32>} : memref<2x128xi32, #tpu.memory_space<vmem>>, vector<16xi32>,
      tpu.vector_store %arg18[%swap3A_739, %swap3A_740], %add3A_737 {strides = array<i32>} : memref<2x128xi32, #tpu.memory_space<vmem>>, vector<16xi32>,
      %swap3A_742 = arith.constant 1 : i32
      %swap3A_743 = arith.index_cast %swap3A_742 : i32 to index
      %swap3A_744 = arith.constant 16 : index
      %swap3A_745 = tpu.vector_load %arg19[%swap3A_743, %swap3A_744] {strides = array<i32>} : memref<2x32xf32, #tpu.memory_space<vmem>>, vector<16xf32>,
      tpu.vector_store %arg19[%swap3A_743, %swap3A_744], %sub3A_700 {strides = array<i32>} : memref<2x32xf32, #tpu.memory_space<vmem>>, vector<16xf32>,
      %swap3A_746 = arith.constant 1 : i32
      %swap3A_747 = arith.index_cast %swap3A_746 : i32 to index
      %swap3A_748 = arith.constant 16 : index
      %swap3A_749 = tpu.vector_load %arg20[%swap3A_747, %swap3A_748] {strides = array<i32>} : memref<2x32xf32, #tpu.memory_space<vmem>>, vector<16xf32>,
      tpu.vector_store %arg20[%swap3A_747, %swap3A_748], %sub3A_710 {strides = array<i32>} : memref<2x32xf32, #tpu.memory_space<vmem>>, vector<16xf32>,
      %dma_start3A_750 = arith.constant 1 : i32
      %dma_start3A_751 = arith.constant 1 : i32
      %dma_start3A_752 = arith.constant 0 : i32
      %dma_start3A_753 = arith.constant 0 : i32
      %dma_start3A_754 = tpu.memref_slice %arg21[%dma_start3A_751, %dma_start3A_752, %dma_start3A_753] : memref<2x128x128xi32, #tpu.memory_space<vmem>> -> memref<1x128x128xi32, #tpu.memory_space<vmem>>
      %dma_start3A_755 = tpu.memref_squeeze %dma_start3A_754 : memref<1x128x128xi32, #tpu.memory_space<vmem>> -> memref<128x128xi32, #tpu.memory_space<vmem>>
      %dma_start3A_756 = arith.constant 0 : i32
      %dma_start3A_757 = tpu.memref_slice %arg18[%dma_start3A_750, %dma_start3A_756] : memref<2x128xi32, #tpu.memory_space<vmem>> -> memref<1x128xi32, #tpu.memory_space<vmem>>
      %dma_start3A_758 = tpu.memref_squeeze %dma_start3A_757 : memref<1x128xi32, #tpu.memory_space<vmem>> -> memref<128xi32, #tpu.memory_space<vmem>>
      %dma_start3A_759 = arith.constant 0 : i32
      %dma_start3A_760 = arith.constant 0 : i32
      %dma_start3A_761 = tpu.memref_slice %arg2[%dma_start3A_759, %dma_start3A_760] : memref<5440x128xi32, #tpu.memory_space<hbm>> -> memref<5440x128xi32, #tpu.memory_space<hbm>>
      tpu.enqueue_indirect_dma source(%dma_start3A_761 : memref<5440x128xi32, #tpu.memory_space<hbm>>) target(%dma_start3A_755 : memref<128x128xi32, #tpu.memory_space<vmem>>) offsets(%dma_start3A_758 : memref<128xi32, #tpu.memory_space<vmem>>) semaphore(%arg24 : memref<!tpu.dma_semaphore, #tpu.memory_space<semaphore_mem>>)
      %dma_wait3A_762 = arith.constant 0 : i32
      %dma_wait3A_763 = arith.constant 0 : i32
      %dma_wait3A_764 = arith.constant 0 : i32
      %dma_wait3A_765 = arith.constant 0 : i32
      %dma_wait3A_766 = tpu.memref_slice %arg21[%dma_wait3A_763, %dma_wait3A_764, %dma_wait3A_765] : memref<2x128x128xi32, #tpu.memory_space<vmem>> -> memref<1x128x128xi32, #tpu.memory_space<vmem>>
      %dma_wait3A_767 = tpu.memref_squeeze %dma_wait3A_766 : memref<1x128x128xi32, #tpu.memory_space<vmem>> -> memref<128x128xi32, #tpu.memory_space<vmem>>
      %dma_wait3A_768 = arith.constant 0 : i32
      %dma_wait3A_769 = tpu.memref_slice %arg18[%dma_wait3A_762, %dma_wait3A_768] : memref<2x128xi32, #tpu.memory_space<vmem>> -> memref<1x128xi32, #tpu.memory_space<vmem>>
      %dma_wait3A_770 = tpu.memref_squeeze %dma_wait3A_769 : memref<1x128xi32, #tpu.memory_space<vmem>> -> memref<128xi32, #tpu.memory_space<vmem>>
      %dma_wait3A_771 = arith.constant 0 : i32
      %dma_wait3A_772 = arith.constant 0 : i32
      %dma_wait3A_773 = tpu.memref_slice %arg2[%dma_wait3A_771, %dma_wait3A_772] : memref<5440x128xi32, #tpu.memory_space<hbm>> -> memref<5440x128xi32, #tpu.memory_space<hbm>>
      tpu.wait_indirect_dma semaphore(%arg23 : memref<!tpu.dma_semaphore, #tpu.memory_space<semaphore_mem>>) src(%dma_wait3A_773 : memref<5440x128xi32, #tpu.memory_space<hbm>>) dst(%dma_wait3A_767 : memref<128x128xi32, #tpu.memory_space<vmem>>)
      %ge3A_774 = arith.constant 2 : i32
      %ge3A_775 = arith.cmpi sge, %mul3A_605, %ge3A_774 : i32
      %convert_element_type3A_776 = arith.extui %ge3A_775 : i1 to i32
      %cond3A = arith.constant 0 : i32
      %cond3A_777 = arith.cmpi ne, %convert_element_type3A_776, %cond3A : i32
      scf.if %cond3A_777 {
        %sub3A_1003 = arith.constant 2 : i32
        %sub3A_1004 = arith.subi %mul3A_605, %sub3A_1003 : i32
        %mul3A_1005 = arith.constant 1792 : i32
        %mul3A_1006 = arith.muli %add3A, %mul3A_1005 : i32
        %mul3A_1007 = arith.constant 32 : i32
        %mul3A_1008 = arith.muli %sub3A_1004, %mul3A_1007 : i32
        %add3A_1009 = arith.addi %mul3A_1006, %mul3A_1008 : i32
        %dma_wait3A_1010 = arith.constant 0 : i32
        %dma_wait3A_1011 = arith.constant 0 : i32
        %dma_wait3A_1012 = arith.constant 0 : i32
        %dma_wait3A_1013 = tpu.memref_slice %arg22[%dma_wait3A_1010, %dma_wait3A_1011, %dma_wait3A_1012] : memref<2x32x128xi32, #tpu.memory_space<vmem>> -> memref<1x32x128xi32, #tpu.memory_space<vmem>>
        %dma_wait3A_1014 = tpu.memref_squeeze %dma_wait3A_1013 : memref<1x32x128xi32, #tpu.memory_space<vmem>> -> memref<32x128xi32, #tpu.memory_space<vmem>>
        %dma_wait3A_1015 = arith.constant 0 : i32
        %dma_wait3A_1016 = tpu.memref_slice %arg7[%add3A_1009, %dma_wait3A_1015] : memref<57344x128xi32, #tpu.memory_space<hbm>> -> memref<32x128xi32, #tpu.memory_space<hbm>>
        %dma_wait3A_1017 = arith.constant 0 : i32
        %dma_wait3A_1018 = tpu.memref_slice %arg7[%add3A_1009, %dma_wait3A_1017] : memref<57344x128xi32, #tpu.memory_space<hbm>> -> memref<32x128xi32, #tpu.memory_space<hbm>>
        %dma_wait3A_1019 = arith.constant 0 : i32
        %dma_wait3A_1020 = arith.constant 0 : i32
        %dma_wait3A_1021 = tpu.memref_slice %arg22[%dma_wait3A_1010, %dma_wait3A_1019, %dma_wait3A_1020] : memref<2x32x128xi32, #tpu.memory_space<vmem>> -> memref<1x32x128xi32, #tpu.memory_space<vmem>>
        %dma_wait3A_1022 = tpu.memref_squeeze %dma_wait3A_1021 : memref<1x32x128xi32, #tpu.memory_space<vmem>> -> memref<32x128xi32, #tpu.memory_space<vmem>>
        tpu.wait_dma2 semaphore(%arg25 : memref<!tpu.dma_semaphore, #tpu.memory_space<semaphore_mem>>) src(%dma_wait3A_1022 : memref<32x128xi32, #tpu.memory_space<vmem>>) dst(%dma_wait3A_1018 : memref<32x128xi32, #tpu.memory_space<hbm>>)
      } else {
      }
      %scan3A_778 = arith.constant 0 : i32
      %scan3A_779 = arith.constant 0 : i32
      %scan3A_780 = arith.constant 32 : i32
      %scan3A_781 = arith.addi %scan3A_779, %scan3A_780 : i32
      %scan3A_782 = arith.constant 1 : i32
      %scan3A_783 = scf.for %scan3A_1003 = %scan3A_779 to %scan3A_781 step %scan3A_782 iter_args(%scan3A_1004 = %scan3A_778) -> (i32)  : i32 {
        %broadcast_in_dim3A_1005 = vector.broadcast %scan3A_1003 : i32 to vector<16xi32>
        %broadcast_in_dim3A_1006 = arith.constant 0 : i32
        %broadcast_in_dim3A_1007 = vector.broadcast %broadcast_in_dim3A_1006 : i32 to vector<16xi32>
        %gather3A_1008 = tpu.vector_load_idx %arg19[%broadcast_in_dim3A_1007, %broadcast_in_dim3A_1005] : memref<2x32xf32, #tpu.memory_space<vmem>>[vector<16xi32>, vector<16xi32>], vector<16xf32>,
        %gather3A_1009 = tpu.vector_load_idx %arg20[%broadcast_in_dim3A_1007, %broadcast_in_dim3A_1005] : memref<2x32xf32, #tpu.memory_space<vmem>>[vector<16xi32>, vector<16xi32>], vector<16xf32>,
        %mul3A_1010 = arith.mulf %gather3A_1008, %gather3A_1009 : vector<16xf32>
        %sub3A_1011 = arith.subf %gather3A_1008, %mul3A_1010 : vector<16xf32>
        %sub3A_1012 = arith.subf %gather3A_1009, %mul3A_1010 : vector<16xf32>
        %sub3A_1013 = arith.constant 1.000000e+00 : f32
        %sub3A_1014 = vector.broadcast %sub3A_1013 : f32 to vector<16xf32>
        %sub3A_1015 = arith.subf %sub3A_1014, %gather3A_1008 : vector<16xf32>
        %sub3A_1016 = arith.subf %sub3A_1015, %gather3A_1009 : vector<16xf32>
        %add3A_1017 = arith.addf %sub3A_1016, %mul3A_1010 : vector<16xf32>
        %get3A_1018 = arith.constant 0 : i32
        %get3A_1019 = arith.index_cast %get3A_1018 : i32 to index
        %get3A_1020 = arith.index_cast %scan3A_1003 : i32 to index
        %get3A_1021 = arith.constant 0 : index
        %get3A_1022 = tpu.vector_load %arg21[%get3A_1019, %get3A_1020, %get3A_1021] {strides = array<i32>} : memref<2x128x128xi32, #tpu.memory_space<vmem>>, vector<16xi32>,
        %add3A_1023 = arith.constant 32 : i32
        %add3A_1024 = arith.addi %add3A_1023, %scan3A_1003 : i32
        %get3A_1025 = arith.constant 0 : i32
        %get3A_1026 = arith.index_cast %get3A_1025 : i32 to index
        %get3A_1027 = arith.index_cast %add3A_1024 : i32 to index
        %get3A_1028 = arith.constant 0 : index
        %get3A_1029 = tpu.vector_load %arg21[%get3A_1026, %get3A_1027, %get3A_1028] {strides = array<i32>} : memref<2x128x128xi32, #tpu.memory_space<vmem>>, vector<16xi32>,
        %add3A_1030 = arith.constant 64 : i32
        %add3A_1031 = arith.addi %add3A_1030, %scan3A_1003 : i32
        %get3A_1032 = arith.constant 0 : i32
        %get3A_1033 = arith.index_cast %get3A_1032 : i32 to index
        %get3A_1034 = arith.index_cast %add3A_1031 : i32 to index
        %get3A_1035 = arith.constant 0 : index
        %get3A_1036 = tpu.vector_load %arg21[%get3A_1033, %get3A_1034, %get3A_1035] {strides = array<i32>} : memref<2x128x128xi32, #tpu.memory_space<vmem>>, vector<16xi32>,
        %add3A_1037 = arith.constant 96 : i32
        %add3A_1038 = arith.addi %add3A_1037, %scan3A_1003 : i32
        %get3A_1039 = arith.constant 0 : i32
        %get3A_1040 = arith.index_cast %get3A_1039 : i32 to index
        %get3A_1041 = arith.index_cast %add3A_1038 : i32 to index
        %get3A_1042 = arith.constant 0 : index
        %get3A_1043 = tpu.vector_load %arg21[%get3A_1040, %get3A_1041, %get3A_1042] {strides = array<i32>} : memref<2x128x128xi32, #tpu.memory_space<vmem>>, vector<16xi32>,
        %shift_left3A_1044 = arith.constant 16 : i32
        %shift_left3A_1045 = vector.broadcast %shift_left3A_1044 : i32 to vector<16xi32>
        %shift_left3A_1046 = arith.shli %get3A_1022, %shift_left3A_1045 : vector<16xi32>
        %bitcast3A = vector.bitcast %shift_left3A_1046 : vector<16xi32> to vector<16xf32>
        %mul3A_1047 = arith.mulf %bitcast3A, %add3A_1017 : vector<16xf32>
        %shift_left3A_1048 = arith.constant 16 : i32
        %shift_left3A_1049 = vector.broadcast %shift_left3A_1048 : i32 to vector<16xi32>
        %shift_left3A_1050 = arith.shli %get3A_1029, %shift_left3A_1049 : vector<16xi32>
        %bitcast3A_1051 = vector.bitcast %shift_left3A_1050 : vector<16xi32> to vector<16xf32>
        %mul3A_1052 = arith.mulf %bitcast3A_1051, %sub3A_1012 : vector<16xf32>
        %add3A_1053 = arith.addf %mul3A_1047, %mul3A_1052 : vector<16xf32>
        %shift_left3A_1054 = arith.constant 16 : i32
        %shift_left3A_1055 = vector.broadcast %shift_left3A_1054 : i32 to vector<16xi32>
        %shift_left3A_1056 = arith.shli %get3A_1036, %shift_left3A_1055 : vector<16xi32>
        %bitcast3A_1057 = vector.bitcast %shift_left3A_1056 : vector<16xi32> to vector<16xf32>
        %mul3A_1058 = arith.mulf %bitcast3A_1057, %sub3A_1011 : vector<16xf32>
        %add3A_1059 = arith.addf %add3A_1053, %mul3A_1058 : vector<16xf32>
        %shift_left3A_1060 = arith.constant 16 : i32
        %shift_left3A_1061 = vector.broadcast %shift_left3A_1060 : i32 to vector<16xi32>
        %shift_left3A_1062 = arith.shli %get3A_1043, %shift_left3A_1061 : vector<16xi32>
        %bitcast3A_1063 = vector.bitcast %shift_left3A_1062 : vector<16xi32> to vector<16xf32>
        %mul3A_1064 = arith.mulf %bitcast3A_1063, %mul3A_1010 : vector<16xf32>
        %add3A_1065 = arith.addf %add3A_1059, %mul3A_1064 : vector<16xf32>
        %and3A = vector.broadcast %scan3A_310 : i32 to vector<16xi32>
        %and3A_1066 = arith.andi %get3A_1022, %and3A : vector<16xi32>
        %bitcast3A_1067 = vector.bitcast %and3A_1066 : vector<16xi32> to vector<16xf32>
        %mul3A_1068 = arith.mulf %bitcast3A_1067, %add3A_1017 : vector<16xf32>
        %and3A_1069 = vector.broadcast %scan3A_310 : i32 to vector<16xi32>
        %and3A_1070 = arith.andi %get3A_1029, %and3A_1069 : vector<16xi32>
        %bitcast3A_1071 = vector.bitcast %and3A_1070 : vector<16xi32> to vector<16xf32>
        %mul3A_1072 = arith.mulf %bitcast3A_1071, %sub3A_1012 : vector<16xf32>
        %add3A_1073 = arith.addf %mul3A_1068, %mul3A_1072 : vector<16xf32>
        %and3A_1074 = vector.broadcast %scan3A_310 : i32 to vector<16xi32>
        %and3A_1075 = arith.andi %get3A_1036, %and3A_1074 : vector<16xi32>
        %bitcast3A_1076 = vector.bitcast %and3A_1075 : vector<16xi32> to vector<16xf32>
        %mul3A_1077 = arith.mulf %bitcast3A_1076, %sub3A_1011 : vector<16xf32>
        %add3A_1078 = arith.addf %add3A_1073, %mul3A_1077 : vector<16xf32>
        %and3A_1079 = vector.broadcast %scan3A_310 : i32 to vector<16xi32>
        %and3A_1080 = arith.andi %get3A_1043, %and3A_1079 : vector<16xi32>
        %bitcast3A_1081 = vector.bitcast %and3A_1080 : vector<16xi32> to vector<16xf32>
        %mul3A_1082 = arith.mulf %bitcast3A_1081, %mul3A_1010 : vector<16xf32>
        %add3A_1083 = arith.addf %add3A_1078, %mul3A_1082 : vector<16xf32>
        %bitcast3A_1084 = vector.bitcast %add3A_1065 : vector<16xf32> to vector<16xi32>
        %add3A_1085 = arith.constant 32768 : i32
        %add3A_1086 = vector.broadcast %add3A_1085 : i32 to vector<16xi32>
        %add3A_1087 = arith.addi %bitcast3A_1084, %add3A_1086 : vector<16xi32>
        %bitcast3A_1088 = vector.bitcast %add3A_1083 : vector<16xf32> to vector<16xi32>
        %add3A_1089 = arith.constant 32768 : i32
        %add3A_1090 = vector.broadcast %add3A_1089 : i32 to vector<16xi32>
        %add3A_1091 = arith.addi %bitcast3A_1088, %add3A_1090 : vector<16xi32>
        %shift_right_arithmetic3A = arith.constant 16 : i32
        %shift_right_arithmetic3A_1092 = vector.broadcast %shift_right_arithmetic3A : i32 to vector<16xi32>
        %shift_right_arithmetic3A_1093 = arith.shrsi %add3A_1087, %shift_right_arithmetic3A_1092 : vector<16xi32>
        %and3A_1094 = arith.constant 65535 : i32
        %and3A_1095 = vector.broadcast %and3A_1094 : i32 to vector<16xi32>
        %and3A_1096 = arith.andi %shift_right_arithmetic3A_1093, %and3A_1095 : vector<16xi32>
        %and3A_1097 = vector.broadcast %scan3A_310 : i32 to vector<16xi32>
        %and3A_1098 = arith.andi %add3A_1091, %and3A_1097 : vector<16xi32>
        %or3A = arith.ori %and3A_1096, %and3A_1098 : vector<16xi32>
        %swap3A_1099 = arith.constant 0 : i32
        %swap3A_1100 = arith.index_cast %swap3A_1099 : i32 to index
        %swap3A_1101 = arith.index_cast %scan3A_1003 : i32 to index
        %swap3A_1102 = arith.constant 0 : index
        %swap3A_1103 = tpu.vector_load %arg22[%swap3A_1100, %swap3A_1101, %swap3A_1102] {strides = array<i32>} : memref<2x32x128xi32, #tpu.memory_space<vmem>>, vector<16xi32>,
        tpu.vector_store %arg22[%swap3A_1100, %swap3A_1101, %swap3A_1102], %or3A {strides = array<i32>} : memref<2x32x128xi32, #tpu.memory_space<vmem>>, vector<16xi32>,
        %get3A_1104 = arith.constant 0 : i32
        %get3A_1105 = arith.index_cast %get3A_1104 : i32 to index
        %get3A_1106 = arith.index_cast %scan3A_1003 : i32 to index
        %get3A_1107 = arith.constant 16 : index
        %get3A_1108 = tpu.vector_load %arg21[%get3A_1105, %get3A_1106, %get3A_1107] {strides = array<i32>} : memref<2x128x128xi32, #tpu.memory_space<vmem>>, vector<16xi32>,
        %add3A_1109 = arith.constant 32 : i32
        %add3A_1110 = arith.addi %add3A_1109, %scan3A_1003 : i32
        %get3A_1111 = arith.constant 0 : i32
        %get3A_1112 = arith.index_cast %get3A_1111 : i32 to index
        %get3A_1113 = arith.index_cast %add3A_1110 : i32 to index
        %get3A_1114 = arith.constant 16 : index
        %get3A_1115 = tpu.vector_load %arg21[%get3A_1112, %get3A_1113, %get3A_1114] {strides = array<i32>} : memref<2x128x128xi32, #tpu.memory_space<vmem>>, vector<16xi32>,
        %add3A_1116 = arith.constant 64 : i32
        %add3A_1117 = arith.addi %add3A_1116, %scan3A_1003 : i32
        %get3A_1118 = arith.constant 0 : i32
        %get3A_1119 = arith.index_cast %get3A_1118 : i32 to index
        %get3A_1120 = arith.index_cast %add3A_1117 : i32 to index
        %get3A_1121 = arith.constant 16 : index
        %get3A_1122 = tpu.vector_load %arg21[%get3A_1119, %get3A_1120, %get3A_1121] {strides = array<i32>} : memref<2x128x128xi32, #tpu.memory_space<vmem>>, vector<16xi32>,
        %add3A_1123 = arith.constant 96 : i32
        %add3A_1124 = arith.addi %add3A_1123, %scan3A_1003 : i32
        %get3A_1125 = arith.constant 0 : i32
        %get3A_1126 = arith.index_cast %get3A_1125 : i32 to index
        %get3A_1127 = arith.index_cast %add3A_1124 : i32 to index
        %get3A_1128 = arith.constant 16 : index
        %get3A_1129 = tpu.vector_load %arg21[%get3A_1126, %get3A_1127, %get3A_1128] {strides = array<i32>} : memref<2x128x128xi32, #tpu.memory_space<vmem>>, vector<16xi32>,
        %shift_left3A_1130 = arith.constant 16 : i32
        %shift_left3A_1131 = vector.broadcast %shift_left3A_1130 : i32 to vector<16xi32>
        %shift_left3A_1132 = arith.shli %get3A_1108, %shift_left3A_1131 : vector<16xi32>
        %bitcast3A_1133 = vector.bitcast %shift_left3A_1132 : vector<16xi32> to vector<16xf32>
        %mul3A_1134 = arith.mulf %bitcast3A_1133, %add3A_1017 : vector<16xf32>
        %shift_left3A_1135 = arith.constant 16 : i32
        %shift_left3A_1136 = vector.broadcast %shift_left3A_1135 : i32 to vector<16xi32>
        %shift_left3A_1137 = arith.shli %get3A_1115, %shift_left3A_1136 : vector<16xi32>
        %bitcast3A_1138 = vector.bitcast %shift_left3A_1137 : vector<16xi32> to vector<16xf32>
        %mul3A_1139 = arith.mulf %bitcast3A_1138, %sub3A_1012 : vector<16xf32>
        %add3A_1140 = arith.addf %mul3A_1134, %mul3A_1139 : vector<16xf32>
        %shift_left3A_1141 = arith.constant 16 : i32
        %shift_left3A_1142 = vector.broadcast %shift_left3A_1141 : i32 to vector<16xi32>
        %shift_left3A_1143 = arith.shli %get3A_1122, %shift_left3A_1142 : vector<16xi32>
        %bitcast3A_1144 = vector.bitcast %shift_left3A_1143 : vector<16xi32> to vector<16xf32>
        %mul3A_1145 = arith.mulf %bitcast3A_1144, %sub3A_1011 : vector<16xf32>
        %add3A_1146 = arith.addf %add3A_1140, %mul3A_1145 : vector<16xf32>
        %shift_left3A_1147 = arith.constant 16 : i32
        %shift_left3A_1148 = vector.broadcast %shift_left3A_1147 : i32 to vector<16xi32>
        %shift_left3A_1149 = arith.shli %get3A_1129, %shift_left3A_1148 : vector<16xi32>
        %bitcast3A_1150 = vector.bitcast %shift_left3A_1149 : vector<16xi32> to vector<16xf32>
        %mul3A_1151 = arith.mulf %bitcast3A_1150, %mul3A_1010 : vector<16xf32>
        %add3A_1152 = arith.addf %add3A_1146, %mul3A_1151 : vector<16xf32>
        %and3A_1153 = vector.broadcast %scan3A_310 : i32 to vector<16xi32>
        %and3A_1154 = arith.andi %get3A_1108, %and3A_1153 : vector<16xi32>
        %bitcast3A_1155 = vector.bitcast %and3A_1154 : vector<16xi32> to vector<16xf32>
        %mul3A_1156 = arith.mulf %bitcast3A_1155, %add3A_1017 : vector<16xf32>
        %and3A_1157 = vector.broadcast %scan3A_310 : i32 to vector<16xi32>
        %and3A_1158 = arith.andi %get3A_1115, %and3A_1157 : vector<16xi32>
        %bitcast3A_1159 = vector.bitcast %and3A_1158 : vector<16xi32> to vector<16xf32>
        %mul3A_1160 = arith.mulf %bitcast3A_1159, %sub3A_1012 : vector<16xf32>
        %add3A_1161 = arith.addf %mul3A_1156, %mul3A_1160 : vector<16xf32>
        %and3A_1162 = vector.broadcast %scan3A_310 : i32 to vector<16xi32>
        %and3A_1163 = arith.andi %get3A_1122, %and3A_1162 : vector<16xi32>
        %bitcast3A_1164 = vector.bitcast %and3A_1163 : vector<16xi32> to vector<16xf32>
        %mul3A_1165 = arith.mulf %bitcast3A_1164, %sub3A_1011 : vector<16xf32>
        %add3A_1166 = arith.addf %add3A_1161, %mul3A_1165 : vector<16xf32>
        %and3A_1167 = vector.broadcast %scan3A_310 : i32 to vector<16xi32>
        %and3A_1168 = arith.andi %get3A_1129, %and3A_1167 : vector<16xi32>
        %bitcast3A_1169 = vector.bitcast %and3A_1168 : vector<16xi32> to vector<16xf32>
        %mul3A_1170 = arith.mulf %bitcast3A_1169, %mul3A_1010 : vector<16xf32>
        %add3A_1171 = arith.addf %add3A_1166, %mul3A_1170 : vector<16xf32>
        %bitcast3A_1172 = vector.bitcast %add3A_1152 : vector<16xf32> to vector<16xi32>
        %add3A_1173 = arith.constant 32768 : i32
        %add3A_1174 = vector.broadcast %add3A_1173 : i32 to vector<16xi32>
        %add3A_1175 = arith.addi %bitcast3A_1172, %add3A_1174 : vector<16xi32>
        %bitcast3A_1176 = vector.bitcast %add3A_1171 : vector<16xf32> to vector<16xi32>
        %add3A_1177 = arith.constant 32768 : i32
        %add3A_1178 = vector.broadcast %add3A_1177 : i32 to vector<16xi32>
        %add3A_1179 = arith.addi %bitcast3A_1176, %add3A_1178 : vector<16xi32>
        %shift_right_arithmetic3A_1180 = arith.constant 16 : i32
        %shift_right_arithmetic3A_1181 = vector.broadcast %shift_right_arithmetic3A_1180 : i32 to vector<16xi32>
        %shift_right_arithmetic3A_1182 = arith.shrsi %add3A_1175, %shift_right_arithmetic3A_1181 : vector<16xi32>
        %and3A_1183 = arith.constant 65535 : i32
        %and3A_1184 = vector.broadcast %and3A_1183 : i32 to vector<16xi32>
        %and3A_1185 = arith.andi %shift_right_arithmetic3A_1182, %and3A_1184 : vector<16xi32>
        %and3A_1186 = vector.broadcast %scan3A_310 : i32 to vector<16xi32>
        %and3A_1187 = arith.andi %add3A_1179, %and3A_1186 : vector<16xi32>
        %or3A_1188 = arith.ori %and3A_1185, %and3A_1187 : vector<16xi32>
        %swap3A_1189 = arith.constant 0 : i32
        %swap3A_1190 = arith.index_cast %swap3A_1189 : i32 to index
        %swap3A_1191 = arith.index_cast %scan3A_1003 : i32 to index
        %swap3A_1192 = arith.constant 16 : index
        %swap3A_1193 = tpu.vector_load %arg22[%swap3A_1190, %swap3A_1191, %swap3A_1192] {strides = array<i32>} : memref<2x32x128xi32, #tpu.memory_space<vmem>>, vector<16xi32>,
        tpu.vector_store %arg22[%swap3A_1190, %swap3A_1191, %swap3A_1192], %or3A_1188 {strides = array<i32>} : memref<2x32x128xi32, #tpu.memory_space<vmem>>, vector<16xi32>,
        %get3A_1194 = arith.constant 0 : i32
        %get3A_1195 = arith.index_cast %get3A_1194 : i32 to index
        %get3A_1196 = arith.index_cast %scan3A_1003 : i32 to index
        %get3A_1197 = arith.constant 32 : index
        %get3A_1198 = tpu.vector_load %arg21[%get3A_1195, %get3A_1196, %get3A_1197] {strides = array<i32>} : memref<2x128x128xi32, #tpu.memory_space<vmem>>, vector<16xi32>,
        %add3A_1199 = arith.constant 32 : i32
        %add3A_1200 = arith.addi %add3A_1199, %scan3A_1003 : i32
        %get3A_1201 = arith.constant 0 : i32
        %get3A_1202 = arith.index_cast %get3A_1201 : i32 to index
        %get3A_1203 = arith.index_cast %add3A_1200 : i32 to index
        %get3A_1204 = arith.constant 32 : index
        %get3A_1205 = tpu.vector_load %arg21[%get3A_1202, %get3A_1203, %get3A_1204] {strides = array<i32>} : memref<2x128x128xi32, #tpu.memory_space<vmem>>, vector<16xi32>,
        %add3A_1206 = arith.constant 64 : i32
        %add3A_1207 = arith.addi %add3A_1206, %scan3A_1003 : i32
        %get3A_1208 = arith.constant 0 : i32
        %get3A_1209 = arith.index_cast %get3A_1208 : i32 to index
        %get3A_1210 = arith.index_cast %add3A_1207 : i32 to index
        %get3A_1211 = arith.constant 32 : index
        %get3A_1212 = tpu.vector_load %arg21[%get3A_1209, %get3A_1210, %get3A_1211] {strides = array<i32>} : memref<2x128x128xi32, #tpu.memory_space<vmem>>, vector<16xi32>,
        %add3A_1213 = arith.constant 96 : i32
        %add3A_1214 = arith.addi %add3A_1213, %scan3A_1003 : i32
        %get3A_1215 = arith.constant 0 : i32
        %get3A_1216 = arith.index_cast %get3A_1215 : i32 to index
        %get3A_1217 = arith.index_cast %add3A_1214 : i32 to index
        %get3A_1218 = arith.constant 32 : index
        %get3A_1219 = tpu.vector_load %arg21[%get3A_1216, %get3A_1217, %get3A_1218] {strides = array<i32>} : memref<2x128x128xi32, #tpu.memory_space<vmem>>, vector<16xi32>,
        %shift_left3A_1220 = arith.constant 16 : i32
        %shift_left3A_1221 = vector.broadcast %shift_left3A_1220 : i32 to vector<16xi32>
        %shift_left3A_1222 = arith.shli %get3A_1198, %shift_left3A_1221 : vector<16xi32>
        %bitcast3A_1223 = vector.bitcast %shift_left3A_1222 : vector<16xi32> to vector<16xf32>
        %mul3A_1224 = arith.mulf %bitcast3A_1223, %add3A_1017 : vector<16xf32>
        %shift_left3A_1225 = arith.constant 16 : i32
        %shift_left3A_1226 = vector.broadcast %shift_left3A_1225 : i32 to vector<16xi32>
        %shift_left3A_1227 = arith.shli %get3A_1205, %shift_left3A_1226 : vector<16xi32>
        %bitcast3A_1228 = vector.bitcast %shift_left3A_1227 : vector<16xi32> to vector<16xf32>
        %mul3A_1229 = arith.mulf %bitcast3A_1228, %sub3A_1012 : vector<16xf32>
        %add3A_1230 = arith.addf %mul3A_1224, %mul3A_1229 : vector<16xf32>
        %shift_left3A_1231 = arith.constant 16 : i32
        %shift_left3A_1232 = vector.broadcast %shift_left3A_1231 : i32 to vector<16xi32>
        %shift_left3A_1233 = arith.shli %get3A_1212, %shift_left3A_1232 : vector<16xi32>
        %bitcast3A_1234 = vector.bitcast %shift_left3A_1233 : vector<16xi32> to vector<16xf32>
        %mul3A_1235 = arith.mulf %bitcast3A_1234, %sub3A_1011 : vector<16xf32>
        %add3A_1236 = arith.addf %add3A_1230, %mul3A_1235 : vector<16xf32>
        %shift_left3A_1237 = arith.constant 16 : i32
        %shift_left3A_1238 = vector.broadcast %shift_left3A_1237 : i32 to vector<16xi32>
        %shift_left3A_1239 = arith.shli %get3A_1219, %shift_left3A_1238 : vector<16xi32>
        %bitcast3A_1240 = vector.bitcast %shift_left3A_1239 : vector<16xi32> to vector<16xf32>
        %mul3A_1241 = arith.mulf %bitcast3A_1240, %mul3A_1010 : vector<16xf32>
        %add3A_1242 = arith.addf %add3A_1236, %mul3A_1241 : vector<16xf32>
        %and3A_1243 = vector.broadcast %scan3A_310 : i32 to vector<16xi32>
        %and3A_1244 = arith.andi %get3A_1198, %and3A_1243 : vector<16xi32>
        %bitcast3A_1245 = vector.bitcast %and3A_1244 : vector<16xi32> to vector<16xf32>
        %mul3A_1246 = arith.mulf %bitcast3A_1245, %add3A_1017 : vector<16xf32>
        %and3A_1247 = vector.broadcast %scan3A_310 : i32 to vector<16xi32>
        %and3A_1248 = arith.andi %get3A_1205, %and3A_1247 : vector<16xi32>
        %bitcast3A_1249 = vector.bitcast %and3A_1248 : vector<16xi32> to vector<16xf32>
        %mul3A_1250 = arith.mulf %bitcast3A_1249, %sub3A_1012 : vector<16xf32>
        %add3A_1251 = arith.addf %mul3A_1246, %mul3A_1250 : vector<16xf32>
        %and3A_1252 = vector.broadcast %scan3A_310 : i32 to vector<16xi32>
        %and3A_1253 = arith.andi %get3A_1212, %and3A_1252 : vector<16xi32>
        %bitcast3A_1254 = vector.bitcast %and3A_1253 : vector<16xi32> to vector<16xf32>
        %mul3A_1255 = arith.mulf %bitcast3A_1254, %sub3A_1011 : vector<16xf32>
        %add3A_1256 = arith.addf %add3A_1251, %mul3A_1255 : vector<16xf32>
        %and3A_1257 = vector.broadcast %scan3A_310 : i32 to vector<16xi32>
        %and3A_1258 = arith.andi %get3A_1219, %and3A_1257 : vector<16xi32>
        %bitcast3A_1259 = vector.bitcast %and3A_1258 : vector<16xi32> to vector<16xf32>
        %mul3A_1260 = arith.mulf %bitcast3A_1259, %mul3A_1010 : vector<16xf32>
        %add3A_1261 = arith.addf %add3A_1256, %mul3A_1260 : vector<16xf32>
        %bitcast3A_1262 = vector.bitcast %add3A_1242 : vector<16xf32> to vector<16xi32>
        %add3A_1263 = arith.constant 32768 : i32
        %add3A_1264 = vector.broadcast %add3A_1263 : i32 to vector<16xi32>
        %add3A_1265 = arith.addi %bitcast3A_1262, %add3A_1264 : vector<16xi32>
        %bitcast3A_1266 = vector.bitcast %add3A_1261 : vector<16xf32> to vector<16xi32>
        %add3A_1267 = arith.constant 32768 : i32
        %add3A_1268 = vector.broadcast %add3A_1267 : i32 to vector<16xi32>
        %add3A_1269 = arith.addi %bitcast3A_1266, %add3A_1268 : vector<16xi32>
        %shift_right_arithmetic3A_1270 = arith.constant 16 : i32
        %shift_right_arithmetic3A_1271 = vector.broadcast %shift_right_arithmetic3A_1270 : i32 to vector<16xi32>
        %shift_right_arithmetic3A_1272 = arith.shrsi %add3A_1265, %shift_right_arithmetic3A_1271 : vector<16xi32>
        %and3A_1273 = arith.constant 65535 : i32
        %and3A_1274 = vector.broadcast %and3A_1273 : i32 to vector<16xi32>
        %and3A_1275 = arith.andi %shift_right_arithmetic3A_1272, %and3A_1274 : vector<16xi32>
        %and3A_1276 = vector.broadcast %scan3A_310 : i32 to vector<16xi32>
        %and3A_1277 = arith.andi %add3A_1269, %and3A_1276 : vector<16xi32>
        %or3A_1278 = arith.ori %and3A_1275, %and3A_1277 : vector<16xi32>
        %swap3A_1279 = arith.constant 0 : i32
        %swap3A_1280 = arith.index_cast %swap3A_1279 : i32 to index
        %swap3A_1281 = arith.index_cast %scan3A_1003 : i32 to index
        %swap3A_1282 = arith.constant 32 : index
        %swap3A_1283 = tpu.vector_load %arg22[%swap3A_1280, %swap3A_1281, %swap3A_1282] {strides = array<i32>} : memref<2x32x128xi32, #tpu.memory_space<vmem>>, vector<16xi32>,
        tpu.vector_store %arg22[%swap3A_1280, %swap3A_1281, %swap3A_1282], %or3A_1278 {strides = array<i32>} : memref<2x32x128xi32, #tpu.memory_space<vmem>>, vector<16xi32>,
        %get3A_1284 = arith.constant 0 : i32
        %get3A_1285 = arith.index_cast %get3A_1284 : i32 to index
        %get3A_1286 = arith.index_cast %scan3A_1003 : i32 to index
        %get3A_1287 = arith.constant 48 : index
        %get3A_1288 = tpu.vector_load %arg21[%get3A_1285, %get3A_1286, %get3A_1287] {strides = array<i32>} : memref<2x128x128xi32, #tpu.memory_space<vmem>>, vector<16xi32>,
        %add3A_1289 = arith.constant 32 : i32
        %add3A_1290 = arith.addi %add3A_1289, %scan3A_1003 : i32
        %get3A_1291 = arith.constant 0 : i32
        %get3A_1292 = arith.index_cast %get3A_1291 : i32 to index
        %get3A_1293 = arith.index_cast %add3A_1290 : i32 to index
        %get3A_1294 = arith.constant 48 : index
        %get3A_1295 = tpu.vector_load %arg21[%get3A_1292, %get3A_1293, %get3A_1294] {strides = array<i32>} : memref<2x128x128xi32, #tpu.memory_space<vmem>>, vector<16xi32>,
        %add3A_1296 = arith.constant 64 : i32
        %add3A_1297 = arith.addi %add3A_1296, %scan3A_1003 : i32
        %get3A_1298 = arith.constant 0 : i32
        %get3A_1299 = arith.index_cast %get3A_1298 : i32 to index
        %get3A_1300 = arith.index_cast %add3A_1297 : i32 to index
        %get3A_1301 = arith.constant 48 : index
        %get3A_1302 = tpu.vector_load %arg21[%get3A_1299, %get3A_1300, %get3A_1301] {strides = array<i32>} : memref<2x128x128xi32, #tpu.memory_space<vmem>>, vector<16xi32>,
        %add3A_1303 = arith.constant 96 : i32
        %add3A_1304 = arith.addi %add3A_1303, %scan3A_1003 : i32
        %get3A_1305 = arith.constant 0 : i32
        %get3A_1306 = arith.index_cast %get3A_1305 : i32 to index
        %get3A_1307 = arith.index_cast %add3A_1304 : i32 to index
        %get3A_1308 = arith.constant 48 : index
        %get3A_1309 = tpu.vector_load %arg21[%get3A_1306, %get3A_1307, %get3A_1308] {strides = array<i32>} : memref<2x128x128xi32, #tpu.memory_space<vmem>>, vector<16xi32>,
        %shift_left3A_1310 = arith.constant 16 : i32
        %shift_left3A_1311 = vector.broadcast %shift_left3A_1310 : i32 to vector<16xi32>
        %shift_left3A_1312 = arith.shli %get3A_1288, %shift_left3A_1311 : vector<16xi32>
        %bitcast3A_1313 = vector.bitcast %shift_left3A_1312 : vector<16xi32> to vector<16xf32>
        %mul3A_1314 = arith.mulf %bitcast3A_1313, %add3A_1017 : vector<16xf32>
        %shift_left3A_1315 = arith.constant 16 : i32
        %shift_left3A_1316 = vector.broadcast %shift_left3A_1315 : i32 to vector<16xi32>
        %shift_left3A_1317 = arith.shli %get3A_1295, %shift_left3A_1316 : vector<16xi32>
        %bitcast3A_1318 = vector.bitcast %shift_left3A_1317 : vector<16xi32> to vector<16xf32>
        %mul3A_1319 = arith.mulf %bitcast3A_1318, %sub3A_1012 : vector<16xf32>
        %add3A_1320 = arith.addf %mul3A_1314, %mul3A_1319 : vector<16xf32>
        %shift_left3A_1321 = arith.constant 16 : i32
        %shift_left3A_1322 = vector.broadcast %shift_left3A_1321 : i32 to vector<16xi32>
        %shift_left3A_1323 = arith.shli %get3A_1302, %shift_left3A_1322 : vector<16xi32>
        %bitcast3A_1324 = vector.bitcast %shift_left3A_1323 : vector<16xi32> to vector<16xf32>
        %mul3A_1325 = arith.mulf %bitcast3A_1324, %sub3A_1011 : vector<16xf32>
        %add3A_1326 = arith.addf %add3A_1320, %mul3A_1325 : vector<16xf32>
        %shift_left3A_1327 = arith.constant 16 : i32
        %shift_left3A_1328 = vector.broadcast %shift_left3A_1327 : i32 to vector<16xi32>
        %shift_left3A_1329 = arith.shli %get3A_1309, %shift_left3A_1328 : vector<16xi32>
        %bitcast3A_1330 = vector.bitcast %shift_left3A_1329 : vector<16xi32> to vector<16xf32>
        %mul3A_1331 = arith.mulf %bitcast3A_1330, %mul3A_1010 : vector<16xf32>
        %add3A_1332 = arith.addf %add3A_1326, %mul3A_1331 : vector<16xf32>
        %and3A_1333 = vector.broadcast %scan3A_310 : i32 to vector<16xi32>
        %and3A_1334 = arith.andi %get3A_1288, %and3A_1333 : vector<16xi32>
        %bitcast3A_1335 = vector.bitcast %and3A_1334 : vector<16xi32> to vector<16xf32>
        %mul3A_1336 = arith.mulf %bitcast3A_1335, %add3A_1017 : vector<16xf32>
        %and3A_1337 = vector.broadcast %scan3A_310 : i32 to vector<16xi32>
        %and3A_1338 = arith.andi %get3A_1295, %and3A_1337 : vector<16xi32>
        %bitcast3A_1339 = vector.bitcast %and3A_1338 : vector<16xi32> to vector<16xf32>
        %mul3A_1340 = arith.mulf %bitcast3A_1339, %sub3A_1012 : vector<16xf32>
        %add3A_1341 = arith.addf %mul3A_1336, %mul3A_1340 : vector<16xf32>
        %and3A_1342 = vector.broadcast %scan3A_310 : i32 to vector<16xi32>
        %and3A_1343 = arith.andi %get3A_1302, %and3A_1342 : vector<16xi32>
        %bitcast3A_1344 = vector.bitcast %and3A_1343 : vector<16xi32> to vector<16xf32>
        %mul3A_1345 = arith.mulf %bitcast3A_1344, %sub3A_1011 : vector<16xf32>
        %add3A_1346 = arith.addf %add3A_1341, %mul3A_1345 : vector<16xf32>
        %and3A_1347 = vector.broadcast %scan3A_310 : i32 to vector<16xi32>
        %and3A_1348 = arith.andi %get3A_1309, %and3A_1347 : vector<16xi32>
        %bitcast3A_1349 = vector.bitcast %and3A_1348 : vector<16xi32> to vector<16xf32>
        %mul3A_1350 = arith.mulf %bitcast3A_1349, %mul3A_1010 : vector<16xf32>
        %add3A_1351 = arith.addf %add3A_1346, %mul3A_1350 : vector<16xf32>
        %bitcast3A_1352 = vector.bitcast %add3A_1332 : vector<16xf32> to vector<16xi32>
        %add3A_1353 = arith.constant 32768 : i32
        %add3A_1354 = vector.broadcast %add3A_1353 : i32 to vector<16xi32>
        %add3A_1355 = arith.addi %bitcast3A_1352, %add3A_1354 : vector<16xi32>
        %bitcast3A_1356 = vector.bitcast %add3A_1351 : vector<16xf32> to vector<16xi32>
        %add3A_1357 = arith.constant 32768 : i32
        %add3A_1358 = vector.broadcast %add3A_1357 : i32 to vector<16xi32>
        %add3A_1359 = arith.addi %bitcast3A_1356, %add3A_1358 : vector<16xi32>
        %shift_right_arithmetic3A_1360 = arith.constant 16 : i32
        %shift_right_arithmetic3A_1361 = vector.broadcast %shift_right_arithmetic3A_1360 : i32 to vector<16xi32>
        %shift_right_arithmetic3A_1362 = arith.shrsi %add3A_1355, %shift_right_arithmetic3A_1361 : vector<16xi32>
        %and3A_1363 = arith.constant 65535 : i32
        %and3A_1364 = vector.broadcast %and3A_1363 : i32 to vector<16xi32>
        %and3A_1365 = arith.andi %shift_right_arithmetic3A_1362, %and3A_1364 : vector<16xi32>
        %and3A_1366 = vector.broadcast %scan3A_310 : i32 to vector<16xi32>
        %and3A_1367 = arith.andi %add3A_1359, %and3A_1366 : vector<16xi32>
        %or3A_1368 = arith.ori %and3A_1365, %and3A_1367 : vector<16xi32>
        %swap3A_1369 = arith.constant 0 : i32
        %swap3A_1370 = arith.index_cast %swap3A_1369 : i32 to index
        %swap3A_1371 = arith.index_cast %scan3A_1003 : i32 to index
        %swap3A_1372 = arith.constant 48 : index
        %swap3A_1373 = tpu.vector_load %arg22[%swap3A_1370, %swap3A_1371, %swap3A_1372] {strides = array<i32>} : memref<2x32x128xi32, #tpu.memory_space<vmem>>, vector<16xi32>,
        tpu.vector_store %arg22[%swap3A_1370, %swap3A_1371, %swap3A_1372], %or3A_1368 {strides = array<i32>} : memref<2x32x128xi32, #tpu.memory_space<vmem>>, vector<16xi32>,
        %get3A_1374 = arith.constant 0 : i32
        %get3A_1375 = arith.index_cast %get3A_1374 : i32 to index
        %get3A_1376 = arith.index_cast %scan3A_1003 : i32 to index
        %get3A_1377 = arith.constant 64 : index
        %get3A_1378 = tpu.vector_load %arg21[%get3A_1375, %get3A_1376, %get3A_1377] {strides = array<i32>} : memref<2x128x128xi32, #tpu.memory_space<vmem>>, vector<16xi32>,
        %add3A_1379 = arith.constant 32 : i32
        %add3A_1380 = arith.addi %add3A_1379, %scan3A_1003 : i32
        %get3A_1381 = arith.constant 0 : i32
        %get3A_1382 = arith.index_cast %get3A_1381 : i32 to index
        %get3A_1383 = arith.index_cast %add3A_1380 : i32 to index
        %get3A_1384 = arith.constant 64 : index
        %get3A_1385 = tpu.vector_load %arg21[%get3A_1382, %get3A_1383, %get3A_1384] {strides = array<i32>} : memref<2x128x128xi32, #tpu.memory_space<vmem>>, vector<16xi32>,
        %add3A_1386 = arith.constant 64 : i32
        %add3A_1387 = arith.addi %add3A_1386, %scan3A_1003 : i32
        %get3A_1388 = arith.constant 0 : i32
        %get3A_1389 = arith.index_cast %get3A_1388 : i32 to index
        %get3A_1390 = arith.index_cast %add3A_1387 : i32 to index
        %get3A_1391 = arith.constant 64 : index
        %get3A_1392 = tpu.vector_load %arg21[%get3A_1389, %get3A_1390, %get3A_1391] {strides = array<i32>} : memref<2x128x128xi32, #tpu.memory_space<vmem>>, vector<16xi32>,
        %add3A_1393 = arith.constant 96 : i32
        %add3A_1394 = arith.addi %add3A_1393, %scan3A_1003 : i32
        %get3A_1395 = arith.constant 0 : i32
        %get3A_1396 = arith.index_cast %get3A_1395 : i32 to index
        %get3A_1397 = arith.index_cast %add3A_1394 : i32 to index
        %get3A_1398 = arith.constant 64 : index
        %get3A_1399 = tpu.vector_load %arg21[%get3A_1396, %get3A_1397, %get3A_1398] {strides = array<i32>} : memref<2x128x128xi32, #tpu.memory_space<vmem>>, vector<16xi32>,
        %shift_left3A_1400 = arith.constant 16 : i32
        %shift_left3A_1401 = vector.broadcast %shift_left3A_1400 : i32 to vector<16xi32>
        %shift_left3A_1402 = arith.shli %get3A_1378, %shift_left3A_1401 : vector<16xi32>
        %bitcast3A_1403 = vector.bitcast %shift_left3A_1402 : vector<16xi32> to vector<16xf32>
        %mul3A_1404 = arith.mulf %bitcast3A_1403, %add3A_1017 : vector<16xf32>
        %shift_left3A_1405 = arith.constant 16 : i32
        %shift_left3A_1406 = vector.broadcast %shift_left3A_1405 : i32 to vector<16xi32>
        %shift_left3A_1407 = arith.shli %get3A_1385, %shift_left3A_1406 : vector<16xi32>
        %bitcast3A_1408 = vector.bitcast %shift_left3A_1407 : vector<16xi32> to vector<16xf32>
        %mul3A_1409 = arith.mulf %bitcast3A_1408, %sub3A_1012 : vector<16xf32>
        %add3A_1410 = arith.addf %mul3A_1404, %mul3A_1409 : vector<16xf32>
        %shift_left3A_1411 = arith.constant 16 : i32
        %shift_left3A_1412 = vector.broadcast %shift_left3A_1411 : i32 to vector<16xi32>
        %shift_left3A_1413 = arith.shli %get3A_1392, %shift_left3A_1412 : vector<16xi32>
        %bitcast3A_1414 = vector.bitcast %shift_left3A_1413 : vector<16xi32> to vector<16xf32>
        %mul3A_1415 = arith.mulf %bitcast3A_1414, %sub3A_1011 : vector<16xf32>
        %add3A_1416 = arith.addf %add3A_1410, %mul3A_1415 : vector<16xf32>
        %shift_left3A_1417 = arith.constant 16 : i32
        %shift_left3A_1418 = vector.broadcast %shift_left3A_1417 : i32 to vector<16xi32>
        %shift_left3A_1419 = arith.shli %get3A_1399, %shift_left3A_1418 : vector<16xi32>
        %bitcast3A_1420 = vector.bitcast %shift_left3A_1419 : vector<16xi32> to vector<16xf32>
        %mul3A_1421 = arith.mulf %bitcast3A_1420, %mul3A_1010 : vector<16xf32>
        %add3A_1422 = arith.addf %add3A_1416, %mul3A_1421 : vector<16xf32>
        %and3A_1423 = vector.broadcast %scan3A_310 : i32 to vector<16xi32>
        %and3A_1424 = arith.andi %get3A_1378, %and3A_1423 : vector<16xi32>
        %bitcast3A_1425 = vector.bitcast %and3A_1424 : vector<16xi32> to vector<16xf32>
        %mul3A_1426 = arith.mulf %bitcast3A_1425, %add3A_1017 : vector<16xf32>
        %and3A_1427 = vector.broadcast %scan3A_310 : i32 to vector<16xi32>
        %and3A_1428 = arith.andi %get3A_1385, %and3A_1427 : vector<16xi32>
        %bitcast3A_1429 = vector.bitcast %and3A_1428 : vector<16xi32> to vector<16xf32>
        %mul3A_1430 = arith.mulf %bitcast3A_1429, %sub3A_1012 : vector<16xf32>
        %add3A_1431 = arith.addf %mul3A_1426, %mul3A_1430 : vector<16xf32>
        %and3A_1432 = vector.broadcast %scan3A_310 : i32 to vector<16xi32>
        %and3A_1433 = arith.andi %get3A_1392, %and3A_1432 : vector<16xi32>
        %bitcast3A_1434 = vector.bitcast %and3A_1433 : vector<16xi32> to vector<16xf32>
        %mul3A_1435 = arith.mulf %bitcast3A_1434, %sub3A_1011 : vector<16xf32>
        %add3A_1436 = arith.addf %add3A_1431, %mul3A_1435 : vector<16xf32>
        %and3A_1437 = vector.broadcast %scan3A_310 : i32 to vector<16xi32>
        %and3A_1438 = arith.andi %get3A_1399, %and3A_1437 : vector<16xi32>
        %bitcast3A_1439 = vector.bitcast %and3A_1438 : vector<16xi32> to vector<16xf32>
        %mul3A_1440 = arith.mulf %bitcast3A_1439, %mul3A_1010 : vector<16xf32>
        %add3A_1441 = arith.addf %add3A_1436, %mul3A_1440 : vector<16xf32>
        %bitcast3A_1442 = vector.bitcast %add3A_1422 : vector<16xf32> to vector<16xi32>
        %add3A_1443 = arith.constant 32768 : i32
        %add3A_1444 = vector.broadcast %add3A_1443 : i32 to vector<16xi32>
        %add3A_1445 = arith.addi %bitcast3A_1442, %add3A_1444 : vector<16xi32>
        %bitcast3A_1446 = vector.bitcast %add3A_1441 : vector<16xf32> to vector<16xi32>
        %add3A_1447 = arith.constant 32768 : i32
        %add3A_1448 = vector.broadcast %add3A_1447 : i32 to vector<16xi32>
        %add3A_1449 = arith.addi %bitcast3A_1446, %add3A_1448 : vector<16xi32>
        %shift_right_arithmetic3A_1450 = arith.constant 16 : i32
        %shift_right_arithmetic3A_1451 = vector.broadcast %shift_right_arithmetic3A_1450 : i32 to vector<16xi32>
        %shift_right_arithmetic3A_1452 = arith.shrsi %add3A_1445, %shift_right_arithmetic3A_1451 : vector<16xi32>
        %and3A_1453 = arith.constant 65535 : i32
        %and3A_1454 = vector.broadcast %and3A_1453 : i32 to vector<16xi32>
        %and3A_1455 = arith.andi %shift_right_arithmetic3A_1452, %and3A_1454 : vector<16xi32>
        %and3A_1456 = vector.broadcast %scan3A_310 : i32 to vector<16xi32>
        %and3A_1457 = arith.andi %add3A_1449, %and3A_1456 : vector<16xi32>
        %or3A_1458 = arith.ori %and3A_1455, %and3A_1457 : vector<16xi32>
        %swap3A_1459 = arith.constant 0 : i32
        %swap3A_1460 = arith.index_cast %swap3A_1459 : i32 to index
        %swap3A_1461 = arith.index_cast %scan3A_1003 : i32 to index
        %swap3A_1462 = arith.constant 64 : index
        %swap3A_1463 = tpu.vector_load %arg22[%swap3A_1460, %swap3A_1461, %swap3A_1462] {strides = array<i32>} : memref<2x32x128xi32, #tpu.memory_space<vmem>>, vector<16xi32>,
        tpu.vector_store %arg22[%swap3A_1460, %swap3A_1461, %swap3A_1462], %or3A_1458 {strides = array<i32>} : memref<2x32x128xi32, #tpu.memory_space<vmem>>, vector<16xi32>,
        %get3A_1464 = arith.constant 0 : i32
        %get3A_1465 = arith.index_cast %get3A_1464 : i32 to index
        %get3A_1466 = arith.index_cast %scan3A_1003 : i32 to index
        %get3A_1467 = arith.constant 80 : index
        %get3A_1468 = tpu.vector_load %arg21[%get3A_1465, %get3A_1466, %get3A_1467] {strides = array<i32>} : memref<2x128x128xi32, #tpu.memory_space<vmem>>, vector<16xi32>,
        %add3A_1469 = arith.constant 32 : i32
        %add3A_1470 = arith.addi %add3A_1469, %scan3A_1003 : i32
        %get3A_1471 = arith.constant 0 : i32
        %get3A_1472 = arith.index_cast %get3A_1471 : i32 to index
        %get3A_1473 = arith.index_cast %add3A_1470 : i32 to index
        %get3A_1474 = arith.constant 80 : index
        %get3A_1475 = tpu.vector_load %arg21[%get3A_1472, %get3A_1473, %get3A_1474] {strides = array<i32>} : memref<2x128x128xi32, #tpu.memory_space<vmem>>, vector<16xi32>,
        %add3A_1476 = arith.constant 64 : i32
        %add3A_1477 = arith.addi %add3A_1476, %scan3A_1003 : i32
        %get3A_1478 = arith.constant 0 : i32
        %get3A_1479 = arith.index_cast %get3A_1478 : i32 to index
        %get3A_1480 = arith.index_cast %add3A_1477 : i32 to index
        %get3A_1481 = arith.constant 80 : index
        %get3A_1482 = tpu.vector_load %arg21[%get3A_1479, %get3A_1480, %get3A_1481] {strides = array<i32>} : memref<2x128x128xi32, #tpu.memory_space<vmem>>, vector<16xi32>,
        %add3A_1483 = arith.constant 96 : i32
        %add3A_1484 = arith.addi %add3A_1483, %scan3A_1003 : i32
        %get3A_1485 = arith.constant 0 : i32
        %get3A_1486 = arith.index_cast %get3A_1485 : i32 to index
        %get3A_1487 = arith.index_cast %add3A_1484 : i32 to index
        %get3A_1488 = arith.constant 80 : index
        %get3A_1489 = tpu.vector_load %arg21[%get3A_1486, %get3A_1487, %get3A_1488] {strides = array<i32>} : memref<2x128x128xi32, #tpu.memory_space<vmem>>, vector<16xi32>,
        %shift_left3A_1490 = arith.constant 16 : i32
        %shift_left3A_1491 = vector.broadcast %shift_left3A_1490 : i32 to vector<16xi32>
        %shift_left3A_1492 = arith.shli %get3A_1468, %shift_left3A_1491 : vector<16xi32>
        %bitcast3A_1493 = vector.bitcast %shift_left3A_1492 : vector<16xi32> to vector<16xf32>
        %mul3A_1494 = arith.mulf %bitcast3A_1493, %add3A_1017 : vector<16xf32>
        %shift_left3A_1495 = arith.constant 16 : i32
        %shift_left3A_1496 = vector.broadcast %shift_left3A_1495 : i32 to vector<16xi32>
        %shift_left3A_1497 = arith.shli %get3A_1475, %shift_left3A_1496 : vector<16xi32>
        %bitcast3A_1498 = vector.bitcast %shift_left3A_1497 : vector<16xi32> to vector<16xf32>
        %mul3A_1499 = arith.mulf %bitcast3A_1498, %sub3A_1012 : vector<16xf32>
        %add3A_1500 = arith.addf %mul3A_1494, %mul3A_1499 : vector<16xf32>
        %shift_left3A_1501 = arith.constant 16 : i32
        %shift_left3A_1502 = vector.broadcast %shift_left3A_1501 : i32 to vector<16xi32>
        %shift_left3A_1503 = arith.shli %get3A_1482, %shift_left3A_1502 : vector<16xi32>
        %bitcast3A_1504 = vector.bitcast %shift_left3A_1503 : vector<16xi32> to vector<16xf32>
        %mul3A_1505 = arith.mulf %bitcast3A_1504, %sub3A_1011 : vector<16xf32>
        %add3A_1506 = arith.addf %add3A_1500, %mul3A_1505 : vector<16xf32>
        %shift_left3A_1507 = arith.constant 16 : i32
        %shift_left3A_1508 = vector.broadcast %shift_left3A_1507 : i32 to vector<16xi32>
        %shift_left3A_1509 = arith.shli %get3A_1489, %shift_left3A_1508 : vector<16xi32>
        %bitcast3A_1510 = vector.bitcast %shift_left3A_1509 : vector<16xi32> to vector<16xf32>
        %mul3A_1511 = arith.mulf %bitcast3A_1510, %mul3A_1010 : vector<16xf32>
        %add3A_1512 = arith.addf %add3A_1506, %mul3A_1511 : vector<16xf32>
        %and3A_1513 = vector.broadcast %scan3A_310 : i32 to vector<16xi32>
        %and3A_1514 = arith.andi %get3A_1468, %and3A_1513 : vector<16xi32>
        %bitcast3A_1515 = vector.bitcast %and3A_1514 : vector<16xi32> to vector<16xf32>
        %mul3A_1516 = arith.mulf %bitcast3A_1515, %add3A_1017 : vector<16xf32>
        %and3A_1517 = vector.broadcast %scan3A_310 : i32 to vector<16xi32>
        %and3A_1518 = arith.andi %get3A_1475, %and3A_1517 : vector<16xi32>
        %bitcast3A_1519 = vector.bitcast %and3A_1518 : vector<16xi32> to vector<16xf32>
        %mul3A_1520 = arith.mulf %bitcast3A_1519, %sub3A_1012 : vector<16xf32>
        %add3A_1521 = arith.addf %mul3A_1516, %mul3A_1520 : vector<16xf32>
        %and3A_1522 = vector.broadcast %scan3A_310 : i32 to vector<16xi32>
        %and3A_1523 = arith.andi %get3A_1482, %and3A_1522 : vector<16xi32>
        %bitcast3A_1524 = vector.bitcast %and3A_1523 : vector<16xi32> to vector<16xf32>
        %mul3A_1525 = arith.mulf %bitcast3A_1524, %sub3A_1011 : vector<16xf32>
        %add3A_1526 = arith.addf %add3A_1521, %mul3A_1525 : vector<16xf32>
        %and3A_1527 = vector.broadcast %scan3A_310 : i32 to vector<16xi32>
        %and3A_1528 = arith.andi %get3A_1489, %and3A_1527 : vector<16xi32>
        %bitcast3A_1529 = vector.bitcast %and3A_1528 : vector<16xi32> to vector<16xf32>
        %mul3A_1530 = arith.mulf %bitcast3A_1529, %mul3A_1010 : vector<16xf32>
        %add3A_1531 = arith.addf %add3A_1526, %mul3A_1530 : vector<16xf32>
        %bitcast3A_1532 = vector.bitcast %add3A_1512 : vector<16xf32> to vector<16xi32>
        %add3A_1533 = arith.constant 32768 : i32
        %add3A_1534 = vector.broadcast %add3A_1533 : i32 to vector<16xi32>
        %add3A_1535 = arith.addi %bitcast3A_1532, %add3A_1534 : vector<16xi32>
        %bitcast3A_1536 = vector.bitcast %add3A_1531 : vector<16xf32> to vector<16xi32>
        %add3A_1537 = arith.constant 32768 : i32
        %add3A_1538 = vector.broadcast %add3A_1537 : i32 to vector<16xi32>
        %add3A_1539 = arith.addi %bitcast3A_1536, %add3A_1538 : vector<16xi32>
        %shift_right_arithmetic3A_1540 = arith.constant 16 : i32
        %shift_right_arithmetic3A_1541 = vector.broadcast %shift_right_arithmetic3A_1540 : i32 to vector<16xi32>
        %shift_right_arithmetic3A_1542 = arith.shrsi %add3A_1535, %shift_right_arithmetic3A_1541 : vector<16xi32>
        %and3A_1543 = arith.constant 65535 : i32
        %and3A_1544 = vector.broadcast %and3A_1543 : i32 to vector<16xi32>
        %and3A_1545 = arith.andi %shift_right_arithmetic3A_1542, %and3A_1544 : vector<16xi32>
        %and3A_1546 = vector.broadcast %scan3A_310 : i32 to vector<16xi32>
        %and3A_1547 = arith.andi %add3A_1539, %and3A_1546 : vector<16xi32>
        %or3A_1548 = arith.ori %and3A_1545, %and3A_1547 : vector<16xi32>
        %swap3A_1549 = arith.constant 0 : i32
        %swap3A_1550 = arith.index_cast %swap3A_1549 : i32 to index
        %swap3A_1551 = arith.index_cast %scan3A_1003 : i32 to index
        %swap3A_1552 = arith.constant 80 : index
        %swap3A_1553 = tpu.vector_load %arg22[%swap3A_1550, %swap3A_1551, %swap3A_1552] {strides = array<i32>} : memref<2x32x128xi32, #tpu.memory_space<vmem>>, vector<16xi32>,
        tpu.vector_store %arg22[%swap3A_1550, %swap3A_1551, %swap3A_1552], %or3A_1548 {strides = array<i32>} : memref<2x32x128xi32, #tpu.memory_space<vmem>>, vector<16xi32>,
        %get3A_1554 = arith.constant 0 : i32
        %get3A_1555 = arith.index_cast %get3A_1554 : i32 to index
        %get3A_1556 = arith.index_cast %scan3A_1003 : i32 to index
        %get3A_1557 = arith.constant 96 : index
        %get3A_1558 = tpu.vector_load %arg21[%get3A_1555, %get3A_1556, %get3A_1557] {strides = array<i32>} : memref<2x128x128xi32, #tpu.memory_space<vmem>>, vector<16xi32>,
        %add3A_1559 = arith.constant 32 : i32
        %add3A_1560 = arith.addi %add3A_1559, %scan3A_1003 : i32
        %get3A_1561 = arith.constant 0 : i32
        %get3A_1562 = arith.index_cast %get3A_1561 : i32 to index
        %get3A_1563 = arith.index_cast %add3A_1560 : i32 to index
        %get3A_1564 = arith.constant 96 : index
        %get3A_1565 = tpu.vector_load %arg21[%get3A_1562, %get3A_1563, %get3A_1564] {strides = array<i32>} : memref<2x128x128xi32, #tpu.memory_space<vmem>>, vector<16xi32>,
        %add3A_1566 = arith.constant 64 : i32
        %add3A_1567 = arith.addi %add3A_1566, %scan3A_1003 : i32
        %get3A_1568 = arith.constant 0 : i32
        %get3A_1569 = arith.index_cast %get3A_1568 : i32 to index
        %get3A_1570 = arith.index_cast %add3A_1567 : i32 to index
        %get3A_1571 = arith.constant 96 : index
        %get3A_1572 = tpu.vector_load %arg21[%get3A_1569, %get3A_1570, %get3A_1571] {strides = array<i32>} : memref<2x128x128xi32, #tpu.memory_space<vmem>>, vector<16xi32>,
        %add3A_1573 = arith.constant 96 : i32
        %add3A_1574 = arith.addi %add3A_1573, %scan3A_1003 : i32
        %get3A_1575 = arith.constant 0 : i32
        %get3A_1576 = arith.index_cast %get3A_1575 : i32 to index
        %get3A_1577 = arith.index_cast %add3A_1574 : i32 to index
        %get3A_1578 = arith.constant 96 : index
        %get3A_1579 = tpu.vector_load %arg21[%get3A_1576, %get3A_1577, %get3A_1578] {strides = array<i32>} : memref<2x128x128xi32, #tpu.memory_space<vmem>>, vector<16xi32>,
        %shift_left3A_1580 = arith.constant 16 : i32
        %shift_left3A_1581 = vector.broadcast %shift_left3A_1580 : i32 to vector<16xi32>
        %shift_left3A_1582 = arith.shli %get3A_1558, %shift_left3A_1581 : vector<16xi32>
        %bitcast3A_1583 = vector.bitcast %shift_left3A_1582 : vector<16xi32> to vector<16xf32>
        %mul3A_1584 = arith.mulf %bitcast3A_1583, %add3A_1017 : vector<16xf32>
        %shift_left3A_1585 = arith.constant 16 : i32
        %shift_left3A_1586 = vector.broadcast %shift_left3A_1585 : i32 to vector<16xi32>
        %shift_left3A_1587 = arith.shli %get3A_1565, %shift_left3A_1586 : vector<16xi32>
        %bitcast3A_1588 = vector.bitcast %shift_left3A_1587 : vector<16xi32> to vector<16xf32>
        %mul3A_1589 = arith.mulf %bitcast3A_1588, %sub3A_1012 : vector<16xf32>
        %add3A_1590 = arith.addf %mul3A_1584, %mul3A_1589 : vector<16xf32>
        %shift_left3A_1591 = arith.constant 16 : i32
        %shift_left3A_1592 = vector.broadcast %shift_left3A_1591 : i32 to vector<16xi32>
        %shift_left3A_1593 = arith.shli %get3A_1572, %shift_left3A_1592 : vector<16xi32>
        %bitcast3A_1594 = vector.bitcast %shift_left3A_1593 : vector<16xi32> to vector<16xf32>
        %mul3A_1595 = arith.mulf %bitcast3A_1594, %sub3A_1011 : vector<16xf32>
        %add3A_1596 = arith.addf %add3A_1590, %mul3A_1595 : vector<16xf32>
        %shift_left3A_1597 = arith.constant 16 : i32
        %shift_left3A_1598 = vector.broadcast %shift_left3A_1597 : i32 to vector<16xi32>
        %shift_left3A_1599 = arith.shli %get3A_1579, %shift_left3A_1598 : vector<16xi32>
        %bitcast3A_1600 = vector.bitcast %shift_left3A_1599 : vector<16xi32> to vector<16xf32>
        %mul3A_1601 = arith.mulf %bitcast3A_1600, %mul3A_1010 : vector<16xf32>
        %add3A_1602 = arith.addf %add3A_1596, %mul3A_1601 : vector<16xf32>
        %and3A_1603 = vector.broadcast %scan3A_310 : i32 to vector<16xi32>
        %and3A_1604 = arith.andi %get3A_1558, %and3A_1603 : vector<16xi32>
        %bitcast3A_1605 = vector.bitcast %and3A_1604 : vector<16xi32> to vector<16xf32>
        %mul3A_1606 = arith.mulf %bitcast3A_1605, %add3A_1017 : vector<16xf32>
        %and3A_1607 = vector.broadcast %scan3A_310 : i32 to vector<16xi32>
        %and3A_1608 = arith.andi %get3A_1565, %and3A_1607 : vector<16xi32>
        %bitcast3A_1609 = vector.bitcast %and3A_1608 : vector<16xi32> to vector<16xf32>
        %mul3A_1610 = arith.mulf %bitcast3A_1609, %sub3A_1012 : vector<16xf32>
        %add3A_1611 = arith.addf %mul3A_1606, %mul3A_1610 : vector<16xf32>
        %and3A_1612 = vector.broadcast %scan3A_310 : i32 to vector<16xi32>
        %and3A_1613 = arith.andi %get3A_1572, %and3A_1612 : vector<16xi32>
        %bitcast3A_1614 = vector.bitcast %and3A_1613 : vector<16xi32> to vector<16xf32>
        %mul3A_1615 = arith.mulf %bitcast3A_1614, %sub3A_1011 : vector<16xf32>
        %add3A_1616 = arith.addf %add3A_1611, %mul3A_1615 : vector<16xf32>
        %and3A_1617 = vector.broadcast %scan3A_310 : i32 to vector<16xi32>
        %and3A_1618 = arith.andi %get3A_1579, %and3A_1617 : vector<16xi32>
        %bitcast3A_1619 = vector.bitcast %and3A_1618 : vector<16xi32> to vector<16xf32>
        %mul3A_1620 = arith.mulf %bitcast3A_1619, %mul3A_1010 : vector<16xf32>
        %add3A_1621 = arith.addf %add3A_1616, %mul3A_1620 : vector<16xf32>
        %bitcast3A_1622 = vector.bitcast %add3A_1602 : vector<16xf32> to vector<16xi32>
        %add3A_1623 = arith.constant 32768 : i32
        %add3A_1624 = vector.broadcast %add3A_1623 : i32 to vector<16xi32>
        %add3A_1625 = arith.addi %bitcast3A_1622, %add3A_1624 : vector<16xi32>
        %bitcast3A_1626 = vector.bitcast %add3A_1621 : vector<16xf32> to vector<16xi32>
        %add3A_1627 = arith.constant 32768 : i32
        %add3A_1628 = vector.broadcast %add3A_1627 : i32 to vector<16xi32>
        %add3A_1629 = arith.addi %bitcast3A_1626, %add3A_1628 : vector<16xi32>
        %shift_right_arithmetic3A_1630 = arith.constant 16 : i32
        %shift_right_arithmetic3A_1631 = vector.broadcast %shift_right_arithmetic3A_1630 : i32 to vector<16xi32>
        %shift_right_arithmetic3A_1632 = arith.shrsi %add3A_1625, %shift_right_arithmetic3A_1631 : vector<16xi32>
        %and3A_1633 = arith.constant 65535 : i32
        %and3A_1634 = vector.broadcast %and3A_1633 : i32 to vector<16xi32>
        %and3A_1635 = arith.andi %shift_right_arithmetic3A_1632, %and3A_1634 : vector<16xi32>
        %and3A_1636 = vector.broadcast %scan3A_310 : i32 to vector<16xi32>
        %and3A_1637 = arith.andi %add3A_1629, %and3A_1636 : vector<16xi32>
        %or3A_1638 = arith.ori %and3A_1635, %and3A_1637 : vector<16xi32>
        %swap3A_1639 = arith.constant 0 : i32
        %swap3A_1640 = arith.index_cast %swap3A_1639 : i32 to index
        %swap3A_1641 = arith.index_cast %scan3A_1003 : i32 to index
        %swap3A_1642 = arith.constant 96 : index
        %swap3A_1643 = tpu.vector_load %arg22[%swap3A_1640, %swap3A_1641, %swap3A_1642] {strides = array<i32>} : memref<2x32x128xi32, #tpu.memory_space<vmem>>, vector<16xi32>,
        tpu.vector_store %arg22[%swap3A_1640, %swap3A_1641, %swap3A_1642], %or3A_1638 {strides = array<i32>} : memref<2x32x128xi32, #tpu.memory_space<vmem>>, vector<16xi32>,
        %get3A_1644 = arith.constant 0 : i32
        %get3A_1645 = arith.index_cast %get3A_1644 : i32 to index
        %get3A_1646 = arith.index_cast %scan3A_1003 : i32 to index
        %get3A_1647 = arith.constant 112 : index
        %get3A_1648 = tpu.vector_load %arg21[%get3A_1645, %get3A_1646, %get3A_1647] {strides = array<i32>} : memref<2x128x128xi32, #tpu.memory_space<vmem>>, vector<16xi32>,
        %add3A_1649 = arith.constant 32 : i32
        %add3A_1650 = arith.addi %add3A_1649, %scan3A_1003 : i32
        %get3A_1651 = arith.constant 0 : i32
        %get3A_1652 = arith.index_cast %get3A_1651 : i32 to index
        %get3A_1653 = arith.index_cast %add3A_1650 : i32 to index
        %get3A_1654 = arith.constant 112 : index
        %get3A_1655 = tpu.vector_load %arg21[%get3A_1652, %get3A_1653, %get3A_1654] {strides = array<i32>} : memref<2x128x128xi32, #tpu.memory_space<vmem>>, vector<16xi32>,
        %add3A_1656 = arith.constant 64 : i32
        %add3A_1657 = arith.addi %add3A_1656, %scan3A_1003 : i32
        %get3A_1658 = arith.constant 0 : i32
        %get3A_1659 = arith.index_cast %get3A_1658 : i32 to index
        %get3A_1660 = arith.index_cast %add3A_1657 : i32 to index
        %get3A_1661 = arith.constant 112 : index
        %get3A_1662 = tpu.vector_load %arg21[%get3A_1659, %get3A_1660, %get3A_1661] {strides = array<i32>} : memref<2x128x128xi32, #tpu.memory_space<vmem>>, vector<16xi32>,
        %add3A_1663 = arith.constant 96 : i32
        %add3A_1664 = arith.addi %add3A_1663, %scan3A_1003 : i32
        %get3A_1665 = arith.constant 0 : i32
        %get3A_1666 = arith.index_cast %get3A_1665 : i32 to index
        %get3A_1667 = arith.index_cast %add3A_1664 : i32 to index
        %get3A_1668 = arith.constant 112 : index
        %get3A_1669 = tpu.vector_load %arg21[%get3A_1666, %get3A_1667, %get3A_1668] {strides = array<i32>} : memref<2x128x128xi32, #tpu.memory_space<vmem>>, vector<16xi32>,
        %shift_left3A_1670 = arith.constant 16 : i32
        %shift_left3A_1671 = vector.broadcast %shift_left3A_1670 : i32 to vector<16xi32>
        %shift_left3A_1672 = arith.shli %get3A_1648, %shift_left3A_1671 : vector<16xi32>
        %bitcast3A_1673 = vector.bitcast %shift_left3A_1672 : vector<16xi32> to vector<16xf32>
        %mul3A_1674 = arith.mulf %bitcast3A_1673, %add3A_1017 : vector<16xf32>
        %shift_left3A_1675 = arith.constant 16 : i32
        %shift_left3A_1676 = vector.broadcast %shift_left3A_1675 : i32 to vector<16xi32>
        %shift_left3A_1677 = arith.shli %get3A_1655, %shift_left3A_1676 : vector<16xi32>
        %bitcast3A_1678 = vector.bitcast %shift_left3A_1677 : vector<16xi32> to vector<16xf32>
        %mul3A_1679 = arith.mulf %bitcast3A_1678, %sub3A_1012 : vector<16xf32>
        %add3A_1680 = arith.addf %mul3A_1674, %mul3A_1679 : vector<16xf32>
        %shift_left3A_1681 = arith.constant 16 : i32
        %shift_left3A_1682 = vector.broadcast %shift_left3A_1681 : i32 to vector<16xi32>
        %shift_left3A_1683 = arith.shli %get3A_1662, %shift_left3A_1682 : vector<16xi32>
        %bitcast3A_1684 = vector.bitcast %shift_left3A_1683 : vector<16xi32> to vector<16xf32>
        %mul3A_1685 = arith.mulf %bitcast3A_1684, %sub3A_1011 : vector<16xf32>
        %add3A_1686 = arith.addf %add3A_1680, %mul3A_1685 : vector<16xf32>
        %shift_left3A_1687 = arith.constant 16 : i32
        %shift_left3A_1688 = vector.broadcast %shift_left3A_1687 : i32 to vector<16xi32>
        %shift_left3A_1689 = arith.shli %get3A_1669, %shift_left3A_1688 : vector<16xi32>
        %bitcast3A_1690 = vector.bitcast %shift_left3A_1689 : vector<16xi32> to vector<16xf32>
        %mul3A_1691 = arith.mulf %bitcast3A_1690, %mul3A_1010 : vector<16xf32>
        %add3A_1692 = arith.addf %add3A_1686, %mul3A_1691 : vector<16xf32>
        %and3A_1693 = vector.broadcast %scan3A_310 : i32 to vector<16xi32>
        %and3A_1694 = arith.andi %get3A_1648, %and3A_1693 : vector<16xi32>
        %bitcast3A_1695 = vector.bitcast %and3A_1694 : vector<16xi32> to vector<16xf32>
        %mul3A_1696 = arith.mulf %bitcast3A_1695, %add3A_1017 : vector<16xf32>
        %and3A_1697 = vector.broadcast %scan3A_310 : i32 to vector<16xi32>
        %and3A_1698 = arith.andi %get3A_1655, %and3A_1697 : vector<16xi32>
        %bitcast3A_1699 = vector.bitcast %and3A_1698 : vector<16xi32> to vector<16xf32>
        %mul3A_1700 = arith.mulf %bitcast3A_1699, %sub3A_1012 : vector<16xf32>
        %add3A_1701 = arith.addf %mul3A_1696, %mul3A_1700 : vector<16xf32>
        %and3A_1702 = vector.broadcast %scan3A_310 : i32 to vector<16xi32>
        %and3A_1703 = arith.andi %get3A_1662, %and3A_1702 : vector<16xi32>
        %bitcast3A_1704 = vector.bitcast %and3A_1703 : vector<16xi32> to vector<16xf32>
        %mul3A_1705 = arith.mulf %bitcast3A_1704, %sub3A_1011 : vector<16xf32>
        %add3A_1706 = arith.addf %add3A_1701, %mul3A_1705 : vector<16xf32>
        %and3A_1707 = vector.broadcast %scan3A_310 : i32 to vector<16xi32>
        %and3A_1708 = arith.andi %get3A_1669, %and3A_1707 : vector<16xi32>
        %bitcast3A_1709 = vector.bitcast %and3A_1708 : vector<16xi32> to vector<16xf32>
        %mul3A_1710 = arith.mulf %bitcast3A_1709, %mul3A_1010 : vector<16xf32>
        %add3A_1711 = arith.addf %add3A_1706, %mul3A_1710 : vector<16xf32>
        %bitcast3A_1712 = vector.bitcast %add3A_1692 : vector<16xf32> to vector<16xi32>
        %add3A_1713 = arith.constant 32768 : i32
        %add3A_1714 = vector.broadcast %add3A_1713 : i32 to vector<16xi32>
        %add3A_1715 = arith.addi %bitcast3A_1712, %add3A_1714 : vector<16xi32>
        %bitcast3A_1716 = vector.bitcast %add3A_1711 : vector<16xf32> to vector<16xi32>
        %add3A_1717 = arith.constant 32768 : i32
        %add3A_1718 = vector.broadcast %add3A_1717 : i32 to vector<16xi32>
        %add3A_1719 = arith.addi %bitcast3A_1716, %add3A_1718 : vector<16xi32>
        %shift_right_arithmetic3A_1720 = arith.constant 16 : i32
        %shift_right_arithmetic3A_1721 = vector.broadcast %shift_right_arithmetic3A_1720 : i32 to vector<16xi32>
        %shift_right_arithmetic3A_1722 = arith.shrsi %add3A_1715, %shift_right_arithmetic3A_1721 : vector<16xi32>
        %and3A_1723 = arith.constant 65535 : i32
        %and3A_1724 = vector.broadcast %and3A_1723 : i32 to vector<16xi32>
        %and3A_1725 = arith.andi %shift_right_arithmetic3A_1722, %and3A_1724 : vector<16xi32>
        %and3A_1726 = vector.broadcast %scan3A_310 : i32 to vector<16xi32>
        %and3A_1727 = arith.andi %add3A_1719, %and3A_1726 : vector<16xi32>
        %or3A_1728 = arith.ori %and3A_1725, %and3A_1727 : vector<16xi32>
        %swap3A_1729 = arith.constant 0 : i32
        %swap3A_1730 = arith.index_cast %swap3A_1729 : i32 to index
        %swap3A_1731 = arith.index_cast %scan3A_1003 : i32 to index
        %swap3A_1732 = arith.constant 112 : index
        %swap3A_1733 = tpu.vector_load %arg22[%swap3A_1730, %swap3A_1731, %swap3A_1732] {strides = array<i32>} : memref<2x32x128xi32, #tpu.memory_space<vmem>>, vector<16xi32>,
        tpu.vector_store %arg22[%swap3A_1730, %swap3A_1731, %swap3A_1732], %or3A_1728 {strides = array<i32>} : memref<2x32x128xi32, #tpu.memory_space<vmem>>, vector<16xi32>,
        %scan3A_1734 = arith.constant 0 : i32
        scf.yield %scan3A_1734 : i32
      }
      %scan3A_784 = arith.constant 32 : i32
      %mul3A_785 = arith.constant 1792 : i32
      %mul3A_786 = arith.muli %add3A, %mul3A_785 : i32
      %mul3A_787 = arith.constant 32 : i32
      %mul3A_788 = arith.muli %mul3A_605, %mul3A_787 : i32
      %add3A_789 = arith.addi %mul3A_786, %mul3A_788 : i32
      %dma_start3A_790 = arith.constant 0 : i32
      %dma_start3A_791 = arith.constant 0 : i32
      %dma_start3A_792 = arith.constant 0 : i32
      %dma_start3A_793 = tpu.memref_slice %arg22[%dma_start3A_790, %dma_start3A_791, %dma_start3A_792] : memref<2x32x128xi32, #tpu.memory_space<vmem>> -> memref<1x32x128xi32, #tpu.memory_space<vmem>>
      %dma_start3A_794 = tpu.memref_squeeze %dma_start3A_793 : memref<1x32x128xi32, #tpu.memory_space<vmem>> -> memref<32x128xi32, #tpu.memory_space<vmem>>
      %dma_start3A_795 = arith.constant 0 : i32
      %dma_start3A_796 = tpu.memref_slice %arg7[%add3A_789, %dma_start3A_795] : memref<57344x128xi32, #tpu.memory_space<hbm>> -> memref<32x128xi32, #tpu.memory_space<hbm>>
      %dma_start3A_797 = arith.constant 0 : i32
      %dma_start3A_798 = tpu.memref_slice %arg7[%add3A_789, %dma_start3A_797] : memref<57344x128xi32, #tpu.memory_space<hbm>> -> memref<32x128xi32, #tpu.memory_space<hbm>>
      %dma_start3A_799 = arith.constant 0 : i32
      %dma_start3A_800 = arith.constant 0 : i32
      %dma_start3A_801 = tpu.memref_slice %arg22[%dma_start3A_790, %dma_start3A_799, %dma_start3A_800] : memref<2x32x128xi32, #tpu.memory_space<vmem>> -> memref<1x32x128xi32, #tpu.memory_space<vmem>>
      %dma_start3A_802 = tpu.memref_squeeze %dma_start3A_801 : memref<1x32x128xi32, #tpu.memory_space<vmem>> -> memref<32x128xi32, #tpu.memory_space<vmem>>
      tpu.enqueue_dma source(%dma_start3A_802 : memref<32x128xi32, #tpu.memory_space<vmem>>) target(%dma_start3A_798 : memref<32x128xi32, #tpu.memory_space<hbm>>) target_semaphore(%arg25 : memref<!tpu.dma_semaphore, #tpu.memory_space<semaphore_mem>>)
      %add3A_803 = arith.constant 2 : i32
      %add3A_804 = arith.addi %mul3A_605, %add3A_803 : i32
      %mul3A_805 = arith.constant 32 : i32
      %mul3A_806 = arith.muli %add3A_804, %mul3A_805 : i32
      %add3A_807 = arith.constant 0 : i32
      %add3A_808 = arith.addi %mul3A_806, %add3A_807 : i32
      %get3A_809 = arith.index_cast %add3A_808 : i32 to index
      %get3A_810 = tpu.vector_load %arg9[%get3A_809] {strides = array<i32>} : memref<1792xi32, #tpu.memory_space<vmem>>, vector<16xi32>,
      %get3A_811 = arith.index_cast %add3A_808 : i32 to index
      %get3A_812 = tpu.vector_load %arg10[%get3A_811] {strides = array<i32>} : memref<1792xf32, #tpu.memory_space<vmem>>, vector<16xf32>,
      %get3A_813 = arith.index_cast %add3A_808 : i32 to index
      %get3A_814 = tpu.vector_load %arg11[%get3A_813] {strides = array<i32>} : memref<1792xf32, #tpu.memory_space<vmem>>, vector<16xf32>,
      %gather3A_815 = tpu.vector_load_idx %arg12[%get3A_810] : memref<32xf32, #tpu.memory_space<vmem>>[vector<16xi32>], vector<16xf32>,
      %gather3A_816 = tpu.vector_load_idx %arg13[%get3A_810] : memref<32xf32, #tpu.memory_space<vmem>>[vector<16xi32>], vector<16xf32>,
      %gather3A_817 = tpu.vector_load_idx %arg14[%get3A_810] : memref<32xf32, #tpu.memory_space<vmem>>[vector<16xi32>], vector<16xf32>,
      %gather3A_818 = tpu.vector_load_idx %arg15[%get3A_810] : memref<32xf32, #tpu.memory_space<vmem>>[vector<16xi32>], vector<16xf32>,
      %gather3A_819 = tpu.vector_load_idx %arg16[%get3A_810] : memref<32xi32, #tpu.memory_space<vmem>>[vector<16xi32>], vector<16xi32>,
      %gather3A_820 = tpu.vector_load_idx %arg17[%get3A_810] : memref<32xi32, #tpu.memory_space<vmem>>[vector<16xi32>], vector<16xi32>,
      %mul3A_821 = arith.mulf %get3A_812, %gather3A_816 : vector<16xf32>
      %add3A_822 = arith.addf %gather3A_815, %mul3A_821 : vector<16xf32>
      %convert_element_type3A_823 = arith.fptosi %add3A_822 : vector<16xf32> to vector<16xi32>
      %min3A_824 = arith.minsi %convert_element_type3A_823, %gather3A_820 : vector<16xi32>
      %convert_element_type3A_825 = arith.sitofp %min3A_824 : vector<16xi32> to vector<16xf32>
      %sub3A_826 = arith.subf %add3A_822, %convert_element_type3A_825 : vector<16xf32>
      %add3A_827 = arith.constant 1 : i32
      %add3A_828 = vector.broadcast %add3A_827 : i32 to vector<16xi32>
      %add3A_829 = arith.addi %min3A_824, %add3A_828 : vector<16xi32>
      %min3A_830 = arith.minsi %add3A_829, %gather3A_820 : vector<16xi32>
      %mul3A_831 = arith.mulf %get3A_814, %gather3A_818 : vector<16xf32>
      %add3A_832 = arith.addf %gather3A_817, %mul3A_831 : vector<16xf32>
      %convert_element_type3A_833 = arith.fptosi %add3A_832 : vector<16xf32> to vector<16xi32>
      %min3A_834 = arith.minsi %convert_element_type3A_833, %gather3A_820 : vector<16xi32>
      %convert_element_type3A_835 = arith.sitofp %min3A_834 : vector<16xi32> to vector<16xf32>
      %sub3A_836 = arith.subf %add3A_832, %convert_element_type3A_835 : vector<16xf32>
      %add3A_837 = arith.constant 1 : i32
      %add3A_838 = vector.broadcast %add3A_837 : i32 to vector<16xi32>
      %add3A_839 = arith.addi %min3A_834, %add3A_838 : vector<16xi32>
      %min3A_840 = arith.minsi %add3A_839, %gather3A_820 : vector<16xi32>
      %add3A_841 = arith.constant 1 : i32
      %add3A_842 = vector.broadcast %add3A_841 : i32 to vector<16xi32>
      %add3A_843 = arith.addi %gather3A_820, %add3A_842 : vector<16xi32>
      %mul3A_844 = arith.muli %min3A_824, %add3A_843 : vector<16xi32>
      %add3A_845 = arith.addi %gather3A_819, %mul3A_844 : vector<16xi32>
      %mul3A_846 = arith.muli %min3A_830, %add3A_843 : vector<16xi32>
      %add3A_847 = arith.addi %gather3A_819, %mul3A_846 : vector<16xi32>
      %add3A_848 = arith.addi %add3A_845, %min3A_834 : vector<16xi32>
      %swap3A_849 = arith.constant 0 : i32
      %swap3A_850 = arith.index_cast %swap3A_849 : i32 to index
      %swap3A_851 = arith.constant 0 : index
      %swap3A_852 = tpu.vector_load %arg18[%swap3A_850, %swap3A_851] {strides = array<i32>} : memref<2x128xi32, #tpu.memory_space<vmem>>, vector<16xi32>,
      tpu.vector_store %arg18[%swap3A_850, %swap3A_851], %add3A_848 {strides = array<i32>} : memref<2x128xi32, #tpu.memory_space<vmem>>, vector<16xi32>,
      %add3A_853 = arith.addi %add3A_845, %min3A_840 : vector<16xi32>
      %swap3A_854 = arith.constant 0 : i32
      %swap3A_855 = arith.index_cast %swap3A_854 : i32 to index
      %swap3A_856 = arith.constant 32 : index
      %swap3A_857 = tpu.vector_load %arg18[%swap3A_855, %swap3A_856] {strides = array<i32>} : memref<2x128xi32, #tpu.memory_space<vmem>>, vector<16xi32>,
      tpu.vector_store %arg18[%swap3A_855, %swap3A_856], %add3A_853 {strides = array<i32>} : memref<2x128xi32, #tpu.memory_space<vmem>>, vector<16xi32>,
      %add3A_858 = arith.addi %add3A_847, %min3A_834 : vector<16xi32>
      %swap3A_859 = arith.constant 0 : i32
      %swap3A_860 = arith.index_cast %swap3A_859 : i32 to index
      %swap3A_861 = arith.constant 64 : index
      %swap3A_862 = tpu.vector_load %arg18[%swap3A_860, %swap3A_861] {strides = array<i32>} : memref<2x128xi32, #tpu.memory_space<vmem>>, vector<16xi32>,
      tpu.vector_store %arg18[%swap3A_860, %swap3A_861], %add3A_858 {strides = array<i32>} : memref<2x128xi32, #tpu.memory_space<vmem>>, vector<16xi32>,
      %add3A_863 = arith.addi %add3A_847, %min3A_840 : vector<16xi32>
      %swap3A_864 = arith.constant 0 : i32
      %swap3A_865 = arith.index_cast %swap3A_864 : i32 to index
      %swap3A_866 = arith.constant 96 : index
      %swap3A_867 = tpu.vector_load %arg18[%swap3A_865, %swap3A_866] {strides = array<i32>} : memref<2x128xi32, #tpu.memory_space<vmem>>, vector<16xi32>,
      tpu.vector_store %arg18[%swap3A_865, %swap3A_866], %add3A_863 {strides = array<i32>} : memref<2x128xi32, #tpu.memory_space<vmem>>, vector<16xi32>,
      %swap3A_868 = arith.constant 0 : i32
      %swap3A_869 = arith.index_cast %swap3A_868 : i32 to index
      %swap3A_870 = arith.constant 0 : index
      %swap3A_871 = tpu.vector_load %arg19[%swap3A_869, %swap3A_870] {strides = array<i32>} : memref<2x32xf32, #tpu.memory_space<vmem>>, vector<16xf32>,
      tpu.vector_store %arg19[%swap3A_869, %swap3A_870], %sub3A_826 {strides = array<i32>} : memref<2x32xf32, #tpu.memory_space<vmem>>, vector<16xf32>,
      %swap3A_872 = arith.constant 0 : i32
      %swap3A_873 = arith.index_cast %swap3A_872 : i32 to index
      %swap3A_874 = arith.constant 0 : index
      %swap3A_875 = tpu.vector_load %arg20[%swap3A_873, %swap3A_874] {strides = array<i32>} : memref<2x32xf32, #tpu.memory_space<vmem>>, vector<16xf32>,
      tpu.vector_store %arg20[%swap3A_873, %swap3A_874], %sub3A_836 {strides = array<i32>} : memref<2x32xf32, #tpu.memory_space<vmem>>, vector<16xf32>,
      %mul3A_876 = arith.constant 32 : i32
      %mul3A_877 = arith.muli %add3A_804, %mul3A_876 : i32
      %add3A_878 = arith.constant 16 : i32
      %add3A_879 = arith.addi %mul3A_877, %add3A_878 : i32
      %get3A_880 = arith.index_cast %add3A_879 : i32 to index
      %get3A_881 = tpu.vector_load %arg9[%get3A_880] {strides = array<i32>} : memref<1792xi32, #tpu.memory_space<vmem>>, vector<16xi32>,
      %get3A_882 = arith.index_cast %add3A_879 : i32 to index
      %get3A_883 = tpu.vector_load %arg10[%get3A_882] {strides = array<i32>} : memref<1792xf32, #tpu.memory_space<vmem>>, vector<16xf32>,
      %get3A_884 = arith.index_cast %add3A_879 : i32 to index
      %get3A_885 = tpu.vector_load %arg11[%get3A_884] {strides = array<i32>} : memref<1792xf32, #tpu.memory_space<vmem>>, vector<16xf32>,
      %gather3A_886 = tpu.vector_load_idx %arg12[%get3A_881] : memref<32xf32, #tpu.memory_space<vmem>>[vector<16xi32>], vector<16xf32>,
      %gather3A_887 = tpu.vector_load_idx %arg13[%get3A_881] : memref<32xf32, #tpu.memory_space<vmem>>[vector<16xi32>], vector<16xf32>,
      %gather3A_888 = tpu.vector_load_idx %arg14[%get3A_881] : memref<32xf32, #tpu.memory_space<vmem>>[vector<16xi32>], vector<16xf32>,
      %gather3A_889 = tpu.vector_load_idx %arg15[%get3A_881] : memref<32xf32, #tpu.memory_space<vmem>>[vector<16xi32>], vector<16xf32>,
      %gather3A_890 = tpu.vector_load_idx %arg16[%get3A_881] : memref<32xi32, #tpu.memory_space<vmem>>[vector<16xi32>], vector<16xi32>,
      %gather3A_891 = tpu.vector_load_idx %arg17[%get3A_881] : memref<32xi32, #tpu.memory_space<vmem>>[vector<16xi32>], vector<16xi32>,
      %mul3A_892 = arith.mulf %get3A_883, %gather3A_887 : vector<16xf32>
      %add3A_893 = arith.addf %gather3A_886, %mul3A_892 : vector<16xf32>
      %convert_element_type3A_894 = arith.fptosi %add3A_893 : vector<16xf32> to vector<16xi32>
      %min3A_895 = arith.minsi %convert_element_type3A_894, %gather3A_891 : vector<16xi32>
      %convert_element_type3A_896 = arith.sitofp %min3A_895 : vector<16xi32> to vector<16xf32>
      %sub3A_897 = arith.subf %add3A_893, %convert_element_type3A_896 : vector<16xf32>
      %add3A_898 = arith.constant 1 : i32
      %add3A_899 = vector.broadcast %add3A_898 : i32 to vector<16xi32>
      %add3A_900 = arith.addi %min3A_895, %add3A_899 : vector<16xi32>
      %min3A_901 = arith.minsi %add3A_900, %gather3A_891 : vector<16xi32>
      %mul3A_902 = arith.mulf %get3A_885, %gather3A_889 : vector<16xf32>
      %add3A_903 = arith.addf %gather3A_888, %mul3A_902 : vector<16xf32>
      %convert_element_type3A_904 = arith.fptosi %add3A_903 : vector<16xf32> to vector<16xi32>
      %min3A_905 = arith.minsi %convert_element_type3A_904, %gather3A_891 : vector<16xi32>
      %convert_element_type3A_906 = arith.sitofp %min3A_905 : vector<16xi32> to vector<16xf32>
      %sub3A_907 = arith.subf %add3A_903, %convert_element_type3A_906 : vector<16xf32>
      %add3A_908 = arith.constant 1 : i32
      %add3A_909 = vector.broadcast %add3A_908 : i32 to vector<16xi32>
      %add3A_910 = arith.addi %min3A_905, %add3A_909 : vector<16xi32>
      %min3A_911 = arith.minsi %add3A_910, %gather3A_891 : vector<16xi32>
      %add3A_912 = arith.constant 1 : i32
      %add3A_913 = vector.broadcast %add3A_912 : i32 to vector<16xi32>
      %add3A_914 = arith.addi %gather3A_891, %add3A_913 : vector<16xi32>
      %mul3A_915 = arith.muli %min3A_895, %add3A_914 : vector<16xi32>
      %add3A_916 = arith.addi %gather3A_890, %mul3A_915 : vector<16xi32>
      %mul3A_917 = arith.muli %min3A_901, %add3A_914 : vector<16xi32>
      %add3A_918 = arith.addi %gather3A_890, %mul3A_917 : vector<16xi32>
      %add3A_919 = arith.addi %add3A_916, %min3A_905 : vector<16xi32>
      %swap3A_920 = arith.constant 0 : i32
      %swap3A_921 = arith.index_cast %swap3A_920 : i32 to index
      %swap3A_922 = arith.constant 16 : index
      %swap3A_923 = tpu.vector_load %arg18[%swap3A_921, %swap3A_922] {strides = array<i32>} : memref<2x128xi32, #tpu.memory_space<vmem>>, vector<16xi32>,
      tpu.vector_store %arg18[%swap3A_921, %swap3A_922], %add3A_919 {strides = array<i32>} : memref<2x128xi32, #tpu.memory_space<vmem>>, vector<16xi32>,
      %add3A_924 = arith.addi %add3A_916, %min3A_911 : vector<16xi32>
      %swap3A_925 = arith.constant 0 : i32
      %swap3A_926 = arith.index_cast %swap3A_925 : i32 to index
      %swap3A_927 = arith.constant 48 : index
      %swap3A_928 = tpu.vector_load %arg18[%swap3A_926, %swap3A_927] {strides = array<i32>} : memref<2x128xi32, #tpu.memory_space<vmem>>, vector<16xi32>,
      tpu.vector_store %arg18[%swap3A_926, %swap3A_927], %add3A_924 {strides = array<i32>} : memref<2x128xi32, #tpu.memory_space<vmem>>, vector<16xi32>,
      %add3A_929 = arith.addi %add3A_918, %min3A_905 : vector<16xi32>
      %swap3A_930 = arith.constant 0 : i32
      %swap3A_931 = arith.index_cast %swap3A_930 : i32 to index
      %swap3A_932 = arith.constant 80 : index
      %swap3A_933 = tpu.vector_load %arg18[%swap3A_931, %swap3A_932] {strides = array<i32>} : memref<2x128xi32, #tpu.memory_space<vmem>>, vector<16xi32>,
      tpu.vector_store %arg18[%swap3A_931, %swap3A_932], %add3A_929 {strides = array<i32>} : memref<2x128xi32, #tpu.memory_space<vmem>>, vector<16xi32>,
      %add3A_934 = arith.addi %add3A_918, %min3A_911 : vector<16xi32>
      %swap3A_935 = arith.constant 0 : i32
      %swap3A_936 = arith.index_cast %swap3A_935 : i32 to index
      %swap3A_937 = arith.constant 112 : index
      %swap3A_938 = tpu.vector_load %arg18[%swap3A_936, %swap3A_937] {strides = array<i32>} : memref<2x128xi32, #tpu.memory_space<vmem>>, vector<16xi32>,
      tpu.vector_store %arg18[%swap3A_936, %swap3A_937], %add3A_934 {strides = array<i32>} : memref<2x128xi32, #tpu.memory_space<vmem>>, vector<16xi32>,
      %swap3A_939 = arith.constant 0 : i32
      %swap3A_940 = arith.index_cast %swap3A_939 : i32 to index
      %swap3A_941 = arith.constant 16 : index
      %swap3A_942 = tpu.vector_load %arg19[%swap3A_940, %swap3A_941] {strides = array<i32>} : memref<2x32xf32, #tpu.memory_space<vmem>>, vector<16xf32>,
      tpu.vector_store %arg19[%swap3A_940, %swap3A_941], %sub3A_897 {strides = array<i32>} : memref<2x32xf32, #tpu.memory_space<vmem>>, vector<16xf32>,
      %swap3A_943 = arith.constant 0 : i32
      %swap3A_944 = arith.index_cast %swap3A_943 : i32 to index
      %swap3A_945 = arith.constant 16 : index
      %swap3A_946 = tpu.vector_load %arg20[%swap3A_944, %swap3A_945] {strides = array<i32>} : memref<2x32xf32, #tpu.memory_space<vmem>>, vector<16xf32>,
      tpu.vector_store %arg20[%swap3A_944, %swap3A_945], %sub3A_907 {strides = array<i32>} : memref<2x32xf32, #tpu.memory_space<vmem>>, vector<16xf32>,
      %dma_start3A_947 = arith.constant 0 : i32
      %dma_start3A_948 = arith.constant 0 : i32
      %dma_start3A_949 = arith.constant 0 : i32
      %dma_start3A_950 = arith.constant 0 : i32
      %dma_start3A_951 = tpu.memref_slice %arg21[%dma_start3A_948, %dma_start3A_949, %dma_start3A_950] : memref<2x128x128xi32, #tpu.memory_space<vmem>> -> memref<1x128x128xi32, #tpu.memory_space<vmem>>
      %dma_start3A_952 = tpu.memref_squeeze %dma_start3A_951 : memref<1x128x128xi32, #tpu.memory_space<vmem>> -> memref<128x128xi32, #tpu.memory_space<vmem>>
      %dma_start3A_953 = arith.constant 0 : i32
      %dma_start3A_954 = tpu.memref_slice %arg18[%dma_start3A_947, %dma_start3A_953] : memref<2x128xi32, #tpu.memory_space<vmem>> -> memref<1x128xi32, #tpu.memory_space<vmem>>
      %dma_start3A_955 = tpu.memref_squeeze %dma_start3A_954 : memref<1x128xi32, #tpu.memory_space<vmem>> -> memref<128xi32, #tpu.memory_space<vmem>>
      %dma_start3A_956 = arith.constant 0 : i32
      %dma_start3A_957 = arith.constant 0 : i32
      %dma_start3A_958 = tpu.memref_slice %arg2[%dma_start3A_956, %dma_start3A_957] : memref<5440x128xi32, #tpu.memory_space<hbm>> -> memref<5440x128xi32, #tpu.memory_space<hbm>>
      tpu.enqueue_indirect_dma source(%dma_start3A_958 : memref<5440x128xi32, #tpu.memory_space<hbm>>) target(%dma_start3A_952 : memref<128x128xi32, #tpu.memory_space<vmem>>) offsets(%dma_start3A_955 : memref<128xi32, #tpu.memory_space<vmem>>) semaphore(%arg23 : memref<!tpu.dma_semaphore, #tpu.memory_space<semaphore_mem>>)
      %add3A_959 = arith.constant 1 : i32
      %add3A_960 = arith.addi %mul3A_605, %add3A_959 : i32
      %dma_wait3A_961 = arith.constant 1 : i32
      %dma_wait3A_962 = arith.constant 1 : i32
      %dma_wait3A_963 = arith.constant 0 : i32
      %dma_wait3A_964 = arith.constant 0 : i32
      %dma_wait3A_965 = tpu.memref_slice %arg21[%dma_wait3A_962, %dma_wait3A_963, %dma_wait3A_964] : memref<2x128x128xi32, #tpu.memory_space<vmem>> -> memref<1x128x128xi32, #tpu.memory_space<vmem>>
      %dma_wait3A_966 = tpu.memref_squeeze %dma_wait3A_965 : memref<1x128x128xi32, #tpu.memory_space<vmem>> -> memref<128x128xi32, #tpu.memory_space<vmem>>
      %dma_wait3A_967 = arith.constant 0 : i32
      %dma_wait3A_968 = tpu.memref_slice %arg18[%dma_wait3A_961, %dma_wait3A_967] : memref<2x128xi32, #tpu.memory_space<vmem>> -> memref<1x128xi32, #tpu.memory_space<vmem>>
      %dma_wait3A_969 = tpu.memref_squeeze %dma_wait3A_968 : memref<1x128xi32, #tpu.memory_space<vmem>> -> memref<128xi32, #tpu.memory_space<vmem>>
      %dma_wait3A_970 = arith.constant 0 : i32
      %dma_wait3A_971 = arith.constant 0 : i32
      %dma_wait3A_972 = tpu.memref_slice %arg2[%dma_wait3A_970, %dma_wait3A_971] : memref<5440x128xi32, #tpu.memory_space<hbm>> -> memref<5440x128xi32, #tpu.memory_space<hbm>>
      tpu.wait_indirect_dma semaphore(%arg24 : memref<!tpu.dma_semaphore, #tpu.memory_space<semaphore_mem>>) src(%dma_wait3A_972 : memref<5440x128xi32, #tpu.memory_space<hbm>>) dst(%dma_wait3A_966 : memref<128x128xi32, #tpu.memory_space<vmem>>)
      %ge3A_973 = arith.constant 2 : i32
      %ge3A_974 = arith.cmpi sge, %add3A_960, %ge3A_973 : i32
      %convert_element_type3A_975 = arith.extui %ge3A_974 : i1 to i32
      %cond3A_976 = arith.constant 0 : i32
      %cond3A_977 = arith.cmpi ne, %convert_element_type3A_975, %cond3A_976 : i32
      scf.if %cond3A_977 {
        %sub3A_1003 = arith.constant 2 : i32
        %sub3A_1004 = arith.subi %add3A_960, %sub3A_1003 : i32
        %mul3A_1005 = arith.constant 1792 : i32
        %mul3A_1006 = arith.muli %add3A, %mul3A_1005 : i32
        %mul3A_1007 = arith.constant 32 : i32
        %mul3A_1008 = arith.muli %sub3A_1004, %mul3A_1007 : i32
        %add3A_1009 = arith.addi %mul3A_1006, %mul3A_1008 : i32
        %dma_wait3A_1010 = arith.constant 1 : i32
        %dma_wait3A_1011 = arith.constant 0 : i32
        %dma_wait3A_1012 = arith.constant 0 : i32
        %dma_wait3A_1013 = tpu.memref_slice %arg22[%dma_wait3A_1010, %dma_wait3A_1011, %dma_wait3A_1012] : memref<2x32x128xi32, #tpu.memory_space<vmem>> -> memref<1x32x128xi32, #tpu.memory_space<vmem>>
        %dma_wait3A_1014 = tpu.memref_squeeze %dma_wait3A_1013 : memref<1x32x128xi32, #tpu.memory_space<vmem>> -> memref<32x128xi32, #tpu.memory_space<vmem>>
        %dma_wait3A_1015 = arith.constant 0 : i32
        %dma_wait3A_1016 = tpu.memref_slice %arg7[%add3A_1009, %dma_wait3A_1015] : memref<57344x128xi32, #tpu.memory_space<hbm>> -> memref<32x128xi32, #tpu.memory_space<hbm>>
        %dma_wait3A_1017 = arith.constant 0 : i32
        %dma_wait3A_1018 = tpu.memref_slice %arg7[%add3A_1009, %dma_wait3A_1017] : memref<57344x128xi32, #tpu.memory_space<hbm>> -> memref<32x128xi32, #tpu.memory_space<hbm>>
        %dma_wait3A_1019 = arith.constant 0 : i32
        %dma_wait3A_1020 = arith.constant 0 : i32
        %dma_wait3A_1021 = tpu.memref_slice %arg22[%dma_wait3A_1010, %dma_wait3A_1019, %dma_wait3A_1020] : memref<2x32x128xi32, #tpu.memory_space<vmem>> -> memref<1x32x128xi32, #tpu.memory_space<vmem>>
        %dma_wait3A_1022 = tpu.memref_squeeze %dma_wait3A_1021 : memref<1x32x128xi32, #tpu.memory_space<vmem>> -> memref<32x128xi32, #tpu.memory_space<vmem>>
        tpu.wait_dma2 semaphore(%arg26 : memref<!tpu.dma_semaphore, #tpu.memory_space<semaphore_mem>>) src(%dma_wait3A_1022 : memref<32x128xi32, #tpu.memory_space<vmem>>) dst(%dma_wait3A_1018 : memref<32x128xi32, #tpu.memory_space<hbm>>)
      } else {
      }
      %scan3A_978 = arith.constant 0 : i32
      %scan3A_979 = arith.constant 0 : i32
      %scan3A_980 = arith.constant 32 : i32
      %scan3A_981 = arith.addi %scan3A_979, %scan3A_980 : i32
      %scan3A_982 = arith.constant 1 : i32
      %scan3A_983 = scf.for %scan3A_1003 = %scan3A_979 to %scan3A_981 step %scan3A_982 iter_args(%scan3A_1004 = %scan3A_978) -> (i32)  : i32 {
        %broadcast_in_dim3A_1005 = vector.broadcast %scan3A_1003 : i32 to vector<16xi32>
        %broadcast_in_dim3A_1006 = arith.constant 1 : i32
        %broadcast_in_dim3A_1007 = vector.broadcast %broadcast_in_dim3A_1006 : i32 to vector<16xi32>
        %gather3A_1008 = tpu.vector_load_idx %arg19[%broadcast_in_dim3A_1007, %broadcast_in_dim3A_1005] : memref<2x32xf32, #tpu.memory_space<vmem>>[vector<16xi32>, vector<16xi32>], vector<16xf32>,
        %gather3A_1009 = tpu.vector_load_idx %arg20[%broadcast_in_dim3A_1007, %broadcast_in_dim3A_1005] : memref<2x32xf32, #tpu.memory_space<vmem>>[vector<16xi32>, vector<16xi32>], vector<16xf32>,
        %mul3A_1010 = arith.mulf %gather3A_1008, %gather3A_1009 : vector<16xf32>
        %sub3A_1011 = arith.subf %gather3A_1008, %mul3A_1010 : vector<16xf32>
        %sub3A_1012 = arith.subf %gather3A_1009, %mul3A_1010 : vector<16xf32>
        %sub3A_1013 = arith.constant 1.000000e+00 : f32
        %sub3A_1014 = vector.broadcast %sub3A_1013 : f32 to vector<16xf32>
        %sub3A_1015 = arith.subf %sub3A_1014, %gather3A_1008 : vector<16xf32>
        %sub3A_1016 = arith.subf %sub3A_1015, %gather3A_1009 : vector<16xf32>
        %add3A_1017 = arith.addf %sub3A_1016, %mul3A_1010 : vector<16xf32>
        %get3A_1018 = arith.constant 1 : i32
        %get3A_1019 = arith.index_cast %get3A_1018 : i32 to index
        %get3A_1020 = arith.index_cast %scan3A_1003 : i32 to index
        %get3A_1021 = arith.constant 0 : index
        %get3A_1022 = tpu.vector_load %arg21[%get3A_1019, %get3A_1020, %get3A_1021] {strides = array<i32>} : memref<2x128x128xi32, #tpu.memory_space<vmem>>, vector<16xi32>,
        %add3A_1023 = arith.constant 32 : i32
        %add3A_1024 = arith.addi %add3A_1023, %scan3A_1003 : i32
        %get3A_1025 = arith.constant 1 : i32
        %get3A_1026 = arith.index_cast %get3A_1025 : i32 to index
        %get3A_1027 = arith.index_cast %add3A_1024 : i32 to index
        %get3A_1028 = arith.constant 0 : index
        %get3A_1029 = tpu.vector_load %arg21[%get3A_1026, %get3A_1027, %get3A_1028] {strides = array<i32>} : memref<2x128x128xi32, #tpu.memory_space<vmem>>, vector<16xi32>,
        %add3A_1030 = arith.constant 64 : i32
        %add3A_1031 = arith.addi %add3A_1030, %scan3A_1003 : i32
        %get3A_1032 = arith.constant 1 : i32
        %get3A_1033 = arith.index_cast %get3A_1032 : i32 to index
        %get3A_1034 = arith.index_cast %add3A_1031 : i32 to index
        %get3A_1035 = arith.constant 0 : index
        %get3A_1036 = tpu.vector_load %arg21[%get3A_1033, %get3A_1034, %get3A_1035] {strides = array<i32>} : memref<2x128x128xi32, #tpu.memory_space<vmem>>, vector<16xi32>,
        %add3A_1037 = arith.constant 96 : i32
        %add3A_1038 = arith.addi %add3A_1037, %scan3A_1003 : i32
        %get3A_1039 = arith.constant 1 : i32
        %get3A_1040 = arith.index_cast %get3A_1039 : i32 to index
        %get3A_1041 = arith.index_cast %add3A_1038 : i32 to index
        %get3A_1042 = arith.constant 0 : index
        %get3A_1043 = tpu.vector_load %arg21[%get3A_1040, %get3A_1041, %get3A_1042] {strides = array<i32>} : memref<2x128x128xi32, #tpu.memory_space<vmem>>, vector<16xi32>,
        %shift_left3A_1044 = arith.constant 16 : i32
        %shift_left3A_1045 = vector.broadcast %shift_left3A_1044 : i32 to vector<16xi32>
        %shift_left3A_1046 = arith.shli %get3A_1022, %shift_left3A_1045 : vector<16xi32>
        %bitcast3A = vector.bitcast %shift_left3A_1046 : vector<16xi32> to vector<16xf32>
        %mul3A_1047 = arith.mulf %bitcast3A, %add3A_1017 : vector<16xf32>
        %shift_left3A_1048 = arith.constant 16 : i32
        %shift_left3A_1049 = vector.broadcast %shift_left3A_1048 : i32 to vector<16xi32>
        %shift_left3A_1050 = arith.shli %get3A_1029, %shift_left3A_1049 : vector<16xi32>
        %bitcast3A_1051 = vector.bitcast %shift_left3A_1050 : vector<16xi32> to vector<16xf32>
        %mul3A_1052 = arith.mulf %bitcast3A_1051, %sub3A_1012 : vector<16xf32>
        %add3A_1053 = arith.addf %mul3A_1047, %mul3A_1052 : vector<16xf32>
        %shift_left3A_1054 = arith.constant 16 : i32
        %shift_left3A_1055 = vector.broadcast %shift_left3A_1054 : i32 to vector<16xi32>
        %shift_left3A_1056 = arith.shli %get3A_1036, %shift_left3A_1055 : vector<16xi32>
        %bitcast3A_1057 = vector.bitcast %shift_left3A_1056 : vector<16xi32> to vector<16xf32>
        %mul3A_1058 = arith.mulf %bitcast3A_1057, %sub3A_1011 : vector<16xf32>
        %add3A_1059 = arith.addf %add3A_1053, %mul3A_1058 : vector<16xf32>
        %shift_left3A_1060 = arith.constant 16 : i32
        %shift_left3A_1061 = vector.broadcast %shift_left3A_1060 : i32 to vector<16xi32>
        %shift_left3A_1062 = arith.shli %get3A_1043, %shift_left3A_1061 : vector<16xi32>
        %bitcast3A_1063 = vector.bitcast %shift_left3A_1062 : vector<16xi32> to vector<16xf32>
        %mul3A_1064 = arith.mulf %bitcast3A_1063, %mul3A_1010 : vector<16xf32>
        %add3A_1065 = arith.addf %add3A_1059, %mul3A_1064 : vector<16xf32>
        %and3A = vector.broadcast %scan3A_310 : i32 to vector<16xi32>
        %and3A_1066 = arith.andi %get3A_1022, %and3A : vector<16xi32>
        %bitcast3A_1067 = vector.bitcast %and3A_1066 : vector<16xi32> to vector<16xf32>
        %mul3A_1068 = arith.mulf %bitcast3A_1067, %add3A_1017 : vector<16xf32>
        %and3A_1069 = vector.broadcast %scan3A_310 : i32 to vector<16xi32>
        %and3A_1070 = arith.andi %get3A_1029, %and3A_1069 : vector<16xi32>
        %bitcast3A_1071 = vector.bitcast %and3A_1070 : vector<16xi32> to vector<16xf32>
        %mul3A_1072 = arith.mulf %bitcast3A_1071, %sub3A_1012 : vector<16xf32>
        %add3A_1073 = arith.addf %mul3A_1068, %mul3A_1072 : vector<16xf32>
        %and3A_1074 = vector.broadcast %scan3A_310 : i32 to vector<16xi32>
        %and3A_1075 = arith.andi %get3A_1036, %and3A_1074 : vector<16xi32>
        %bitcast3A_1076 = vector.bitcast %and3A_1075 : vector<16xi32> to vector<16xf32>
        %mul3A_1077 = arith.mulf %bitcast3A_1076, %sub3A_1011 : vector<16xf32>
        %add3A_1078 = arith.addf %add3A_1073, %mul3A_1077 : vector<16xf32>
        %and3A_1079 = vector.broadcast %scan3A_310 : i32 to vector<16xi32>
        %and3A_1080 = arith.andi %get3A_1043, %and3A_1079 : vector<16xi32>
        %bitcast3A_1081 = vector.bitcast %and3A_1080 : vector<16xi32> to vector<16xf32>
        %mul3A_1082 = arith.mulf %bitcast3A_1081, %mul3A_1010 : vector<16xf32>
        %add3A_1083 = arith.addf %add3A_1078, %mul3A_1082 : vector<16xf32>
        %bitcast3A_1084 = vector.bitcast %add3A_1065 : vector<16xf32> to vector<16xi32>
        %add3A_1085 = arith.constant 32768 : i32
        %add3A_1086 = vector.broadcast %add3A_1085 : i32 to vector<16xi32>
        %add3A_1087 = arith.addi %bitcast3A_1084, %add3A_1086 : vector<16xi32>
        %bitcast3A_1088 = vector.bitcast %add3A_1083 : vector<16xf32> to vector<16xi32>
        %add3A_1089 = arith.constant 32768 : i32
        %add3A_1090 = vector.broadcast %add3A_1089 : i32 to vector<16xi32>
        %add3A_1091 = arith.addi %bitcast3A_1088, %add3A_1090 : vector<16xi32>
        %shift_right_arithmetic3A = arith.constant 16 : i32
        %shift_right_arithmetic3A_1092 = vector.broadcast %shift_right_arithmetic3A : i32 to vector<16xi32>
        %shift_right_arithmetic3A_1093 = arith.shrsi %add3A_1087, %shift_right_arithmetic3A_1092 : vector<16xi32>
        %and3A_1094 = arith.constant 65535 : i32
        %and3A_1095 = vector.broadcast %and3A_1094 : i32 to vector<16xi32>
        %and3A_1096 = arith.andi %shift_right_arithmetic3A_1093, %and3A_1095 : vector<16xi32>
        %and3A_1097 = vector.broadcast %scan3A_310 : i32 to vector<16xi32>
        %and3A_1098 = arith.andi %add3A_1091, %and3A_1097 : vector<16xi32>
        %or3A = arith.ori %and3A_1096, %and3A_1098 : vector<16xi32>
        %swap3A_1099 = arith.constant 1 : i32
        %swap3A_1100 = arith.index_cast %swap3A_1099 : i32 to index
        %swap3A_1101 = arith.index_cast %scan3A_1003 : i32 to index
        %swap3A_1102 = arith.constant 0 : index
        %swap3A_1103 = tpu.vector_load %arg22[%swap3A_1100, %swap3A_1101, %swap3A_1102] {strides = array<i32>} : memref<2x32x128xi32, #tpu.memory_space<vmem>>, vector<16xi32>,
        tpu.vector_store %arg22[%swap3A_1100, %swap3A_1101, %swap3A_1102], %or3A {strides = array<i32>} : memref<2x32x128xi32, #tpu.memory_space<vmem>>, vector<16xi32>,
        %get3A_1104 = arith.constant 1 : i32
        %get3A_1105 = arith.index_cast %get3A_1104 : i32 to index
        %get3A_1106 = arith.index_cast %scan3A_1003 : i32 to index
        %get3A_1107 = arith.constant 16 : index
        %get3A_1108 = tpu.vector_load %arg21[%get3A_1105, %get3A_1106, %get3A_1107] {strides = array<i32>} : memref<2x128x128xi32, #tpu.memory_space<vmem>>, vector<16xi32>,
        %add3A_1109 = arith.constant 32 : i32
        %add3A_1110 = arith.addi %add3A_1109, %scan3A_1003 : i32
        %get3A_1111 = arith.constant 1 : i32
        %get3A_1112 = arith.index_cast %get3A_1111 : i32 to index
        %get3A_1113 = arith.index_cast %add3A_1110 : i32 to index
        %get3A_1114 = arith.constant 16 : index
        %get3A_1115 = tpu.vector_load %arg21[%get3A_1112, %get3A_1113, %get3A_1114] {strides = array<i32>} : memref<2x128x128xi32, #tpu.memory_space<vmem>>, vector<16xi32>,
        %add3A_1116 = arith.constant 64 : i32
        %add3A_1117 = arith.addi %add3A_1116, %scan3A_1003 : i32
        %get3A_1118 = arith.constant 1 : i32
        %get3A_1119 = arith.index_cast %get3A_1118 : i32 to index
        %get3A_1120 = arith.index_cast %add3A_1117 : i32 to index
        %get3A_1121 = arith.constant 16 : index
        %get3A_1122 = tpu.vector_load %arg21[%get3A_1119, %get3A_1120, %get3A_1121] {strides = array<i32>} : memref<2x128x128xi32, #tpu.memory_space<vmem>>, vector<16xi32>,
        %add3A_1123 = arith.constant 96 : i32
        %add3A_1124 = arith.addi %add3A_1123, %scan3A_1003 : i32
        %get3A_1125 = arith.constant 1 : i32
        %get3A_1126 = arith.index_cast %get3A_1125 : i32 to index
        %get3A_1127 = arith.index_cast %add3A_1124 : i32 to index
        %get3A_1128 = arith.constant 16 : index
        %get3A_1129 = tpu.vector_load %arg21[%get3A_1126, %get3A_1127, %get3A_1128] {strides = array<i32>} : memref<2x128x128xi32, #tpu.memory_space<vmem>>, vector<16xi32>,
        %shift_left3A_1130 = arith.constant 16 : i32
        %shift_left3A_1131 = vector.broadcast %shift_left3A_1130 : i32 to vector<16xi32>
        %shift_left3A_1132 = arith.shli %get3A_1108, %shift_left3A_1131 : vector<16xi32>
        %bitcast3A_1133 = vector.bitcast %shift_left3A_1132 : vector<16xi32> to vector<16xf32>
        %mul3A_1134 = arith.mulf %bitcast3A_1133, %add3A_1017 : vector<16xf32>
        %shift_left3A_1135 = arith.constant 16 : i32
        %shift_left3A_1136 = vector.broadcast %shift_left3A_1135 : i32 to vector<16xi32>
        %shift_left3A_1137 = arith.shli %get3A_1115, %shift_left3A_1136 : vector<16xi32>
        %bitcast3A_1138 = vector.bitcast %shift_left3A_1137 : vector<16xi32> to vector<16xf32>
        %mul3A_1139 = arith.mulf %bitcast3A_1138, %sub3A_1012 : vector<16xf32>
        %add3A_1140 = arith.addf %mul3A_1134, %mul3A_1139 : vector<16xf32>
        %shift_left3A_1141 = arith.constant 16 : i32
        %shift_left3A_1142 = vector.broadcast %shift_left3A_1141 : i32 to vector<16xi32>
        %shift_left3A_1143 = arith.shli %get3A_1122, %shift_left3A_1142 : vector<16xi32>
        %bitcast3A_1144 = vector.bitcast %shift_left3A_1143 : vector<16xi32> to vector<16xf32>
        %mul3A_1145 = arith.mulf %bitcast3A_1144, %sub3A_1011 : vector<16xf32>
        %add3A_1146 = arith.addf %add3A_1140, %mul3A_1145 : vector<16xf32>
        %shift_left3A_1147 = arith.constant 16 : i32
        %shift_left3A_1148 = vector.broadcast %shift_left3A_1147 : i32 to vector<16xi32>
        %shift_left3A_1149 = arith.shli %get3A_1129, %shift_left3A_1148 : vector<16xi32>
        %bitcast3A_1150 = vector.bitcast %shift_left3A_1149 : vector<16xi32> to vector<16xf32>
        %mul3A_1151 = arith.mulf %bitcast3A_1150, %mul3A_1010 : vector<16xf32>
        %add3A_1152 = arith.addf %add3A_1146, %mul3A_1151 : vector<16xf32>
        %and3A_1153 = vector.broadcast %scan3A_310 : i32 to vector<16xi32>
        %and3A_1154 = arith.andi %get3A_1108, %and3A_1153 : vector<16xi32>
        %bitcast3A_1155 = vector.bitcast %and3A_1154 : vector<16xi32> to vector<16xf32>
        %mul3A_1156 = arith.mulf %bitcast3A_1155, %add3A_1017 : vector<16xf32>
        %and3A_1157 = vector.broadcast %scan3A_310 : i32 to vector<16xi32>
        %and3A_1158 = arith.andi %get3A_1115, %and3A_1157 : vector<16xi32>
        %bitcast3A_1159 = vector.bitcast %and3A_1158 : vector<16xi32> to vector<16xf32>
        %mul3A_1160 = arith.mulf %bitcast3A_1159, %sub3A_1012 : vector<16xf32>
        %add3A_1161 = arith.addf %mul3A_1156, %mul3A_1160 : vector<16xf32>
        %and3A_1162 = vector.broadcast %scan3A_310 : i32 to vector<16xi32>
        %and3A_1163 = arith.andi %get3A_1122, %and3A_1162 : vector<16xi32>
        %bitcast3A_1164 = vector.bitcast %and3A_1163 : vector<16xi32> to vector<16xf32>
        %mul3A_1165 = arith.mulf %bitcast3A_1164, %sub3A_1011 : vector<16xf32>
        %add3A_1166 = arith.addf %add3A_1161, %mul3A_1165 : vector<16xf32>
        %and3A_1167 = vector.broadcast %scan3A_310 : i32 to vector<16xi32>
        %and3A_1168 = arith.andi %get3A_1129, %and3A_1167 : vector<16xi32>
        %bitcast3A_1169 = vector.bitcast %and3A_1168 : vector<16xi32> to vector<16xf32>
        %mul3A_1170 = arith.mulf %bitcast3A_1169, %mul3A_1010 : vector<16xf32>
        %add3A_1171 = arith.addf %add3A_1166, %mul3A_1170 : vector<16xf32>
        %bitcast3A_1172 = vector.bitcast %add3A_1152 : vector<16xf32> to vector<16xi32>
        %add3A_1173 = arith.constant 32768 : i32
        %add3A_1174 = vector.broadcast %add3A_1173 : i32 to vector<16xi32>
        %add3A_1175 = arith.addi %bitcast3A_1172, %add3A_1174 : vector<16xi32>
        %bitcast3A_1176 = vector.bitcast %add3A_1171 : vector<16xf32> to vector<16xi32>
        %add3A_1177 = arith.constant 32768 : i32
        %add3A_1178 = vector.broadcast %add3A_1177 : i32 to vector<16xi32>
        %add3A_1179 = arith.addi %bitcast3A_1176, %add3A_1178 : vector<16xi32>
        %shift_right_arithmetic3A_1180 = arith.constant 16 : i32
        %shift_right_arithmetic3A_1181 = vector.broadcast %shift_right_arithmetic3A_1180 : i32 to vector<16xi32>
        %shift_right_arithmetic3A_1182 = arith.shrsi %add3A_1175, %shift_right_arithmetic3A_1181 : vector<16xi32>
        %and3A_1183 = arith.constant 65535 : i32
        %and3A_1184 = vector.broadcast %and3A_1183 : i32 to vector<16xi32>
        %and3A_1185 = arith.andi %shift_right_arithmetic3A_1182, %and3A_1184 : vector<16xi32>
        %and3A_1186 = vector.broadcast %scan3A_310 : i32 to vector<16xi32>
        %and3A_1187 = arith.andi %add3A_1179, %and3A_1186 : vector<16xi32>
        %or3A_1188 = arith.ori %and3A_1185, %and3A_1187 : vector<16xi32>
        %swap3A_1189 = arith.constant 1 : i32
        %swap3A_1190 = arith.index_cast %swap3A_1189 : i32 to index
        %swap3A_1191 = arith.index_cast %scan3A_1003 : i32 to index
        %swap3A_1192 = arith.constant 16 : index
        %swap3A_1193 = tpu.vector_load %arg22[%swap3A_1190, %swap3A_1191, %swap3A_1192] {strides = array<i32>} : memref<2x32x128xi32, #tpu.memory_space<vmem>>, vector<16xi32>,
        tpu.vector_store %arg22[%swap3A_1190, %swap3A_1191, %swap3A_1192], %or3A_1188 {strides = array<i32>} : memref<2x32x128xi32, #tpu.memory_space<vmem>>, vector<16xi32>,
        %get3A_1194 = arith.constant 1 : i32
        %get3A_1195 = arith.index_cast %get3A_1194 : i32 to index
        %get3A_1196 = arith.index_cast %scan3A_1003 : i32 to index
        %get3A_1197 = arith.constant 32 : index
        %get3A_1198 = tpu.vector_load %arg21[%get3A_1195, %get3A_1196, %get3A_1197] {strides = array<i32>} : memref<2x128x128xi32, #tpu.memory_space<vmem>>, vector<16xi32>,
        %add3A_1199 = arith.constant 32 : i32
        %add3A_1200 = arith.addi %add3A_1199, %scan3A_1003 : i32
        %get3A_1201 = arith.constant 1 : i32
        %get3A_1202 = arith.index_cast %get3A_1201 : i32 to index
        %get3A_1203 = arith.index_cast %add3A_1200 : i32 to index
        %get3A_1204 = arith.constant 32 : index
        %get3A_1205 = tpu.vector_load %arg21[%get3A_1202, %get3A_1203, %get3A_1204] {strides = array<i32>} : memref<2x128x128xi32, #tpu.memory_space<vmem>>, vector<16xi32>,
        %add3A_1206 = arith.constant 64 : i32
        %add3A_1207 = arith.addi %add3A_1206, %scan3A_1003 : i32
        %get3A_1208 = arith.constant 1 : i32
        %get3A_1209 = arith.index_cast %get3A_1208 : i32 to index
        %get3A_1210 = arith.index_cast %add3A_1207 : i32 to index
        %get3A_1211 = arith.constant 32 : index
        %get3A_1212 = tpu.vector_load %arg21[%get3A_1209, %get3A_1210, %get3A_1211] {strides = array<i32>} : memref<2x128x128xi32, #tpu.memory_space<vmem>>, vector<16xi32>,
        %add3A_1213 = arith.constant 96 : i32
        %add3A_1214 = arith.addi %add3A_1213, %scan3A_1003 : i32
        %get3A_1215 = arith.constant 1 : i32
        %get3A_1216 = arith.index_cast %get3A_1215 : i32 to index
        %get3A_1217 = arith.index_cast %add3A_1214 : i32 to index
        %get3A_1218 = arith.constant 32 : index
        %get3A_1219 = tpu.vector_load %arg21[%get3A_1216, %get3A_1217, %get3A_1218] {strides = array<i32>} : memref<2x128x128xi32, #tpu.memory_space<vmem>>, vector<16xi32>,
        %shift_left3A_1220 = arith.constant 16 : i32
        %shift_left3A_1221 = vector.broadcast %shift_left3A_1220 : i32 to vector<16xi32>
        %shift_left3A_1222 = arith.shli %get3A_1198, %shift_left3A_1221 : vector<16xi32>
        %bitcast3A_1223 = vector.bitcast %shift_left3A_1222 : vector<16xi32> to vector<16xf32>
        %mul3A_1224 = arith.mulf %bitcast3A_1223, %add3A_1017 : vector<16xf32>
        %shift_left3A_1225 = arith.constant 16 : i32
        %shift_left3A_1226 = vector.broadcast %shift_left3A_1225 : i32 to vector<16xi32>
        %shift_left3A_1227 = arith.shli %get3A_1205, %shift_left3A_1226 : vector<16xi32>
        %bitcast3A_1228 = vector.bitcast %shift_left3A_1227 : vector<16xi32> to vector<16xf32>
        %mul3A_1229 = arith.mulf %bitcast3A_1228, %sub3A_1012 : vector<16xf32>
        %add3A_1230 = arith.addf %mul3A_1224, %mul3A_1229 : vector<16xf32>
        %shift_left3A_1231 = arith.constant 16 : i32
        %shift_left3A_1232 = vector.broadcast %shift_left3A_1231 : i32 to vector<16xi32>
        %shift_left3A_1233 = arith.shli %get3A_1212, %shift_left3A_1232 : vector<16xi32>
        %bitcast3A_1234 = vector.bitcast %shift_left3A_1233 : vector<16xi32> to vector<16xf32>
        %mul3A_1235 = arith.mulf %bitcast3A_1234, %sub3A_1011 : vector<16xf32>
        %add3A_1236 = arith.addf %add3A_1230, %mul3A_1235 : vector<16xf32>
        %shift_left3A_1237 = arith.constant 16 : i32
        %shift_left3A_1238 = vector.broadcast %shift_left3A_1237 : i32 to vector<16xi32>
        %shift_left3A_1239 = arith.shli %get3A_1219, %shift_left3A_1238 : vector<16xi32>
        %bitcast3A_1240 = vector.bitcast %shift_left3A_1239 : vector<16xi32> to vector<16xf32>
        %mul3A_1241 = arith.mulf %bitcast3A_1240, %mul3A_1010 : vector<16xf32>
        %add3A_1242 = arith.addf %add3A_1236, %mul3A_1241 : vector<16xf32>
        %and3A_1243 = vector.broadcast %scan3A_310 : i32 to vector<16xi32>
        %and3A_1244 = arith.andi %get3A_1198, %and3A_1243 : vector<16xi32>
        %bitcast3A_1245 = vector.bitcast %and3A_1244 : vector<16xi32> to vector<16xf32>
        %mul3A_1246 = arith.mulf %bitcast3A_1245, %add3A_1017 : vector<16xf32>
        %and3A_1247 = vector.broadcast %scan3A_310 : i32 to vector<16xi32>
        %and3A_1248 = arith.andi %get3A_1205, %and3A_1247 : vector<16xi32>
        %bitcast3A_1249 = vector.bitcast %and3A_1248 : vector<16xi32> to vector<16xf32>
        %mul3A_1250 = arith.mulf %bitcast3A_1249, %sub3A_1012 : vector<16xf32>
        %add3A_1251 = arith.addf %mul3A_1246, %mul3A_1250 : vector<16xf32>
        %and3A_1252 = vector.broadcast %scan3A_310 : i32 to vector<16xi32>
        %and3A_1253 = arith.andi %get3A_1212, %and3A_1252 : vector<16xi32>
        %bitcast3A_1254 = vector.bitcast %and3A_1253 : vector<16xi32> to vector<16xf32>
        %mul3A_1255 = arith.mulf %bitcast3A_1254, %sub3A_1011 : vector<16xf32>
        %add3A_1256 = arith.addf %add3A_1251, %mul3A_1255 : vector<16xf32>
        %and3A_1257 = vector.broadcast %scan3A_310 : i32 to vector<16xi32>
        %and3A_1258 = arith.andi %get3A_1219, %and3A_1257 : vector<16xi32>
        %bitcast3A_1259 = vector.bitcast %and3A_1258 : vector<16xi32> to vector<16xf32>
        %mul3A_1260 = arith.mulf %bitcast3A_1259, %mul3A_1010 : vector<16xf32>
        %add3A_1261 = arith.addf %add3A_1256, %mul3A_1260 : vector<16xf32>
        %bitcast3A_1262 = vector.bitcast %add3A_1242 : vector<16xf32> to vector<16xi32>
        %add3A_1263 = arith.constant 32768 : i32
        %add3A_1264 = vector.broadcast %add3A_1263 : i32 to vector<16xi32>
        %add3A_1265 = arith.addi %bitcast3A_1262, %add3A_1264 : vector<16xi32>
        %bitcast3A_1266 = vector.bitcast %add3A_1261 : vector<16xf32> to vector<16xi32>
        %add3A_1267 = arith.constant 32768 : i32
        %add3A_1268 = vector.broadcast %add3A_1267 : i32 to vector<16xi32>
        %add3A_1269 = arith.addi %bitcast3A_1266, %add3A_1268 : vector<16xi32>
        %shift_right_arithmetic3A_1270 = arith.constant 16 : i32
        %shift_right_arithmetic3A_1271 = vector.broadcast %shift_right_arithmetic3A_1270 : i32 to vector<16xi32>
        %shift_right_arithmetic3A_1272 = arith.shrsi %add3A_1265, %shift_right_arithmetic3A_1271 : vector<16xi32>
        %and3A_1273 = arith.constant 65535 : i32
        %and3A_1274 = vector.broadcast %and3A_1273 : i32 to vector<16xi32>
        %and3A_1275 = arith.andi %shift_right_arithmetic3A_1272, %and3A_1274 : vector<16xi32>
        %and3A_1276 = vector.broadcast %scan3A_310 : i32 to vector<16xi32>
        %and3A_1277 = arith.andi %add3A_1269, %and3A_1276 : vector<16xi32>
        %or3A_1278 = arith.ori %and3A_1275, %and3A_1277 : vector<16xi32>
        %swap3A_1279 = arith.constant 1 : i32
        %swap3A_1280 = arith.index_cast %swap3A_1279 : i32 to index
        %swap3A_1281 = arith.index_cast %scan3A_1003 : i32 to index
        %swap3A_1282 = arith.constant 32 : index
        %swap3A_1283 = tpu.vector_load %arg22[%swap3A_1280, %swap3A_1281, %swap3A_1282] {strides = array<i32>} : memref<2x32x128xi32, #tpu.memory_space<vmem>>, vector<16xi32>,
        tpu.vector_store %arg22[%swap3A_1280, %swap3A_1281, %swap3A_1282], %or3A_1278 {strides = array<i32>} : memref<2x32x128xi32, #tpu.memory_space<vmem>>, vector<16xi32>,
        %get3A_1284 = arith.constant 1 : i32
        %get3A_1285 = arith.index_cast %get3A_1284 : i32 to index
        %get3A_1286 = arith.index_cast %scan3A_1003 : i32 to index
        %get3A_1287 = arith.constant 48 : index
        %get3A_1288 = tpu.vector_load %arg21[%get3A_1285, %get3A_1286, %get3A_1287] {strides = array<i32>} : memref<2x128x128xi32, #tpu.memory_space<vmem>>, vector<16xi32>,
        %add3A_1289 = arith.constant 32 : i32
        %add3A_1290 = arith.addi %add3A_1289, %scan3A_1003 : i32
        %get3A_1291 = arith.constant 1 : i32
        %get3A_1292 = arith.index_cast %get3A_1291 : i32 to index
        %get3A_1293 = arith.index_cast %add3A_1290 : i32 to index
        %get3A_1294 = arith.constant 48 : index
        %get3A_1295 = tpu.vector_load %arg21[%get3A_1292, %get3A_1293, %get3A_1294] {strides = array<i32>} : memref<2x128x128xi32, #tpu.memory_space<vmem>>, vector<16xi32>,
        %add3A_1296 = arith.constant 64 : i32
        %add3A_1297 = arith.addi %add3A_1296, %scan3A_1003 : i32
        %get3A_1298 = arith.constant 1 : i32
        %get3A_1299 = arith.index_cast %get3A_1298 : i32 to index
        %get3A_1300 = arith.index_cast %add3A_1297 : i32 to index
        %get3A_1301 = arith.constant 48 : index
        %get3A_1302 = tpu.vector_load %arg21[%get3A_1299, %get3A_1300, %get3A_1301] {strides = array<i32>} : memref<2x128x128xi32, #tpu.memory_space<vmem>>, vector<16xi32>,
        %add3A_1303 = arith.constant 96 : i32
        %add3A_1304 = arith.addi %add3A_1303, %scan3A_1003 : i32
        %get3A_1305 = arith.constant 1 : i32
        %get3A_1306 = arith.index_cast %get3A_1305 : i32 to index
        %get3A_1307 = arith.index_cast %add3A_1304 : i32 to index
        %get3A_1308 = arith.constant 48 : index
        %get3A_1309 = tpu.vector_load %arg21[%get3A_1306, %get3A_1307, %get3A_1308] {strides = array<i32>} : memref<2x128x128xi32, #tpu.memory_space<vmem>>, vector<16xi32>,
        %shift_left3A_1310 = arith.constant 16 : i32
        %shift_left3A_1311 = vector.broadcast %shift_left3A_1310 : i32 to vector<16xi32>
        %shift_left3A_1312 = arith.shli %get3A_1288, %shift_left3A_1311 : vector<16xi32>
        %bitcast3A_1313 = vector.bitcast %shift_left3A_1312 : vector<16xi32> to vector<16xf32>
        %mul3A_1314 = arith.mulf %bitcast3A_1313, %add3A_1017 : vector<16xf32>
        %shift_left3A_1315 = arith.constant 16 : i32
        %shift_left3A_1316 = vector.broadcast %shift_left3A_1315 : i32 to vector<16xi32>
        %shift_left3A_1317 = arith.shli %get3A_1295, %shift_left3A_1316 : vector<16xi32>
        %bitcast3A_1318 = vector.bitcast %shift_left3A_1317 : vector<16xi32> to vector<16xf32>
        %mul3A_1319 = arith.mulf %bitcast3A_1318, %sub3A_1012 : vector<16xf32>
        %add3A_1320 = arith.addf %mul3A_1314, %mul3A_1319 : vector<16xf32>
        %shift_left3A_1321 = arith.constant 16 : i32
        %shift_left3A_1322 = vector.broadcast %shift_left3A_1321 : i32 to vector<16xi32>
        %shift_left3A_1323 = arith.shli %get3A_1302, %shift_left3A_1322 : vector<16xi32>
        %bitcast3A_1324 = vector.bitcast %shift_left3A_1323 : vector<16xi32> to vector<16xf32>
        %mul3A_1325 = arith.mulf %bitcast3A_1324, %sub3A_1011 : vector<16xf32>
        %add3A_1326 = arith.addf %add3A_1320, %mul3A_1325 : vector<16xf32>
        %shift_left3A_1327 = arith.constant 16 : i32
        %shift_left3A_1328 = vector.broadcast %shift_left3A_1327 : i32 to vector<16xi32>
        %shift_left3A_1329 = arith.shli %get3A_1309, %shift_left3A_1328 : vector<16xi32>
        %bitcast3A_1330 = vector.bitcast %shift_left3A_1329 : vector<16xi32> to vector<16xf32>
        %mul3A_1331 = arith.mulf %bitcast3A_1330, %mul3A_1010 : vector<16xf32>
        %add3A_1332 = arith.addf %add3A_1326, %mul3A_1331 : vector<16xf32>
        %and3A_1333 = vector.broadcast %scan3A_310 : i32 to vector<16xi32>
        %and3A_1334 = arith.andi %get3A_1288, %and3A_1333 : vector<16xi32>
        %bitcast3A_1335 = vector.bitcast %and3A_1334 : vector<16xi32> to vector<16xf32>
        %mul3A_1336 = arith.mulf %bitcast3A_1335, %add3A_1017 : vector<16xf32>
        %and3A_1337 = vector.broadcast %scan3A_310 : i32 to vector<16xi32>
        %and3A_1338 = arith.andi %get3A_1295, %and3A_1337 : vector<16xi32>
        %bitcast3A_1339 = vector.bitcast %and3A_1338 : vector<16xi32> to vector<16xf32>
        %mul3A_1340 = arith.mulf %bitcast3A_1339, %sub3A_1012 : vector<16xf32>
        %add3A_1341 = arith.addf %mul3A_1336, %mul3A_1340 : vector<16xf32>
        %and3A_1342 = vector.broadcast %scan3A_310 : i32 to vector<16xi32>
        %and3A_1343 = arith.andi %get3A_1302, %and3A_1342 : vector<16xi32>
        %bitcast3A_1344 = vector.bitcast %and3A_1343 : vector<16xi32> to vector<16xf32>
        %mul3A_1345 = arith.mulf %bitcast3A_1344, %sub3A_1011 : vector<16xf32>
        %add3A_1346 = arith.addf %add3A_1341, %mul3A_1345 : vector<16xf32>
        %and3A_1347 = vector.broadcast %scan3A_310 : i32 to vector<16xi32>
        %and3A_1348 = arith.andi %get3A_1309, %and3A_1347 : vector<16xi32>
        %bitcast3A_1349 = vector.bitcast %and3A_1348 : vector<16xi32> to vector<16xf32>
        %mul3A_1350 = arith.mulf %bitcast3A_1349, %mul3A_1010 : vector<16xf32>
        %add3A_1351 = arith.addf %add3A_1346, %mul3A_1350 : vector<16xf32>
        %bitcast3A_1352 = vector.bitcast %add3A_1332 : vector<16xf32> to vector<16xi32>
        %add3A_1353 = arith.constant 32768 : i32
        %add3A_1354 = vector.broadcast %add3A_1353 : i32 to vector<16xi32>
        %add3A_1355 = arith.addi %bitcast3A_1352, %add3A_1354 : vector<16xi32>
        %bitcast3A_1356 = vector.bitcast %add3A_1351 : vector<16xf32> to vector<16xi32>
        %add3A_1357 = arith.constant 32768 : i32
        %add3A_1358 = vector.broadcast %add3A_1357 : i32 to vector<16xi32>
        %add3A_1359 = arith.addi %bitcast3A_1356, %add3A_1358 : vector<16xi32>
        %shift_right_arithmetic3A_1360 = arith.constant 16 : i32
        %shift_right_arithmetic3A_1361 = vector.broadcast %shift_right_arithmetic3A_1360 : i32 to vector<16xi32>
        %shift_right_arithmetic3A_1362 = arith.shrsi %add3A_1355, %shift_right_arithmetic3A_1361 : vector<16xi32>
        %and3A_1363 = arith.constant 65535 : i32
        %and3A_1364 = vector.broadcast %and3A_1363 : i32 to vector<16xi32>
        %and3A_1365 = arith.andi %shift_right_arithmetic3A_1362, %and3A_1364 : vector<16xi32>
        %and3A_1366 = vector.broadcast %scan3A_310 : i32 to vector<16xi32>
        %and3A_1367 = arith.andi %add3A_1359, %and3A_1366 : vector<16xi32>
        %or3A_1368 = arith.ori %and3A_1365, %and3A_1367 : vector<16xi32>
        %swap3A_1369 = arith.constant 1 : i32
        %swap3A_1370 = arith.index_cast %swap3A_1369 : i32 to index
        %swap3A_1371 = arith.index_cast %scan3A_1003 : i32 to index
        %swap3A_1372 = arith.constant 48 : index
        %swap3A_1373 = tpu.vector_load %arg22[%swap3A_1370, %swap3A_1371, %swap3A_1372] {strides = array<i32>} : memref<2x32x128xi32, #tpu.memory_space<vmem>>, vector<16xi32>,
        tpu.vector_store %arg22[%swap3A_1370, %swap3A_1371, %swap3A_1372], %or3A_1368 {strides = array<i32>} : memref<2x32x128xi32, #tpu.memory_space<vmem>>, vector<16xi32>,
        %get3A_1374 = arith.constant 1 : i32
        %get3A_1375 = arith.index_cast %get3A_1374 : i32 to index
        %get3A_1376 = arith.index_cast %scan3A_1003 : i32 to index
        %get3A_1377 = arith.constant 64 : index
        %get3A_1378 = tpu.vector_load %arg21[%get3A_1375, %get3A_1376, %get3A_1377] {strides = array<i32>} : memref<2x128x128xi32, #tpu.memory_space<vmem>>, vector<16xi32>,
        %add3A_1379 = arith.constant 32 : i32
        %add3A_1380 = arith.addi %add3A_1379, %scan3A_1003 : i32
        %get3A_1381 = arith.constant 1 : i32
        %get3A_1382 = arith.index_cast %get3A_1381 : i32 to index
        %get3A_1383 = arith.index_cast %add3A_1380 : i32 to index
        %get3A_1384 = arith.constant 64 : index
        %get3A_1385 = tpu.vector_load %arg21[%get3A_1382, %get3A_1383, %get3A_1384] {strides = array<i32>} : memref<2x128x128xi32, #tpu.memory_space<vmem>>, vector<16xi32>,
        %add3A_1386 = arith.constant 64 : i32
        %add3A_1387 = arith.addi %add3A_1386, %scan3A_1003 : i32
        %get3A_1388 = arith.constant 1 : i32
        %get3A_1389 = arith.index_cast %get3A_1388 : i32 to index
        %get3A_1390 = arith.index_cast %add3A_1387 : i32 to index
        %get3A_1391 = arith.constant 64 : index
        %get3A_1392 = tpu.vector_load %arg21[%get3A_1389, %get3A_1390, %get3A_1391] {strides = array<i32>} : memref<2x128x128xi32, #tpu.memory_space<vmem>>, vector<16xi32>,
        %add3A_1393 = arith.constant 96 : i32
        %add3A_1394 = arith.addi %add3A_1393, %scan3A_1003 : i32
        %get3A_1395 = arith.constant 1 : i32
        %get3A_1396 = arith.index_cast %get3A_1395 : i32 to index
        %get3A_1397 = arith.index_cast %add3A_1394 : i32 to index
        %get3A_1398 = arith.constant 64 : index
        %get3A_1399 = tpu.vector_load %arg21[%get3A_1396, %get3A_1397, %get3A_1398] {strides = array<i32>} : memref<2x128x128xi32, #tpu.memory_space<vmem>>, vector<16xi32>,
        %shift_left3A_1400 = arith.constant 16 : i32
        %shift_left3A_1401 = vector.broadcast %shift_left3A_1400 : i32 to vector<16xi32>
        %shift_left3A_1402 = arith.shli %get3A_1378, %shift_left3A_1401 : vector<16xi32>
        %bitcast3A_1403 = vector.bitcast %shift_left3A_1402 : vector<16xi32> to vector<16xf32>
        %mul3A_1404 = arith.mulf %bitcast3A_1403, %add3A_1017 : vector<16xf32>
        %shift_left3A_1405 = arith.constant 16 : i32
        %shift_left3A_1406 = vector.broadcast %shift_left3A_1405 : i32 to vector<16xi32>
        %shift_left3A_1407 = arith.shli %get3A_1385, %shift_left3A_1406 : vector<16xi32>
        %bitcast3A_1408 = vector.bitcast %shift_left3A_1407 : vector<16xi32> to vector<16xf32>
        %mul3A_1409 = arith.mulf %bitcast3A_1408, %sub3A_1012 : vector<16xf32>
        %add3A_1410 = arith.addf %mul3A_1404, %mul3A_1409 : vector<16xf32>
        %shift_left3A_1411 = arith.constant 16 : i32
        %shift_left3A_1412 = vector.broadcast %shift_left3A_1411 : i32 to vector<16xi32>
        %shift_left3A_1413 = arith.shli %get3A_1392, %shift_left3A_1412 : vector<16xi32>
        %bitcast3A_1414 = vector.bitcast %shift_left3A_1413 : vector<16xi32> to vector<16xf32>
        %mul3A_1415 = arith.mulf %bitcast3A_1414, %sub3A_1011 : vector<16xf32>
        %add3A_1416 = arith.addf %add3A_1410, %mul3A_1415 : vector<16xf32>
        %shift_left3A_1417 = arith.constant 16 : i32
        %shift_left3A_1418 = vector.broadcast %shift_left3A_1417 : i32 to vector<16xi32>
        %shift_left3A_1419 = arith.shli %get3A_1399, %shift_left3A_1418 : vector<16xi32>
        %bitcast3A_1420 = vector.bitcast %shift_left3A_1419 : vector<16xi32> to vector<16xf32>
        %mul3A_1421 = arith.mulf %bitcast3A_1420, %mul3A_1010 : vector<16xf32>
        %add3A_1422 = arith.addf %add3A_1416, %mul3A_1421 : vector<16xf32>
        %and3A_1423 = vector.broadcast %scan3A_310 : i32 to vector<16xi32>
        %and3A_1424 = arith.andi %get3A_1378, %and3A_1423 : vector<16xi32>
        %bitcast3A_1425 = vector.bitcast %and3A_1424 : vector<16xi32> to vector<16xf32>
        %mul3A_1426 = arith.mulf %bitcast3A_1425, %add3A_1017 : vector<16xf32>
        %and3A_1427 = vector.broadcast %scan3A_310 : i32 to vector<16xi32>
        %and3A_1428 = arith.andi %get3A_1385, %and3A_1427 : vector<16xi32>
        %bitcast3A_1429 = vector.bitcast %and3A_1428 : vector<16xi32> to vector<16xf32>
        %mul3A_1430 = arith.mulf %bitcast3A_1429, %sub3A_1012 : vector<16xf32>
        %add3A_1431 = arith.addf %mul3A_1426, %mul3A_1430 : vector<16xf32>
        %and3A_1432 = vector.broadcast %scan3A_310 : i32 to vector<16xi32>
        %and3A_1433 = arith.andi %get3A_1392, %and3A_1432 : vector<16xi32>
        %bitcast3A_1434 = vector.bitcast %and3A_1433 : vector<16xi32> to vector<16xf32>
        %mul3A_1435 = arith.mulf %bitcast3A_1434, %sub3A_1011 : vector<16xf32>
        %add3A_1436 = arith.addf %add3A_1431, %mul3A_1435 : vector<16xf32>
        %and3A_1437 = vector.broadcast %scan3A_310 : i32 to vector<16xi32>
        %and3A_1438 = arith.andi %get3A_1399, %and3A_1437 : vector<16xi32>
        %bitcast3A_1439 = vector.bitcast %and3A_1438 : vector<16xi32> to vector<16xf32>
        %mul3A_1440 = arith.mulf %bitcast3A_1439, %mul3A_1010 : vector<16xf32>
        %add3A_1441 = arith.addf %add3A_1436, %mul3A_1440 : vector<16xf32>
        %bitcast3A_1442 = vector.bitcast %add3A_1422 : vector<16xf32> to vector<16xi32>
        %add3A_1443 = arith.constant 32768 : i32
        %add3A_1444 = vector.broadcast %add3A_1443 : i32 to vector<16xi32>
        %add3A_1445 = arith.addi %bitcast3A_1442, %add3A_1444 : vector<16xi32>
        %bitcast3A_1446 = vector.bitcast %add3A_1441 : vector<16xf32> to vector<16xi32>
        %add3A_1447 = arith.constant 32768 : i32
        %add3A_1448 = vector.broadcast %add3A_1447 : i32 to vector<16xi32>
        %add3A_1449 = arith.addi %bitcast3A_1446, %add3A_1448 : vector<16xi32>
        %shift_right_arithmetic3A_1450 = arith.constant 16 : i32
        %shift_right_arithmetic3A_1451 = vector.broadcast %shift_right_arithmetic3A_1450 : i32 to vector<16xi32>
        %shift_right_arithmetic3A_1452 = arith.shrsi %add3A_1445, %shift_right_arithmetic3A_1451 : vector<16xi32>
        %and3A_1453 = arith.constant 65535 : i32
        %and3A_1454 = vector.broadcast %and3A_1453 : i32 to vector<16xi32>
        %and3A_1455 = arith.andi %shift_right_arithmetic3A_1452, %and3A_1454 : vector<16xi32>
        %and3A_1456 = vector.broadcast %scan3A_310 : i32 to vector<16xi32>
        %and3A_1457 = arith.andi %add3A_1449, %and3A_1456 : vector<16xi32>
        %or3A_1458 = arith.ori %and3A_1455, %and3A_1457 : vector<16xi32>
        %swap3A_1459 = arith.constant 1 : i32
        %swap3A_1460 = arith.index_cast %swap3A_1459 : i32 to index
        %swap3A_1461 = arith.index_cast %scan3A_1003 : i32 to index
        %swap3A_1462 = arith.constant 64 : index
        %swap3A_1463 = tpu.vector_load %arg22[%swap3A_1460, %swap3A_1461, %swap3A_1462] {strides = array<i32>} : memref<2x32x128xi32, #tpu.memory_space<vmem>>, vector<16xi32>,
        tpu.vector_store %arg22[%swap3A_1460, %swap3A_1461, %swap3A_1462], %or3A_1458 {strides = array<i32>} : memref<2x32x128xi32, #tpu.memory_space<vmem>>, vector<16xi32>,
        %get3A_1464 = arith.constant 1 : i32
        %get3A_1465 = arith.index_cast %get3A_1464 : i32 to index
        %get3A_1466 = arith.index_cast %scan3A_1003 : i32 to index
        %get3A_1467 = arith.constant 80 : index
        %get3A_1468 = tpu.vector_load %arg21[%get3A_1465, %get3A_1466, %get3A_1467] {strides = array<i32>} : memref<2x128x128xi32, #tpu.memory_space<vmem>>, vector<16xi32>,
        %add3A_1469 = arith.constant 32 : i32
        %add3A_1470 = arith.addi %add3A_1469, %scan3A_1003 : i32
        %get3A_1471 = arith.constant 1 : i32
        %get3A_1472 = arith.index_cast %get3A_1471 : i32 to index
        %get3A_1473 = arith.index_cast %add3A_1470 : i32 to index
        %get3A_1474 = arith.constant 80 : index
        %get3A_1475 = tpu.vector_load %arg21[%get3A_1472, %get3A_1473, %get3A_1474] {strides = array<i32>} : memref<2x128x128xi32, #tpu.memory_space<vmem>>, vector<16xi32>,
        %add3A_1476 = arith.constant 64 : i32
        %add3A_1477 = arith.addi %add3A_1476, %scan3A_1003 : i32
        %get3A_1478 = arith.constant 1 : i32
        %get3A_1479 = arith.index_cast %get3A_1478 : i32 to index
        %get3A_1480 = arith.index_cast %add3A_1477 : i32 to index
        %get3A_1481 = arith.constant 80 : index
        %get3A_1482 = tpu.vector_load %arg21[%get3A_1479, %get3A_1480, %get3A_1481] {strides = array<i32>} : memref<2x128x128xi32, #tpu.memory_space<vmem>>, vector<16xi32>,
        %add3A_1483 = arith.constant 96 : i32
        %add3A_1484 = arith.addi %add3A_1483, %scan3A_1003 : i32
        %get3A_1485 = arith.constant 1 : i32
        %get3A_1486 = arith.index_cast %get3A_1485 : i32 to index
        %get3A_1487 = arith.index_cast %add3A_1484 : i32 to index
        %get3A_1488 = arith.constant 80 : index
        %get3A_1489 = tpu.vector_load %arg21[%get3A_1486, %get3A_1487, %get3A_1488] {strides = array<i32>} : memref<2x128x128xi32, #tpu.memory_space<vmem>>, vector<16xi32>,
        %shift_left3A_1490 = arith.constant 16 : i32
        %shift_left3A_1491 = vector.broadcast %shift_left3A_1490 : i32 to vector<16xi32>
        %shift_left3A_1492 = arith.shli %get3A_1468, %shift_left3A_1491 : vector<16xi32>
        %bitcast3A_1493 = vector.bitcast %shift_left3A_1492 : vector<16xi32> to vector<16xf32>
        %mul3A_1494 = arith.mulf %bitcast3A_1493, %add3A_1017 : vector<16xf32>
        %shift_left3A_1495 = arith.constant 16 : i32
        %shift_left3A_1496 = vector.broadcast %shift_left3A_1495 : i32 to vector<16xi32>
        %shift_left3A_1497 = arith.shli %get3A_1475, %shift_left3A_1496 : vector<16xi32>
        %bitcast3A_1498 = vector.bitcast %shift_left3A_1497 : vector<16xi32> to vector<16xf32>
        %mul3A_1499 = arith.mulf %bitcast3A_1498, %sub3A_1012 : vector<16xf32>
        %add3A_1500 = arith.addf %mul3A_1494, %mul3A_1499 : vector<16xf32>
        %shift_left3A_1501 = arith.constant 16 : i32
        %shift_left3A_1502 = vector.broadcast %shift_left3A_1501 : i32 to vector<16xi32>
        %shift_left3A_1503 = arith.shli %get3A_1482, %shift_left3A_1502 : vector<16xi32>
        %bitcast3A_1504 = vector.bitcast %shift_left3A_1503 : vector<16xi32> to vector<16xf32>
        %mul3A_1505 = arith.mulf %bitcast3A_1504, %sub3A_1011 : vector<16xf32>
        %add3A_1506 = arith.addf %add3A_1500, %mul3A_1505 : vector<16xf32>
        %shift_left3A_1507 = arith.constant 16 : i32
        %shift_left3A_1508 = vector.broadcast %shift_left3A_1507 : i32 to vector<16xi32>
        %shift_left3A_1509 = arith.shli %get3A_1489, %shift_left3A_1508 : vector<16xi32>
        %bitcast3A_1510 = vector.bitcast %shift_left3A_1509 : vector<16xi32> to vector<16xf32>
        %mul3A_1511 = arith.mulf %bitcast3A_1510, %mul3A_1010 : vector<16xf32>
        %add3A_1512 = arith.addf %add3A_1506, %mul3A_1511 : vector<16xf32>
        %and3A_1513 = vector.broadcast %scan3A_310 : i32 to vector<16xi32>
        %and3A_1514 = arith.andi %get3A_1468, %and3A_1513 : vector<16xi32>
        %bitcast3A_1515 = vector.bitcast %and3A_1514 : vector<16xi32> to vector<16xf32>
        %mul3A_1516 = arith.mulf %bitcast3A_1515, %add3A_1017 : vector<16xf32>
        %and3A_1517 = vector.broadcast %scan3A_310 : i32 to vector<16xi32>
        %and3A_1518 = arith.andi %get3A_1475, %and3A_1517 : vector<16xi32>
        %bitcast3A_1519 = vector.bitcast %and3A_1518 : vector<16xi32> to vector<16xf32>
        %mul3A_1520 = arith.mulf %bitcast3A_1519, %sub3A_1012 : vector<16xf32>
        %add3A_1521 = arith.addf %mul3A_1516, %mul3A_1520 : vector<16xf32>
        %and3A_1522 = vector.broadcast %scan3A_310 : i32 to vector<16xi32>
        %and3A_1523 = arith.andi %get3A_1482, %and3A_1522 : vector<16xi32>
        %bitcast3A_1524 = vector.bitcast %and3A_1523 : vector<16xi32> to vector<16xf32>
        %mul3A_1525 = arith.mulf %bitcast3A_1524, %sub3A_1011 : vector<16xf32>
        %add3A_1526 = arith.addf %add3A_1521, %mul3A_1525 : vector<16xf32>
        %and3A_1527 = vector.broadcast %scan3A_310 : i32 to vector<16xi32>
        %and3A_1528 = arith.andi %get3A_1489, %and3A_1527 : vector<16xi32>
        %bitcast3A_1529 = vector.bitcast %and3A_1528 : vector<16xi32> to vector<16xf32>
        %mul3A_1530 = arith.mulf %bitcast3A_1529, %mul3A_1010 : vector<16xf32>
        %add3A_1531 = arith.addf %add3A_1526, %mul3A_1530 : vector<16xf32>
        %bitcast3A_1532 = vector.bitcast %add3A_1512 : vector<16xf32> to vector<16xi32>
        %add3A_1533 = arith.constant 32768 : i32
        %add3A_1534 = vector.broadcast %add3A_1533 : i32 to vector<16xi32>
        %add3A_1535 = arith.addi %bitcast3A_1532, %add3A_1534 : vector<16xi32>
        %bitcast3A_1536 = vector.bitcast %add3A_1531 : vector<16xf32> to vector<16xi32>
        %add3A_1537 = arith.constant 32768 : i32
        %add3A_1538 = vector.broadcast %add3A_1537 : i32 to vector<16xi32>
        %add3A_1539 = arith.addi %bitcast3A_1536, %add3A_1538 : vector<16xi32>
        %shift_right_arithmetic3A_1540 = arith.constant 16 : i32
        %shift_right_arithmetic3A_1541 = vector.broadcast %shift_right_arithmetic3A_1540 : i32 to vector<16xi32>
        %shift_right_arithmetic3A_1542 = arith.shrsi %add3A_1535, %shift_right_arithmetic3A_1541 : vector<16xi32>
        %and3A_1543 = arith.constant 65535 : i32
        %and3A_1544 = vector.broadcast %and3A_1543 : i32 to vector<16xi32>
        %and3A_1545 = arith.andi %shift_right_arithmetic3A_1542, %and3A_1544 : vector<16xi32>
        %and3A_1546 = vector.broadcast %scan3A_310 : i32 to vector<16xi32>
        %and3A_1547 = arith.andi %add3A_1539, %and3A_1546 : vector<16xi32>
        %or3A_1548 = arith.ori %and3A_1545, %and3A_1547 : vector<16xi32>
        %swap3A_1549 = arith.constant 1 : i32
        %swap3A_1550 = arith.index_cast %swap3A_1549 : i32 to index
        %swap3A_1551 = arith.index_cast %scan3A_1003 : i32 to index
        %swap3A_1552 = arith.constant 80 : index
        %swap3A_1553 = tpu.vector_load %arg22[%swap3A_1550, %swap3A_1551, %swap3A_1552] {strides = array<i32>} : memref<2x32x128xi32, #tpu.memory_space<vmem>>, vector<16xi32>,
        tpu.vector_store %arg22[%swap3A_1550, %swap3A_1551, %swap3A_1552], %or3A_1548 {strides = array<i32>} : memref<2x32x128xi32, #tpu.memory_space<vmem>>, vector<16xi32>,
        %get3A_1554 = arith.constant 1 : i32
        %get3A_1555 = arith.index_cast %get3A_1554 : i32 to index
        %get3A_1556 = arith.index_cast %scan3A_1003 : i32 to index
        %get3A_1557 = arith.constant 96 : index
        %get3A_1558 = tpu.vector_load %arg21[%get3A_1555, %get3A_1556, %get3A_1557] {strides = array<i32>} : memref<2x128x128xi32, #tpu.memory_space<vmem>>, vector<16xi32>,
        %add3A_1559 = arith.constant 32 : i32
        %add3A_1560 = arith.addi %add3A_1559, %scan3A_1003 : i32
        %get3A_1561 = arith.constant 1 : i32
        %get3A_1562 = arith.index_cast %get3A_1561 : i32 to index
        %get3A_1563 = arith.index_cast %add3A_1560 : i32 to index
        %get3A_1564 = arith.constant 96 : index
        %get3A_1565 = tpu.vector_load %arg21[%get3A_1562, %get3A_1563, %get3A_1564] {strides = array<i32>} : memref<2x128x128xi32, #tpu.memory_space<vmem>>, vector<16xi32>,
        %add3A_1566 = arith.constant 64 : i32
        %add3A_1567 = arith.addi %add3A_1566, %scan3A_1003 : i32
        %get3A_1568 = arith.constant 1 : i32
        %get3A_1569 = arith.index_cast %get3A_1568 : i32 to index
        %get3A_1570 = arith.index_cast %add3A_1567 : i32 to index
        %get3A_1571 = arith.constant 96 : index
        %get3A_1572 = tpu.vector_load %arg21[%get3A_1569, %get3A_1570, %get3A_1571] {strides = array<i32>} : memref<2x128x128xi32, #tpu.memory_space<vmem>>, vector<16xi32>,
        %add3A_1573 = arith.constant 96 : i32
        %add3A_1574 = arith.addi %add3A_1573, %scan3A_1003 : i32
        %get3A_1575 = arith.constant 1 : i32
        %get3A_1576 = arith.index_cast %get3A_1575 : i32 to index
        %get3A_1577 = arith.index_cast %add3A_1574 : i32 to index
        %get3A_1578 = arith.constant 96 : index
        %get3A_1579 = tpu.vector_load %arg21[%get3A_1576, %get3A_1577, %get3A_1578] {strides = array<i32>} : memref<2x128x128xi32, #tpu.memory_space<vmem>>, vector<16xi32>,
        %shift_left3A_1580 = arith.constant 16 : i32
        %shift_left3A_1581 = vector.broadcast %shift_left3A_1580 : i32 to vector<16xi32>
        %shift_left3A_1582 = arith.shli %get3A_1558, %shift_left3A_1581 : vector<16xi32>
        %bitcast3A_1583 = vector.bitcast %shift_left3A_1582 : vector<16xi32> to vector<16xf32>
        %mul3A_1584 = arith.mulf %bitcast3A_1583, %add3A_1017 : vector<16xf32>
        %shift_left3A_1585 = arith.constant 16 : i32
        %shift_left3A_1586 = vector.broadcast %shift_left3A_1585 : i32 to vector<16xi32>
        %shift_left3A_1587 = arith.shli %get3A_1565, %shift_left3A_1586 : vector<16xi32>
        %bitcast3A_1588 = vector.bitcast %shift_left3A_1587 : vector<16xi32> to vector<16xf32>
        %mul3A_1589 = arith.mulf %bitcast3A_1588, %sub3A_1012 : vector<16xf32>
        %add3A_1590 = arith.addf %mul3A_1584, %mul3A_1589 : vector<16xf32>
        %shift_left3A_1591 = arith.constant 16 : i32
        %shift_left3A_1592 = vector.broadcast %shift_left3A_1591 : i32 to vector<16xi32>
        %shift_left3A_1593 = arith.shli %get3A_1572, %shift_left3A_1592 : vector<16xi32>
        %bitcast3A_1594 = vector.bitcast %shift_left3A_1593 : vector<16xi32> to vector<16xf32>
        %mul3A_1595 = arith.mulf %bitcast3A_1594, %sub3A_1011 : vector<16xf32>
        %add3A_1596 = arith.addf %add3A_1590, %mul3A_1595 : vector<16xf32>
        %shift_left3A_1597 = arith.constant 16 : i32
        %shift_left3A_1598 = vector.broadcast %shift_left3A_1597 : i32 to vector<16xi32>
        %shift_left3A_1599 = arith.shli %get3A_1579, %shift_left3A_1598 : vector<16xi32>
        %bitcast3A_1600 = vector.bitcast %shift_left3A_1599 : vector<16xi32> to vector<16xf32>
        %mul3A_1601 = arith.mulf %bitcast3A_1600, %mul3A_1010 : vector<16xf32>
        %add3A_1602 = arith.addf %add3A_1596, %mul3A_1601 : vector<16xf32>
        %and3A_1603 = vector.broadcast %scan3A_310 : i32 to vector<16xi32>
        %and3A_1604 = arith.andi %get3A_1558, %and3A_1603 : vector<16xi32>
        %bitcast3A_1605 = vector.bitcast %and3A_1604 : vector<16xi32> to vector<16xf32>
        %mul3A_1606 = arith.mulf %bitcast3A_1605, %add3A_1017 : vector<16xf32>
        %and3A_1607 = vector.broadcast %scan3A_310 : i32 to vector<16xi32>
        %and3A_1608 = arith.andi %get3A_1565, %and3A_1607 : vector<16xi32>
        %bitcast3A_1609 = vector.bitcast %and3A_1608 : vector<16xi32> to vector<16xf32>
        %mul3A_1610 = arith.mulf %bitcast3A_1609, %sub3A_1012 : vector<16xf32>
        %add3A_1611 = arith.addf %mul3A_1606, %mul3A_1610 : vector<16xf32>
        %and3A_1612 = vector.broadcast %scan3A_310 : i32 to vector<16xi32>
        %and3A_1613 = arith.andi %get3A_1572, %and3A_1612 : vector<16xi32>
        %bitcast3A_1614 = vector.bitcast %and3A_1613 : vector<16xi32> to vector<16xf32>
        %mul3A_1615 = arith.mulf %bitcast3A_1614, %sub3A_1011 : vector<16xf32>
        %add3A_1616 = arith.addf %add3A_1611, %mul3A_1615 : vector<16xf32>
        %and3A_1617 = vector.broadcast %scan3A_310 : i32 to vector<16xi32>
        %and3A_1618 = arith.andi %get3A_1579, %and3A_1617 : vector<16xi32>
        %bitcast3A_1619 = vector.bitcast %and3A_1618 : vector<16xi32> to vector<16xf32>
        %mul3A_1620 = arith.mulf %bitcast3A_1619, %mul3A_1010 : vector<16xf32>
        %add3A_1621 = arith.addf %add3A_1616, %mul3A_1620 : vector<16xf32>
        %bitcast3A_1622 = vector.bitcast %add3A_1602 : vector<16xf32> to vector<16xi32>
        %add3A_1623 = arith.constant 32768 : i32
        %add3A_1624 = vector.broadcast %add3A_1623 : i32 to vector<16xi32>
        %add3A_1625 = arith.addi %bitcast3A_1622, %add3A_1624 : vector<16xi32>
        %bitcast3A_1626 = vector.bitcast %add3A_1621 : vector<16xf32> to vector<16xi32>
        %add3A_1627 = arith.constant 32768 : i32
        %add3A_1628 = vector.broadcast %add3A_1627 : i32 to vector<16xi32>
        %add3A_1629 = arith.addi %bitcast3A_1626, %add3A_1628 : vector<16xi32>
        %shift_right_arithmetic3A_1630 = arith.constant 16 : i32
        %shift_right_arithmetic3A_1631 = vector.broadcast %shift_right_arithmetic3A_1630 : i32 to vector<16xi32>
        %shift_right_arithmetic3A_1632 = arith.shrsi %add3A_1625, %shift_right_arithmetic3A_1631 : vector<16xi32>
        %and3A_1633 = arith.constant 65535 : i32
        %and3A_1634 = vector.broadcast %and3A_1633 : i32 to vector<16xi32>
        %and3A_1635 = arith.andi %shift_right_arithmetic3A_1632, %and3A_1634 : vector<16xi32>
        %and3A_1636 = vector.broadcast %scan3A_310 : i32 to vector<16xi32>
        %and3A_1637 = arith.andi %add3A_1629, %and3A_1636 : vector<16xi32>
        %or3A_1638 = arith.ori %and3A_1635, %and3A_1637 : vector<16xi32>
        %swap3A_1639 = arith.constant 1 : i32
        %swap3A_1640 = arith.index_cast %swap3A_1639 : i32 to index
        %swap3A_1641 = arith.index_cast %scan3A_1003 : i32 to index
        %swap3A_1642 = arith.constant 96 : index
        %swap3A_1643 = tpu.vector_load %arg22[%swap3A_1640, %swap3A_1641, %swap3A_1642] {strides = array<i32>} : memref<2x32x128xi32, #tpu.memory_space<vmem>>, vector<16xi32>,
        tpu.vector_store %arg22[%swap3A_1640, %swap3A_1641, %swap3A_1642], %or3A_1638 {strides = array<i32>} : memref<2x32x128xi32, #tpu.memory_space<vmem>>, vector<16xi32>,
        %get3A_1644 = arith.constant 1 : i32
        %get3A_1645 = arith.index_cast %get3A_1644 : i32 to index
        %get3A_1646 = arith.index_cast %scan3A_1003 : i32 to index
        %get3A_1647 = arith.constant 112 : index
        %get3A_1648 = tpu.vector_load %arg21[%get3A_1645, %get3A_1646, %get3A_1647] {strides = array<i32>} : memref<2x128x128xi32, #tpu.memory_space<vmem>>, vector<16xi32>,
        %add3A_1649 = arith.constant 32 : i32
        %add3A_1650 = arith.addi %add3A_1649, %scan3A_1003 : i32
        %get3A_1651 = arith.constant 1 : i32
        %get3A_1652 = arith.index_cast %get3A_1651 : i32 to index
        %get3A_1653 = arith.index_cast %add3A_1650 : i32 to index
        %get3A_1654 = arith.constant 112 : index
        %get3A_1655 = tpu.vector_load %arg21[%get3A_1652, %get3A_1653, %get3A_1654] {strides = array<i32>} : memref<2x128x128xi32, #tpu.memory_space<vmem>>, vector<16xi32>,
        %add3A_1656 = arith.constant 64 : i32
        %add3A_1657 = arith.addi %add3A_1656, %scan3A_1003 : i32
        %get3A_1658 = arith.constant 1 : i32
        %get3A_1659 = arith.index_cast %get3A_1658 : i32 to index
        %get3A_1660 = arith.index_cast %add3A_1657 : i32 to index
        %get3A_1661 = arith.constant 112 : index
        %get3A_1662 = tpu.vector_load %arg21[%get3A_1659, %get3A_1660, %get3A_1661] {strides = array<i32>} : memref<2x128x128xi32, #tpu.memory_space<vmem>>, vector<16xi32>,
        %add3A_1663 = arith.constant 96 : i32
        %add3A_1664 = arith.addi %add3A_1663, %scan3A_1003 : i32
        %get3A_1665 = arith.constant 1 : i32
        %get3A_1666 = arith.index_cast %get3A_1665 : i32 to index
        %get3A_1667 = arith.index_cast %add3A_1664 : i32 to index
        %get3A_1668 = arith.constant 112 : index
        %get3A_1669 = tpu.vector_load %arg21[%get3A_1666, %get3A_1667, %get3A_1668] {strides = array<i32>} : memref<2x128x128xi32, #tpu.memory_space<vmem>>, vector<16xi32>,
        %shift_left3A_1670 = arith.constant 16 : i32
        %shift_left3A_1671 = vector.broadcast %shift_left3A_1670 : i32 to vector<16xi32>
        %shift_left3A_1672 = arith.shli %get3A_1648, %shift_left3A_1671 : vector<16xi32>
        %bitcast3A_1673 = vector.bitcast %shift_left3A_1672 : vector<16xi32> to vector<16xf32>
        %mul3A_1674 = arith.mulf %bitcast3A_1673, %add3A_1017 : vector<16xf32>
        %shift_left3A_1675 = arith.constant 16 : i32
        %shift_left3A_1676 = vector.broadcast %shift_left3A_1675 : i32 to vector<16xi32>
        %shift_left3A_1677 = arith.shli %get3A_1655, %shift_left3A_1676 : vector<16xi32>
        %bitcast3A_1678 = vector.bitcast %shift_left3A_1677 : vector<16xi32> to vector<16xf32>
        %mul3A_1679 = arith.mulf %bitcast3A_1678, %sub3A_1012 : vector<16xf32>
        %add3A_1680 = arith.addf %mul3A_1674, %mul3A_1679 : vector<16xf32>
        %shift_left3A_1681 = arith.constant 16 : i32
        %shift_left3A_1682 = vector.broadcast %shift_left3A_1681 : i32 to vector<16xi32>
        %shift_left3A_1683 = arith.shli %get3A_1662, %shift_left3A_1682 : vector<16xi32>
        %bitcast3A_1684 = vector.bitcast %shift_left3A_1683 : vector<16xi32> to vector<16xf32>
        %mul3A_1685 = arith.mulf %bitcast3A_1684, %sub3A_1011 : vector<16xf32>
        %add3A_1686 = arith.addf %add3A_1680, %mul3A_1685 : vector<16xf32>
        %shift_left3A_1687 = arith.constant 16 : i32
        %shift_left3A_1688 = vector.broadcast %shift_left3A_1687 : i32 to vector<16xi32>
        %shift_left3A_1689 = arith.shli %get3A_1669, %shift_left3A_1688 : vector<16xi32>
        %bitcast3A_1690 = vector.bitcast %shift_left3A_1689 : vector<16xi32> to vector<16xf32>
        %mul3A_1691 = arith.mulf %bitcast3A_1690, %mul3A_1010 : vector<16xf32>
        %add3A_1692 = arith.addf %add3A_1686, %mul3A_1691 : vector<16xf32>
        %and3A_1693 = vector.broadcast %scan3A_310 : i32 to vector<16xi32>
        %and3A_1694 = arith.andi %get3A_1648, %and3A_1693 : vector<16xi32>
        %bitcast3A_1695 = vector.bitcast %and3A_1694 : vector<16xi32> to vector<16xf32>
        %mul3A_1696 = arith.mulf %bitcast3A_1695, %add3A_1017 : vector<16xf32>
        %and3A_1697 = vector.broadcast %scan3A_310 : i32 to vector<16xi32>
        %and3A_1698 = arith.andi %get3A_1655, %and3A_1697 : vector<16xi32>
        %bitcast3A_1699 = vector.bitcast %and3A_1698 : vector<16xi32> to vector<16xf32>
        %mul3A_1700 = arith.mulf %bitcast3A_1699, %sub3A_1012 : vector<16xf32>
        %add3A_1701 = arith.addf %mul3A_1696, %mul3A_1700 : vector<16xf32>
        %and3A_1702 = vector.broadcast %scan3A_310 : i32 to vector<16xi32>
        %and3A_1703 = arith.andi %get3A_1662, %and3A_1702 : vector<16xi32>
        %bitcast3A_1704 = vector.bitcast %and3A_1703 : vector<16xi32> to vector<16xf32>
        %mul3A_1705 = arith.mulf %bitcast3A_1704, %sub3A_1011 : vector<16xf32>
        %add3A_1706 = arith.addf %add3A_1701, %mul3A_1705 : vector<16xf32>
        %and3A_1707 = vector.broadcast %scan3A_310 : i32 to vector<16xi32>
        %and3A_1708 = arith.andi %get3A_1669, %and3A_1707 : vector<16xi32>
        %bitcast3A_1709 = vector.bitcast %and3A_1708 : vector<16xi32> to vector<16xf32>
        %mul3A_1710 = arith.mulf %bitcast3A_1709, %mul3A_1010 : vector<16xf32>
        %add3A_1711 = arith.addf %add3A_1706, %mul3A_1710 : vector<16xf32>
        %bitcast3A_1712 = vector.bitcast %add3A_1692 : vector<16xf32> to vector<16xi32>
        %add3A_1713 = arith.constant 32768 : i32
        %add3A_1714 = vector.broadcast %add3A_1713 : i32 to vector<16xi32>
        %add3A_1715 = arith.addi %bitcast3A_1712, %add3A_1714 : vector<16xi32>
        %bitcast3A_1716 = vector.bitcast %add3A_1711 : vector<16xf32> to vector<16xi32>
        %add3A_1717 = arith.constant 32768 : i32
        %add3A_1718 = vector.broadcast %add3A_1717 : i32 to vector<16xi32>
        %add3A_1719 = arith.addi %bitcast3A_1716, %add3A_1718 : vector<16xi32>
        %shift_right_arithmetic3A_1720 = arith.constant 16 : i32
        %shift_right_arithmetic3A_1721 = vector.broadcast %shift_right_arithmetic3A_1720 : i32 to vector<16xi32>
        %shift_right_arithmetic3A_1722 = arith.shrsi %add3A_1715, %shift_right_arithmetic3A_1721 : vector<16xi32>
        %and3A_1723 = arith.constant 65535 : i32
        %and3A_1724 = vector.broadcast %and3A_1723 : i32 to vector<16xi32>
        %and3A_1725 = arith.andi %shift_right_arithmetic3A_1722, %and3A_1724 : vector<16xi32>
        %and3A_1726 = vector.broadcast %scan3A_310 : i32 to vector<16xi32>
        %and3A_1727 = arith.andi %add3A_1719, %and3A_1726 : vector<16xi32>
        %or3A_1728 = arith.ori %and3A_1725, %and3A_1727 : vector<16xi32>
        %swap3A_1729 = arith.constant 1 : i32
        %swap3A_1730 = arith.index_cast %swap3A_1729 : i32 to index
        %swap3A_1731 = arith.index_cast %scan3A_1003 : i32 to index
        %swap3A_1732 = arith.constant 112 : index
        %swap3A_1733 = tpu.vector_load %arg22[%swap3A_1730, %swap3A_1731, %swap3A_1732] {strides = array<i32>} : memref<2x32x128xi32, #tpu.memory_space<vmem>>, vector<16xi32>,
        tpu.vector_store %arg22[%swap3A_1730, %swap3A_1731, %swap3A_1732], %or3A_1728 {strides = array<i32>} : memref<2x32x128xi32, #tpu.memory_space<vmem>>, vector<16xi32>,
        %scan3A_1734 = arith.constant 0 : i32
        scf.yield %scan3A_1734 : i32
      }
      %scan3A_984 = arith.constant 32 : i32
      %mul3A_985 = arith.constant 1792 : i32
      %mul3A_986 = arith.muli %add3A, %mul3A_985 : i32
      %mul3A_987 = arith.constant 32 : i32
      %mul3A_988 = arith.muli %add3A_960, %mul3A_987 : i32
      %add3A_989 = arith.addi %mul3A_986, %mul3A_988 : i32
      %dma_start3A_990 = arith.constant 1 : i32
      %dma_start3A_991 = arith.constant 0 : i32
      %dma_start3A_992 = arith.constant 0 : i32
      %dma_start3A_993 = tpu.memref_slice %arg22[%dma_start3A_990, %dma_start3A_991, %dma_start3A_992] : memref<2x32x128xi32, #tpu.memory_space<vmem>> -> memref<1x32x128xi32, #tpu.memory_space<vmem>>
      %dma_start3A_994 = tpu.memref_squeeze %dma_start3A_993 : memref<1x32x128xi32, #tpu.memory_space<vmem>> -> memref<32x128xi32, #tpu.memory_space<vmem>>
      %dma_start3A_995 = arith.constant 0 : i32
      %dma_start3A_996 = tpu.memref_slice %arg7[%add3A_989, %dma_start3A_995] : memref<57344x128xi32, #tpu.memory_space<hbm>> -> memref<32x128xi32, #tpu.memory_space<hbm>>
      %dma_start3A_997 = arith.constant 0 : i32
      %dma_start3A_998 = tpu.memref_slice %arg7[%add3A_989, %dma_start3A_997] : memref<57344x128xi32, #tpu.memory_space<hbm>> -> memref<32x128xi32, #tpu.memory_space<hbm>>
      %dma_start3A_999 = arith.constant 0 : i32
      %dma_start3A_1000 = arith.constant 0 : i32
      %dma_start3A_1001 = tpu.memref_slice %arg22[%dma_start3A_990, %dma_start3A_999, %dma_start3A_1000] : memref<2x32x128xi32, #tpu.memory_space<vmem>> -> memref<1x32x128xi32, #tpu.memory_space<vmem>>
      %dma_start3A_1002 = tpu.memref_squeeze %dma_start3A_1001 : memref<1x32x128xi32, #tpu.memory_space<vmem>> -> memref<32x128xi32, #tpu.memory_space<vmem>>
      tpu.enqueue_dma source(%dma_start3A_1002 : memref<32x128xi32, #tpu.memory_space<vmem>>) target(%dma_start3A_998 : memref<32x128xi32, #tpu.memory_space<hbm>>) target_semaphore(%arg26 : memref<!tpu.dma_semaphore, #tpu.memory_space<semaphore_mem>>)
    }
    %scan3A_315 = arith.constant 27 : i32
    %get3A_316 = arith.constant 1760 : index
    %get3A_317 = tpu.vector_load %arg9[%get3A_316] {strides = array<i32>} : memref<1792xi32, #tpu.memory_space<vmem>>, vector<16xi32>,
    %get3A_318 = arith.constant 1760 : index
    %get3A_319 = tpu.vector_load %arg10[%get3A_318] {strides = array<i32>} : memref<1792xf32, #tpu.memory_space<vmem>>, vector<16xf32>,
    %get3A_320 = arith.constant 1760 : index
    %get3A_321 = tpu.vector_load %arg11[%get3A_320] {strides = array<i32>} : memref<1792xf32, #tpu.memory_space<vmem>>, vector<16xf32>,
    %gather3A_322 = tpu.vector_load_idx %arg12[%get3A_317] : memref<32xf32, #tpu.memory_space<vmem>>[vector<16xi32>], vector<16xf32>,
    %gather3A_323 = tpu.vector_load_idx %arg13[%get3A_317] : memref<32xf32, #tpu.memory_space<vmem>>[vector<16xi32>], vector<16xf32>,
    %gather3A_324 = tpu.vector_load_idx %arg14[%get3A_317] : memref<32xf32, #tpu.memory_space<vmem>>[vector<16xi32>], vector<16xf32>,
    %gather3A_325 = tpu.vector_load_idx %arg15[%get3A_317] : memref<32xf32, #tpu.memory_space<vmem>>[vector<16xi32>], vector<16xf32>,
    %gather3A_326 = tpu.vector_load_idx %arg16[%get3A_317] : memref<32xi32, #tpu.memory_space<vmem>>[vector<16xi32>], vector<16xi32>,
    %gather3A_327 = tpu.vector_load_idx %arg17[%get3A_317] : memref<32xi32, #tpu.memory_space<vmem>>[vector<16xi32>], vector<16xi32>,
    %mul3A_328 = arith.mulf %get3A_319, %gather3A_323 : vector<16xf32>
    %add3A_329 = arith.addf %gather3A_322, %mul3A_328 : vector<16xf32>
    %convert_element_type3A_330 = arith.fptosi %add3A_329 : vector<16xf32> to vector<16xi32>
    %min3A_331 = arith.minsi %convert_element_type3A_330, %gather3A_327 : vector<16xi32>
    %convert_element_type3A_332 = arith.sitofp %min3A_331 : vector<16xi32> to vector<16xf32>
    %sub3A_333 = arith.subf %add3A_329, %convert_element_type3A_332 : vector<16xf32>
    %add3A_334 = arith.constant 1 : i32
    %add3A_335 = vector.broadcast %add3A_334 : i32 to vector<16xi32>
    %add3A_336 = arith.addi %min3A_331, %add3A_335 : vector<16xi32>
    %min3A_337 = arith.minsi %add3A_336, %gather3A_327 : vector<16xi32>
    %mul3A_338 = arith.mulf %get3A_321, %gather3A_325 : vector<16xf32>
    %add3A_339 = arith.addf %gather3A_324, %mul3A_338 : vector<16xf32>
    %convert_element_type3A_340 = arith.fptosi %add3A_339 : vector<16xf32> to vector<16xi32>
    %min3A_341 = arith.minsi %convert_element_type3A_340, %gather3A_327 : vector<16xi32>
    %convert_element_type3A_342 = arith.sitofp %min3A_341 : vector<16xi32> to vector<16xf32>
    %sub3A_343 = arith.subf %add3A_339, %convert_element_type3A_342 : vector<16xf32>
    %add3A_344 = arith.constant 1 : i32
    %add3A_345 = vector.broadcast %add3A_344 : i32 to vector<16xi32>
    %add3A_346 = arith.addi %min3A_341, %add3A_345 : vector<16xi32>
    %min3A_347 = arith.minsi %add3A_346, %gather3A_327 : vector<16xi32>
    %add3A_348 = arith.constant 1 : i32
    %add3A_349 = vector.broadcast %add3A_348 : i32 to vector<16xi32>
    %add3A_350 = arith.addi %gather3A_327, %add3A_349 : vector<16xi32>
    %mul3A_351 = arith.muli %min3A_331, %add3A_350 : vector<16xi32>
    %add3A_352 = arith.addi %gather3A_326, %mul3A_351 : vector<16xi32>
    %mul3A_353 = arith.muli %min3A_337, %add3A_350 : vector<16xi32>
    %add3A_354 = arith.addi %gather3A_326, %mul3A_353 : vector<16xi32>
    %add3A_355 = arith.addi %add3A_352, %min3A_341 : vector<16xi32>
    %swap3A_356 = arith.constant 1 : i32
    %swap3A_357 = arith.index_cast %swap3A_356 : i32 to index
    %swap3A_358 = arith.constant 0 : index
    %swap3A_359 = tpu.vector_load %arg18[%swap3A_357, %swap3A_358] {strides = array<i32>} : memref<2x128xi32, #tpu.memory_space<vmem>>, vector<16xi32>,
    tpu.vector_store %arg18[%swap3A_357, %swap3A_358], %add3A_355 {strides = array<i32>} : memref<2x128xi32, #tpu.memory_space<vmem>>, vector<16xi32>,
    %add3A_360 = arith.addi %add3A_352, %min3A_347 : vector<16xi32>
    %swap3A_361 = arith.constant 1 : i32
    %swap3A_362 = arith.index_cast %swap3A_361 : i32 to index
    %swap3A_363 = arith.constant 32 : index
    %swap3A_364 = tpu.vector_load %arg18[%swap3A_362, %swap3A_363] {strides = array<i32>} : memref<2x128xi32, #tpu.memory_space<vmem>>, vector<16xi32>,
    tpu.vector_store %arg18[%swap3A_362, %swap3A_363], %add3A_360 {strides = array<i32>} : memref<2x128xi32, #tpu.memory_space<vmem>>, vector<16xi32>,
    %add3A_365 = arith.addi %add3A_354, %min3A_341 : vector<16xi32>
    %swap3A_366 = arith.constant 1 : i32
    %swap3A_367 = arith.index_cast %swap3A_366 : i32 to index
    %swap3A_368 = arith.constant 64 : index
    %swap3A_369 = tpu.vector_load %arg18[%swap3A_367, %swap3A_368] {strides = array<i32>} : memref<2x128xi32, #tpu.memory_space<vmem>>, vector<16xi32>,
    tpu.vector_store %arg18[%swap3A_367, %swap3A_368], %add3A_365 {strides = array<i32>} : memref<2x128xi32, #tpu.memory_space<vmem>>, vector<16xi32>,
    %add3A_370 = arith.addi %add3A_354, %min3A_347 : vector<16xi32>
    %swap3A_371 = arith.constant 1 : i32
    %swap3A_372 = arith.index_cast %swap3A_371 : i32 to index
    %swap3A_373 = arith.constant 96 : index
    %swap3A_374 = tpu.vector_load %arg18[%swap3A_372, %swap3A_373] {strides = array<i32>} : memref<2x128xi32, #tpu.memory_space<vmem>>, vector<16xi32>,
    tpu.vector_store %arg18[%swap3A_372, %swap3A_373], %add3A_370 {strides = array<i32>} : memref<2x128xi32, #tpu.memory_space<vmem>>, vector<16xi32>,
    %swap3A_375 = arith.constant 1 : i32
    %swap3A_376 = arith.index_cast %swap3A_375 : i32 to index
    %swap3A_377 = arith.constant 0 : index
    %swap3A_378 = tpu.vector_load %arg19[%swap3A_376, %swap3A_377] {strides = array<i32>} : memref<2x32xf32, #tpu.memory_space<vmem>>, vector<16xf32>,
    tpu.vector_store %arg19[%swap3A_376, %swap3A_377], %sub3A_333 {strides = array<i32>} : memref<2x32xf32, #tpu.memory_space<vmem>>, vector<16xf32>,
    %swap3A_379 = arith.constant 1 : i32
    %swap3A_380 = arith.index_cast %swap3A_379 : i32 to index
    %swap3A_381 = arith.constant 0 : index
    %swap3A_382 = tpu.vector_load %arg20[%swap3A_380, %swap3A_381] {strides = array<i32>} : memref<2x32xf32, #tpu.memory_space<vmem>>, vector<16xf32>,
    tpu.vector_store %arg20[%swap3A_380, %swap3A_381], %sub3A_343 {strides = array<i32>} : memref<2x32xf32, #tpu.memory_space<vmem>>, vector<16xf32>,
    %get3A_383 = arith.constant 1776 : index
    %get3A_384 = tpu.vector_load %arg9[%get3A_383] {strides = array<i32>} : memref<1792xi32, #tpu.memory_space<vmem>>, vector<16xi32>,
    %get3A_385 = arith.constant 1776 : index
    %get3A_386 = tpu.vector_load %arg10[%get3A_385] {strides = array<i32>} : memref<1792xf32, #tpu.memory_space<vmem>>, vector<16xf32>,
    %get3A_387 = arith.constant 1776 : index
    %get3A_388 = tpu.vector_load %arg11[%get3A_387] {strides = array<i32>} : memref<1792xf32, #tpu.memory_space<vmem>>, vector<16xf32>,
    %gather3A_389 = tpu.vector_load_idx %arg12[%get3A_384] : memref<32xf32, #tpu.memory_space<vmem>>[vector<16xi32>], vector<16xf32>,
    %gather3A_390 = tpu.vector_load_idx %arg13[%get3A_384] : memref<32xf32, #tpu.memory_space<vmem>>[vector<16xi32>], vector<16xf32>,
    %gather3A_391 = tpu.vector_load_idx %arg14[%get3A_384] : memref<32xf32, #tpu.memory_space<vmem>>[vector<16xi32>], vector<16xf32>,
    %gather3A_392 = tpu.vector_load_idx %arg15[%get3A_384] : memref<32xf32, #tpu.memory_space<vmem>>[vector<16xi32>], vector<16xf32>,
    %gather3A_393 = tpu.vector_load_idx %arg16[%get3A_384] : memref<32xi32, #tpu.memory_space<vmem>>[vector<16xi32>], vector<16xi32>,
    %gather3A_394 = tpu.vector_load_idx %arg17[%get3A_384] : memref<32xi32, #tpu.memory_space<vmem>>[vector<16xi32>], vector<16xi32>,
    %mul3A_395 = arith.mulf %get3A_386, %gather3A_390 : vector<16xf32>
    %add3A_396 = arith.addf %gather3A_389, %mul3A_395 : vector<16xf32>
    %convert_element_type3A_397 = arith.fptosi %add3A_396 : vector<16xf32> to vector<16xi32>
    %min3A_398 = arith.minsi %convert_element_type3A_397, %gather3A_394 : vector<16xi32>
    %convert_element_type3A_399 = arith.sitofp %min3A_398 : vector<16xi32> to vector<16xf32>
    %sub3A_400 = arith.subf %add3A_396, %convert_element_type3A_399 : vector<16xf32>
    %add3A_401 = arith.constant 1 : i32
    %add3A_402 = vector.broadcast %add3A_401 : i32 to vector<16xi32>
    %add3A_403 = arith.addi %min3A_398, %add3A_402 : vector<16xi32>
    %min3A_404 = arith.minsi %add3A_403, %gather3A_394 : vector<16xi32>
    %mul3A_405 = arith.mulf %get3A_388, %gather3A_392 : vector<16xf32>
    %add3A_406 = arith.addf %gather3A_391, %mul3A_405 : vector<16xf32>
    %convert_element_type3A_407 = arith.fptosi %add3A_406 : vector<16xf32> to vector<16xi32>
    %min3A_408 = arith.minsi %convert_element_type3A_407, %gather3A_394 : vector<16xi32>
    %convert_element_type3A_409 = arith.sitofp %min3A_408 : vector<16xi32> to vector<16xf32>
    %sub3A_410 = arith.subf %add3A_406, %convert_element_type3A_409 : vector<16xf32>
    %add3A_411 = arith.constant 1 : i32
    %add3A_412 = vector.broadcast %add3A_411 : i32 to vector<16xi32>
    %add3A_413 = arith.addi %min3A_408, %add3A_412 : vector<16xi32>
    %min3A_414 = arith.minsi %add3A_413, %gather3A_394 : vector<16xi32>
    %add3A_415 = arith.constant 1 : i32
    %add3A_416 = vector.broadcast %add3A_415 : i32 to vector<16xi32>
    %add3A_417 = arith.addi %gather3A_394, %add3A_416 : vector<16xi32>
    %mul3A_418 = arith.muli %min3A_398, %add3A_417 : vector<16xi32>
    %add3A_419 = arith.addi %gather3A_393, %mul3A_418 : vector<16xi32>
    %mul3A_420 = arith.muli %min3A_404, %add3A_417 : vector<16xi32>
    %add3A_421 = arith.addi %gather3A_393, %mul3A_420 : vector<16xi32>
    %add3A_422 = arith.addi %add3A_419, %min3A_408 : vector<16xi32>
    %swap3A_423 = arith.constant 1 : i32
    %swap3A_424 = arith.index_cast %swap3A_423 : i32 to index
    %swap3A_425 = arith.constant 16 : index
    %swap3A_426 = tpu.vector_load %arg18[%swap3A_424, %swap3A_425] {strides = array<i32>} : memref<2x128xi32, #tpu.memory_space<vmem>>, vector<16xi32>,
    tpu.vector_store %arg18[%swap3A_424, %swap3A_425], %add3A_422 {strides = array<i32>} : memref<2x128xi32, #tpu.memory_space<vmem>>, vector<16xi32>,
    %add3A_427 = arith.addi %add3A_419, %min3A_414 : vector<16xi32>
    %swap3A_428 = arith.constant 1 : i32
    %swap3A_429 = arith.index_cast %swap3A_428 : i32 to index
    %swap3A_430 = arith.constant 48 : index
    %swap3A_431 = tpu.vector_load %arg18[%swap3A_429, %swap3A_430] {strides = array<i32>} : memref<2x128xi32, #tpu.memory_space<vmem>>, vector<16xi32>,
    tpu.vector_store %arg18[%swap3A_429, %swap3A_430], %add3A_427 {strides = array<i32>} : memref<2x128xi32, #tpu.memory_space<vmem>>, vector<16xi32>,
    %add3A_432 = arith.addi %add3A_421, %min3A_408 : vector<16xi32>
    %swap3A_433 = arith.constant 1 : i32
    %swap3A_434 = arith.index_cast %swap3A_433 : i32 to index
    %swap3A_435 = arith.constant 80 : index
    %swap3A_436 = tpu.vector_load %arg18[%swap3A_434, %swap3A_435] {strides = array<i32>} : memref<2x128xi32, #tpu.memory_space<vmem>>, vector<16xi32>,
    tpu.vector_store %arg18[%swap3A_434, %swap3A_435], %add3A_432 {strides = array<i32>} : memref<2x128xi32, #tpu.memory_space<vmem>>, vector<16xi32>,
    %add3A_437 = arith.addi %add3A_421, %min3A_414 : vector<16xi32>
    %swap3A_438 = arith.constant 1 : i32
    %swap3A_439 = arith.index_cast %swap3A_438 : i32 to index
    %swap3A_440 = arith.constant 112 : index
    %swap3A_441 = tpu.vector_load %arg18[%swap3A_439, %swap3A_440] {strides = array<i32>} : memref<2x128xi32, #tpu.memory_space<vmem>>, vector<16xi32>,
    tpu.vector_store %arg18[%swap3A_439, %swap3A_440], %add3A_437 {strides = array<i32>} : memref<2x128xi32, #tpu.memory_space<vmem>>, vector<16xi32>,
    %swap3A_442 = arith.constant 1 : i32
    %swap3A_443 = arith.index_cast %swap3A_442 : i32 to index
    %swap3A_444 = arith.constant 16 : index
    %swap3A_445 = tpu.vector_load %arg19[%swap3A_443, %swap3A_444] {strides = array<i32>} : memref<2x32xf32, #tpu.memory_space<vmem>>, vector<16xf32>,
    tpu.vector_store %arg19[%swap3A_443, %swap3A_444], %sub3A_400 {strides = array<i32>} : memref<2x32xf32, #tpu.memory_space<vmem>>, vector<16xf32>,
    %swap3A_446 = arith.constant 1 : i32
    %swap3A_447 = arith.index_cast %swap3A_446 : i32 to index
    %swap3A_448 = arith.constant 16 : index
    %swap3A_449 = tpu.vector_load %arg20[%swap3A_447, %swap3A_448] {strides = array<i32>} : memref<2x32xf32, #tpu.memory_space<vmem>>, vector<16xf32>,
    tpu.vector_store %arg20[%swap3A_447, %swap3A_448], %sub3A_410 {strides = array<i32>} : memref<2x32xf32, #tpu.memory_space<vmem>>, vector<16xf32>,
    %dma_start3A_450 = arith.constant 1 : i32
    %dma_start3A_451 = arith.constant 1 : i32
    %dma_start3A_452 = arith.constant 0 : i32
    %dma_start3A_453 = arith.constant 0 : i32
    %dma_start3A_454 = tpu.memref_slice %arg21[%dma_start3A_451, %dma_start3A_452, %dma_start3A_453] : memref<2x128x128xi32, #tpu.memory_space<vmem>> -> memref<1x128x128xi32, #tpu.memory_space<vmem>>
    %dma_start3A_455 = tpu.memref_squeeze %dma_start3A_454 : memref<1x128x128xi32, #tpu.memory_space<vmem>> -> memref<128x128xi32, #tpu.memory_space<vmem>>
    %dma_start3A_456 = arith.constant 0 : i32
    %dma_start3A_457 = tpu.memref_slice %arg18[%dma_start3A_450, %dma_start3A_456] : memref<2x128xi32, #tpu.memory_space<vmem>> -> memref<1x128xi32, #tpu.memory_space<vmem>>
    %dma_start3A_458 = tpu.memref_squeeze %dma_start3A_457 : memref<1x128xi32, #tpu.memory_space<vmem>> -> memref<128xi32, #tpu.memory_space<vmem>>
    %dma_start3A_459 = arith.constant 0 : i32
    %dma_start3A_460 = arith.constant 0 : i32
    %dma_start3A_461 = tpu.memref_slice %arg2[%dma_start3A_459, %dma_start3A_460] : memref<5440x128xi32, #tpu.memory_space<hbm>> -> memref<5440x128xi32, #tpu.memory_space<hbm>>
    tpu.enqueue_indirect_dma source(%dma_start3A_461 : memref<5440x128xi32, #tpu.memory_space<hbm>>) target(%dma_start3A_455 : memref<128x128xi32, #tpu.memory_space<vmem>>) offsets(%dma_start3A_458 : memref<128xi32, #tpu.memory_space<vmem>>) semaphore(%arg24 : memref<!tpu.dma_semaphore, #tpu.memory_space<semaphore_mem>>)
    %dma_wait3A = arith.constant 0 : i32
    %dma_wait3A_462 = arith.constant 0 : i32
    %dma_wait3A_463 = arith.constant 0 : i32
    %dma_wait3A_464 = arith.constant 0 : i32
    %dma_wait3A_465 = tpu.memref_slice %arg21[%dma_wait3A_462, %dma_wait3A_463, %dma_wait3A_464] : memref<2x128x128xi32, #tpu.memory_space<vmem>> -> memref<1x128x128xi32, #tpu.memory_space<vmem>>
    %dma_wait3A_466 = tpu.memref_squeeze %dma_wait3A_465 : memref<1x128x128xi32, #tpu.memory_space<vmem>> -> memref<128x128xi32, #tpu.memory_space<vmem>>
    %dma_wait3A_467 = arith.constant 0 : i32
    %dma_wait3A_468 = tpu.memref_slice %arg18[%dma_wait3A, %dma_wait3A_467] : memref<2x128xi32, #tpu.memory_space<vmem>> -> memref<1x128xi32, #tpu.memory_space<vmem>>
    %dma_wait3A_469 = tpu.memref_squeeze %dma_wait3A_468 : memref<1x128xi32, #tpu.memory_space<vmem>> -> memref<128xi32, #tpu.memory_space<vmem>>
    %dma_wait3A_470 = arith.constant 0 : i32
    %dma_wait3A_471 = arith.constant 0 : i32
    %dma_wait3A_472 = tpu.memref_slice %arg2[%dma_wait3A_470, %dma_wait3A_471] : memref<5440x128xi32, #tpu.memory_space<hbm>> -> memref<5440x128xi32, #tpu.memory_space<hbm>>
    tpu.wait_indirect_dma semaphore(%arg23 : memref<!tpu.dma_semaphore, #tpu.memory_space<semaphore_mem>>) src(%dma_wait3A_472 : memref<5440x128xi32, #tpu.memory_space<hbm>>) dst(%dma_wait3A_466 : memref<128x128xi32, #tpu.memory_space<vmem>>)
    %mul3A_473 = arith.constant 1792 : i32
    %mul3A_474 = arith.muli %add3A, %mul3A_473 : i32
    %add3A_475 = arith.constant 1664 : i32
    %add3A_476 = arith.addi %mul3A_474, %add3A_475 : i32
    %dma_wait3A_477 = arith.constant 0 : i32
    %dma_wait3A_478 = arith.constant 0 : i32
    %dma_wait3A_479 = arith.constant 0 : i32
    %dma_wait3A_480 = tpu.memref_slice %arg22[%dma_wait3A_477, %dma_wait3A_478, %dma_wait3A_479] : memref<2x32x128xi32, #tpu.memory_space<vmem>> -> memref<1x32x128xi32, #tpu.memory_space<vmem>>
    %dma_wait3A_481 = tpu.memref_squeeze %dma_wait3A_480 : memref<1x32x128xi32, #tpu.memory_space<vmem>> -> memref<32x128xi32, #tpu.memory_space<vmem>>
    %dma_wait3A_482 = arith.constant 0 : i32
    %dma_wait3A_483 = tpu.memref_slice %arg7[%add3A_476, %dma_wait3A_482] : memref<57344x128xi32, #tpu.memory_space<hbm>> -> memref<32x128xi32, #tpu.memory_space<hbm>>
    %dma_wait3A_484 = arith.constant 0 : i32
    %dma_wait3A_485 = tpu.memref_slice %arg7[%add3A_476, %dma_wait3A_484] : memref<57344x128xi32, #tpu.memory_space<hbm>> -> memref<32x128xi32, #tpu.memory_space<hbm>>
    %dma_wait3A_486 = arith.constant 0 : i32
    %dma_wait3A_487 = arith.constant 0 : i32
    %dma_wait3A_488 = tpu.memref_slice %arg22[%dma_wait3A_477, %dma_wait3A_486, %dma_wait3A_487] : memref<2x32x128xi32, #tpu.memory_space<vmem>> -> memref<1x32x128xi32, #tpu.memory_space<vmem>>
    %dma_wait3A_489 = tpu.memref_squeeze %dma_wait3A_488 : memref<1x32x128xi32, #tpu.memory_space<vmem>> -> memref<32x128xi32, #tpu.memory_space<vmem>>
    tpu.wait_dma2 semaphore(%arg25 : memref<!tpu.dma_semaphore, #tpu.memory_space<semaphore_mem>>) src(%dma_wait3A_489 : memref<32x128xi32, #tpu.memory_space<vmem>>) dst(%dma_wait3A_485 : memref<32x128xi32, #tpu.memory_space<hbm>>)
    %scan3A_490 = arith.constant -65536 : i32
    %scan3A_491 = arith.constant 0 : i32
    %scan3A_492 = arith.constant 0 : i32
    %scan3A_493 = arith.constant 32 : i32
    %scan3A_494 = arith.addi %scan3A_492, %scan3A_493 : i32
    %scan3A_495 = arith.constant 1 : i32
    %scan3A_496 = scf.for %scan3A_603 = %scan3A_492 to %scan3A_494 step %scan3A_495 iter_args(%scan3A_604 = %scan3A_491) -> (i32)  : i32 {
      %broadcast_in_dim3A_605 = vector.broadcast %scan3A_603 : i32 to vector<16xi32>
      %broadcast_in_dim3A_606 = arith.constant 0 : i32
      %broadcast_in_dim3A_607 = vector.broadcast %broadcast_in_dim3A_606 : i32 to vector<16xi32>
      %gather3A_608 = tpu.vector_load_idx %arg19[%broadcast_in_dim3A_607, %broadcast_in_dim3A_605] : memref<2x32xf32, #tpu.memory_space<vmem>>[vector<16xi32>, vector<16xi32>], vector<16xf32>,
      %gather3A_609 = tpu.vector_load_idx %arg20[%broadcast_in_dim3A_607, %broadcast_in_dim3A_605] : memref<2x32xf32, #tpu.memory_space<vmem>>[vector<16xi32>, vector<16xi32>], vector<16xf32>,
      %mul3A_610 = arith.mulf %gather3A_608, %gather3A_609 : vector<16xf32>
      %sub3A_611 = arith.subf %gather3A_608, %mul3A_610 : vector<16xf32>
      %sub3A_612 = arith.subf %gather3A_609, %mul3A_610 : vector<16xf32>
      %sub3A_613 = arith.constant 1.000000e+00 : f32
      %sub3A_614 = vector.broadcast %sub3A_613 : f32 to vector<16xf32>
      %sub3A_615 = arith.subf %sub3A_614, %gather3A_608 : vector<16xf32>
      %sub3A_616 = arith.subf %sub3A_615, %gather3A_609 : vector<16xf32>
      %add3A_617 = arith.addf %sub3A_616, %mul3A_610 : vector<16xf32>
      %get3A_618 = arith.constant 0 : i32
      %get3A_619 = arith.index_cast %get3A_618 : i32 to index
      %get3A_620 = arith.index_cast %scan3A_603 : i32 to index
      %get3A_621 = arith.constant 0 : index
      %get3A_622 = tpu.vector_load %arg21[%get3A_619, %get3A_620, %get3A_621] {strides = array<i32>} : memref<2x128x128xi32, #tpu.memory_space<vmem>>, vector<16xi32>,
      %add3A_623 = arith.constant 32 : i32
      %add3A_624 = arith.addi %add3A_623, %scan3A_603 : i32
      %get3A_625 = arith.constant 0 : i32
      %get3A_626 = arith.index_cast %get3A_625 : i32 to index
      %get3A_627 = arith.index_cast %add3A_624 : i32 to index
      %get3A_628 = arith.constant 0 : index
      %get3A_629 = tpu.vector_load %arg21[%get3A_626, %get3A_627, %get3A_628] {strides = array<i32>} : memref<2x128x128xi32, #tpu.memory_space<vmem>>, vector<16xi32>,
      %add3A_630 = arith.constant 64 : i32
      %add3A_631 = arith.addi %add3A_630, %scan3A_603 : i32
      %get3A_632 = arith.constant 0 : i32
      %get3A_633 = arith.index_cast %get3A_632 : i32 to index
      %get3A_634 = arith.index_cast %add3A_631 : i32 to index
      %get3A_635 = arith.constant 0 : index
      %get3A_636 = tpu.vector_load %arg21[%get3A_633, %get3A_634, %get3A_635] {strides = array<i32>} : memref<2x128x128xi32, #tpu.memory_space<vmem>>, vector<16xi32>,
      %add3A_637 = arith.constant 96 : i32
      %add3A_638 = arith.addi %add3A_637, %scan3A_603 : i32
      %get3A_639 = arith.constant 0 : i32
      %get3A_640 = arith.index_cast %get3A_639 : i32 to index
      %get3A_641 = arith.index_cast %add3A_638 : i32 to index
      %get3A_642 = arith.constant 0 : index
      %get3A_643 = tpu.vector_load %arg21[%get3A_640, %get3A_641, %get3A_642] {strides = array<i32>} : memref<2x128x128xi32, #tpu.memory_space<vmem>>, vector<16xi32>,
      %shift_left3A_644 = arith.constant 16 : i32
      %shift_left3A_645 = vector.broadcast %shift_left3A_644 : i32 to vector<16xi32>
      %shift_left3A_646 = arith.shli %get3A_622, %shift_left3A_645 : vector<16xi32>
      %bitcast3A = vector.bitcast %shift_left3A_646 : vector<16xi32> to vector<16xf32>
      %mul3A_647 = arith.mulf %bitcast3A, %add3A_617 : vector<16xf32>
      %shift_left3A_648 = arith.constant 16 : i32
      %shift_left3A_649 = vector.broadcast %shift_left3A_648 : i32 to vector<16xi32>
      %shift_left3A_650 = arith.shli %get3A_629, %shift_left3A_649 : vector<16xi32>
      %bitcast3A_651 = vector.bitcast %shift_left3A_650 : vector<16xi32> to vector<16xf32>
      %mul3A_652 = arith.mulf %bitcast3A_651, %sub3A_612 : vector<16xf32>
      %add3A_653 = arith.addf %mul3A_647, %mul3A_652 : vector<16xf32>
      %shift_left3A_654 = arith.constant 16 : i32
      %shift_left3A_655 = vector.broadcast %shift_left3A_654 : i32 to vector<16xi32>
      %shift_left3A_656 = arith.shli %get3A_636, %shift_left3A_655 : vector<16xi32>
      %bitcast3A_657 = vector.bitcast %shift_left3A_656 : vector<16xi32> to vector<16xf32>
      %mul3A_658 = arith.mulf %bitcast3A_657, %sub3A_611 : vector<16xf32>
      %add3A_659 = arith.addf %add3A_653, %mul3A_658 : vector<16xf32>
      %shift_left3A_660 = arith.constant 16 : i32
      %shift_left3A_661 = vector.broadcast %shift_left3A_660 : i32 to vector<16xi32>
      %shift_left3A_662 = arith.shli %get3A_643, %shift_left3A_661 : vector<16xi32>
      %bitcast3A_663 = vector.bitcast %shift_left3A_662 : vector<16xi32> to vector<16xf32>
      %mul3A_664 = arith.mulf %bitcast3A_663, %mul3A_610 : vector<16xf32>
      %add3A_665 = arith.addf %add3A_659, %mul3A_664 : vector<16xf32>
      %and3A = vector.broadcast %scan3A_490 : i32 to vector<16xi32>
      %and3A_666 = arith.andi %get3A_622, %and3A : vector<16xi32>
      %bitcast3A_667 = vector.bitcast %and3A_666 : vector<16xi32> to vector<16xf32>
      %mul3A_668 = arith.mulf %bitcast3A_667, %add3A_617 : vector<16xf32>
      %and3A_669 = vector.broadcast %scan3A_490 : i32 to vector<16xi32>
      %and3A_670 = arith.andi %get3A_629, %and3A_669 : vector<16xi32>
      %bitcast3A_671 = vector.bitcast %and3A_670 : vector<16xi32> to vector<16xf32>
      %mul3A_672 = arith.mulf %bitcast3A_671, %sub3A_612 : vector<16xf32>
      %add3A_673 = arith.addf %mul3A_668, %mul3A_672 : vector<16xf32>
      %and3A_674 = vector.broadcast %scan3A_490 : i32 to vector<16xi32>
      %and3A_675 = arith.andi %get3A_636, %and3A_674 : vector<16xi32>
      %bitcast3A_676 = vector.bitcast %and3A_675 : vector<16xi32> to vector<16xf32>
      %mul3A_677 = arith.mulf %bitcast3A_676, %sub3A_611 : vector<16xf32>
      %add3A_678 = arith.addf %add3A_673, %mul3A_677 : vector<16xf32>
      %and3A_679 = vector.broadcast %scan3A_490 : i32 to vector<16xi32>
      %and3A_680 = arith.andi %get3A_643, %and3A_679 : vector<16xi32>
      %bitcast3A_681 = vector.bitcast %and3A_680 : vector<16xi32> to vector<16xf32>
      %mul3A_682 = arith.mulf %bitcast3A_681, %mul3A_610 : vector<16xf32>
      %add3A_683 = arith.addf %add3A_678, %mul3A_682 : vector<16xf32>
      %bitcast3A_684 = vector.bitcast %add3A_665 : vector<16xf32> to vector<16xi32>
      %add3A_685 = arith.constant 32768 : i32
      %add3A_686 = vector.broadcast %add3A_685 : i32 to vector<16xi32>
      %add3A_687 = arith.addi %bitcast3A_684, %add3A_686 : vector<16xi32>
      %bitcast3A_688 = vector.bitcast %add3A_683 : vector<16xf32> to vector<16xi32>
      %add3A_689 = arith.constant 32768 : i32
      %add3A_690 = vector.broadcast %add3A_689 : i32 to vector<16xi32>
      %add3A_691 = arith.addi %bitcast3A_688, %add3A_690 : vector<16xi32>
      %shift_right_arithmetic3A = arith.constant 16 : i32
      %shift_right_arithmetic3A_692 = vector.broadcast %shift_right_arithmetic3A : i32 to vector<16xi32>
      %shift_right_arithmetic3A_693 = arith.shrsi %add3A_687, %shift_right_arithmetic3A_692 : vector<16xi32>
      %and3A_694 = arith.constant 65535 : i32
      %and3A_695 = vector.broadcast %and3A_694 : i32 to vector<16xi32>
      %and3A_696 = arith.andi %shift_right_arithmetic3A_693, %and3A_695 : vector<16xi32>
      %and3A_697 = vector.broadcast %scan3A_490 : i32 to vector<16xi32>
      %and3A_698 = arith.andi %add3A_691, %and3A_697 : vector<16xi32>
      %or3A = arith.ori %and3A_696, %and3A_698 : vector<16xi32>
      %swap3A_699 = arith.constant 0 : i32
      %swap3A_700 = arith.index_cast %swap3A_699 : i32 to index
      %swap3A_701 = arith.index_cast %scan3A_603 : i32 to index
      %swap3A_702 = arith.constant 0 : index
      %swap3A_703 = tpu.vector_load %arg22[%swap3A_700, %swap3A_701, %swap3A_702] {strides = array<i32>} : memref<2x32x128xi32, #tpu.memory_space<vmem>>, vector<16xi32>,
      tpu.vector_store %arg22[%swap3A_700, %swap3A_701, %swap3A_702], %or3A {strides = array<i32>} : memref<2x32x128xi32, #tpu.memory_space<vmem>>, vector<16xi32>,
      %get3A_704 = arith.constant 0 : i32
      %get3A_705 = arith.index_cast %get3A_704 : i32 to index
      %get3A_706 = arith.index_cast %scan3A_603 : i32 to index
      %get3A_707 = arith.constant 16 : index
      %get3A_708 = tpu.vector_load %arg21[%get3A_705, %get3A_706, %get3A_707] {strides = array<i32>} : memref<2x128x128xi32, #tpu.memory_space<vmem>>, vector<16xi32>,
      %add3A_709 = arith.constant 32 : i32
      %add3A_710 = arith.addi %add3A_709, %scan3A_603 : i32
      %get3A_711 = arith.constant 0 : i32
      %get3A_712 = arith.index_cast %get3A_711 : i32 to index
      %get3A_713 = arith.index_cast %add3A_710 : i32 to index
      %get3A_714 = arith.constant 16 : index
      %get3A_715 = tpu.vector_load %arg21[%get3A_712, %get3A_713, %get3A_714] {strides = array<i32>} : memref<2x128x128xi32, #tpu.memory_space<vmem>>, vector<16xi32>,
      %add3A_716 = arith.constant 64 : i32
      %add3A_717 = arith.addi %add3A_716, %scan3A_603 : i32
      %get3A_718 = arith.constant 0 : i32
      %get3A_719 = arith.index_cast %get3A_718 : i32 to index
      %get3A_720 = arith.index_cast %add3A_717 : i32 to index
      %get3A_721 = arith.constant 16 : index
      %get3A_722 = tpu.vector_load %arg21[%get3A_719, %get3A_720, %get3A_721] {strides = array<i32>} : memref<2x128x128xi32, #tpu.memory_space<vmem>>, vector<16xi32>,
      %add3A_723 = arith.constant 96 : i32
      %add3A_724 = arith.addi %add3A_723, %scan3A_603 : i32
      %get3A_725 = arith.constant 0 : i32
      %get3A_726 = arith.index_cast %get3A_725 : i32 to index
      %get3A_727 = arith.index_cast %add3A_724 : i32 to index
      %get3A_728 = arith.constant 16 : index
      %get3A_729 = tpu.vector_load %arg21[%get3A_726, %get3A_727, %get3A_728] {strides = array<i32>} : memref<2x128x128xi32, #tpu.memory_space<vmem>>, vector<16xi32>,
      %shift_left3A_730 = arith.constant 16 : i32
      %shift_left3A_731 = vector.broadcast %shift_left3A_730 : i32 to vector<16xi32>
      %shift_left3A_732 = arith.shli %get3A_708, %shift_left3A_731 : vector<16xi32>
      %bitcast3A_733 = vector.bitcast %shift_left3A_732 : vector<16xi32> to vector<16xf32>
      %mul3A_734 = arith.mulf %bitcast3A_733, %add3A_617 : vector<16xf32>
      %shift_left3A_735 = arith.constant 16 : i32
      %shift_left3A_736 = vector.broadcast %shift_left3A_735 : i32 to vector<16xi32>
      %shift_left3A_737 = arith.shli %get3A_715, %shift_left3A_736 : vector<16xi32>
      %bitcast3A_738 = vector.bitcast %shift_left3A_737 : vector<16xi32> to vector<16xf32>
      %mul3A_739 = arith.mulf %bitcast3A_738, %sub3A_612 : vector<16xf32>
      %add3A_740 = arith.addf %mul3A_734, %mul3A_739 : vector<16xf32>
      %shift_left3A_741 = arith.constant 16 : i32
      %shift_left3A_742 = vector.broadcast %shift_left3A_741 : i32 to vector<16xi32>
      %shift_left3A_743 = arith.shli %get3A_722, %shift_left3A_742 : vector<16xi32>
      %bitcast3A_744 = vector.bitcast %shift_left3A_743 : vector<16xi32> to vector<16xf32>
      %mul3A_745 = arith.mulf %bitcast3A_744, %sub3A_611 : vector<16xf32>
      %add3A_746 = arith.addf %add3A_740, %mul3A_745 : vector<16xf32>
      %shift_left3A_747 = arith.constant 16 : i32
      %shift_left3A_748 = vector.broadcast %shift_left3A_747 : i32 to vector<16xi32>
      %shift_left3A_749 = arith.shli %get3A_729, %shift_left3A_748 : vector<16xi32>
      %bitcast3A_750 = vector.bitcast %shift_left3A_749 : vector<16xi32> to vector<16xf32>
      %mul3A_751 = arith.mulf %bitcast3A_750, %mul3A_610 : vector<16xf32>
      %add3A_752 = arith.addf %add3A_746, %mul3A_751 : vector<16xf32>
      %and3A_753 = vector.broadcast %scan3A_490 : i32 to vector<16xi32>
      %and3A_754 = arith.andi %get3A_708, %and3A_753 : vector<16xi32>
      %bitcast3A_755 = vector.bitcast %and3A_754 : vector<16xi32> to vector<16xf32>
      %mul3A_756 = arith.mulf %bitcast3A_755, %add3A_617 : vector<16xf32>
      %and3A_757 = vector.broadcast %scan3A_490 : i32 to vector<16xi32>
      %and3A_758 = arith.andi %get3A_715, %and3A_757 : vector<16xi32>
      %bitcast3A_759 = vector.bitcast %and3A_758 : vector<16xi32> to vector<16xf32>
      %mul3A_760 = arith.mulf %bitcast3A_759, %sub3A_612 : vector<16xf32>
      %add3A_761 = arith.addf %mul3A_756, %mul3A_760 : vector<16xf32>
      %and3A_762 = vector.broadcast %scan3A_490 : i32 to vector<16xi32>
      %and3A_763 = arith.andi %get3A_722, %and3A_762 : vector<16xi32>
      %bitcast3A_764 = vector.bitcast %and3A_763 : vector<16xi32> to vector<16xf32>
      %mul3A_765 = arith.mulf %bitcast3A_764, %sub3A_611 : vector<16xf32>
      %add3A_766 = arith.addf %add3A_761, %mul3A_765 : vector<16xf32>
      %and3A_767 = vector.broadcast %scan3A_490 : i32 to vector<16xi32>
      %and3A_768 = arith.andi %get3A_729, %and3A_767 : vector<16xi32>
      %bitcast3A_769 = vector.bitcast %and3A_768 : vector<16xi32> to vector<16xf32>
      %mul3A_770 = arith.mulf %bitcast3A_769, %mul3A_610 : vector<16xf32>
      %add3A_771 = arith.addf %add3A_766, %mul3A_770 : vector<16xf32>
      %bitcast3A_772 = vector.bitcast %add3A_752 : vector<16xf32> to vector<16xi32>
      %add3A_773 = arith.constant 32768 : i32
      %add3A_774 = vector.broadcast %add3A_773 : i32 to vector<16xi32>
      %add3A_775 = arith.addi %bitcast3A_772, %add3A_774 : vector<16xi32>
      %bitcast3A_776 = vector.bitcast %add3A_771 : vector<16xf32> to vector<16xi32>
      %add3A_777 = arith.constant 32768 : i32
      %add3A_778 = vector.broadcast %add3A_777 : i32 to vector<16xi32>
      %add3A_779 = arith.addi %bitcast3A_776, %add3A_778 : vector<16xi32>
      %shift_right_arithmetic3A_780 = arith.constant 16 : i32
      %shift_right_arithmetic3A_781 = vector.broadcast %shift_right_arithmetic3A_780 : i32 to vector<16xi32>
      %shift_right_arithmetic3A_782 = arith.shrsi %add3A_775, %shift_right_arithmetic3A_781 : vector<16xi32>
      %and3A_783 = arith.constant 65535 : i32
      %and3A_784 = vector.broadcast %and3A_783 : i32 to vector<16xi32>
      %and3A_785 = arith.andi %shift_right_arithmetic3A_782, %and3A_784 : vector<16xi32>
      %and3A_786 = vector.broadcast %scan3A_490 : i32 to vector<16xi32>
      %and3A_787 = arith.andi %add3A_779, %and3A_786 : vector<16xi32>
      %or3A_788 = arith.ori %and3A_785, %and3A_787 : vector<16xi32>
      %swap3A_789 = arith.constant 0 : i32
      %swap3A_790 = arith.index_cast %swap3A_789 : i32 to index
      %swap3A_791 = arith.index_cast %scan3A_603 : i32 to index
      %swap3A_792 = arith.constant 16 : index
      %swap3A_793 = tpu.vector_load %arg22[%swap3A_790, %swap3A_791, %swap3A_792] {strides = array<i32>} : memref<2x32x128xi32, #tpu.memory_space<vmem>>, vector<16xi32>,
      tpu.vector_store %arg22[%swap3A_790, %swap3A_791, %swap3A_792], %or3A_788 {strides = array<i32>} : memref<2x32x128xi32, #tpu.memory_space<vmem>>, vector<16xi32>,
      %get3A_794 = arith.constant 0 : i32
      %get3A_795 = arith.index_cast %get3A_794 : i32 to index
      %get3A_796 = arith.index_cast %scan3A_603 : i32 to index
      %get3A_797 = arith.constant 32 : index
      %get3A_798 = tpu.vector_load %arg21[%get3A_795, %get3A_796, %get3A_797] {strides = array<i32>} : memref<2x128x128xi32, #tpu.memory_space<vmem>>, vector<16xi32>,
      %add3A_799 = arith.constant 32 : i32
      %add3A_800 = arith.addi %add3A_799, %scan3A_603 : i32
      %get3A_801 = arith.constant 0 : i32
      %get3A_802 = arith.index_cast %get3A_801 : i32 to index
      %get3A_803 = arith.index_cast %add3A_800 : i32 to index
      %get3A_804 = arith.constant 32 : index
      %get3A_805 = tpu.vector_load %arg21[%get3A_802, %get3A_803, %get3A_804] {strides = array<i32>} : memref<2x128x128xi32, #tpu.memory_space<vmem>>, vector<16xi32>,
      %add3A_806 = arith.constant 64 : i32
      %add3A_807 = arith.addi %add3A_806, %scan3A_603 : i32
      %get3A_808 = arith.constant 0 : i32
      %get3A_809 = arith.index_cast %get3A_808 : i32 to index
      %get3A_810 = arith.index_cast %add3A_807 : i32 to index
      %get3A_811 = arith.constant 32 : index
      %get3A_812 = tpu.vector_load %arg21[%get3A_809, %get3A_810, %get3A_811] {strides = array<i32>} : memref<2x128x128xi32, #tpu.memory_space<vmem>>, vector<16xi32>,
      %add3A_813 = arith.constant 96 : i32
      %add3A_814 = arith.addi %add3A_813, %scan3A_603 : i32
      %get3A_815 = arith.constant 0 : i32
      %get3A_816 = arith.index_cast %get3A_815 : i32 to index
      %get3A_817 = arith.index_cast %add3A_814 : i32 to index
      %get3A_818 = arith.constant 32 : index
      %get3A_819 = tpu.vector_load %arg21[%get3A_816, %get3A_817, %get3A_818] {strides = array<i32>} : memref<2x128x128xi32, #tpu.memory_space<vmem>>, vector<16xi32>,
      %shift_left3A_820 = arith.constant 16 : i32
      %shift_left3A_821 = vector.broadcast %shift_left3A_820 : i32 to vector<16xi32>
      %shift_left3A_822 = arith.shli %get3A_798, %shift_left3A_821 : vector<16xi32>
      %bitcast3A_823 = vector.bitcast %shift_left3A_822 : vector<16xi32> to vector<16xf32>
      %mul3A_824 = arith.mulf %bitcast3A_823, %add3A_617 : vector<16xf32>
      %shift_left3A_825 = arith.constant 16 : i32
      %shift_left3A_826 = vector.broadcast %shift_left3A_825 : i32 to vector<16xi32>
      %shift_left3A_827 = arith.shli %get3A_805, %shift_left3A_826 : vector<16xi32>
      %bitcast3A_828 = vector.bitcast %shift_left3A_827 : vector<16xi32> to vector<16xf32>
      %mul3A_829 = arith.mulf %bitcast3A_828, %sub3A_612 : vector<16xf32>
      %add3A_830 = arith.addf %mul3A_824, %mul3A_829 : vector<16xf32>
      %shift_left3A_831 = arith.constant 16 : i32
      %shift_left3A_832 = vector.broadcast %shift_left3A_831 : i32 to vector<16xi32>
      %shift_left3A_833 = arith.shli %get3A_812, %shift_left3A_832 : vector<16xi32>
      %bitcast3A_834 = vector.bitcast %shift_left3A_833 : vector<16xi32> to vector<16xf32>
      %mul3A_835 = arith.mulf %bitcast3A_834, %sub3A_611 : vector<16xf32>
      %add3A_836 = arith.addf %add3A_830, %mul3A_835 : vector<16xf32>
      %shift_left3A_837 = arith.constant 16 : i32
      %shift_left3A_838 = vector.broadcast %shift_left3A_837 : i32 to vector<16xi32>
      %shift_left3A_839 = arith.shli %get3A_819, %shift_left3A_838 : vector<16xi32>
      %bitcast3A_840 = vector.bitcast %shift_left3A_839 : vector<16xi32> to vector<16xf32>
      %mul3A_841 = arith.mulf %bitcast3A_840, %mul3A_610 : vector<16xf32>
      %add3A_842 = arith.addf %add3A_836, %mul3A_841 : vector<16xf32>
      %and3A_843 = vector.broadcast %scan3A_490 : i32 to vector<16xi32>
      %and3A_844 = arith.andi %get3A_798, %and3A_843 : vector<16xi32>
      %bitcast3A_845 = vector.bitcast %and3A_844 : vector<16xi32> to vector<16xf32>
      %mul3A_846 = arith.mulf %bitcast3A_845, %add3A_617 : vector<16xf32>
      %and3A_847 = vector.broadcast %scan3A_490 : i32 to vector<16xi32>
      %and3A_848 = arith.andi %get3A_805, %and3A_847 : vector<16xi32>
      %bitcast3A_849 = vector.bitcast %and3A_848 : vector<16xi32> to vector<16xf32>
      %mul3A_850 = arith.mulf %bitcast3A_849, %sub3A_612 : vector<16xf32>
      %add3A_851 = arith.addf %mul3A_846, %mul3A_850 : vector<16xf32>
      %and3A_852 = vector.broadcast %scan3A_490 : i32 to vector<16xi32>
      %and3A_853 = arith.andi %get3A_812, %and3A_852 : vector<16xi32>
      %bitcast3A_854 = vector.bitcast %and3A_853 : vector<16xi32> to vector<16xf32>
      %mul3A_855 = arith.mulf %bitcast3A_854, %sub3A_611 : vector<16xf32>
      %add3A_856 = arith.addf %add3A_851, %mul3A_855 : vector<16xf32>
      %and3A_857 = vector.broadcast %scan3A_490 : i32 to vector<16xi32>
      %and3A_858 = arith.andi %get3A_819, %and3A_857 : vector<16xi32>
      %bitcast3A_859 = vector.bitcast %and3A_858 : vector<16xi32> to vector<16xf32>
      %mul3A_860 = arith.mulf %bitcast3A_859, %mul3A_610 : vector<16xf32>
      %add3A_861 = arith.addf %add3A_856, %mul3A_860 : vector<16xf32>
      %bitcast3A_862 = vector.bitcast %add3A_842 : vector<16xf32> to vector<16xi32>
      %add3A_863 = arith.constant 32768 : i32
      %add3A_864 = vector.broadcast %add3A_863 : i32 to vector<16xi32>
      %add3A_865 = arith.addi %bitcast3A_862, %add3A_864 : vector<16xi32>
      %bitcast3A_866 = vector.bitcast %add3A_861 : vector<16xf32> to vector<16xi32>
      %add3A_867 = arith.constant 32768 : i32
      %add3A_868 = vector.broadcast %add3A_867 : i32 to vector<16xi32>
      %add3A_869 = arith.addi %bitcast3A_866, %add3A_868 : vector<16xi32>
      %shift_right_arithmetic3A_870 = arith.constant 16 : i32
      %shift_right_arithmetic3A_871 = vector.broadcast %shift_right_arithmetic3A_870 : i32 to vector<16xi32>
      %shift_right_arithmetic3A_872 = arith.shrsi %add3A_865, %shift_right_arithmetic3A_871 : vector<16xi32>
      %and3A_873 = arith.constant 65535 : i32
      %and3A_874 = vector.broadcast %and3A_873 : i32 to vector<16xi32>
      %and3A_875 = arith.andi %shift_right_arithmetic3A_872, %and3A_874 : vector<16xi32>
      %and3A_876 = vector.broadcast %scan3A_490 : i32 to vector<16xi32>
      %and3A_877 = arith.andi %add3A_869, %and3A_876 : vector<16xi32>
      %or3A_878 = arith.ori %and3A_875, %and3A_877 : vector<16xi32>
      %swap3A_879 = arith.constant 0 : i32
      %swap3A_880 = arith.index_cast %swap3A_879 : i32 to index
      %swap3A_881 = arith.index_cast %scan3A_603 : i32 to index
      %swap3A_882 = arith.constant 32 : index
      %swap3A_883 = tpu.vector_load %arg22[%swap3A_880, %swap3A_881, %swap3A_882] {strides = array<i32>} : memref<2x32x128xi32, #tpu.memory_space<vmem>>, vector<16xi32>,
      tpu.vector_store %arg22[%swap3A_880, %swap3A_881, %swap3A_882], %or3A_878 {strides = array<i32>} : memref<2x32x128xi32, #tpu.memory_space<vmem>>, vector<16xi32>,
      %get3A_884 = arith.constant 0 : i32
      %get3A_885 = arith.index_cast %get3A_884 : i32 to index
      %get3A_886 = arith.index_cast %scan3A_603 : i32 to index
      %get3A_887 = arith.constant 48 : index
      %get3A_888 = tpu.vector_load %arg21[%get3A_885, %get3A_886, %get3A_887] {strides = array<i32>} : memref<2x128x128xi32, #tpu.memory_space<vmem>>, vector<16xi32>,
      %add3A_889 = arith.constant 32 : i32
      %add3A_890 = arith.addi %add3A_889, %scan3A_603 : i32
      %get3A_891 = arith.constant 0 : i32
      %get3A_892 = arith.index_cast %get3A_891 : i32 to index
      %get3A_893 = arith.index_cast %add3A_890 : i32 to index
      %get3A_894 = arith.constant 48 : index
      %get3A_895 = tpu.vector_load %arg21[%get3A_892, %get3A_893, %get3A_894] {strides = array<i32>} : memref<2x128x128xi32, #tpu.memory_space<vmem>>, vector<16xi32>,
      %add3A_896 = arith.constant 64 : i32
      %add3A_897 = arith.addi %add3A_896, %scan3A_603 : i32
      %get3A_898 = arith.constant 0 : i32
      %get3A_899 = arith.index_cast %get3A_898 : i32 to index
      %get3A_900 = arith.index_cast %add3A_897 : i32 to index
      %get3A_901 = arith.constant 48 : index
      %get3A_902 = tpu.vector_load %arg21[%get3A_899, %get3A_900, %get3A_901] {strides = array<i32>} : memref<2x128x128xi32, #tpu.memory_space<vmem>>, vector<16xi32>,
      %add3A_903 = arith.constant 96 : i32
      %add3A_904 = arith.addi %add3A_903, %scan3A_603 : i32
      %get3A_905 = arith.constant 0 : i32
      %get3A_906 = arith.index_cast %get3A_905 : i32 to index
      %get3A_907 = arith.index_cast %add3A_904 : i32 to index
      %get3A_908 = arith.constant 48 : index
      %get3A_909 = tpu.vector_load %arg21[%get3A_906, %get3A_907, %get3A_908] {strides = array<i32>} : memref<2x128x128xi32, #tpu.memory_space<vmem>>, vector<16xi32>,
      %shift_left3A_910 = arith.constant 16 : i32
      %shift_left3A_911 = vector.broadcast %shift_left3A_910 : i32 to vector<16xi32>
      %shift_left3A_912 = arith.shli %get3A_888, %shift_left3A_911 : vector<16xi32>
      %bitcast3A_913 = vector.bitcast %shift_left3A_912 : vector<16xi32> to vector<16xf32>
      %mul3A_914 = arith.mulf %bitcast3A_913, %add3A_617 : vector<16xf32>
      %shift_left3A_915 = arith.constant 16 : i32
      %shift_left3A_916 = vector.broadcast %shift_left3A_915 : i32 to vector<16xi32>
      %shift_left3A_917 = arith.shli %get3A_895, %shift_left3A_916 : vector<16xi32>
      %bitcast3A_918 = vector.bitcast %shift_left3A_917 : vector<16xi32> to vector<16xf32>
      %mul3A_919 = arith.mulf %bitcast3A_918, %sub3A_612 : vector<16xf32>
      %add3A_920 = arith.addf %mul3A_914, %mul3A_919 : vector<16xf32>
      %shift_left3A_921 = arith.constant 16 : i32
      %shift_left3A_922 = vector.broadcast %shift_left3A_921 : i32 to vector<16xi32>
      %shift_left3A_923 = arith.shli %get3A_902, %shift_left3A_922 : vector<16xi32>
      %bitcast3A_924 = vector.bitcast %shift_left3A_923 : vector<16xi32> to vector<16xf32>
      %mul3A_925 = arith.mulf %bitcast3A_924, %sub3A_611 : vector<16xf32>
      %add3A_926 = arith.addf %add3A_920, %mul3A_925 : vector<16xf32>
      %shift_left3A_927 = arith.constant 16 : i32
      %shift_left3A_928 = vector.broadcast %shift_left3A_927 : i32 to vector<16xi32>
      %shift_left3A_929 = arith.shli %get3A_909, %shift_left3A_928 : vector<16xi32>
      %bitcast3A_930 = vector.bitcast %shift_left3A_929 : vector<16xi32> to vector<16xf32>
      %mul3A_931 = arith.mulf %bitcast3A_930, %mul3A_610 : vector<16xf32>
      %add3A_932 = arith.addf %add3A_926, %mul3A_931 : vector<16xf32>
      %and3A_933 = vector.broadcast %scan3A_490 : i32 to vector<16xi32>
      %and3A_934 = arith.andi %get3A_888, %and3A_933 : vector<16xi32>
      %bitcast3A_935 = vector.bitcast %and3A_934 : vector<16xi32> to vector<16xf32>
      %mul3A_936 = arith.mulf %bitcast3A_935, %add3A_617 : vector<16xf32>
      %and3A_937 = vector.broadcast %scan3A_490 : i32 to vector<16xi32>
      %and3A_938 = arith.andi %get3A_895, %and3A_937 : vector<16xi32>
      %bitcast3A_939 = vector.bitcast %and3A_938 : vector<16xi32> to vector<16xf32>
      %mul3A_940 = arith.mulf %bitcast3A_939, %sub3A_612 : vector<16xf32>
      %add3A_941 = arith.addf %mul3A_936, %mul3A_940 : vector<16xf32>
      %and3A_942 = vector.broadcast %scan3A_490 : i32 to vector<16xi32>
      %and3A_943 = arith.andi %get3A_902, %and3A_942 : vector<16xi32>
      %bitcast3A_944 = vector.bitcast %and3A_943 : vector<16xi32> to vector<16xf32>
      %mul3A_945 = arith.mulf %bitcast3A_944, %sub3A_611 : vector<16xf32>
      %add3A_946 = arith.addf %add3A_941, %mul3A_945 : vector<16xf32>
      %and3A_947 = vector.broadcast %scan3A_490 : i32 to vector<16xi32>
      %and3A_948 = arith.andi %get3A_909, %and3A_947 : vector<16xi32>
      %bitcast3A_949 = vector.bitcast %and3A_948 : vector<16xi32> to vector<16xf32>
      %mul3A_950 = arith.mulf %bitcast3A_949, %mul3A_610 : vector<16xf32>
      %add3A_951 = arith.addf %add3A_946, %mul3A_950 : vector<16xf32>
      %bitcast3A_952 = vector.bitcast %add3A_932 : vector<16xf32> to vector<16xi32>
      %add3A_953 = arith.constant 32768 : i32
      %add3A_954 = vector.broadcast %add3A_953 : i32 to vector<16xi32>
      %add3A_955 = arith.addi %bitcast3A_952, %add3A_954 : vector<16xi32>
      %bitcast3A_956 = vector.bitcast %add3A_951 : vector<16xf32> to vector<16xi32>
      %add3A_957 = arith.constant 32768 : i32
      %add3A_958 = vector.broadcast %add3A_957 : i32 to vector<16xi32>
      %add3A_959 = arith.addi %bitcast3A_956, %add3A_958 : vector<16xi32>
      %shift_right_arithmetic3A_960 = arith.constant 16 : i32
      %shift_right_arithmetic3A_961 = vector.broadcast %shift_right_arithmetic3A_960 : i32 to vector<16xi32>
      %shift_right_arithmetic3A_962 = arith.shrsi %add3A_955, %shift_right_arithmetic3A_961 : vector<16xi32>
      %and3A_963 = arith.constant 65535 : i32
      %and3A_964 = vector.broadcast %and3A_963 : i32 to vector<16xi32>
      %and3A_965 = arith.andi %shift_right_arithmetic3A_962, %and3A_964 : vector<16xi32>
      %and3A_966 = vector.broadcast %scan3A_490 : i32 to vector<16xi32>
      %and3A_967 = arith.andi %add3A_959, %and3A_966 : vector<16xi32>
      %or3A_968 = arith.ori %and3A_965, %and3A_967 : vector<16xi32>
      %swap3A_969 = arith.constant 0 : i32
      %swap3A_970 = arith.index_cast %swap3A_969 : i32 to index
      %swap3A_971 = arith.index_cast %scan3A_603 : i32 to index
      %swap3A_972 = arith.constant 48 : index
      %swap3A_973 = tpu.vector_load %arg22[%swap3A_970, %swap3A_971, %swap3A_972] {strides = array<i32>} : memref<2x32x128xi32, #tpu.memory_space<vmem>>, vector<16xi32>,
      tpu.vector_store %arg22[%swap3A_970, %swap3A_971, %swap3A_972], %or3A_968 {strides = array<i32>} : memref<2x32x128xi32, #tpu.memory_space<vmem>>, vector<16xi32>,
      %get3A_974 = arith.constant 0 : i32
      %get3A_975 = arith.index_cast %get3A_974 : i32 to index
      %get3A_976 = arith.index_cast %scan3A_603 : i32 to index
      %get3A_977 = arith.constant 64 : index
      %get3A_978 = tpu.vector_load %arg21[%get3A_975, %get3A_976, %get3A_977] {strides = array<i32>} : memref<2x128x128xi32, #tpu.memory_space<vmem>>, vector<16xi32>,
      %add3A_979 = arith.constant 32 : i32
      %add3A_980 = arith.addi %add3A_979, %scan3A_603 : i32
      %get3A_981 = arith.constant 0 : i32
      %get3A_982 = arith.index_cast %get3A_981 : i32 to index
      %get3A_983 = arith.index_cast %add3A_980 : i32 to index
      %get3A_984 = arith.constant 64 : index
      %get3A_985 = tpu.vector_load %arg21[%get3A_982, %get3A_983, %get3A_984] {strides = array<i32>} : memref<2x128x128xi32, #tpu.memory_space<vmem>>, vector<16xi32>,
      %add3A_986 = arith.constant 64 : i32
      %add3A_987 = arith.addi %add3A_986, %scan3A_603 : i32
      %get3A_988 = arith.constant 0 : i32
      %get3A_989 = arith.index_cast %get3A_988 : i32 to index
      %get3A_990 = arith.index_cast %add3A_987 : i32 to index
      %get3A_991 = arith.constant 64 : index
      %get3A_992 = tpu.vector_load %arg21[%get3A_989, %get3A_990, %get3A_991] {strides = array<i32>} : memref<2x128x128xi32, #tpu.memory_space<vmem>>, vector<16xi32>,
      %add3A_993 = arith.constant 96 : i32
      %add3A_994 = arith.addi %add3A_993, %scan3A_603 : i32
      %get3A_995 = arith.constant 0 : i32
      %get3A_996 = arith.index_cast %get3A_995 : i32 to index
      %get3A_997 = arith.index_cast %add3A_994 : i32 to index
      %get3A_998 = arith.constant 64 : index
      %get3A_999 = tpu.vector_load %arg21[%get3A_996, %get3A_997, %get3A_998] {strides = array<i32>} : memref<2x128x128xi32, #tpu.memory_space<vmem>>, vector<16xi32>,
      %shift_left3A_1000 = arith.constant 16 : i32
      %shift_left3A_1001 = vector.broadcast %shift_left3A_1000 : i32 to vector<16xi32>
      %shift_left3A_1002 = arith.shli %get3A_978, %shift_left3A_1001 : vector<16xi32>
      %bitcast3A_1003 = vector.bitcast %shift_left3A_1002 : vector<16xi32> to vector<16xf32>
      %mul3A_1004 = arith.mulf %bitcast3A_1003, %add3A_617 : vector<16xf32>
      %shift_left3A_1005 = arith.constant 16 : i32
      %shift_left3A_1006 = vector.broadcast %shift_left3A_1005 : i32 to vector<16xi32>
      %shift_left3A_1007 = arith.shli %get3A_985, %shift_left3A_1006 : vector<16xi32>
      %bitcast3A_1008 = vector.bitcast %shift_left3A_1007 : vector<16xi32> to vector<16xf32>
      %mul3A_1009 = arith.mulf %bitcast3A_1008, %sub3A_612 : vector<16xf32>
      %add3A_1010 = arith.addf %mul3A_1004, %mul3A_1009 : vector<16xf32>
      %shift_left3A_1011 = arith.constant 16 : i32
      %shift_left3A_1012 = vector.broadcast %shift_left3A_1011 : i32 to vector<16xi32>
      %shift_left3A_1013 = arith.shli %get3A_992, %shift_left3A_1012 : vector<16xi32>
      %bitcast3A_1014 = vector.bitcast %shift_left3A_1013 : vector<16xi32> to vector<16xf32>
      %mul3A_1015 = arith.mulf %bitcast3A_1014, %sub3A_611 : vector<16xf32>
      %add3A_1016 = arith.addf %add3A_1010, %mul3A_1015 : vector<16xf32>
      %shift_left3A_1017 = arith.constant 16 : i32
      %shift_left3A_1018 = vector.broadcast %shift_left3A_1017 : i32 to vector<16xi32>
      %shift_left3A_1019 = arith.shli %get3A_999, %shift_left3A_1018 : vector<16xi32>
      %bitcast3A_1020 = vector.bitcast %shift_left3A_1019 : vector<16xi32> to vector<16xf32>
      %mul3A_1021 = arith.mulf %bitcast3A_1020, %mul3A_610 : vector<16xf32>
      %add3A_1022 = arith.addf %add3A_1016, %mul3A_1021 : vector<16xf32>
      %and3A_1023 = vector.broadcast %scan3A_490 : i32 to vector<16xi32>
      %and3A_1024 = arith.andi %get3A_978, %and3A_1023 : vector<16xi32>
      %bitcast3A_1025 = vector.bitcast %and3A_1024 : vector<16xi32> to vector<16xf32>
      %mul3A_1026 = arith.mulf %bitcast3A_1025, %add3A_617 : vector<16xf32>
      %and3A_1027 = vector.broadcast %scan3A_490 : i32 to vector<16xi32>
      %and3A_1028 = arith.andi %get3A_985, %and3A_1027 : vector<16xi32>
      %bitcast3A_1029 = vector.bitcast %and3A_1028 : vector<16xi32> to vector<16xf32>
      %mul3A_1030 = arith.mulf %bitcast3A_1029, %sub3A_612 : vector<16xf32>
      %add3A_1031 = arith.addf %mul3A_1026, %mul3A_1030 : vector<16xf32>
      %and3A_1032 = vector.broadcast %scan3A_490 : i32 to vector<16xi32>
      %and3A_1033 = arith.andi %get3A_992, %and3A_1032 : vector<16xi32>
      %bitcast3A_1034 = vector.bitcast %and3A_1033 : vector<16xi32> to vector<16xf32>
      %mul3A_1035 = arith.mulf %bitcast3A_1034, %sub3A_611 : vector<16xf32>
      %add3A_1036 = arith.addf %add3A_1031, %mul3A_1035 : vector<16xf32>
      %and3A_1037 = vector.broadcast %scan3A_490 : i32 to vector<16xi32>
      %and3A_1038 = arith.andi %get3A_999, %and3A_1037 : vector<16xi32>
      %bitcast3A_1039 = vector.bitcast %and3A_1038 : vector<16xi32> to vector<16xf32>
      %mul3A_1040 = arith.mulf %bitcast3A_1039, %mul3A_610 : vector<16xf32>
      %add3A_1041 = arith.addf %add3A_1036, %mul3A_1040 : vector<16xf32>
      %bitcast3A_1042 = vector.bitcast %add3A_1022 : vector<16xf32> to vector<16xi32>
      %add3A_1043 = arith.constant 32768 : i32
      %add3A_1044 = vector.broadcast %add3A_1043 : i32 to vector<16xi32>
      %add3A_1045 = arith.addi %bitcast3A_1042, %add3A_1044 : vector<16xi32>
      %bitcast3A_1046 = vector.bitcast %add3A_1041 : vector<16xf32> to vector<16xi32>
      %add3A_1047 = arith.constant 32768 : i32
      %add3A_1048 = vector.broadcast %add3A_1047 : i32 to vector<16xi32>
      %add3A_1049 = arith.addi %bitcast3A_1046, %add3A_1048 : vector<16xi32>
      %shift_right_arithmetic3A_1050 = arith.constant 16 : i32
      %shift_right_arithmetic3A_1051 = vector.broadcast %shift_right_arithmetic3A_1050 : i32 to vector<16xi32>
      %shift_right_arithmetic3A_1052 = arith.shrsi %add3A_1045, %shift_right_arithmetic3A_1051 : vector<16xi32>
      %and3A_1053 = arith.constant 65535 : i32
      %and3A_1054 = vector.broadcast %and3A_1053 : i32 to vector<16xi32>
      %and3A_1055 = arith.andi %shift_right_arithmetic3A_1052, %and3A_1054 : vector<16xi32>
      %and3A_1056 = vector.broadcast %scan3A_490 : i32 to vector<16xi32>
      %and3A_1057 = arith.andi %add3A_1049, %and3A_1056 : vector<16xi32>
      %or3A_1058 = arith.ori %and3A_1055, %and3A_1057 : vector<16xi32>
      %swap3A_1059 = arith.constant 0 : i32
      %swap3A_1060 = arith.index_cast %swap3A_1059 : i32 to index
      %swap3A_1061 = arith.index_cast %scan3A_603 : i32 to index
      %swap3A_1062 = arith.constant 64 : index
      %swap3A_1063 = tpu.vector_load %arg22[%swap3A_1060, %swap3A_1061, %swap3A_1062] {strides = array<i32>} : memref<2x32x128xi32, #tpu.memory_space<vmem>>, vector<16xi32>,
      tpu.vector_store %arg22[%swap3A_1060, %swap3A_1061, %swap3A_1062], %or3A_1058 {strides = array<i32>} : memref<2x32x128xi32, #tpu.memory_space<vmem>>, vector<16xi32>,
      %get3A_1064 = arith.constant 0 : i32
      %get3A_1065 = arith.index_cast %get3A_1064 : i32 to index
      %get3A_1066 = arith.index_cast %scan3A_603 : i32 to index
      %get3A_1067 = arith.constant 80 : index
      %get3A_1068 = tpu.vector_load %arg21[%get3A_1065, %get3A_1066, %get3A_1067] {strides = array<i32>} : memref<2x128x128xi32, #tpu.memory_space<vmem>>, vector<16xi32>,
      %add3A_1069 = arith.constant 32 : i32
      %add3A_1070 = arith.addi %add3A_1069, %scan3A_603 : i32
      %get3A_1071 = arith.constant 0 : i32
      %get3A_1072 = arith.index_cast %get3A_1071 : i32 to index
      %get3A_1073 = arith.index_cast %add3A_1070 : i32 to index
      %get3A_1074 = arith.constant 80 : index
      %get3A_1075 = tpu.vector_load %arg21[%get3A_1072, %get3A_1073, %get3A_1074] {strides = array<i32>} : memref<2x128x128xi32, #tpu.memory_space<vmem>>, vector<16xi32>,
      %add3A_1076 = arith.constant 64 : i32
      %add3A_1077 = arith.addi %add3A_1076, %scan3A_603 : i32
      %get3A_1078 = arith.constant 0 : i32
      %get3A_1079 = arith.index_cast %get3A_1078 : i32 to index
      %get3A_1080 = arith.index_cast %add3A_1077 : i32 to index
      %get3A_1081 = arith.constant 80 : index
      %get3A_1082 = tpu.vector_load %arg21[%get3A_1079, %get3A_1080, %get3A_1081] {strides = array<i32>} : memref<2x128x128xi32, #tpu.memory_space<vmem>>, vector<16xi32>,
      %add3A_1083 = arith.constant 96 : i32
      %add3A_1084 = arith.addi %add3A_1083, %scan3A_603 : i32
      %get3A_1085 = arith.constant 0 : i32
      %get3A_1086 = arith.index_cast %get3A_1085 : i32 to index
      %get3A_1087 = arith.index_cast %add3A_1084 : i32 to index
      %get3A_1088 = arith.constant 80 : index
      %get3A_1089 = tpu.vector_load %arg21[%get3A_1086, %get3A_1087, %get3A_1088] {strides = array<i32>} : memref<2x128x128xi32, #tpu.memory_space<vmem>>, vector<16xi32>,
      %shift_left3A_1090 = arith.constant 16 : i32
      %shift_left3A_1091 = vector.broadcast %shift_left3A_1090 : i32 to vector<16xi32>
      %shift_left3A_1092 = arith.shli %get3A_1068, %shift_left3A_1091 : vector<16xi32>
      %bitcast3A_1093 = vector.bitcast %shift_left3A_1092 : vector<16xi32> to vector<16xf32>
      %mul3A_1094 = arith.mulf %bitcast3A_1093, %add3A_617 : vector<16xf32>
      %shift_left3A_1095 = arith.constant 16 : i32
      %shift_left3A_1096 = vector.broadcast %shift_left3A_1095 : i32 to vector<16xi32>
      %shift_left3A_1097 = arith.shli %get3A_1075, %shift_left3A_1096 : vector<16xi32>
      %bitcast3A_1098 = vector.bitcast %shift_left3A_1097 : vector<16xi32> to vector<16xf32>
      %mul3A_1099 = arith.mulf %bitcast3A_1098, %sub3A_612 : vector<16xf32>
      %add3A_1100 = arith.addf %mul3A_1094, %mul3A_1099 : vector<16xf32>
      %shift_left3A_1101 = arith.constant 16 : i32
      %shift_left3A_1102 = vector.broadcast %shift_left3A_1101 : i32 to vector<16xi32>
      %shift_left3A_1103 = arith.shli %get3A_1082, %shift_left3A_1102 : vector<16xi32>
      %bitcast3A_1104 = vector.bitcast %shift_left3A_1103 : vector<16xi32> to vector<16xf32>
      %mul3A_1105 = arith.mulf %bitcast3A_1104, %sub3A_611 : vector<16xf32>
      %add3A_1106 = arith.addf %add3A_1100, %mul3A_1105 : vector<16xf32>
      %shift_left3A_1107 = arith.constant 16 : i32
      %shift_left3A_1108 = vector.broadcast %shift_left3A_1107 : i32 to vector<16xi32>
      %shift_left3A_1109 = arith.shli %get3A_1089, %shift_left3A_1108 : vector<16xi32>
      %bitcast3A_1110 = vector.bitcast %shift_left3A_1109 : vector<16xi32> to vector<16xf32>
      %mul3A_1111 = arith.mulf %bitcast3A_1110, %mul3A_610 : vector<16xf32>
      %add3A_1112 = arith.addf %add3A_1106, %mul3A_1111 : vector<16xf32>
      %and3A_1113 = vector.broadcast %scan3A_490 : i32 to vector<16xi32>
      %and3A_1114 = arith.andi %get3A_1068, %and3A_1113 : vector<16xi32>
      %bitcast3A_1115 = vector.bitcast %and3A_1114 : vector<16xi32> to vector<16xf32>
      %mul3A_1116 = arith.mulf %bitcast3A_1115, %add3A_617 : vector<16xf32>
      %and3A_1117 = vector.broadcast %scan3A_490 : i32 to vector<16xi32>
      %and3A_1118 = arith.andi %get3A_1075, %and3A_1117 : vector<16xi32>
      %bitcast3A_1119 = vector.bitcast %and3A_1118 : vector<16xi32> to vector<16xf32>
      %mul3A_1120 = arith.mulf %bitcast3A_1119, %sub3A_612 : vector<16xf32>
      %add3A_1121 = arith.addf %mul3A_1116, %mul3A_1120 : vector<16xf32>
      %and3A_1122 = vector.broadcast %scan3A_490 : i32 to vector<16xi32>
      %and3A_1123 = arith.andi %get3A_1082, %and3A_1122 : vector<16xi32>
      %bitcast3A_1124 = vector.bitcast %and3A_1123 : vector<16xi32> to vector<16xf32>
      %mul3A_1125 = arith.mulf %bitcast3A_1124, %sub3A_611 : vector<16xf32>
      %add3A_1126 = arith.addf %add3A_1121, %mul3A_1125 : vector<16xf32>
      %and3A_1127 = vector.broadcast %scan3A_490 : i32 to vector<16xi32>
      %and3A_1128 = arith.andi %get3A_1089, %and3A_1127 : vector<16xi32>
      %bitcast3A_1129 = vector.bitcast %and3A_1128 : vector<16xi32> to vector<16xf32>
      %mul3A_1130 = arith.mulf %bitcast3A_1129, %mul3A_610 : vector<16xf32>
      %add3A_1131 = arith.addf %add3A_1126, %mul3A_1130 : vector<16xf32>
      %bitcast3A_1132 = vector.bitcast %add3A_1112 : vector<16xf32> to vector<16xi32>
      %add3A_1133 = arith.constant 32768 : i32
      %add3A_1134 = vector.broadcast %add3A_1133 : i32 to vector<16xi32>
      %add3A_1135 = arith.addi %bitcast3A_1132, %add3A_1134 : vector<16xi32>
      %bitcast3A_1136 = vector.bitcast %add3A_1131 : vector<16xf32> to vector<16xi32>
      %add3A_1137 = arith.constant 32768 : i32
      %add3A_1138 = vector.broadcast %add3A_1137 : i32 to vector<16xi32>
      %add3A_1139 = arith.addi %bitcast3A_1136, %add3A_1138 : vector<16xi32>
      %shift_right_arithmetic3A_1140 = arith.constant 16 : i32
      %shift_right_arithmetic3A_1141 = vector.broadcast %shift_right_arithmetic3A_1140 : i32 to vector<16xi32>
      %shift_right_arithmetic3A_1142 = arith.shrsi %add3A_1135, %shift_right_arithmetic3A_1141 : vector<16xi32>
      %and3A_1143 = arith.constant 65535 : i32
      %and3A_1144 = vector.broadcast %and3A_1143 : i32 to vector<16xi32>
      %and3A_1145 = arith.andi %shift_right_arithmetic3A_1142, %and3A_1144 : vector<16xi32>
      %and3A_1146 = vector.broadcast %scan3A_490 : i32 to vector<16xi32>
      %and3A_1147 = arith.andi %add3A_1139, %and3A_1146 : vector<16xi32>
      %or3A_1148 = arith.ori %and3A_1145, %and3A_1147 : vector<16xi32>
      %swap3A_1149 = arith.constant 0 : i32
      %swap3A_1150 = arith.index_cast %swap3A_1149 : i32 to index
      %swap3A_1151 = arith.index_cast %scan3A_603 : i32 to index
      %swap3A_1152 = arith.constant 80 : index
      %swap3A_1153 = tpu.vector_load %arg22[%swap3A_1150, %swap3A_1151, %swap3A_1152] {strides = array<i32>} : memref<2x32x128xi32, #tpu.memory_space<vmem>>, vector<16xi32>,
      tpu.vector_store %arg22[%swap3A_1150, %swap3A_1151, %swap3A_1152], %or3A_1148 {strides = array<i32>} : memref<2x32x128xi32, #tpu.memory_space<vmem>>, vector<16xi32>,
      %get3A_1154 = arith.constant 0 : i32
      %get3A_1155 = arith.index_cast %get3A_1154 : i32 to index
      %get3A_1156 = arith.index_cast %scan3A_603 : i32 to index
      %get3A_1157 = arith.constant 96 : index
      %get3A_1158 = tpu.vector_load %arg21[%get3A_1155, %get3A_1156, %get3A_1157] {strides = array<i32>} : memref<2x128x128xi32, #tpu.memory_space<vmem>>, vector<16xi32>,
      %add3A_1159 = arith.constant 32 : i32
      %add3A_1160 = arith.addi %add3A_1159, %scan3A_603 : i32
      %get3A_1161 = arith.constant 0 : i32
      %get3A_1162 = arith.index_cast %get3A_1161 : i32 to index
      %get3A_1163 = arith.index_cast %add3A_1160 : i32 to index
      %get3A_1164 = arith.constant 96 : index
      %get3A_1165 = tpu.vector_load %arg21[%get3A_1162, %get3A_1163, %get3A_1164] {strides = array<i32>} : memref<2x128x128xi32, #tpu.memory_space<vmem>>, vector<16xi32>,
      %add3A_1166 = arith.constant 64 : i32
      %add3A_1167 = arith.addi %add3A_1166, %scan3A_603 : i32
      %get3A_1168 = arith.constant 0 : i32
      %get3A_1169 = arith.index_cast %get3A_1168 : i32 to index
      %get3A_1170 = arith.index_cast %add3A_1167 : i32 to index
      %get3A_1171 = arith.constant 96 : index
      %get3A_1172 = tpu.vector_load %arg21[%get3A_1169, %get3A_1170, %get3A_1171] {strides = array<i32>} : memref<2x128x128xi32, #tpu.memory_space<vmem>>, vector<16xi32>,
      %add3A_1173 = arith.constant 96 : i32
      %add3A_1174 = arith.addi %add3A_1173, %scan3A_603 : i32
      %get3A_1175 = arith.constant 0 : i32
      %get3A_1176 = arith.index_cast %get3A_1175 : i32 to index
      %get3A_1177 = arith.index_cast %add3A_1174 : i32 to index
      %get3A_1178 = arith.constant 96 : index
      %get3A_1179 = tpu.vector_load %arg21[%get3A_1176, %get3A_1177, %get3A_1178] {strides = array<i32>} : memref<2x128x128xi32, #tpu.memory_space<vmem>>, vector<16xi32>,
      %shift_left3A_1180 = arith.constant 16 : i32
      %shift_left3A_1181 = vector.broadcast %shift_left3A_1180 : i32 to vector<16xi32>
      %shift_left3A_1182 = arith.shli %get3A_1158, %shift_left3A_1181 : vector<16xi32>
      %bitcast3A_1183 = vector.bitcast %shift_left3A_1182 : vector<16xi32> to vector<16xf32>
      %mul3A_1184 = arith.mulf %bitcast3A_1183, %add3A_617 : vector<16xf32>
      %shift_left3A_1185 = arith.constant 16 : i32
      %shift_left3A_1186 = vector.broadcast %shift_left3A_1185 : i32 to vector<16xi32>
      %shift_left3A_1187 = arith.shli %get3A_1165, %shift_left3A_1186 : vector<16xi32>
      %bitcast3A_1188 = vector.bitcast %shift_left3A_1187 : vector<16xi32> to vector<16xf32>
      %mul3A_1189 = arith.mulf %bitcast3A_1188, %sub3A_612 : vector<16xf32>
      %add3A_1190 = arith.addf %mul3A_1184, %mul3A_1189 : vector<16xf32>
      %shift_left3A_1191 = arith.constant 16 : i32
      %shift_left3A_1192 = vector.broadcast %shift_left3A_1191 : i32 to vector<16xi32>
      %shift_left3A_1193 = arith.shli %get3A_1172, %shift_left3A_1192 : vector<16xi32>
      %bitcast3A_1194 = vector.bitcast %shift_left3A_1193 : vector<16xi32> to vector<16xf32>
      %mul3A_1195 = arith.mulf %bitcast3A_1194, %sub3A_611 : vector<16xf32>
      %add3A_1196 = arith.addf %add3A_1190, %mul3A_1195 : vector<16xf32>
      %shift_left3A_1197 = arith.constant 16 : i32
      %shift_left3A_1198 = vector.broadcast %shift_left3A_1197 : i32 to vector<16xi32>
      %shift_left3A_1199 = arith.shli %get3A_1179, %shift_left3A_1198 : vector<16xi32>
      %bitcast3A_1200 = vector.bitcast %shift_left3A_1199 : vector<16xi32> to vector<16xf32>
      %mul3A_1201 = arith.mulf %bitcast3A_1200, %mul3A_610 : vector<16xf32>
      %add3A_1202 = arith.addf %add3A_1196, %mul3A_1201 : vector<16xf32>
      %and3A_1203 = vector.broadcast %scan3A_490 : i32 to vector<16xi32>
      %and3A_1204 = arith.andi %get3A_1158, %and3A_1203 : vector<16xi32>
      %bitcast3A_1205 = vector.bitcast %and3A_1204 : vector<16xi32> to vector<16xf32>
      %mul3A_1206 = arith.mulf %bitcast3A_1205, %add3A_617 : vector<16xf32>
      %and3A_1207 = vector.broadcast %scan3A_490 : i32 to vector<16xi32>
      %and3A_1208 = arith.andi %get3A_1165, %and3A_1207 : vector<16xi32>
      %bitcast3A_1209 = vector.bitcast %and3A_1208 : vector<16xi32> to vector<16xf32>
      %mul3A_1210 = arith.mulf %bitcast3A_1209, %sub3A_612 : vector<16xf32>
      %add3A_1211 = arith.addf %mul3A_1206, %mul3A_1210 : vector<16xf32>
      %and3A_1212 = vector.broadcast %scan3A_490 : i32 to vector<16xi32>
      %and3A_1213 = arith.andi %get3A_1172, %and3A_1212 : vector<16xi32>
      %bitcast3A_1214 = vector.bitcast %and3A_1213 : vector<16xi32> to vector<16xf32>
      %mul3A_1215 = arith.mulf %bitcast3A_1214, %sub3A_611 : vector<16xf32>
      %add3A_1216 = arith.addf %add3A_1211, %mul3A_1215 : vector<16xf32>
      %and3A_1217 = vector.broadcast %scan3A_490 : i32 to vector<16xi32>
      %and3A_1218 = arith.andi %get3A_1179, %and3A_1217 : vector<16xi32>
      %bitcast3A_1219 = vector.bitcast %and3A_1218 : vector<16xi32> to vector<16xf32>
      %mul3A_1220 = arith.mulf %bitcast3A_1219, %mul3A_610 : vector<16xf32>
      %add3A_1221 = arith.addf %add3A_1216, %mul3A_1220 : vector<16xf32>
      %bitcast3A_1222 = vector.bitcast %add3A_1202 : vector<16xf32> to vector<16xi32>
      %add3A_1223 = arith.constant 32768 : i32
      %add3A_1224 = vector.broadcast %add3A_1223 : i32 to vector<16xi32>
      %add3A_1225 = arith.addi %bitcast3A_1222, %add3A_1224 : vector<16xi32>
      %bitcast3A_1226 = vector.bitcast %add3A_1221 : vector<16xf32> to vector<16xi32>
      %add3A_1227 = arith.constant 32768 : i32
      %add3A_1228 = vector.broadcast %add3A_1227 : i32 to vector<16xi32>
      %add3A_1229 = arith.addi %bitcast3A_1226, %add3A_1228 : vector<16xi32>
      %shift_right_arithmetic3A_1230 = arith.constant 16 : i32
      %shift_right_arithmetic3A_1231 = vector.broadcast %shift_right_arithmetic3A_1230 : i32 to vector<16xi32>
      %shift_right_arithmetic3A_1232 = arith.shrsi %add3A_1225, %shift_right_arithmetic3A_1231 : vector<16xi32>
      %and3A_1233 = arith.constant 65535 : i32
      %and3A_1234 = vector.broadcast %and3A_1233 : i32 to vector<16xi32>
      %and3A_1235 = arith.andi %shift_right_arithmetic3A_1232, %and3A_1234 : vector<16xi32>
      %and3A_1236 = vector.broadcast %scan3A_490 : i32 to vector<16xi32>
      %and3A_1237 = arith.andi %add3A_1229, %and3A_1236 : vector<16xi32>
      %or3A_1238 = arith.ori %and3A_1235, %and3A_1237 : vector<16xi32>
      %swap3A_1239 = arith.constant 0 : i32
      %swap3A_1240 = arith.index_cast %swap3A_1239 : i32 to index
      %swap3A_1241 = arith.index_cast %scan3A_603 : i32 to index
      %swap3A_1242 = arith.constant 96 : index
      %swap3A_1243 = tpu.vector_load %arg22[%swap3A_1240, %swap3A_1241, %swap3A_1242] {strides = array<i32>} : memref<2x32x128xi32, #tpu.memory_space<vmem>>, vector<16xi32>,
      tpu.vector_store %arg22[%swap3A_1240, %swap3A_1241, %swap3A_1242], %or3A_1238 {strides = array<i32>} : memref<2x32x128xi32, #tpu.memory_space<vmem>>, vector<16xi32>,
      %get3A_1244 = arith.constant 0 : i32
      %get3A_1245 = arith.index_cast %get3A_1244 : i32 to index
      %get3A_1246 = arith.index_cast %scan3A_603 : i32 to index
      %get3A_1247 = arith.constant 112 : index
      %get3A_1248 = tpu.vector_load %arg21[%get3A_1245, %get3A_1246, %get3A_1247] {strides = array<i32>} : memref<2x128x128xi32, #tpu.memory_space<vmem>>, vector<16xi32>,
      %add3A_1249 = arith.constant 32 : i32
      %add3A_1250 = arith.addi %add3A_1249, %scan3A_603 : i32
      %get3A_1251 = arith.constant 0 : i32
      %get3A_1252 = arith.index_cast %get3A_1251 : i32 to index
      %get3A_1253 = arith.index_cast %add3A_1250 : i32 to index
      %get3A_1254 = arith.constant 112 : index
      %get3A_1255 = tpu.vector_load %arg21[%get3A_1252, %get3A_1253, %get3A_1254] {strides = array<i32>} : memref<2x128x128xi32, #tpu.memory_space<vmem>>, vector<16xi32>,
      %add3A_1256 = arith.constant 64 : i32
      %add3A_1257 = arith.addi %add3A_1256, %scan3A_603 : i32
      %get3A_1258 = arith.constant 0 : i32
      %get3A_1259 = arith.index_cast %get3A_1258 : i32 to index
      %get3A_1260 = arith.index_cast %add3A_1257 : i32 to index
      %get3A_1261 = arith.constant 112 : index
      %get3A_1262 = tpu.vector_load %arg21[%get3A_1259, %get3A_1260, %get3A_1261] {strides = array<i32>} : memref<2x128x128xi32, #tpu.memory_space<vmem>>, vector<16xi32>,
      %add3A_1263 = arith.constant 96 : i32
      %add3A_1264 = arith.addi %add3A_1263, %scan3A_603 : i32
      %get3A_1265 = arith.constant 0 : i32
      %get3A_1266 = arith.index_cast %get3A_1265 : i32 to index
      %get3A_1267 = arith.index_cast %add3A_1264 : i32 to index
      %get3A_1268 = arith.constant 112 : index
      %get3A_1269 = tpu.vector_load %arg21[%get3A_1266, %get3A_1267, %get3A_1268] {strides = array<i32>} : memref<2x128x128xi32, #tpu.memory_space<vmem>>, vector<16xi32>,
      %shift_left3A_1270 = arith.constant 16 : i32
      %shift_left3A_1271 = vector.broadcast %shift_left3A_1270 : i32 to vector<16xi32>
      %shift_left3A_1272 = arith.shli %get3A_1248, %shift_left3A_1271 : vector<16xi32>
      %bitcast3A_1273 = vector.bitcast %shift_left3A_1272 : vector<16xi32> to vector<16xf32>
      %mul3A_1274 = arith.mulf %bitcast3A_1273, %add3A_617 : vector<16xf32>
      %shift_left3A_1275 = arith.constant 16 : i32
      %shift_left3A_1276 = vector.broadcast %shift_left3A_1275 : i32 to vector<16xi32>
      %shift_left3A_1277 = arith.shli %get3A_1255, %shift_left3A_1276 : vector<16xi32>
      %bitcast3A_1278 = vector.bitcast %shift_left3A_1277 : vector<16xi32> to vector<16xf32>
      %mul3A_1279 = arith.mulf %bitcast3A_1278, %sub3A_612 : vector<16xf32>
      %add3A_1280 = arith.addf %mul3A_1274, %mul3A_1279 : vector<16xf32>
      %shift_left3A_1281 = arith.constant 16 : i32
      %shift_left3A_1282 = vector.broadcast %shift_left3A_1281 : i32 to vector<16xi32>
      %shift_left3A_1283 = arith.shli %get3A_1262, %shift_left3A_1282 : vector<16xi32>
      %bitcast3A_1284 = vector.bitcast %shift_left3A_1283 : vector<16xi32> to vector<16xf32>
      %mul3A_1285 = arith.mulf %bitcast3A_1284, %sub3A_611 : vector<16xf32>
      %add3A_1286 = arith.addf %add3A_1280, %mul3A_1285 : vector<16xf32>
      %shift_left3A_1287 = arith.constant 16 : i32
      %shift_left3A_1288 = vector.broadcast %shift_left3A_1287 : i32 to vector<16xi32>
      %shift_left3A_1289 = arith.shli %get3A_1269, %shift_left3A_1288 : vector<16xi32>
      %bitcast3A_1290 = vector.bitcast %shift_left3A_1289 : vector<16xi32> to vector<16xf32>
      %mul3A_1291 = arith.mulf %bitcast3A_1290, %mul3A_610 : vector<16xf32>
      %add3A_1292 = arith.addf %add3A_1286, %mul3A_1291 : vector<16xf32>
      %and3A_1293 = vector.broadcast %scan3A_490 : i32 to vector<16xi32>
      %and3A_1294 = arith.andi %get3A_1248, %and3A_1293 : vector<16xi32>
      %bitcast3A_1295 = vector.bitcast %and3A_1294 : vector<16xi32> to vector<16xf32>
      %mul3A_1296 = arith.mulf %bitcast3A_1295, %add3A_617 : vector<16xf32>
      %and3A_1297 = vector.broadcast %scan3A_490 : i32 to vector<16xi32>
      %and3A_1298 = arith.andi %get3A_1255, %and3A_1297 : vector<16xi32>
      %bitcast3A_1299 = vector.bitcast %and3A_1298 : vector<16xi32> to vector<16xf32>
      %mul3A_1300 = arith.mulf %bitcast3A_1299, %sub3A_612 : vector<16xf32>
      %add3A_1301 = arith.addf %mul3A_1296, %mul3A_1300 : vector<16xf32>
      %and3A_1302 = vector.broadcast %scan3A_490 : i32 to vector<16xi32>
      %and3A_1303 = arith.andi %get3A_1262, %and3A_1302 : vector<16xi32>
      %bitcast3A_1304 = vector.bitcast %and3A_1303 : vector<16xi32> to vector<16xf32>
      %mul3A_1305 = arith.mulf %bitcast3A_1304, %sub3A_611 : vector<16xf32>
      %add3A_1306 = arith.addf %add3A_1301, %mul3A_1305 : vector<16xf32>
      %and3A_1307 = vector.broadcast %scan3A_490 : i32 to vector<16xi32>
      %and3A_1308 = arith.andi %get3A_1269, %and3A_1307 : vector<16xi32>
      %bitcast3A_1309 = vector.bitcast %and3A_1308 : vector<16xi32> to vector<16xf32>
      %mul3A_1310 = arith.mulf %bitcast3A_1309, %mul3A_610 : vector<16xf32>
      %add3A_1311 = arith.addf %add3A_1306, %mul3A_1310 : vector<16xf32>
      %bitcast3A_1312 = vector.bitcast %add3A_1292 : vector<16xf32> to vector<16xi32>
      %add3A_1313 = arith.constant 32768 : i32
      %add3A_1314 = vector.broadcast %add3A_1313 : i32 to vector<16xi32>
      %add3A_1315 = arith.addi %bitcast3A_1312, %add3A_1314 : vector<16xi32>
      %bitcast3A_1316 = vector.bitcast %add3A_1311 : vector<16xf32> to vector<16xi32>
      %add3A_1317 = arith.constant 32768 : i32
      %add3A_1318 = vector.broadcast %add3A_1317 : i32 to vector<16xi32>
      %add3A_1319 = arith.addi %bitcast3A_1316, %add3A_1318 : vector<16xi32>
      %shift_right_arithmetic3A_1320 = arith.constant 16 : i32
      %shift_right_arithmetic3A_1321 = vector.broadcast %shift_right_arithmetic3A_1320 : i32 to vector<16xi32>
      %shift_right_arithmetic3A_1322 = arith.shrsi %add3A_1315, %shift_right_arithmetic3A_1321 : vector<16xi32>
      %and3A_1323 = arith.constant 65535 : i32
      %and3A_1324 = vector.broadcast %and3A_1323 : i32 to vector<16xi32>
      %and3A_1325 = arith.andi %shift_right_arithmetic3A_1322, %and3A_1324 : vector<16xi32>
      %and3A_1326 = vector.broadcast %scan3A_490 : i32 to vector<16xi32>
      %and3A_1327 = arith.andi %add3A_1319, %and3A_1326 : vector<16xi32>
      %or3A_1328 = arith.ori %and3A_1325, %and3A_1327 : vector<16xi32>
      %swap3A_1329 = arith.constant 0 : i32
      %swap3A_1330 = arith.index_cast %swap3A_1329 : i32 to index
      %swap3A_1331 = arith.index_cast %scan3A_603 : i32 to index
      %swap3A_1332 = arith.constant 112 : index
      %swap3A_1333 = tpu.vector_load %arg22[%swap3A_1330, %swap3A_1331, %swap3A_1332] {strides = array<i32>} : memref<2x32x128xi32, #tpu.memory_space<vmem>>, vector<16xi32>,
      tpu.vector_store %arg22[%swap3A_1330, %swap3A_1331, %swap3A_1332], %or3A_1328 {strides = array<i32>} : memref<2x32x128xi32, #tpu.memory_space<vmem>>, vector<16xi32>,
      %scan3A_1334 = arith.constant 0 : i32
      scf.yield %scan3A_1334 : i32
    }
    %scan3A_497 = arith.constant 32 : i32
    %mul3A_498 = arith.constant 1792 : i32
    %mul3A_499 = arith.muli %add3A, %mul3A_498 : i32
    %add3A_500 = arith.constant 1728 : i32
    %add3A_501 = arith.addi %mul3A_499, %add3A_500 : i32
    %dma_start3A_502 = arith.constant 0 : i32
    %dma_start3A_503 = arith.constant 0 : i32
    %dma_start3A_504 = arith.constant 0 : i32
    %dma_start3A_505 = tpu.memref_slice %arg22[%dma_start3A_502, %dma_start3A_503, %dma_start3A_504] : memref<2x32x128xi32, #tpu.memory_space<vmem>> -> memref<1x32x128xi32, #tpu.memory_space<vmem>>
    %dma_start3A_506 = tpu.memref_squeeze %dma_start3A_505 : memref<1x32x128xi32, #tpu.memory_space<vmem>> -> memref<32x128xi32, #tpu.memory_space<vmem>>
    %dma_start3A_507 = arith.constant 0 : i32
    %dma_start3A_508 = tpu.memref_slice %arg7[%add3A_501, %dma_start3A_507] : memref<57344x128xi32, #tpu.memory_space<hbm>> -> memref<32x128xi32, #tpu.memory_space<hbm>>
    %dma_start3A_509 = arith.constant 0 : i32
    %dma_start3A_510 = tpu.memref_slice %arg7[%add3A_501, %dma_start3A_509] : memref<57344x128xi32, #tpu.memory_space<hbm>> -> memref<32x128xi32, #tpu.memory_space<hbm>>
    %dma_start3A_511 = arith.constant 0 : i32
    %dma_start3A_512 = arith.constant 0 : i32
    %dma_start3A_513 = tpu.memref_slice %arg22[%dma_start3A_502, %dma_start3A_511, %dma_start3A_512] : memref<2x32x128xi32, #tpu.memory_space<vmem>> -> memref<1x32x128xi32, #tpu.memory_space<vmem>>
    %dma_start3A_514 = tpu.memref_squeeze %dma_start3A_513 : memref<1x32x128xi32, #tpu.memory_space<vmem>> -> memref<32x128xi32, #tpu.memory_space<vmem>>
    tpu.enqueue_dma source(%dma_start3A_514 : memref<32x128xi32, #tpu.memory_space<vmem>>) target(%dma_start3A_510 : memref<32x128xi32, #tpu.memory_space<hbm>>) target_semaphore(%arg25 : memref<!tpu.dma_semaphore, #tpu.memory_space<semaphore_mem>>)
    %dma_wait3A_515 = arith.constant 1 : i32
    %dma_wait3A_516 = arith.constant 1 : i32
    %dma_wait3A_517 = arith.constant 0 : i32
    %dma_wait3A_518 = arith.constant 0 : i32
    %dma_wait3A_519 = tpu.memref_slice %arg21[%dma_wait3A_516, %dma_wait3A_517, %dma_wait3A_518] : memref<2x128x128xi32, #tpu.memory_space<vmem>> -> memref<1x128x128xi32, #tpu.memory_space<vmem>>
    %dma_wait3A_520 = tpu.memref_squeeze %dma_wait3A_519 : memref<1x128x128xi32, #tpu.memory_space<vmem>> -> memref<128x128xi32, #tpu.memory_space<vmem>>
    %dma_wait3A_521 = arith.constant 0 : i32
    %dma_wait3A_522 = tpu.memref_slice %arg18[%dma_wait3A_515, %dma_wait3A_521] : memref<2x128xi32, #tpu.memory_space<vmem>> -> memref<1x128xi32, #tpu.memory_space<vmem>>
    %dma_wait3A_523 = tpu.memref_squeeze %dma_wait3A_522 : memref<1x128xi32, #tpu.memory_space<vmem>> -> memref<128xi32, #tpu.memory_space<vmem>>
    %dma_wait3A_524 = arith.constant 0 : i32
    %dma_wait3A_525 = arith.constant 0 : i32
    %dma_wait3A_526 = tpu.memref_slice %arg2[%dma_wait3A_524, %dma_wait3A_525] : memref<5440x128xi32, #tpu.memory_space<hbm>> -> memref<5440x128xi32, #tpu.memory_space<hbm>>
    tpu.wait_indirect_dma semaphore(%arg24 : memref<!tpu.dma_semaphore, #tpu.memory_space<semaphore_mem>>) src(%dma_wait3A_526 : memref<5440x128xi32, #tpu.memory_space<hbm>>) dst(%dma_wait3A_520 : memref<128x128xi32, #tpu.memory_space<vmem>>)
    %mul3A_527 = arith.constant 1792 : i32
    %mul3A_528 = arith.muli %add3A, %mul3A_527 : i32
    %add3A_529 = arith.constant 1696 : i32
    %add3A_530 = arith.addi %mul3A_528, %add3A_529 : i32
    %dma_wait3A_531 = arith.constant 1 : i32
    %dma_wait3A_532 = arith.constant 0 : i32
    %dma_wait3A_533 = arith.constant 0 : i32
    %dma_wait3A_534 = tpu.memref_slice %arg22[%dma_wait3A_531, %dma_wait3A_532, %dma_wait3A_533] : memref<2x32x128xi32, #tpu.memory_space<vmem>> -> memref<1x32x128xi32, #tpu.memory_space<vmem>>
    %dma_wait3A_535 = tpu.memref_squeeze %dma_wait3A_534 : memref<1x32x128xi32, #tpu.memory_space<vmem>> -> memref<32x128xi32, #tpu.memory_space<vmem>>
    %dma_wait3A_536 = arith.constant 0 : i32
    %dma_wait3A_537 = tpu.memref_slice %arg7[%add3A_530, %dma_wait3A_536] : memref<57344x128xi32, #tpu.memory_space<hbm>> -> memref<32x128xi32, #tpu.memory_space<hbm>>
    %dma_wait3A_538 = arith.constant 0 : i32
    %dma_wait3A_539 = tpu.memref_slice %arg7[%add3A_530, %dma_wait3A_538] : memref<57344x128xi32, #tpu.memory_space<hbm>> -> memref<32x128xi32, #tpu.memory_space<hbm>>
    %dma_wait3A_540 = arith.constant 0 : i32
    %dma_wait3A_541 = arith.constant 0 : i32
    %dma_wait3A_542 = tpu.memref_slice %arg22[%dma_wait3A_531, %dma_wait3A_540, %dma_wait3A_541] : memref<2x32x128xi32, #tpu.memory_space<vmem>> -> memref<1x32x128xi32, #tpu.memory_space<vmem>>
    %dma_wait3A_543 = tpu.memref_squeeze %dma_wait3A_542 : memref<1x32x128xi32, #tpu.memory_space<vmem>> -> memref<32x128xi32, #tpu.memory_space<vmem>>
    tpu.wait_dma2 semaphore(%arg26 : memref<!tpu.dma_semaphore, #tpu.memory_space<semaphore_mem>>) src(%dma_wait3A_543 : memref<32x128xi32, #tpu.memory_space<vmem>>) dst(%dma_wait3A_539 : memref<32x128xi32, #tpu.memory_space<hbm>>)
    %scan3A_544 = arith.constant -65536 : i32
    %scan3A_545 = arith.constant 0 : i32
    %scan3A_546 = arith.constant 0 : i32
    %scan3A_547 = arith.constant 32 : i32
    %scan3A_548 = arith.addi %scan3A_546, %scan3A_547 : i32
    %scan3A_549 = arith.constant 1 : i32
    %scan3A_550 = scf.for %scan3A_603 = %scan3A_546 to %scan3A_548 step %scan3A_549 iter_args(%scan3A_604 = %scan3A_545) -> (i32)  : i32 {
      %broadcast_in_dim3A_605 = vector.broadcast %scan3A_603 : i32 to vector<16xi32>
      %broadcast_in_dim3A_606 = arith.constant 1 : i32
      %broadcast_in_dim3A_607 = vector.broadcast %broadcast_in_dim3A_606 : i32 to vector<16xi32>
      %gather3A_608 = tpu.vector_load_idx %arg19[%broadcast_in_dim3A_607, %broadcast_in_dim3A_605] : memref<2x32xf32, #tpu.memory_space<vmem>>[vector<16xi32>, vector<16xi32>], vector<16xf32>,
      %gather3A_609 = tpu.vector_load_idx %arg20[%broadcast_in_dim3A_607, %broadcast_in_dim3A_605] : memref<2x32xf32, #tpu.memory_space<vmem>>[vector<16xi32>, vector<16xi32>], vector<16xf32>,
      %mul3A_610 = arith.mulf %gather3A_608, %gather3A_609 : vector<16xf32>
      %sub3A_611 = arith.subf %gather3A_608, %mul3A_610 : vector<16xf32>
      %sub3A_612 = arith.subf %gather3A_609, %mul3A_610 : vector<16xf32>
      %sub3A_613 = arith.constant 1.000000e+00 : f32
      %sub3A_614 = vector.broadcast %sub3A_613 : f32 to vector<16xf32>
      %sub3A_615 = arith.subf %sub3A_614, %gather3A_608 : vector<16xf32>
      %sub3A_616 = arith.subf %sub3A_615, %gather3A_609 : vector<16xf32>
      %add3A_617 = arith.addf %sub3A_616, %mul3A_610 : vector<16xf32>
      %get3A_618 = arith.constant 1 : i32
      %get3A_619 = arith.index_cast %get3A_618 : i32 to index
      %get3A_620 = arith.index_cast %scan3A_603 : i32 to index
      %get3A_621 = arith.constant 0 : index
      %get3A_622 = tpu.vector_load %arg21[%get3A_619, %get3A_620, %get3A_621] {strides = array<i32>} : memref<2x128x128xi32, #tpu.memory_space<vmem>>, vector<16xi32>,
      %add3A_623 = arith.constant 32 : i32
      %add3A_624 = arith.addi %add3A_623, %scan3A_603 : i32
      %get3A_625 = arith.constant 1 : i32
      %get3A_626 = arith.index_cast %get3A_625 : i32 to index
      %get3A_627 = arith.index_cast %add3A_624 : i32 to index
      %get3A_628 = arith.constant 0 : index
      %get3A_629 = tpu.vector_load %arg21[%get3A_626, %get3A_627, %get3A_628] {strides = array<i32>} : memref<2x128x128xi32, #tpu.memory_space<vmem>>, vector<16xi32>,
      %add3A_630 = arith.constant 64 : i32
      %add3A_631 = arith.addi %add3A_630, %scan3A_603 : i32
      %get3A_632 = arith.constant 1 : i32
      %get3A_633 = arith.index_cast %get3A_632 : i32 to index
      %get3A_634 = arith.index_cast %add3A_631 : i32 to index
      %get3A_635 = arith.constant 0 : index
      %get3A_636 = tpu.vector_load %arg21[%get3A_633, %get3A_634, %get3A_635] {strides = array<i32>} : memref<2x128x128xi32, #tpu.memory_space<vmem>>, vector<16xi32>,
      %add3A_637 = arith.constant 96 : i32
      %add3A_638 = arith.addi %add3A_637, %scan3A_603 : i32
      %get3A_639 = arith.constant 1 : i32
      %get3A_640 = arith.index_cast %get3A_639 : i32 to index
      %get3A_641 = arith.index_cast %add3A_638 : i32 to index
      %get3A_642 = arith.constant 0 : index
      %get3A_643 = tpu.vector_load %arg21[%get3A_640, %get3A_641, %get3A_642] {strides = array<i32>} : memref<2x128x128xi32, #tpu.memory_space<vmem>>, vector<16xi32>,
      %shift_left3A_644 = arith.constant 16 : i32
      %shift_left3A_645 = vector.broadcast %shift_left3A_644 : i32 to vector<16xi32>
      %shift_left3A_646 = arith.shli %get3A_622, %shift_left3A_645 : vector<16xi32>
      %bitcast3A = vector.bitcast %shift_left3A_646 : vector<16xi32> to vector<16xf32>
      %mul3A_647 = arith.mulf %bitcast3A, %add3A_617 : vector<16xf32>
      %shift_left3A_648 = arith.constant 16 : i32
      %shift_left3A_649 = vector.broadcast %shift_left3A_648 : i32 to vector<16xi32>
      %shift_left3A_650 = arith.shli %get3A_629, %shift_left3A_649 : vector<16xi32>
      %bitcast3A_651 = vector.bitcast %shift_left3A_650 : vector<16xi32> to vector<16xf32>
      %mul3A_652 = arith.mulf %bitcast3A_651, %sub3A_612 : vector<16xf32>
      %add3A_653 = arith.addf %mul3A_647, %mul3A_652 : vector<16xf32>
      %shift_left3A_654 = arith.constant 16 : i32
      %shift_left3A_655 = vector.broadcast %shift_left3A_654 : i32 to vector<16xi32>
      %shift_left3A_656 = arith.shli %get3A_636, %shift_left3A_655 : vector<16xi32>
      %bitcast3A_657 = vector.bitcast %shift_left3A_656 : vector<16xi32> to vector<16xf32>
      %mul3A_658 = arith.mulf %bitcast3A_657, %sub3A_611 : vector<16xf32>
      %add3A_659 = arith.addf %add3A_653, %mul3A_658 : vector<16xf32>
      %shift_left3A_660 = arith.constant 16 : i32
      %shift_left3A_661 = vector.broadcast %shift_left3A_660 : i32 to vector<16xi32>
      %shift_left3A_662 = arith.shli %get3A_643, %shift_left3A_661 : vector<16xi32>
      %bitcast3A_663 = vector.bitcast %shift_left3A_662 : vector<16xi32> to vector<16xf32>
      %mul3A_664 = arith.mulf %bitcast3A_663, %mul3A_610 : vector<16xf32>
      %add3A_665 = arith.addf %add3A_659, %mul3A_664 : vector<16xf32>
      %and3A = vector.broadcast %scan3A_544 : i32 to vector<16xi32>
      %and3A_666 = arith.andi %get3A_622, %and3A : vector<16xi32>
      %bitcast3A_667 = vector.bitcast %and3A_666 : vector<16xi32> to vector<16xf32>
      %mul3A_668 = arith.mulf %bitcast3A_667, %add3A_617 : vector<16xf32>
      %and3A_669 = vector.broadcast %scan3A_544 : i32 to vector<16xi32>
      %and3A_670 = arith.andi %get3A_629, %and3A_669 : vector<16xi32>
      %bitcast3A_671 = vector.bitcast %and3A_670 : vector<16xi32> to vector<16xf32>
      %mul3A_672 = arith.mulf %bitcast3A_671, %sub3A_612 : vector<16xf32>
      %add3A_673 = arith.addf %mul3A_668, %mul3A_672 : vector<16xf32>
      %and3A_674 = vector.broadcast %scan3A_544 : i32 to vector<16xi32>
      %and3A_675 = arith.andi %get3A_636, %and3A_674 : vector<16xi32>
      %bitcast3A_676 = vector.bitcast %and3A_675 : vector<16xi32> to vector<16xf32>
      %mul3A_677 = arith.mulf %bitcast3A_676, %sub3A_611 : vector<16xf32>
      %add3A_678 = arith.addf %add3A_673, %mul3A_677 : vector<16xf32>
      %and3A_679 = vector.broadcast %scan3A_544 : i32 to vector<16xi32>
      %and3A_680 = arith.andi %get3A_643, %and3A_679 : vector<16xi32>
      %bitcast3A_681 = vector.bitcast %and3A_680 : vector<16xi32> to vector<16xf32>
      %mul3A_682 = arith.mulf %bitcast3A_681, %mul3A_610 : vector<16xf32>
      %add3A_683 = arith.addf %add3A_678, %mul3A_682 : vector<16xf32>
      %bitcast3A_684 = vector.bitcast %add3A_665 : vector<16xf32> to vector<16xi32>
      %add3A_685 = arith.constant 32768 : i32
      %add3A_686 = vector.broadcast %add3A_685 : i32 to vector<16xi32>
      %add3A_687 = arith.addi %bitcast3A_684, %add3A_686 : vector<16xi32>
      %bitcast3A_688 = vector.bitcast %add3A_683 : vector<16xf32> to vector<16xi32>
      %add3A_689 = arith.constant 32768 : i32
      %add3A_690 = vector.broadcast %add3A_689 : i32 to vector<16xi32>
      %add3A_691 = arith.addi %bitcast3A_688, %add3A_690 : vector<16xi32>
      %shift_right_arithmetic3A = arith.constant 16 : i32
      %shift_right_arithmetic3A_692 = vector.broadcast %shift_right_arithmetic3A : i32 to vector<16xi32>
      %shift_right_arithmetic3A_693 = arith.shrsi %add3A_687, %shift_right_arithmetic3A_692 : vector<16xi32>
      %and3A_694 = arith.constant 65535 : i32
      %and3A_695 = vector.broadcast %and3A_694 : i32 to vector<16xi32>
      %and3A_696 = arith.andi %shift_right_arithmetic3A_693, %and3A_695 : vector<16xi32>
      %and3A_697 = vector.broadcast %scan3A_544 : i32 to vector<16xi32>
      %and3A_698 = arith.andi %add3A_691, %and3A_697 : vector<16xi32>
      %or3A = arith.ori %and3A_696, %and3A_698 : vector<16xi32>
      %swap3A_699 = arith.constant 1 : i32
      %swap3A_700 = arith.index_cast %swap3A_699 : i32 to index
      %swap3A_701 = arith.index_cast %scan3A_603 : i32 to index
      %swap3A_702 = arith.constant 0 : index
      %swap3A_703 = tpu.vector_load %arg22[%swap3A_700, %swap3A_701, %swap3A_702] {strides = array<i32>} : memref<2x32x128xi32, #tpu.memory_space<vmem>>, vector<16xi32>,
      tpu.vector_store %arg22[%swap3A_700, %swap3A_701, %swap3A_702], %or3A {strides = array<i32>} : memref<2x32x128xi32, #tpu.memory_space<vmem>>, vector<16xi32>,
      %get3A_704 = arith.constant 1 : i32
      %get3A_705 = arith.index_cast %get3A_704 : i32 to index
      %get3A_706 = arith.index_cast %scan3A_603 : i32 to index
      %get3A_707 = arith.constant 16 : index
      %get3A_708 = tpu.vector_load %arg21[%get3A_705, %get3A_706, %get3A_707] {strides = array<i32>} : memref<2x128x128xi32, #tpu.memory_space<vmem>>, vector<16xi32>,
      %add3A_709 = arith.constant 32 : i32
      %add3A_710 = arith.addi %add3A_709, %scan3A_603 : i32
      %get3A_711 = arith.constant 1 : i32
      %get3A_712 = arith.index_cast %get3A_711 : i32 to index
      %get3A_713 = arith.index_cast %add3A_710 : i32 to index
      %get3A_714 = arith.constant 16 : index
      %get3A_715 = tpu.vector_load %arg21[%get3A_712, %get3A_713, %get3A_714] {strides = array<i32>} : memref<2x128x128xi32, #tpu.memory_space<vmem>>, vector<16xi32>,
      %add3A_716 = arith.constant 64 : i32
      %add3A_717 = arith.addi %add3A_716, %scan3A_603 : i32
      %get3A_718 = arith.constant 1 : i32
      %get3A_719 = arith.index_cast %get3A_718 : i32 to index
      %get3A_720 = arith.index_cast %add3A_717 : i32 to index
      %get3A_721 = arith.constant 16 : index
      %get3A_722 = tpu.vector_load %arg21[%get3A_719, %get3A_720, %get3A_721] {strides = array<i32>} : memref<2x128x128xi32, #tpu.memory_space<vmem>>, vector<16xi32>,
      %add3A_723 = arith.constant 96 : i32
      %add3A_724 = arith.addi %add3A_723, %scan3A_603 : i32
      %get3A_725 = arith.constant 1 : i32
      %get3A_726 = arith.index_cast %get3A_725 : i32 to index
      %get3A_727 = arith.index_cast %add3A_724 : i32 to index
      %get3A_728 = arith.constant 16 : index
      %get3A_729 = tpu.vector_load %arg21[%get3A_726, %get3A_727, %get3A_728] {strides = array<i32>} : memref<2x128x128xi32, #tpu.memory_space<vmem>>, vector<16xi32>,
      %shift_left3A_730 = arith.constant 16 : i32
      %shift_left3A_731 = vector.broadcast %shift_left3A_730 : i32 to vector<16xi32>
      %shift_left3A_732 = arith.shli %get3A_708, %shift_left3A_731 : vector<16xi32>
      %bitcast3A_733 = vector.bitcast %shift_left3A_732 : vector<16xi32> to vector<16xf32>
      %mul3A_734 = arith.mulf %bitcast3A_733, %add3A_617 : vector<16xf32>
      %shift_left3A_735 = arith.constant 16 : i32
      %shift_left3A_736 = vector.broadcast %shift_left3A_735 : i32 to vector<16xi32>
      %shift_left3A_737 = arith.shli %get3A_715, %shift_left3A_736 : vector<16xi32>
      %bitcast3A_738 = vector.bitcast %shift_left3A_737 : vector<16xi32> to vector<16xf32>
      %mul3A_739 = arith.mulf %bitcast3A_738, %sub3A_612 : vector<16xf32>
      %add3A_740 = arith.addf %mul3A_734, %mul3A_739 : vector<16xf32>
      %shift_left3A_741 = arith.constant 16 : i32
      %shift_left3A_742 = vector.broadcast %shift_left3A_741 : i32 to vector<16xi32>
      %shift_left3A_743 = arith.shli %get3A_722, %shift_left3A_742 : vector<16xi32>
      %bitcast3A_744 = vector.bitcast %shift_left3A_743 : vector<16xi32> to vector<16xf32>
      %mul3A_745 = arith.mulf %bitcast3A_744, %sub3A_611 : vector<16xf32>
      %add3A_746 = arith.addf %add3A_740, %mul3A_745 : vector<16xf32>
      %shift_left3A_747 = arith.constant 16 : i32
      %shift_left3A_748 = vector.broadcast %shift_left3A_747 : i32 to vector<16xi32>
      %shift_left3A_749 = arith.shli %get3A_729, %shift_left3A_748 : vector<16xi32>
      %bitcast3A_750 = vector.bitcast %shift_left3A_749 : vector<16xi32> to vector<16xf32>
      %mul3A_751 = arith.mulf %bitcast3A_750, %mul3A_610 : vector<16xf32>
      %add3A_752 = arith.addf %add3A_746, %mul3A_751 : vector<16xf32>
      %and3A_753 = vector.broadcast %scan3A_544 : i32 to vector<16xi32>
      %and3A_754 = arith.andi %get3A_708, %and3A_753 : vector<16xi32>
      %bitcast3A_755 = vector.bitcast %and3A_754 : vector<16xi32> to vector<16xf32>
      %mul3A_756 = arith.mulf %bitcast3A_755, %add3A_617 : vector<16xf32>
      %and3A_757 = vector.broadcast %scan3A_544 : i32 to vector<16xi32>
      %and3A_758 = arith.andi %get3A_715, %and3A_757 : vector<16xi32>
      %bitcast3A_759 = vector.bitcast %and3A_758 : vector<16xi32> to vector<16xf32>
      %mul3A_760 = arith.mulf %bitcast3A_759, %sub3A_612 : vector<16xf32>
      %add3A_761 = arith.addf %mul3A_756, %mul3A_760 : vector<16xf32>
      %and3A_762 = vector.broadcast %scan3A_544 : i32 to vector<16xi32>
      %and3A_763 = arith.andi %get3A_722, %and3A_762 : vector<16xi32>
      %bitcast3A_764 = vector.bitcast %and3A_763 : vector<16xi32> to vector<16xf32>
      %mul3A_765 = arith.mulf %bitcast3A_764, %sub3A_611 : vector<16xf32>
      %add3A_766 = arith.addf %add3A_761, %mul3A_765 : vector<16xf32>
      %and3A_767 = vector.broadcast %scan3A_544 : i32 to vector<16xi32>
      %and3A_768 = arith.andi %get3A_729, %and3A_767 : vector<16xi32>
      %bitcast3A_769 = vector.bitcast %and3A_768 : vector<16xi32> to vector<16xf32>
      %mul3A_770 = arith.mulf %bitcast3A_769, %mul3A_610 : vector<16xf32>
      %add3A_771 = arith.addf %add3A_766, %mul3A_770 : vector<16xf32>
      %bitcast3A_772 = vector.bitcast %add3A_752 : vector<16xf32> to vector<16xi32>
      %add3A_773 = arith.constant 32768 : i32
      %add3A_774 = vector.broadcast %add3A_773 : i32 to vector<16xi32>
      %add3A_775 = arith.addi %bitcast3A_772, %add3A_774 : vector<16xi32>
      %bitcast3A_776 = vector.bitcast %add3A_771 : vector<16xf32> to vector<16xi32>
      %add3A_777 = arith.constant 32768 : i32
      %add3A_778 = vector.broadcast %add3A_777 : i32 to vector<16xi32>
      %add3A_779 = arith.addi %bitcast3A_776, %add3A_778 : vector<16xi32>
      %shift_right_arithmetic3A_780 = arith.constant 16 : i32
      %shift_right_arithmetic3A_781 = vector.broadcast %shift_right_arithmetic3A_780 : i32 to vector<16xi32>
      %shift_right_arithmetic3A_782 = arith.shrsi %add3A_775, %shift_right_arithmetic3A_781 : vector<16xi32>
      %and3A_783 = arith.constant 65535 : i32
      %and3A_784 = vector.broadcast %and3A_783 : i32 to vector<16xi32>
      %and3A_785 = arith.andi %shift_right_arithmetic3A_782, %and3A_784 : vector<16xi32>
      %and3A_786 = vector.broadcast %scan3A_544 : i32 to vector<16xi32>
      %and3A_787 = arith.andi %add3A_779, %and3A_786 : vector<16xi32>
      %or3A_788 = arith.ori %and3A_785, %and3A_787 : vector<16xi32>
      %swap3A_789 = arith.constant 1 : i32
      %swap3A_790 = arith.index_cast %swap3A_789 : i32 to index
      %swap3A_791 = arith.index_cast %scan3A_603 : i32 to index
      %swap3A_792 = arith.constant 16 : index
      %swap3A_793 = tpu.vector_load %arg22[%swap3A_790, %swap3A_791, %swap3A_792] {strides = array<i32>} : memref<2x32x128xi32, #tpu.memory_space<vmem>>, vector<16xi32>,
      tpu.vector_store %arg22[%swap3A_790, %swap3A_791, %swap3A_792], %or3A_788 {strides = array<i32>} : memref<2x32x128xi32, #tpu.memory_space<vmem>>, vector<16xi32>,
      %get3A_794 = arith.constant 1 : i32
      %get3A_795 = arith.index_cast %get3A_794 : i32 to index
      %get3A_796 = arith.index_cast %scan3A_603 : i32 to index
      %get3A_797 = arith.constant 32 : index
      %get3A_798 = tpu.vector_load %arg21[%get3A_795, %get3A_796, %get3A_797] {strides = array<i32>} : memref<2x128x128xi32, #tpu.memory_space<vmem>>, vector<16xi32>,
      %add3A_799 = arith.constant 32 : i32
      %add3A_800 = arith.addi %add3A_799, %scan3A_603 : i32
      %get3A_801 = arith.constant 1 : i32
      %get3A_802 = arith.index_cast %get3A_801 : i32 to index
      %get3A_803 = arith.index_cast %add3A_800 : i32 to index
      %get3A_804 = arith.constant 32 : index
      %get3A_805 = tpu.vector_load %arg21[%get3A_802, %get3A_803, %get3A_804] {strides = array<i32>} : memref<2x128x128xi32, #tpu.memory_space<vmem>>, vector<16xi32>,
      %add3A_806 = arith.constant 64 : i32
      %add3A_807 = arith.addi %add3A_806, %scan3A_603 : i32
      %get3A_808 = arith.constant 1 : i32
      %get3A_809 = arith.index_cast %get3A_808 : i32 to index
      %get3A_810 = arith.index_cast %add3A_807 : i32 to index
      %get3A_811 = arith.constant 32 : index
      %get3A_812 = tpu.vector_load %arg21[%get3A_809, %get3A_810, %get3A_811] {strides = array<i32>} : memref<2x128x128xi32, #tpu.memory_space<vmem>>, vector<16xi32>,
      %add3A_813 = arith.constant 96 : i32
      %add3A_814 = arith.addi %add3A_813, %scan3A_603 : i32
      %get3A_815 = arith.constant 1 : i32
      %get3A_816 = arith.index_cast %get3A_815 : i32 to index
      %get3A_817 = arith.index_cast %add3A_814 : i32 to index
      %get3A_818 = arith.constant 32 : index
      %get3A_819 = tpu.vector_load %arg21[%get3A_816, %get3A_817, %get3A_818] {strides = array<i32>} : memref<2x128x128xi32, #tpu.memory_space<vmem>>, vector<16xi32>,
      %shift_left3A_820 = arith.constant 16 : i32
      %shift_left3A_821 = vector.broadcast %shift_left3A_820 : i32 to vector<16xi32>
      %shift_left3A_822 = arith.shli %get3A_798, %shift_left3A_821 : vector<16xi32>
      %bitcast3A_823 = vector.bitcast %shift_left3A_822 : vector<16xi32> to vector<16xf32>
      %mul3A_824 = arith.mulf %bitcast3A_823, %add3A_617 : vector<16xf32>
      %shift_left3A_825 = arith.constant 16 : i32
      %shift_left3A_826 = vector.broadcast %shift_left3A_825 : i32 to vector<16xi32>
      %shift_left3A_827 = arith.shli %get3A_805, %shift_left3A_826 : vector<16xi32>
      %bitcast3A_828 = vector.bitcast %shift_left3A_827 : vector<16xi32> to vector<16xf32>
      %mul3A_829 = arith.mulf %bitcast3A_828, %sub3A_612 : vector<16xf32>
      %add3A_830 = arith.addf %mul3A_824, %mul3A_829 : vector<16xf32>
      %shift_left3A_831 = arith.constant 16 : i32
      %shift_left3A_832 = vector.broadcast %shift_left3A_831 : i32 to vector<16xi32>
      %shift_left3A_833 = arith.shli %get3A_812, %shift_left3A_832 : vector<16xi32>
      %bitcast3A_834 = vector.bitcast %shift_left3A_833 : vector<16xi32> to vector<16xf32>
      %mul3A_835 = arith.mulf %bitcast3A_834, %sub3A_611 : vector<16xf32>
      %add3A_836 = arith.addf %add3A_830, %mul3A_835 : vector<16xf32>
      %shift_left3A_837 = arith.constant 16 : i32
      %shift_left3A_838 = vector.broadcast %shift_left3A_837 : i32 to vector<16xi32>
      %shift_left3A_839 = arith.shli %get3A_819, %shift_left3A_838 : vector<16xi32>
      %bitcast3A_840 = vector.bitcast %shift_left3A_839 : vector<16xi32> to vector<16xf32>
      %mul3A_841 = arith.mulf %bitcast3A_840, %mul3A_610 : vector<16xf32>
      %add3A_842 = arith.addf %add3A_836, %mul3A_841 : vector<16xf32>
      %and3A_843 = vector.broadcast %scan3A_544 : i32 to vector<16xi32>
      %and3A_844 = arith.andi %get3A_798, %and3A_843 : vector<16xi32>
      %bitcast3A_845 = vector.bitcast %and3A_844 : vector<16xi32> to vector<16xf32>
      %mul3A_846 = arith.mulf %bitcast3A_845, %add3A_617 : vector<16xf32>
      %and3A_847 = vector.broadcast %scan3A_544 : i32 to vector<16xi32>
      %and3A_848 = arith.andi %get3A_805, %and3A_847 : vector<16xi32>
      %bitcast3A_849 = vector.bitcast %and3A_848 : vector<16xi32> to vector<16xf32>
      %mul3A_850 = arith.mulf %bitcast3A_849, %sub3A_612 : vector<16xf32>
      %add3A_851 = arith.addf %mul3A_846, %mul3A_850 : vector<16xf32>
      %and3A_852 = vector.broadcast %scan3A_544 : i32 to vector<16xi32>
      %and3A_853 = arith.andi %get3A_812, %and3A_852 : vector<16xi32>
      %bitcast3A_854 = vector.bitcast %and3A_853 : vector<16xi32> to vector<16xf32>
      %mul3A_855 = arith.mulf %bitcast3A_854, %sub3A_611 : vector<16xf32>
      %add3A_856 = arith.addf %add3A_851, %mul3A_855 : vector<16xf32>
      %and3A_857 = vector.broadcast %scan3A_544 : i32 to vector<16xi32>
      %and3A_858 = arith.andi %get3A_819, %and3A_857 : vector<16xi32>
      %bitcast3A_859 = vector.bitcast %and3A_858 : vector<16xi32> to vector<16xf32>
      %mul3A_860 = arith.mulf %bitcast3A_859, %mul3A_610 : vector<16xf32>
      %add3A_861 = arith.addf %add3A_856, %mul3A_860 : vector<16xf32>
      %bitcast3A_862 = vector.bitcast %add3A_842 : vector<16xf32> to vector<16xi32>
      %add3A_863 = arith.constant 32768 : i32
      %add3A_864 = vector.broadcast %add3A_863 : i32 to vector<16xi32>
      %add3A_865 = arith.addi %bitcast3A_862, %add3A_864 : vector<16xi32>
      %bitcast3A_866 = vector.bitcast %add3A_861 : vector<16xf32> to vector<16xi32>
      %add3A_867 = arith.constant 32768 : i32
      %add3A_868 = vector.broadcast %add3A_867 : i32 to vector<16xi32>
      %add3A_869 = arith.addi %bitcast3A_866, %add3A_868 : vector<16xi32>
      %shift_right_arithmetic3A_870 = arith.constant 16 : i32
      %shift_right_arithmetic3A_871 = vector.broadcast %shift_right_arithmetic3A_870 : i32 to vector<16xi32>
      %shift_right_arithmetic3A_872 = arith.shrsi %add3A_865, %shift_right_arithmetic3A_871 : vector<16xi32>
      %and3A_873 = arith.constant 65535 : i32
      %and3A_874 = vector.broadcast %and3A_873 : i32 to vector<16xi32>
      %and3A_875 = arith.andi %shift_right_arithmetic3A_872, %and3A_874 : vector<16xi32>
      %and3A_876 = vector.broadcast %scan3A_544 : i32 to vector<16xi32>
      %and3A_877 = arith.andi %add3A_869, %and3A_876 : vector<16xi32>
      %or3A_878 = arith.ori %and3A_875, %and3A_877 : vector<16xi32>
      %swap3A_879 = arith.constant 1 : i32
      %swap3A_880 = arith.index_cast %swap3A_879 : i32 to index
      %swap3A_881 = arith.index_cast %scan3A_603 : i32 to index
      %swap3A_882 = arith.constant 32 : index
      %swap3A_883 = tpu.vector_load %arg22[%swap3A_880, %swap3A_881, %swap3A_882] {strides = array<i32>} : memref<2x32x128xi32, #tpu.memory_space<vmem>>, vector<16xi32>,
      tpu.vector_store %arg22[%swap3A_880, %swap3A_881, %swap3A_882], %or3A_878 {strides = array<i32>} : memref<2x32x128xi32, #tpu.memory_space<vmem>>, vector<16xi32>,
      %get3A_884 = arith.constant 1 : i32
      %get3A_885 = arith.index_cast %get3A_884 : i32 to index
      %get3A_886 = arith.index_cast %scan3A_603 : i32 to index
      %get3A_887 = arith.constant 48 : index
      %get3A_888 = tpu.vector_load %arg21[%get3A_885, %get3A_886, %get3A_887] {strides = array<i32>} : memref<2x128x128xi32, #tpu.memory_space<vmem>>, vector<16xi32>,
      %add3A_889 = arith.constant 32 : i32
      %add3A_890 = arith.addi %add3A_889, %scan3A_603 : i32
      %get3A_891 = arith.constant 1 : i32
      %get3A_892 = arith.index_cast %get3A_891 : i32 to index
      %get3A_893 = arith.index_cast %add3A_890 : i32 to index
      %get3A_894 = arith.constant 48 : index
      %get3A_895 = tpu.vector_load %arg21[%get3A_892, %get3A_893, %get3A_894] {strides = array<i32>} : memref<2x128x128xi32, #tpu.memory_space<vmem>>, vector<16xi32>,
      %add3A_896 = arith.constant 64 : i32
      %add3A_897 = arith.addi %add3A_896, %scan3A_603 : i32
      %get3A_898 = arith.constant 1 : i32
      %get3A_899 = arith.index_cast %get3A_898 : i32 to index
      %get3A_900 = arith.index_cast %add3A_897 : i32 to index
      %get3A_901 = arith.constant 48 : index
      %get3A_902 = tpu.vector_load %arg21[%get3A_899, %get3A_900, %get3A_901] {strides = array<i32>} : memref<2x128x128xi32, #tpu.memory_space<vmem>>, vector<16xi32>,
      %add3A_903 = arith.constant 96 : i32
      %add3A_904 = arith.addi %add3A_903, %scan3A_603 : i32
      %get3A_905 = arith.constant 1 : i32
      %get3A_906 = arith.index_cast %get3A_905 : i32 to index
      %get3A_907 = arith.index_cast %add3A_904 : i32 to index
      %get3A_908 = arith.constant 48 : index
      %get3A_909 = tpu.vector_load %arg21[%get3A_906, %get3A_907, %get3A_908] {strides = array<i32>} : memref<2x128x128xi32, #tpu.memory_space<vmem>>, vector<16xi32>,
      %shift_left3A_910 = arith.constant 16 : i32
      %shift_left3A_911 = vector.broadcast %shift_left3A_910 : i32 to vector<16xi32>
      %shift_left3A_912 = arith.shli %get3A_888, %shift_left3A_911 : vector<16xi32>
      %bitcast3A_913 = vector.bitcast %shift_left3A_912 : vector<16xi32> to vector<16xf32>
      %mul3A_914 = arith.mulf %bitcast3A_913, %add3A_617 : vector<16xf32>
      %shift_left3A_915 = arith.constant 16 : i32
      %shift_left3A_916 = vector.broadcast %shift_left3A_915 : i32 to vector<16xi32>
      %shift_left3A_917 = arith.shli %get3A_895, %shift_left3A_916 : vector<16xi32>
      %bitcast3A_918 = vector.bitcast %shift_left3A_917 : vector<16xi32> to vector<16xf32>
      %mul3A_919 = arith.mulf %bitcast3A_918, %sub3A_612 : vector<16xf32>
      %add3A_920 = arith.addf %mul3A_914, %mul3A_919 : vector<16xf32>
      %shift_left3A_921 = arith.constant 16 : i32
      %shift_left3A_922 = vector.broadcast %shift_left3A_921 : i32 to vector<16xi32>
      %shift_left3A_923 = arith.shli %get3A_902, %shift_left3A_922 : vector<16xi32>
      %bitcast3A_924 = vector.bitcast %shift_left3A_923 : vector<16xi32> to vector<16xf32>
      %mul3A_925 = arith.mulf %bitcast3A_924, %sub3A_611 : vector<16xf32>
      %add3A_926 = arith.addf %add3A_920, %mul3A_925 : vector<16xf32>
      %shift_left3A_927 = arith.constant 16 : i32
      %shift_left3A_928 = vector.broadcast %shift_left3A_927 : i32 to vector<16xi32>
      %shift_left3A_929 = arith.shli %get3A_909, %shift_left3A_928 : vector<16xi32>
      %bitcast3A_930 = vector.bitcast %shift_left3A_929 : vector<16xi32> to vector<16xf32>
      %mul3A_931 = arith.mulf %bitcast3A_930, %mul3A_610 : vector<16xf32>
      %add3A_932 = arith.addf %add3A_926, %mul3A_931 : vector<16xf32>
      %and3A_933 = vector.broadcast %scan3A_544 : i32 to vector<16xi32>
      %and3A_934 = arith.andi %get3A_888, %and3A_933 : vector<16xi32>
      %bitcast3A_935 = vector.bitcast %and3A_934 : vector<16xi32> to vector<16xf32>
      %mul3A_936 = arith.mulf %bitcast3A_935, %add3A_617 : vector<16xf32>
      %and3A_937 = vector.broadcast %scan3A_544 : i32 to vector<16xi32>
      %and3A_938 = arith.andi %get3A_895, %and3A_937 : vector<16xi32>
      %bitcast3A_939 = vector.bitcast %and3A_938 : vector<16xi32> to vector<16xf32>
      %mul3A_940 = arith.mulf %bitcast3A_939, %sub3A_612 : vector<16xf32>
      %add3A_941 = arith.addf %mul3A_936, %mul3A_940 : vector<16xf32>
      %and3A_942 = vector.broadcast %scan3A_544 : i32 to vector<16xi32>
      %and3A_943 = arith.andi %get3A_902, %and3A_942 : vector<16xi32>
      %bitcast3A_944 = vector.bitcast %and3A_943 : vector<16xi32> to vector<16xf32>
      %mul3A_945 = arith.mulf %bitcast3A_944, %sub3A_611 : vector<16xf32>
      %add3A_946 = arith.addf %add3A_941, %mul3A_945 : vector<16xf32>
      %and3A_947 = vector.broadcast %scan3A_544 : i32 to vector<16xi32>
      %and3A_948 = arith.andi %get3A_909, %and3A_947 : vector<16xi32>
      %bitcast3A_949 = vector.bitcast %and3A_948 : vector<16xi32> to vector<16xf32>
      %mul3A_950 = arith.mulf %bitcast3A_949, %mul3A_610 : vector<16xf32>
      %add3A_951 = arith.addf %add3A_946, %mul3A_950 : vector<16xf32>
      %bitcast3A_952 = vector.bitcast %add3A_932 : vector<16xf32> to vector<16xi32>
      %add3A_953 = arith.constant 32768 : i32
      %add3A_954 = vector.broadcast %add3A_953 : i32 to vector<16xi32>
      %add3A_955 = arith.addi %bitcast3A_952, %add3A_954 : vector<16xi32>
      %bitcast3A_956 = vector.bitcast %add3A_951 : vector<16xf32> to vector<16xi32>
      %add3A_957 = arith.constant 32768 : i32
      %add3A_958 = vector.broadcast %add3A_957 : i32 to vector<16xi32>
      %add3A_959 = arith.addi %bitcast3A_956, %add3A_958 : vector<16xi32>
      %shift_right_arithmetic3A_960 = arith.constant 16 : i32
      %shift_right_arithmetic3A_961 = vector.broadcast %shift_right_arithmetic3A_960 : i32 to vector<16xi32>
      %shift_right_arithmetic3A_962 = arith.shrsi %add3A_955, %shift_right_arithmetic3A_961 : vector<16xi32>
      %and3A_963 = arith.constant 65535 : i32
      %and3A_964 = vector.broadcast %and3A_963 : i32 to vector<16xi32>
      %and3A_965 = arith.andi %shift_right_arithmetic3A_962, %and3A_964 : vector<16xi32>
      %and3A_966 = vector.broadcast %scan3A_544 : i32 to vector<16xi32>
      %and3A_967 = arith.andi %add3A_959, %and3A_966 : vector<16xi32>
      %or3A_968 = arith.ori %and3A_965, %and3A_967 : vector<16xi32>
      %swap3A_969 = arith.constant 1 : i32
      %swap3A_970 = arith.index_cast %swap3A_969 : i32 to index
      %swap3A_971 = arith.index_cast %scan3A_603 : i32 to index
      %swap3A_972 = arith.constant 48 : index
      %swap3A_973 = tpu.vector_load %arg22[%swap3A_970, %swap3A_971, %swap3A_972] {strides = array<i32>} : memref<2x32x128xi32, #tpu.memory_space<vmem>>, vector<16xi32>,
      tpu.vector_store %arg22[%swap3A_970, %swap3A_971, %swap3A_972], %or3A_968 {strides = array<i32>} : memref<2x32x128xi32, #tpu.memory_space<vmem>>, vector<16xi32>,
      %get3A_974 = arith.constant 1 : i32
      %get3A_975 = arith.index_cast %get3A_974 : i32 to index
      %get3A_976 = arith.index_cast %scan3A_603 : i32 to index
      %get3A_977 = arith.constant 64 : index
      %get3A_978 = tpu.vector_load %arg21[%get3A_975, %get3A_976, %get3A_977] {strides = array<i32>} : memref<2x128x128xi32, #tpu.memory_space<vmem>>, vector<16xi32>,
      %add3A_979 = arith.constant 32 : i32
      %add3A_980 = arith.addi %add3A_979, %scan3A_603 : i32
      %get3A_981 = arith.constant 1 : i32
      %get3A_982 = arith.index_cast %get3A_981 : i32 to index
      %get3A_983 = arith.index_cast %add3A_980 : i32 to index
      %get3A_984 = arith.constant 64 : index
      %get3A_985 = tpu.vector_load %arg21[%get3A_982, %get3A_983, %get3A_984] {strides = array<i32>} : memref<2x128x128xi32, #tpu.memory_space<vmem>>, vector<16xi32>,
      %add3A_986 = arith.constant 64 : i32
      %add3A_987 = arith.addi %add3A_986, %scan3A_603 : i32
      %get3A_988 = arith.constant 1 : i32
      %get3A_989 = arith.index_cast %get3A_988 : i32 to index
      %get3A_990 = arith.index_cast %add3A_987 : i32 to index
      %get3A_991 = arith.constant 64 : index
      %get3A_992 = tpu.vector_load %arg21[%get3A_989, %get3A_990, %get3A_991] {strides = array<i32>} : memref<2x128x128xi32, #tpu.memory_space<vmem>>, vector<16xi32>,
      %add3A_993 = arith.constant 96 : i32
      %add3A_994 = arith.addi %add3A_993, %scan3A_603 : i32
      %get3A_995 = arith.constant 1 : i32
      %get3A_996 = arith.index_cast %get3A_995 : i32 to index
      %get3A_997 = arith.index_cast %add3A_994 : i32 to index
      %get3A_998 = arith.constant 64 : index
      %get3A_999 = tpu.vector_load %arg21[%get3A_996, %get3A_997, %get3A_998] {strides = array<i32>} : memref<2x128x128xi32, #tpu.memory_space<vmem>>, vector<16xi32>,
      %shift_left3A_1000 = arith.constant 16 : i32
      %shift_left3A_1001 = vector.broadcast %shift_left3A_1000 : i32 to vector<16xi32>
      %shift_left3A_1002 = arith.shli %get3A_978, %shift_left3A_1001 : vector<16xi32>
      %bitcast3A_1003 = vector.bitcast %shift_left3A_1002 : vector<16xi32> to vector<16xf32>
      %mul3A_1004 = arith.mulf %bitcast3A_1003, %add3A_617 : vector<16xf32>
      %shift_left3A_1005 = arith.constant 16 : i32
      %shift_left3A_1006 = vector.broadcast %shift_left3A_1005 : i32 to vector<16xi32>
      %shift_left3A_1007 = arith.shli %get3A_985, %shift_left3A_1006 : vector<16xi32>
      %bitcast3A_1008 = vector.bitcast %shift_left3A_1007 : vector<16xi32> to vector<16xf32>
      %mul3A_1009 = arith.mulf %bitcast3A_1008, %sub3A_612 : vector<16xf32>
      %add3A_1010 = arith.addf %mul3A_1004, %mul3A_1009 : vector<16xf32>
      %shift_left3A_1011 = arith.constant 16 : i32
      %shift_left3A_1012 = vector.broadcast %shift_left3A_1011 : i32 to vector<16xi32>
      %shift_left3A_1013 = arith.shli %get3A_992, %shift_left3A_1012 : vector<16xi32>
      %bitcast3A_1014 = vector.bitcast %shift_left3A_1013 : vector<16xi32> to vector<16xf32>
      %mul3A_1015 = arith.mulf %bitcast3A_1014, %sub3A_611 : vector<16xf32>
      %add3A_1016 = arith.addf %add3A_1010, %mul3A_1015 : vector<16xf32>
      %shift_left3A_1017 = arith.constant 16 : i32
      %shift_left3A_1018 = vector.broadcast %shift_left3A_1017 : i32 to vector<16xi32>
      %shift_left3A_1019 = arith.shli %get3A_999, %shift_left3A_1018 : vector<16xi32>
      %bitcast3A_1020 = vector.bitcast %shift_left3A_1019 : vector<16xi32> to vector<16xf32>
      %mul3A_1021 = arith.mulf %bitcast3A_1020, %mul3A_610 : vector<16xf32>
      %add3A_1022 = arith.addf %add3A_1016, %mul3A_1021 : vector<16xf32>
      %and3A_1023 = vector.broadcast %scan3A_544 : i32 to vector<16xi32>
      %and3A_1024 = arith.andi %get3A_978, %and3A_1023 : vector<16xi32>
      %bitcast3A_1025 = vector.bitcast %and3A_1024 : vector<16xi32> to vector<16xf32>
      %mul3A_1026 = arith.mulf %bitcast3A_1025, %add3A_617 : vector<16xf32>
      %and3A_1027 = vector.broadcast %scan3A_544 : i32 to vector<16xi32>
      %and3A_1028 = arith.andi %get3A_985, %and3A_1027 : vector<16xi32>
      %bitcast3A_1029 = vector.bitcast %and3A_1028 : vector<16xi32> to vector<16xf32>
      %mul3A_1030 = arith.mulf %bitcast3A_1029, %sub3A_612 : vector<16xf32>
      %add3A_1031 = arith.addf %mul3A_1026, %mul3A_1030 : vector<16xf32>
      %and3A_1032 = vector.broadcast %scan3A_544 : i32 to vector<16xi32>
      %and3A_1033 = arith.andi %get3A_992, %and3A_1032 : vector<16xi32>
      %bitcast3A_1034 = vector.bitcast %and3A_1033 : vector<16xi32> to vector<16xf32>
      %mul3A_1035 = arith.mulf %bitcast3A_1034, %sub3A_611 : vector<16xf32>
      %add3A_1036 = arith.addf %add3A_1031, %mul3A_1035 : vector<16xf32>
      %and3A_1037 = vector.broadcast %scan3A_544 : i32 to vector<16xi32>
      %and3A_1038 = arith.andi %get3A_999, %and3A_1037 : vector<16xi32>
      %bitcast3A_1039 = vector.bitcast %and3A_1038 : vector<16xi32> to vector<16xf32>
      %mul3A_1040 = arith.mulf %bitcast3A_1039, %mul3A_610 : vector<16xf32>
      %add3A_1041 = arith.addf %add3A_1036, %mul3A_1040 : vector<16xf32>
      %bitcast3A_1042 = vector.bitcast %add3A_1022 : vector<16xf32> to vector<16xi32>
      %add3A_1043 = arith.constant 32768 : i32
      %add3A_1044 = vector.broadcast %add3A_1043 : i32 to vector<16xi32>
      %add3A_1045 = arith.addi %bitcast3A_1042, %add3A_1044 : vector<16xi32>
      %bitcast3A_1046 = vector.bitcast %add3A_1041 : vector<16xf32> to vector<16xi32>
      %add3A_1047 = arith.constant 32768 : i32
      %add3A_1048 = vector.broadcast %add3A_1047 : i32 to vector<16xi32>
      %add3A_1049 = arith.addi %bitcast3A_1046, %add3A_1048 : vector<16xi32>
      %shift_right_arithmetic3A_1050 = arith.constant 16 : i32
      %shift_right_arithmetic3A_1051 = vector.broadcast %shift_right_arithmetic3A_1050 : i32 to vector<16xi32>
      %shift_right_arithmetic3A_1052 = arith.shrsi %add3A_1045, %shift_right_arithmetic3A_1051 : vector<16xi32>
      %and3A_1053 = arith.constant 65535 : i32
      %and3A_1054 = vector.broadcast %and3A_1053 : i32 to vector<16xi32>
      %and3A_1055 = arith.andi %shift_right_arithmetic3A_1052, %and3A_1054 : vector<16xi32>
      %and3A_1056 = vector.broadcast %scan3A_544 : i32 to vector<16xi32>
      %and3A_1057 = arith.andi %add3A_1049, %and3A_1056 : vector<16xi32>
      %or3A_1058 = arith.ori %and3A_1055, %and3A_1057 : vector<16xi32>
      %swap3A_1059 = arith.constant 1 : i32
      %swap3A_1060 = arith.index_cast %swap3A_1059 : i32 to index
      %swap3A_1061 = arith.index_cast %scan3A_603 : i32 to index
      %swap3A_1062 = arith.constant 64 : index
      %swap3A_1063 = tpu.vector_load %arg22[%swap3A_1060, %swap3A_1061, %swap3A_1062] {strides = array<i32>} : memref<2x32x128xi32, #tpu.memory_space<vmem>>, vector<16xi32>,
      tpu.vector_store %arg22[%swap3A_1060, %swap3A_1061, %swap3A_1062], %or3A_1058 {strides = array<i32>} : memref<2x32x128xi32, #tpu.memory_space<vmem>>, vector<16xi32>,
      %get3A_1064 = arith.constant 1 : i32
      %get3A_1065 = arith.index_cast %get3A_1064 : i32 to index
      %get3A_1066 = arith.index_cast %scan3A_603 : i32 to index
      %get3A_1067 = arith.constant 80 : index
      %get3A_1068 = tpu.vector_load %arg21[%get3A_1065, %get3A_1066, %get3A_1067] {strides = array<i32>} : memref<2x128x128xi32, #tpu.memory_space<vmem>>, vector<16xi32>,
      %add3A_1069 = arith.constant 32 : i32
      %add3A_1070 = arith.addi %add3A_1069, %scan3A_603 : i32
      %get3A_1071 = arith.constant 1 : i32
      %get3A_1072 = arith.index_cast %get3A_1071 : i32 to index
      %get3A_1073 = arith.index_cast %add3A_1070 : i32 to index
      %get3A_1074 = arith.constant 80 : index
      %get3A_1075 = tpu.vector_load %arg21[%get3A_1072, %get3A_1073, %get3A_1074] {strides = array<i32>} : memref<2x128x128xi32, #tpu.memory_space<vmem>>, vector<16xi32>,
      %add3A_1076 = arith.constant 64 : i32
      %add3A_1077 = arith.addi %add3A_1076, %scan3A_603 : i32
      %get3A_1078 = arith.constant 1 : i32
      %get3A_1079 = arith.index_cast %get3A_1078 : i32 to index
      %get3A_1080 = arith.index_cast %add3A_1077 : i32 to index
      %get3A_1081 = arith.constant 80 : index
      %get3A_1082 = tpu.vector_load %arg21[%get3A_1079, %get3A_1080, %get3A_1081] {strides = array<i32>} : memref<2x128x128xi32, #tpu.memory_space<vmem>>, vector<16xi32>,
      %add3A_1083 = arith.constant 96 : i32
      %add3A_1084 = arith.addi %add3A_1083, %scan3A_603 : i32
      %get3A_1085 = arith.constant 1 : i32
      %get3A_1086 = arith.index_cast %get3A_1085 : i32 to index
      %get3A_1087 = arith.index_cast %add3A_1084 : i32 to index
      %get3A_1088 = arith.constant 80 : index
      %get3A_1089 = tpu.vector_load %arg21[%get3A_1086, %get3A_1087, %get3A_1088] {strides = array<i32>} : memref<2x128x128xi32, #tpu.memory_space<vmem>>, vector<16xi32>,
      %shift_left3A_1090 = arith.constant 16 : i32
      %shift_left3A_1091 = vector.broadcast %shift_left3A_1090 : i32 to vector<16xi32>
      %shift_left3A_1092 = arith.shli %get3A_1068, %shift_left3A_1091 : vector<16xi32>
      %bitcast3A_1093 = vector.bitcast %shift_left3A_1092 : vector<16xi32> to vector<16xf32>
      %mul3A_1094 = arith.mulf %bitcast3A_1093, %add3A_617 : vector<16xf32>
      %shift_left3A_1095 = arith.constant 16 : i32
      %shift_left3A_1096 = vector.broadcast %shift_left3A_1095 : i32 to vector<16xi32>
      %shift_left3A_1097 = arith.shli %get3A_1075, %shift_left3A_1096 : vector<16xi32>
      %bitcast3A_1098 = vector.bitcast %shift_left3A_1097 : vector<16xi32> to vector<16xf32>
      %mul3A_1099 = arith.mulf %bitcast3A_1098, %sub3A_612 : vector<16xf32>
      %add3A_1100 = arith.addf %mul3A_1094, %mul3A_1099 : vector<16xf32>
      %shift_left3A_1101 = arith.constant 16 : i32
      %shift_left3A_1102 = vector.broadcast %shift_left3A_1101 : i32 to vector<16xi32>
      %shift_left3A_1103 = arith.shli %get3A_1082, %shift_left3A_1102 : vector<16xi32>
      %bitcast3A_1104 = vector.bitcast %shift_left3A_1103 : vector<16xi32> to vector<16xf32>
      %mul3A_1105 = arith.mulf %bitcast3A_1104, %sub3A_611 : vector<16xf32>
      %add3A_1106 = arith.addf %add3A_1100, %mul3A_1105 : vector<16xf32>
      %shift_left3A_1107 = arith.constant 16 : i32
      %shift_left3A_1108 = vector.broadcast %shift_left3A_1107 : i32 to vector<16xi32>
      %shift_left3A_1109 = arith.shli %get3A_1089, %shift_left3A_1108 : vector<16xi32>
      %bitcast3A_1110 = vector.bitcast %shift_left3A_1109 : vector<16xi32> to vector<16xf32>
      %mul3A_1111 = arith.mulf %bitcast3A_1110, %mul3A_610 : vector<16xf32>
      %add3A_1112 = arith.addf %add3A_1106, %mul3A_1111 : vector<16xf32>
      %and3A_1113 = vector.broadcast %scan3A_544 : i32 to vector<16xi32>
      %and3A_1114 = arith.andi %get3A_1068, %and3A_1113 : vector<16xi32>
      %bitcast3A_1115 = vector.bitcast %and3A_1114 : vector<16xi32> to vector<16xf32>
      %mul3A_1116 = arith.mulf %bitcast3A_1115, %add3A_617 : vector<16xf32>
      %and3A_1117 = vector.broadcast %scan3A_544 : i32 to vector<16xi32>
      %and3A_1118 = arith.andi %get3A_1075, %and3A_1117 : vector<16xi32>
      %bitcast3A_1119 = vector.bitcast %and3A_1118 : vector<16xi32> to vector<16xf32>
      %mul3A_1120 = arith.mulf %bitcast3A_1119, %sub3A_612 : vector<16xf32>
      %add3A_1121 = arith.addf %mul3A_1116, %mul3A_1120 : vector<16xf32>
      %and3A_1122 = vector.broadcast %scan3A_544 : i32 to vector<16xi32>
      %and3A_1123 = arith.andi %get3A_1082, %and3A_1122 : vector<16xi32>
      %bitcast3A_1124 = vector.bitcast %and3A_1123 : vector<16xi32> to vector<16xf32>
      %mul3A_1125 = arith.mulf %bitcast3A_1124, %sub3A_611 : vector<16xf32>
      %add3A_1126 = arith.addf %add3A_1121, %mul3A_1125 : vector<16xf32>
      %and3A_1127 = vector.broadcast %scan3A_544 : i32 to vector<16xi32>
      %and3A_1128 = arith.andi %get3A_1089, %and3A_1127 : vector<16xi32>
      %bitcast3A_1129 = vector.bitcast %and3A_1128 : vector<16xi32> to vector<16xf32>
      %mul3A_1130 = arith.mulf %bitcast3A_1129, %mul3A_610 : vector<16xf32>
      %add3A_1131 = arith.addf %add3A_1126, %mul3A_1130 : vector<16xf32>
      %bitcast3A_1132 = vector.bitcast %add3A_1112 : vector<16xf32> to vector<16xi32>
      %add3A_1133 = arith.constant 32768 : i32
      %add3A_1134 = vector.broadcast %add3A_1133 : i32 to vector<16xi32>
      %add3A_1135 = arith.addi %bitcast3A_1132, %add3A_1134 : vector<16xi32>
      %bitcast3A_1136 = vector.bitcast %add3A_1131 : vector<16xf32> to vector<16xi32>
      %add3A_1137 = arith.constant 32768 : i32
      %add3A_1138 = vector.broadcast %add3A_1137 : i32 to vector<16xi32>
      %add3A_1139 = arith.addi %bitcast3A_1136, %add3A_1138 : vector<16xi32>
      %shift_right_arithmetic3A_1140 = arith.constant 16 : i32
      %shift_right_arithmetic3A_1141 = vector.broadcast %shift_right_arithmetic3A_1140 : i32 to vector<16xi32>
      %shift_right_arithmetic3A_1142 = arith.shrsi %add3A_1135, %shift_right_arithmetic3A_1141 : vector<16xi32>
      %and3A_1143 = arith.constant 65535 : i32
      %and3A_1144 = vector.broadcast %and3A_1143 : i32 to vector<16xi32>
      %and3A_1145 = arith.andi %shift_right_arithmetic3A_1142, %and3A_1144 : vector<16xi32>
      %and3A_1146 = vector.broadcast %scan3A_544 : i32 to vector<16xi32>
      %and3A_1147 = arith.andi %add3A_1139, %and3A_1146 : vector<16xi32>
      %or3A_1148 = arith.ori %and3A_1145, %and3A_1147 : vector<16xi32>
      %swap3A_1149 = arith.constant 1 : i32
      %swap3A_1150 = arith.index_cast %swap3A_1149 : i32 to index
      %swap3A_1151 = arith.index_cast %scan3A_603 : i32 to index
      %swap3A_1152 = arith.constant 80 : index
      %swap3A_1153 = tpu.vector_load %arg22[%swap3A_1150, %swap3A_1151, %swap3A_1152] {strides = array<i32>} : memref<2x32x128xi32, #tpu.memory_space<vmem>>, vector<16xi32>,
      tpu.vector_store %arg22[%swap3A_1150, %swap3A_1151, %swap3A_1152], %or3A_1148 {strides = array<i32>} : memref<2x32x128xi32, #tpu.memory_space<vmem>>, vector<16xi32>,
      %get3A_1154 = arith.constant 1 : i32
      %get3A_1155 = arith.index_cast %get3A_1154 : i32 to index
      %get3A_1156 = arith.index_cast %scan3A_603 : i32 to index
      %get3A_1157 = arith.constant 96 : index
      %get3A_1158 = tpu.vector_load %arg21[%get3A_1155, %get3A_1156, %get3A_1157] {strides = array<i32>} : memref<2x128x128xi32, #tpu.memory_space<vmem>>, vector<16xi32>,
      %add3A_1159 = arith.constant 32 : i32
      %add3A_1160 = arith.addi %add3A_1159, %scan3A_603 : i32
      %get3A_1161 = arith.constant 1 : i32
      %get3A_1162 = arith.index_cast %get3A_1161 : i32 to index
      %get3A_1163 = arith.index_cast %add3A_1160 : i32 to index
      %get3A_1164 = arith.constant 96 : index
      %get3A_1165 = tpu.vector_load %arg21[%get3A_1162, %get3A_1163, %get3A_1164] {strides = array<i32>} : memref<2x128x128xi32, #tpu.memory_space<vmem>>, vector<16xi32>,
      %add3A_1166 = arith.constant 64 : i32
      %add3A_1167 = arith.addi %add3A_1166, %scan3A_603 : i32
      %get3A_1168 = arith.constant 1 : i32
      %get3A_1169 = arith.index_cast %get3A_1168 : i32 to index
      %get3A_1170 = arith.index_cast %add3A_1167 : i32 to index
      %get3A_1171 = arith.constant 96 : index
      %get3A_1172 = tpu.vector_load %arg21[%get3A_1169, %get3A_1170, %get3A_1171] {strides = array<i32>} : memref<2x128x128xi32, #tpu.memory_space<vmem>>, vector<16xi32>,
      %add3A_1173 = arith.constant 96 : i32
      %add3A_1174 = arith.addi %add3A_1173, %scan3A_603 : i32
      %get3A_1175 = arith.constant 1 : i32
      %get3A_1176 = arith.index_cast %get3A_1175 : i32 to index
      %get3A_1177 = arith.index_cast %add3A_1174 : i32 to index
      %get3A_1178 = arith.constant 96 : index
      %get3A_1179 = tpu.vector_load %arg21[%get3A_1176, %get3A_1177, %get3A_1178] {strides = array<i32>} : memref<2x128x128xi32, #tpu.memory_space<vmem>>, vector<16xi32>,
      %shift_left3A_1180 = arith.constant 16 : i32
      %shift_left3A_1181 = vector.broadcast %shift_left3A_1180 : i32 to vector<16xi32>
      %shift_left3A_1182 = arith.shli %get3A_1158, %shift_left3A_1181 : vector<16xi32>
      %bitcast3A_1183 = vector.bitcast %shift_left3A_1182 : vector<16xi32> to vector<16xf32>
      %mul3A_1184 = arith.mulf %bitcast3A_1183, %add3A_617 : vector<16xf32>
      %shift_left3A_1185 = arith.constant 16 : i32
      %shift_left3A_1186 = vector.broadcast %shift_left3A_1185 : i32 to vector<16xi32>
      %shift_left3A_1187 = arith.shli %get3A_1165, %shift_left3A_1186 : vector<16xi32>
      %bitcast3A_1188 = vector.bitcast %shift_left3A_1187 : vector<16xi32> to vector<16xf32>
      %mul3A_1189 = arith.mulf %bitcast3A_1188, %sub3A_612 : vector<16xf32>
      %add3A_1190 = arith.addf %mul3A_1184, %mul3A_1189 : vector<16xf32>
      %shift_left3A_1191 = arith.constant 16 : i32
      %shift_left3A_1192 = vector.broadcast %shift_left3A_1191 : i32 to vector<16xi32>
      %shift_left3A_1193 = arith.shli %get3A_1172, %shift_left3A_1192 : vector<16xi32>
      %bitcast3A_1194 = vector.bitcast %shift_left3A_1193 : vector<16xi32> to vector<16xf32>
      %mul3A_1195 = arith.mulf %bitcast3A_1194, %sub3A_611 : vector<16xf32>
      %add3A_1196 = arith.addf %add3A_1190, %mul3A_1195 : vector<16xf32>
      %shift_left3A_1197 = arith.constant 16 : i32
      %shift_left3A_1198 = vector.broadcast %shift_left3A_1197 : i32 to vector<16xi32>
      %shift_left3A_1199 = arith.shli %get3A_1179, %shift_left3A_1198 : vector<16xi32>
      %bitcast3A_1200 = vector.bitcast %shift_left3A_1199 : vector<16xi32> to vector<16xf32>
      %mul3A_1201 = arith.mulf %bitcast3A_1200, %mul3A_610 : vector<16xf32>
      %add3A_1202 = arith.addf %add3A_1196, %mul3A_1201 : vector<16xf32>
      %and3A_1203 = vector.broadcast %scan3A_544 : i32 to vector<16xi32>
      %and3A_1204 = arith.andi %get3A_1158, %and3A_1203 : vector<16xi32>
      %bitcast3A_1205 = vector.bitcast %and3A_1204 : vector<16xi32> to vector<16xf32>
      %mul3A_1206 = arith.mulf %bitcast3A_1205, %add3A_617 : vector<16xf32>
      %and3A_1207 = vector.broadcast %scan3A_544 : i32 to vector<16xi32>
      %and3A_1208 = arith.andi %get3A_1165, %and3A_1207 : vector<16xi32>
      %bitcast3A_1209 = vector.bitcast %and3A_1208 : vector<16xi32> to vector<16xf32>
      %mul3A_1210 = arith.mulf %bitcast3A_1209, %sub3A_612 : vector<16xf32>
      %add3A_1211 = arith.addf %mul3A_1206, %mul3A_1210 : vector<16xf32>
      %and3A_1212 = vector.broadcast %scan3A_544 : i32 to vector<16xi32>
      %and3A_1213 = arith.andi %get3A_1172, %and3A_1212 : vector<16xi32>
      %bitcast3A_1214 = vector.bitcast %and3A_1213 : vector<16xi32> to vector<16xf32>
      %mul3A_1215 = arith.mulf %bitcast3A_1214, %sub3A_611 : vector<16xf32>
      %add3A_1216 = arith.addf %add3A_1211, %mul3A_1215 : vector<16xf32>
      %and3A_1217 = vector.broadcast %scan3A_544 : i32 to vector<16xi32>
      %and3A_1218 = arith.andi %get3A_1179, %and3A_1217 : vector<16xi32>
      %bitcast3A_1219 = vector.bitcast %and3A_1218 : vector<16xi32> to vector<16xf32>
      %mul3A_1220 = arith.mulf %bitcast3A_1219, %mul3A_610 : vector<16xf32>
      %add3A_1221 = arith.addf %add3A_1216, %mul3A_1220 : vector<16xf32>
      %bitcast3A_1222 = vector.bitcast %add3A_1202 : vector<16xf32> to vector<16xi32>
      %add3A_1223 = arith.constant 32768 : i32
      %add3A_1224 = vector.broadcast %add3A_1223 : i32 to vector<16xi32>
      %add3A_1225 = arith.addi %bitcast3A_1222, %add3A_1224 : vector<16xi32>
      %bitcast3A_1226 = vector.bitcast %add3A_1221 : vector<16xf32> to vector<16xi32>
      %add3A_1227 = arith.constant 32768 : i32
      %add3A_1228 = vector.broadcast %add3A_1227 : i32 to vector<16xi32>
      %add3A_1229 = arith.addi %bitcast3A_1226, %add3A_1228 : vector<16xi32>
      %shift_right_arithmetic3A_1230 = arith.constant 16 : i32
      %shift_right_arithmetic3A_1231 = vector.broadcast %shift_right_arithmetic3A_1230 : i32 to vector<16xi32>
      %shift_right_arithmetic3A_1232 = arith.shrsi %add3A_1225, %shift_right_arithmetic3A_1231 : vector<16xi32>
      %and3A_1233 = arith.constant 65535 : i32
      %and3A_1234 = vector.broadcast %and3A_1233 : i32 to vector<16xi32>
      %and3A_1235 = arith.andi %shift_right_arithmetic3A_1232, %and3A_1234 : vector<16xi32>
      %and3A_1236 = vector.broadcast %scan3A_544 : i32 to vector<16xi32>
      %and3A_1237 = arith.andi %add3A_1229, %and3A_1236 : vector<16xi32>
      %or3A_1238 = arith.ori %and3A_1235, %and3A_1237 : vector<16xi32>
      %swap3A_1239 = arith.constant 1 : i32
      %swap3A_1240 = arith.index_cast %swap3A_1239 : i32 to index
      %swap3A_1241 = arith.index_cast %scan3A_603 : i32 to index
      %swap3A_1242 = arith.constant 96 : index
      %swap3A_1243 = tpu.vector_load %arg22[%swap3A_1240, %swap3A_1241, %swap3A_1242] {strides = array<i32>} : memref<2x32x128xi32, #tpu.memory_space<vmem>>, vector<16xi32>,
      tpu.vector_store %arg22[%swap3A_1240, %swap3A_1241, %swap3A_1242], %or3A_1238 {strides = array<i32>} : memref<2x32x128xi32, #tpu.memory_space<vmem>>, vector<16xi32>,
      %get3A_1244 = arith.constant 1 : i32
      %get3A_1245 = arith.index_cast %get3A_1244 : i32 to index
      %get3A_1246 = arith.index_cast %scan3A_603 : i32 to index
      %get3A_1247 = arith.constant 112 : index
      %get3A_1248 = tpu.vector_load %arg21[%get3A_1245, %get3A_1246, %get3A_1247] {strides = array<i32>} : memref<2x128x128xi32, #tpu.memory_space<vmem>>, vector<16xi32>,
      %add3A_1249 = arith.constant 32 : i32
      %add3A_1250 = arith.addi %add3A_1249, %scan3A_603 : i32
      %get3A_1251 = arith.constant 1 : i32
      %get3A_1252 = arith.index_cast %get3A_1251 : i32 to index
      %get3A_1253 = arith.index_cast %add3A_1250 : i32 to index
      %get3A_1254 = arith.constant 112 : index
      %get3A_1255 = tpu.vector_load %arg21[%get3A_1252, %get3A_1253, %get3A_1254] {strides = array<i32>} : memref<2x128x128xi32, #tpu.memory_space<vmem>>, vector<16xi32>,
      %add3A_1256 = arith.constant 64 : i32
      %add3A_1257 = arith.addi %add3A_1256, %scan3A_603 : i32
      %get3A_1258 = arith.constant 1 : i32
      %get3A_1259 = arith.index_cast %get3A_1258 : i32 to index
      %get3A_1260 = arith.index_cast %add3A_1257 : i32 to index
      %get3A_1261 = arith.constant 112 : index
      %get3A_1262 = tpu.vector_load %arg21[%get3A_1259, %get3A_1260, %get3A_1261] {strides = array<i32>} : memref<2x128x128xi32, #tpu.memory_space<vmem>>, vector<16xi32>,
      %add3A_1263 = arith.constant 96 : i32
      %add3A_1264 = arith.addi %add3A_1263, %scan3A_603 : i32
      %get3A_1265 = arith.constant 1 : i32
      %get3A_1266 = arith.index_cast %get3A_1265 : i32 to index
      %get3A_1267 = arith.index_cast %add3A_1264 : i32 to index
      %get3A_1268 = arith.constant 112 : index
      %get3A_1269 = tpu.vector_load %arg21[%get3A_1266, %get3A_1267, %get3A_1268] {strides = array<i32>} : memref<2x128x128xi32, #tpu.memory_space<vmem>>, vector<16xi32>,
      %shift_left3A_1270 = arith.constant 16 : i32
      %shift_left3A_1271 = vector.broadcast %shift_left3A_1270 : i32 to vector<16xi32>
      %shift_left3A_1272 = arith.shli %get3A_1248, %shift_left3A_1271 : vector<16xi32>
      %bitcast3A_1273 = vector.bitcast %shift_left3A_1272 : vector<16xi32> to vector<16xf32>
      %mul3A_1274 = arith.mulf %bitcast3A_1273, %add3A_617 : vector<16xf32>
      %shift_left3A_1275 = arith.constant 16 : i32
      %shift_left3A_1276 = vector.broadcast %shift_left3A_1275 : i32 to vector<16xi32>
      %shift_left3A_1277 = arith.shli %get3A_1255, %shift_left3A_1276 : vector<16xi32>
      %bitcast3A_1278 = vector.bitcast %shift_left3A_1277 : vector<16xi32> to vector<16xf32>
      %mul3A_1279 = arith.mulf %bitcast3A_1278, %sub3A_612 : vector<16xf32>
      %add3A_1280 = arith.addf %mul3A_1274, %mul3A_1279 : vector<16xf32>
      %shift_left3A_1281 = arith.constant 16 : i32
      %shift_left3A_1282 = vector.broadcast %shift_left3A_1281 : i32 to vector<16xi32>
      %shift_left3A_1283 = arith.shli %get3A_1262, %shift_left3A_1282 : vector<16xi32>
      %bitcast3A_1284 = vector.bitcast %shift_left3A_1283 : vector<16xi32> to vector<16xf32>
      %mul3A_1285 = arith.mulf %bitcast3A_1284, %sub3A_611 : vector<16xf32>
      %add3A_1286 = arith.addf %add3A_1280, %mul3A_1285 : vector<16xf32>
      %shift_left3A_1287 = arith.constant 16 : i32
      %shift_left3A_1288 = vector.broadcast %shift_left3A_1287 : i32 to vector<16xi32>
      %shift_left3A_1289 = arith.shli %get3A_1269, %shift_left3A_1288 : vector<16xi32>
      %bitcast3A_1290 = vector.bitcast %shift_left3A_1289 : vector<16xi32> to vector<16xf32>
      %mul3A_1291 = arith.mulf %bitcast3A_1290, %mul3A_610 : vector<16xf32>
      %add3A_1292 = arith.addf %add3A_1286, %mul3A_1291 : vector<16xf32>
      %and3A_1293 = vector.broadcast %scan3A_544 : i32 to vector<16xi32>
      %and3A_1294 = arith.andi %get3A_1248, %and3A_1293 : vector<16xi32>
      %bitcast3A_1295 = vector.bitcast %and3A_1294 : vector<16xi32> to vector<16xf32>
      %mul3A_1296 = arith.mulf %bitcast3A_1295, %add3A_617 : vector<16xf32>
      %and3A_1297 = vector.broadcast %scan3A_544 : i32 to vector<16xi32>
      %and3A_1298 = arith.andi %get3A_1255, %and3A_1297 : vector<16xi32>
      %bitcast3A_1299 = vector.bitcast %and3A_1298 : vector<16xi32> to vector<16xf32>
      %mul3A_1300 = arith.mulf %bitcast3A_1299, %sub3A_612 : vector<16xf32>
      %add3A_1301 = arith.addf %mul3A_1296, %mul3A_1300 : vector<16xf32>
      %and3A_1302 = vector.broadcast %scan3A_544 : i32 to vector<16xi32>
      %and3A_1303 = arith.andi %get3A_1262, %and3A_1302 : vector<16xi32>
      %bitcast3A_1304 = vector.bitcast %and3A_1303 : vector<16xi32> to vector<16xf32>
      %mul3A_1305 = arith.mulf %bitcast3A_1304, %sub3A_611 : vector<16xf32>
      %add3A_1306 = arith.addf %add3A_1301, %mul3A_1305 : vector<16xf32>
      %and3A_1307 = vector.broadcast %scan3A_544 : i32 to vector<16xi32>
      %and3A_1308 = arith.andi %get3A_1269, %and3A_1307 : vector<16xi32>
      %bitcast3A_1309 = vector.bitcast %and3A_1308 : vector<16xi32> to vector<16xf32>
      %mul3A_1310 = arith.mulf %bitcast3A_1309, %mul3A_610 : vector<16xf32>
      %add3A_1311 = arith.addf %add3A_1306, %mul3A_1310 : vector<16xf32>
      %bitcast3A_1312 = vector.bitcast %add3A_1292 : vector<16xf32> to vector<16xi32>
      %add3A_1313 = arith.constant 32768 : i32
      %add3A_1314 = vector.broadcast %add3A_1313 : i32 to vector<16xi32>
      %add3A_1315 = arith.addi %bitcast3A_1312, %add3A_1314 : vector<16xi32>
      %bitcast3A_1316 = vector.bitcast %add3A_1311 : vector<16xf32> to vector<16xi32>
      %add3A_1317 = arith.constant 32768 : i32
      %add3A_1318 = vector.broadcast %add3A_1317 : i32 to vector<16xi32>
      %add3A_1319 = arith.addi %bitcast3A_1316, %add3A_1318 : vector<16xi32>
      %shift_right_arithmetic3A_1320 = arith.constant 16 : i32
      %shift_right_arithmetic3A_1321 = vector.broadcast %shift_right_arithmetic3A_1320 : i32 to vector<16xi32>
      %shift_right_arithmetic3A_1322 = arith.shrsi %add3A_1315, %shift_right_arithmetic3A_1321 : vector<16xi32>
      %and3A_1323 = arith.constant 65535 : i32
      %and3A_1324 = vector.broadcast %and3A_1323 : i32 to vector<16xi32>
      %and3A_1325 = arith.andi %shift_right_arithmetic3A_1322, %and3A_1324 : vector<16xi32>
      %and3A_1326 = vector.broadcast %scan3A_544 : i32 to vector<16xi32>
      %and3A_1327 = arith.andi %add3A_1319, %and3A_1326 : vector<16xi32>
      %or3A_1328 = arith.ori %and3A_1325, %and3A_1327 : vector<16xi32>
      %swap3A_1329 = arith.constant 1 : i32
      %swap3A_1330 = arith.index_cast %swap3A_1329 : i32 to index
      %swap3A_1331 = arith.index_cast %scan3A_603 : i32 to index
      %swap3A_1332 = arith.constant 112 : index
      %swap3A_1333 = tpu.vector_load %arg22[%swap3A_1330, %swap3A_1331, %swap3A_1332] {strides = array<i32>} : memref<2x32x128xi32, #tpu.memory_space<vmem>>, vector<16xi32>,
      tpu.vector_store %arg22[%swap3A_1330, %swap3A_1331, %swap3A_1332], %or3A_1328 {strides = array<i32>} : memref<2x32x128xi32, #tpu.memory_space<vmem>>, vector<16xi32>,
      %scan3A_1334 = arith.constant 0 : i32
      scf.yield %scan3A_1334 : i32
    }
    %scan3A_551 = arith.constant 32 : i32
    %mul3A_552 = arith.constant 1792 : i32
    %mul3A_553 = arith.muli %add3A, %mul3A_552 : i32
    %add3A_554 = arith.constant 1760 : i32
    %add3A_555 = arith.addi %mul3A_553, %add3A_554 : i32
    %dma_start3A_556 = arith.constant 1 : i32
    %dma_start3A_557 = arith.constant 0 : i32
    %dma_start3A_558 = arith.constant 0 : i32
    %dma_start3A_559 = tpu.memref_slice %arg22[%dma_start3A_556, %dma_start3A_557, %dma_start3A_558] : memref<2x32x128xi32, #tpu.memory_space<vmem>> -> memref<1x32x128xi32, #tpu.memory_space<vmem>>
    %dma_start3A_560 = tpu.memref_squeeze %dma_start3A_559 : memref<1x32x128xi32, #tpu.memory_space<vmem>> -> memref<32x128xi32, #tpu.memory_space<vmem>>
    %dma_start3A_561 = arith.constant 0 : i32
    %dma_start3A_562 = tpu.memref_slice %arg7[%add3A_555, %dma_start3A_561] : memref<57344x128xi32, #tpu.memory_space<hbm>> -> memref<32x128xi32, #tpu.memory_space<hbm>>
    %dma_start3A_563 = arith.constant 0 : i32
    %dma_start3A_564 = tpu.memref_slice %arg7[%add3A_555, %dma_start3A_563] : memref<57344x128xi32, #tpu.memory_space<hbm>> -> memref<32x128xi32, #tpu.memory_space<hbm>>
    %dma_start3A_565 = arith.constant 0 : i32
    %dma_start3A_566 = arith.constant 0 : i32
    %dma_start3A_567 = tpu.memref_slice %arg22[%dma_start3A_556, %dma_start3A_565, %dma_start3A_566] : memref<2x32x128xi32, #tpu.memory_space<vmem>> -> memref<1x32x128xi32, #tpu.memory_space<vmem>>
    %dma_start3A_568 = tpu.memref_squeeze %dma_start3A_567 : memref<1x32x128xi32, #tpu.memory_space<vmem>> -> memref<32x128xi32, #tpu.memory_space<vmem>>
    tpu.enqueue_dma source(%dma_start3A_568 : memref<32x128xi32, #tpu.memory_space<vmem>>) target(%dma_start3A_564 : memref<32x128xi32, #tpu.memory_space<hbm>>) target_semaphore(%arg26 : memref<!tpu.dma_semaphore, #tpu.memory_space<semaphore_mem>>)
    %mul3A_569 = arith.constant 1792 : i32
    %mul3A_570 = arith.muli %add3A, %mul3A_569 : i32
    %add3A_571 = arith.constant 1728 : i32
    %add3A_572 = arith.addi %mul3A_570, %add3A_571 : i32
    %dma_wait3A_573 = arith.constant 0 : i32
    %dma_wait3A_574 = arith.constant 0 : i32
    %dma_wait3A_575 = arith.constant 0 : i32
    %dma_wait3A_576 = tpu.memref_slice %arg22[%dma_wait3A_573, %dma_wait3A_574, %dma_wait3A_575] : memref<2x32x128xi32, #tpu.memory_space<vmem>> -> memref<1x32x128xi32, #tpu.memory_space<vmem>>
    %dma_wait3A_577 = tpu.memref_squeeze %dma_wait3A_576 : memref<1x32x128xi32, #tpu.memory_space<vmem>> -> memref<32x128xi32, #tpu.memory_space<vmem>>
    %dma_wait3A_578 = arith.constant 0 : i32
    %dma_wait3A_579 = tpu.memref_slice %arg7[%add3A_572, %dma_wait3A_578] : memref<57344x128xi32, #tpu.memory_space<hbm>> -> memref<32x128xi32, #tpu.memory_space<hbm>>
    %dma_wait3A_580 = arith.constant 0 : i32
    %dma_wait3A_581 = tpu.memref_slice %arg7[%add3A_572, %dma_wait3A_580] : memref<57344x128xi32, #tpu.memory_space<hbm>> -> memref<32x128xi32, #tpu.memory_space<hbm>>
    %dma_wait3A_582 = arith.constant 0 : i32
    %dma_wait3A_583 = arith.constant 0 : i32
    %dma_wait3A_584 = tpu.memref_slice %arg22[%dma_wait3A_573, %dma_wait3A_582, %dma_wait3A_583] : memref<2x32x128xi32, #tpu.memory_space<vmem>> -> memref<1x32x128xi32, #tpu.memory_space<vmem>>
    %dma_wait3A_585 = tpu.memref_squeeze %dma_wait3A_584 : memref<1x32x128xi32, #tpu.memory_space<vmem>> -> memref<32x128xi32, #tpu.memory_space<vmem>>
    tpu.wait_dma2 semaphore(%arg25 : memref<!tpu.dma_semaphore, #tpu.memory_space<semaphore_mem>>) src(%dma_wait3A_585 : memref<32x128xi32, #tpu.memory_space<vmem>>) dst(%dma_wait3A_581 : memref<32x128xi32, #tpu.memory_space<hbm>>)
    %mul3A_586 = arith.constant 1792 : i32
    %mul3A_587 = arith.muli %add3A, %mul3A_586 : i32
    %add3A_588 = arith.constant 1760 : i32
    %add3A_589 = arith.addi %mul3A_587, %add3A_588 : i32
    %dma_wait3A_590 = arith.constant 1 : i32
    %dma_wait3A_591 = arith.constant 0 : i32
    %dma_wait3A_592 = arith.constant 0 : i32
    %dma_wait3A_593 = tpu.memref_slice %arg22[%dma_wait3A_590, %dma_wait3A_591, %dma_wait3A_592] : memref<2x32x128xi32, #tpu.memory_space<vmem>> -> memref<1x32x128xi32, #tpu.memory_space<vmem>>
    %dma_wait3A_594 = tpu.memref_squeeze %dma_wait3A_593 : memref<1x32x128xi32, #tpu.memory_space<vmem>> -> memref<32x128xi32, #tpu.memory_space<vmem>>
    %dma_wait3A_595 = arith.constant 0 : i32
    %dma_wait3A_596 = tpu.memref_slice %arg7[%add3A_589, %dma_wait3A_595] : memref<57344x128xi32, #tpu.memory_space<hbm>> -> memref<32x128xi32, #tpu.memory_space<hbm>>
    %dma_wait3A_597 = arith.constant 0 : i32
    %dma_wait3A_598 = tpu.memref_slice %arg7[%add3A_589, %dma_wait3A_597] : memref<57344x128xi32, #tpu.memory_space<hbm>> -> memref<32x128xi32, #tpu.memory_space<hbm>>
    %dma_wait3A_599 = arith.constant 0 : i32
    %dma_wait3A_600 = arith.constant 0 : i32
    %dma_wait3A_601 = tpu.memref_slice %arg22[%dma_wait3A_590, %dma_wait3A_599, %dma_wait3A_600] : memref<2x32x128xi32, #tpu.memory_space<vmem>> -> memref<1x32x128xi32, #tpu.memory_space<vmem>>
    %dma_wait3A_602 = tpu.memref_squeeze %dma_wait3A_601 : memref<1x32x128xi32, #tpu.memory_space<vmem>> -> memref<32x128xi32, #tpu.memory_space<vmem>>
    tpu.wait_dma2 semaphore(%arg26 : memref<!tpu.dma_semaphore, #tpu.memory_space<semaphore_mem>>) src(%dma_wait3A_602 : memref<32x128xi32, #tpu.memory_space<vmem>>) dst(%dma_wait3A_598 : memref<32x128xi32, #tpu.memory_space<hbm>>)
    return
  }
}

</mosaic_0001>

<sc_bundles>
// kernel: kernel.3.cloned.1.call-start
scs
__scs_entry_jumppad:
0x0: {  	(pc) =	sbr.rel $0x88, $3  }
0x1: {  	(tag) =	ssettag $0x0;
	lr =	simm.s32 $0x1  }
0x2: {  	[smem:$0x3F9C] =	sst lr;
	_ =	strace $0xD0000000  }
0x3: {  	_ = 	snop  }
0x4: {  	_ = 	snop  }
0x5: {  	_ = 	snop  }
0x6: {  	_ = 	snop  }
0x7: {  	_ = 	snop  }
__scs_overlays_trampoline_lowered:
0x8: {  	[smem:$0x3FAB] =	sst s0  }
0x9: {  	[smem:$0x3FAC] =	sst s1  }
0xa: {  	[smem:$0x3FAD] =	sst s2  }
0xb: {  	[smem:$0x3FAE] =	sst s3  }
0xc: {  	[smem:$0x3FAF] =	sst s4  }
0xd: {  	[smem:$0x3FB0] =	sst s5  }
0xe: {  	[smem:$0x3FB1] =	sst s6  }
0xf: {  	[smem:$0x3FB2] =	sst s7  }
0x10: {  	[smem:$0x3FB3] =	sst s8  }
0x11: {  	[smem:$0x3FB4] =	sst s9;
	s0 =	simm.s32 @!p0 $0x0  }
0x12: {  	s1 =	sld [smem:$0x3F9A];
	s0 =	simm.s32 @p0 $0x1  }
0x13: {  	[smem:$0x3FB5] =	sst s0;
	s0 =	simm.s32 @!p1 $0x0  }
0x14: {  	s2 =	sld [smem:$0x3F99];
	s0 =	simm.s32 @p1 $0x1  }
0x15: {  	[smem:$0x3FB6] =	sst s0;
	s0 =	simm.s32 @!p2 $0x0  }
0x16: {  	s3 =	sld [smem:$0x3FDB];
	s0 =	simm.s32 @p2 $0x1  }
0x17: {  	s4 =	simm.s32 $0x1BF5;
	[smem:$0x3FB8] =	sst s0  }
0x18: {  	s0 =	sld [smem:$0x3F9B];
	_ =	swait.ge [sflag:s4], $0x0  }
0x19: {  	s7 =	sld [smem:$0x3F9C]  }
0x1a: {  	s8 =	sadd.s32 $0xFFFFE003, lr  }
0x1b: {  	s9 =	sadd.s32 $0xFFFFFEF7, lr;
	s5 =	simm.s32 $0xFFFFFFFF;
	p2 =	slt.u32 s8, $0xFFFFF086  }
0x1c: {  	p1 =	slt.u32 s9, $0xF7A;
	s5 =	simm.s32 @!p2 $0x0  }
0x1d: {  	s5 =	simm.s32 @p1 $0x1;
	p0 =	seq.s32 s7, s2  }
0x1e: {  	s7 =	smul.u32 @!p0 $0xF7A, s2;
	p2 =	seq.s32 @!p0 s5, $0x0  }
0x1f: {  	s9 =	smul.u32 $0xF7A, s1;
	s8 =	simm.s32 @!p0 $0x1BF5;
	p2 =	por !p2, p0  }
0x20: {  	[sflag:s8] =	ssyncset.s32 @!p0 $0xFFFFF086;
	s6 =	sadd.s32 @!p0 s3, s7;
	s7 =	simm.s32 @!p0 $0x108  }
0x21: {  	s3 =	sadd.s32 s3, s9;
	s6 =	sadd.s32 @!p0 $0x88, s6;
	s7 =	simm.s32 @p2 $0x1082  }
0x22: {  	[simem:s7], [sflag:s8] =	dma.local @!p0 [hbm:s6], $0xF7A  }
0x23: {  	s9 =	sor.u32 $0xD0000000, s2;
	s6 =	simm.s32 $0x108;
	_ =	swait.ge @!p0 [sflag:s8], $0x0  }
0x24: {  	s3 =	sadd.s32 $0x88, s3;
	s6 =	simm.s32 @!p1 $0x1082;
	[sflag:s4] =	ssyncset.s32 $0xFFFFF086  }
0x25: {  	[simem:s6], [sflag:s4] =	dma.local [hbm:s3], $0xF7A  }
0x26: {  	[smem:$0x3F9C] =	sst s1;
	(tag) =	ssettag s2;
	_ =	strace s9  }
0x27: {  	s1 =	sld [smem:$0x3FAC]  }
0x28: {  	s2 =	sld [smem:$0x3FAD]  }
0x29: {  	s4 =	sld [smem:$0x3FAF]  }
0x2a: {  	p0 =	seq.s32 s5, $0x0;
	s5 =	sld [smem:$0x3FB0]  }
0x2b: {  	s6 =	sld [smem:$0x3FB1]  }
0x2c: {  	s7 =	sld [smem:$0x3FB2]  }
0x2d: {  	s3 =	simm.s32 $0x108;
	s8 =	sld [smem:$0x3FB3]  }
0x2e: {  	s3 =	simm.s32 @!p0 $0x1082;
	s9 =	sld [smem:$0x3FB4]  }
0x2f: {  	lr =	sadd.s32 s0, s3;
	s0 =	sld [smem:$0x3FAB]  }
0x30: {  	s3 =	sld [smem:$0x3FAE]  }
0x31: {  	[smem:$0x3FB7] =	sst s10  }
0x32: {  	s10 =	sld [smem:$0x3FB5];
	_ =	sdelay $0x3  }
0x33: {  	p0 =	seq.s32 s10, $0x1;
	s10 =	sld [smem:$0x3FB7];
	_ =	sdelay $0x3  }
0x34: {  	[smem:$0x3FB7] =	sst s10  }
0x35: {  	s10 =	sld [smem:$0x3FB6];
	_ =	sdelay $0x3  }
0x36: {  	p1 =	seq.s32 s10, $0x1;
	s10 =	sld [smem:$0x3FB7];
	_ =	sdelay $0x3  }
0x37: {  	[smem:$0x3FB7] =	sst s10  }
0x38: {  	s10 =	sld [smem:$0x3FB8]  }
0x39: {  	_ = 	snop;
	(pc) =	sbr.ind lr, $3  }
0x3a: {  	_ = 	snop  }
0x3b: {  	_ = 	snop  }
0x3c: {  	p2 =	seq.s32 s10, $0x1;
	s10 =	sld [smem:$0x3FB7]  }
0x3d: {  	_ =	shalt  }
0x3e: {  	_ =	shalt  }
0x3f: {  	_ =	shalt  }
0x40: {  	_ =	shalt  }
0x41: {  	_ =	shalt  }
0x42: {  	_ =	shalt  }
0x43: {  	_ =	shalt  }
0x44: {  	_ =	shalt  }
0x45: {  	_ =	shalt  }
0x46: {  	_ =	shalt  }
0x47: {  	_ =	shalt  }
0x48: {  	_ =	shalt  }
0x49: {  	_ =	shalt  }
0x4a: {  	_ =	shalt  }
0x4b: {  	_ =	shalt  }
0x4c: {  	_ =	shalt  }
0x4d: {  	_ =	shalt  }
0x4e: {  	_ =	shalt  }
0x4f: {  	_ =	shalt  }
0x50: {  	_ =	shalt  }
0x51: {  	_ =	shalt  }
0x52: {  	_ =	shalt  }
0x53: {  	_ =	shalt  }
0x54: {  	_ =	shalt  }
0x55: {  	_ =	shalt  }
0x56: {  	_ =	shalt  }
0x57: {  	_ =	shalt  }
0x58: {  	_ =	shalt  }
0x59: {  	_ =	shalt  }
0x5a: {  	_ =	shalt  }
0x5b: {  	_ =	shalt  }
0x5c: {  	_ =	shalt  }
0x5d: {  	_ =	shalt  }
0x5e: {  	_ =	shalt  }
0x5f: {  	_ =	shalt  }
0x60: {  	_ =	shalt  }
0x61: {  	_ =	shalt  }
0x62: {  	_ =	shalt  }
0x63: {  	_ =	shalt  }
0x64: {  	_ =	shalt  }
0x65: {  	_ =	shalt  }
0x66: {  	_ =	shalt  }
0x67: {  	_ =	shalt  }
0x68: {  	_ =	shalt  }
0x69: {  	_ =	shalt  }
0x6a: {  	_ =	shalt  }
0x6b: {  	_ =	shalt  }
0x6c: {  	_ =	shalt  }
0x6d: {  	_ =	shalt  }
0x6e: {  	_ =	shalt  }
0x6f: {  	_ =	shalt  }
0x70: {  	_ =	shalt  }
0x71: {  	_ =	shalt  }
0x72: {  	_ =	shalt  }
0x73: {  	_ =	shalt  }
0x74: {  	_ =	shalt  }
0x75: {  	_ =	shalt  }
0x76: {  	_ =	shalt  }
0x77: {  	_ =	shalt  }
0x78: {  	_ =	shalt  }
0x79: {  	_ =	shalt  }
0x7a: {  	_ =	shalt  }
0x7b: {  	_ =	shalt  }
0x7c: {  	_ =	shalt  }
0x7d: {  	_ =	shalt  }
0x7e: {  	_ =	shalt  }
0x7f: {  	_ =	shalt  }
0x80: {  	_ =	shalt  }
0x81: {  	_ =	shalt  }
0x82: {  	_ =	shalt  }
0x83: {  	_ =	shalt  }
0x84: {  	_ =	shalt  }
0x85: {  	_ =	shalt  }
0x86: {  	_ =	shalt  }
0x87: {  	_ =	shalt  }
.Lfunc_end0:
.L_simem_size_0:
called_computation.1_lowered:
.L_overlay_start_0:
0x88: {  	s2 =	sld [smem:$0x3FD9]  }
0x89: {  	s3 =	sld [smem:$0x3FFE];
	_ =	sdelay $0x1  }
0x8a: {  	s1 =	srdreg.scid  }
0x8b: {  	s0 =	sand.u32 $0x1, s1  }
0x8c: {  	s17 =	sshll.u32 s0, $0xA;
	s2 =	sadd.s32 s3, s2  }
0x8d: {  	s2 =	sadd.s32 s2, s17  }
0x8e: {  	[smem:$0x3FC3] =	sst s2  }
0x8f: {  	_ = 	snop  }
0x90: {  	s2 =	sld [smem:$0x3FD0];
	(tm) =	ssettm $0x1  }
0x91: {  	s18 =	sld [smem:$0x3FFB];
	_ =	sdelay $0x3  }
0x92: {  	_ =	strace s18  }
0x93: {  	s3 =	sld [smem:$0x3FFC];
	_ =	sdelay $0x3  }
0x94: {  	_ =	strace s3  }
0x95: {  	s3 =	sld [smem:$0x3FFD];
	_ =	sdelay $0x3  }
0x96: {  	_ =	strace s3  }
0x97: {  	_ =	strace $0x8FFFFFFF  }
0x98: {  	s19 =	sld [smem:$0x3FDB];
	_ =	sdelay $0x1  }
0x99: {  	s4 =	simm.s32 $_scs_section_size  }
0x9a: {  	s5 =	simm.s32 $_size__tile_overlayer_lowered;
	s6 =	simm.s32 $_tile_overlayer_lowered  }
0x9b: {  	s22 =	simm.s32 $0x1BFF;
	s21 =	sshll.u32 s6, $0x1;
	s3 =	sadd.s32 s4, s19  }
0x9c: {  	s7 =	simm.s32 $0x0;
	s20 =	sshll.u32 s5, $0x1;
	s5 =	sadd.s32 s21, s3  }
0x9d: {  	[timem:s7], [sflag:s22] =	dma.local [hbm:s5], s20  }
0x9e: {  	_ =	swait.ge [sflag:s22], s20  }
0x9f: {  	s4 =	ssub.s32 $0x0, s20;
	[sflag:s22] =	ssyncset.done $0x0  }
0xa0: {  	[sflag:s22] =	ssyncadd.s32 s4;
	_ =	sdelay $0x1  }
0xa1: {  	s23 =	simm.s32 $0x1B8B  }
0xa2: {  	_ =	swait.ge [sflag:s23], $0x1  }
0xa3: {  	[sflag:s23] =	ssyncset.done $0x0  }
0xa4: {  	s25 =	simm.s32 $0x1B8E;
	s24 =	sld [smem:$0x3FFE];
	[sflag:s23] =	ssyncadd.s32 $0xFFFFFFFF  }
0xa5: {  	s26 =	simm.s32 $execute0_lowered;
	[smem:$0x3FD2] =	sst s25  }
0xa6: {  	s5 =	sshll.u32 s26, $0x1;
	_ =	strace $0x80000046;
	[dreg:$0x1] =	wrdreg $0xFFFFFFFF  }
0xa7: {  	s28 =	simm.s32 $_size_execute0_lowered;
	s3 =	sadd.s32 s3, s5;
	[dreg:$0x0] =	wrdreg $0x0  }
0xa8: {  	s5 =	sshll.u32 s28, $0x1;
	[dreg:$0x2] =	wrdreg s3  }
0xa9: {  	[dreg:$0x3] =	wrdreg s5  }
0xaa: {  	[dreg:$0x4] =	wrdreg $0xC0  }
0xab: {  	_ =	task [dreg:s7], $0x5FFFF  }
0xac: {  	[dreg:$0x1] =	wrdreg $0xFFFFFFFF  }
0xad: {  	[dreg:$0x0] =	wrdreg $0x60  }
0xae: {  	[dreg:$0x2] =	wrdreg s24  }
0xaf: {  	[dreg:$0x3] =	wrdreg s2  }
0xb0: {  	[dreg:$0x4] =	wrdreg $0x9  }
0xb1: {  	_ =	task.clear_ibuf [dreg:s7], $0x5FFFF;
	_ =	strace $0x90000046  }
0xb2: {  	s29 =	simm.s32 $0x9;
	_ =	strace $0x80000048  }
0xb3: {  	_ =	swait.ge [sflag:s29], $0x1  }
0xb4: {  	[sflag:s29] =	ssyncadd.s32 $0xFFFFFFFF  }
0xb5: {  	_ =	strace $0x90000048  }
0xb6: {  	_ =	sfence  }
0xb7: {  	s30 =	sld [smem:$0x0];
	_ =	sdelay $0x2  }
0xb8: {  	s31 =	sshll.u32 s1, $0xD;
	s1 =	sshrl.u32 s1, $0x2  }
0xb9: {  	s3 =	sand.u32 $0x4000, s31;
	s1 =	sadd.s32 s1, s30  }
0xba: {  	s0 =	sor.u32 s3, s0;
	s1 =	sshll.u32 s1, $0x11  }
0xbb: {  	s0 =	sor.u32 s1, s0  }
0xbc: {  	s0 =	sadd.s32 $0x8F2B, s0  }
0xbd: {  	[sflag:s0] =	ssyncadd.remote.s32 $0x1  }
0xbe: {  	_ =	sfence.sel $0xFFFF  }
0xbf: {  	[dreg:$0x0] =	wrdreg $0xFFFFFFFF;
	(pc) =	sbr.abs _section_cstart, $3  }
0xc0: {  	[dreg:$0x1] =	wrdreg $0xFFFFFFFF  }
0xc1: {  	_ =	task.clear_ibuf [dreg:s7], $0x2FFFF;
	_ =	strace $0x9FFFFFFF  }
0xc2: {  	(tm) =	ssettm $0x7FFFFFFF  }
0xc3: {  	_ =	shalt  }
tec
execute0_lowered:
.L_overlay_start_1:
0x0: {  	(tag) =	ssettag $0x1  }
0x1: {  	s0 =	rddreg [dreg:$0x0]  }
0x2: {  	s2 =	rddreg [dreg:$0x1]  }
0x3: {  	s1 =	srdreg.scid;
	s4 =	stileid.u32  }
0x4: {  	s3 =	simm.s32 $0x0;
	s15 =	simm.s32 $0x80;
	s18 =	simm.s32 $0x1580  }
0x5: {  	s19 =	simm.s32 $0x1600;
	s20 =	simm.s32 $0x1680;
	s28 =	simm.s32 $0x5B80  }
0x6: {  	s29 =	simm.s32 $0x1;
	s30 =	simm.s32 $0x1980;
	s31 =	simm.s32 $0x1A80  }
0x7: {  	s16 =	simm.s32 $0xAB80;
	s1 =	sand.u32 $0x1, s1;
	s4 =	sshll.u32 s4, $0x1  }
0x8: {  	[smem:$0x7FF] =	sst s3;
	s8 =	sadd.s32 $0x16A00, s0;
	s21 =	sadd.s32 $0x16800, s0  }
0x9: {  	v0 =	vlaneseq.u32;
	s6 =	sor.u32 s1, s4;
	_ =	strace $0x80000047;
	[dreg:$0x3] =	wrdreg s8  }
0xa: {  	v0 =	vmul.u32 $0x4, v0;
	s4 =	sadd.s32 $0x1200, s0;
	[dreg:$0x4] =	wrdreg s21;
	s1 =	ssub.s32 $0x2, s1  }
0xb: {  	s21 =	simm.s32 $0x1700;
	s5 =	sshll.u32 s6, $0x4;
	s22 =	sshrl.u32 s1, $0x1  }
0xc: {  	s10 =	smul.u32 $0x700, s6;
	v1 =	vor.u32 $0x1, v0;
	[tilespmem:$0x1FFE0] =	vst v0;
	s7 =	sadd.s32 s5, s0;
	s0 =	sadd.s32 $0x16600, s0  }
0xd: {  	v59 =	vor.u32 $0x2, v0;
	s5 =	smul.u32 $0x38000, s6;
	[tilespmem:$0x1FF80] =	vst v1;
	[dreg:$0x5] =	wrdreg s0;
	s0 =	ssub.s32 s1, s22  }
0xe: {  	v60 =	vor.u32 $0x3, v0;
	[tilespmem:$0x1FF90] =	vst v59;
	s24 =	sadd.s32 $0x1000, s7;
	s22 =	simm.s32 $0x1780;
	s7 =	simm.s32 $0x0  }
0xf: {  	v61 =	vor.u32 $0x40, v0;
	[tilespmem:$0x1FFA0] =	vst v60;
	s23 =	sshrl.u32 s5, $0x3;
	[dreg:$0x6] =	wrdreg s24;
	s0 =	smax.u32 s0, $0x1  }
0x10: {  	v62 =	vor.u32 $0x41, v0;
	[tilespmem:$0x1FFB0] =	vst v61;
	s24 =	simm.s32 $0x1880;
	s25 =	sadd.s32 s2, s23;
	[dreg:$0x9] =	wrdreg s0  }
0x11: {  	v63 =	vor.u32 $0x42, v0;
	[tilespmem:$0x1FFC0] =	vst v62;
	s23 =	simm.s32 $0x1800;
	s0 =	simm.s32 $0x9B80;
	s26 =	sadd.s32 $0x6C00, s25  }
0x12: {  	v0 =	vor.u32 $0x43, v0;
	[tilespmem:$0x1FFD0] =	vst v63;
	s1 =	sadd.s32 $0x6E00, s25;
	s25 =	simm.s32 $0x1B80;
	[dreg:$0x7] =	wrdreg s26  }
0x13: {  	[tilespmem:$0x1FFF0] =	vst v0;
	[dreg:$0x8] =	wrdreg s1;
	s26 =	simm.s32 $0x1900;
	s1 =	simm.s32 $0x2  }
.LBB2_1:
0x14: {  	s6 =	rddreg [dreg:$0x6];
	s8 =	simm.s32 $0x5  }
0x15: {  	[tilespmem:s3], [sflag:$0x5] =	stream.linear.gather [hbm4b:s6+s3], $0x80, $0x38;
	[tilespmem:$0xBB80] =	vst v63  }
0x16: {  	_ =	swait.ge [sflag:s8], $0x80  }
0x17: {  	[sflag:s8] =	ssyncset.done $0x0  }
0x18: {  	s12 =	rddreg [dreg:$0x3];
	[sflag:s8] =	ssyncadd.s32 $0xFFFFFF80  }
0x19: {  	[tilespmem:s15], [sflag:$0x5] =	stream.linear.gather [hbm4b:s12+s3], $0x700, $0x38;
	[tilespmem:$0xBB80] =	vst v63  }
0x1a: {  	_ =	swait.ge [sflag:s8], $0x700  }
0x1b: {  	[sflag:s8] =	ssyncset.done $0x0  }
0x1c: {  	s9 =	simm.s32 $0x780;
	s13 =	rddreg [dreg:$0x4];
	[sflag:s8] =	ssyncadd.s32 $0xFFFFF900  }
0x1d: {  	[tilespmem:s9], [sflag:$0x5] =	stream.linear.gather [hbm4b:s13+s3], $0x700, $0x38;
	[tilespmem:$0xBB80] =	vst v63  }
0x1e: {  	_ =	swait.ge [sflag:s8], $0x700  }
0x1f: {  	[sflag:s8] =	ssyncset.done $0x0  }
0x20: {  	s17 =	simm.s32 $0xE80;
	s14 =	rddreg [dreg:$0x5];
	[sflag:s8] =	ssyncadd.s32 $0xFFFFF900  }
0x21: {  	[tilespmem:s17], [sflag:$0x5] =	stream.linear.gather [hbm4b:s14+s3], $0x700, $0x38;
	[tilespmem:$0xBB80] =	vst v63  }
0x22: {  	_ =	swait.ge [sflag:s8], $0x700  }
0x23: {  	v0 =	vld [tilespmem:$0x1FFE0]  }
0x24: {  	v60 =	vld [tilespmem:$0x1FF80]  }
0x25: {  	v61 =	vld [tilespmem:$0x1FF90]  }
0x26: {  	v62 =	vld [tilespmem:$0x1FFA0];
	_ =	sdelay $0x2  }
0x27: {  	[sflag:s8] =	ssyncset.done $0x0  }
0x28: {  	[sflag:s8] =	ssyncadd.s32 $0xFFFFF900  }
0x29: {  	v12 =	vld.idx.msk [tilespmem:v0+s3+$0x0], $0xffff  }
0x2a: {  	v13 =	vld.idx.msk [tilespmem:v60+s3+$0x0], $0xffff  }
0x2b: {  	v14 =	vld.idx.msk [tilespmem:v61+s3+$0x0], $0xffff  }
0x2c: {  	v15 =	vld.idx.msk [tilespmem:v62+s3+$0x0], $0xffff;
	_ =	sdelay $0x4  }
0x2d: {  	v14 =	vsub.f32 v14, v12;
	v15 =	vsub.f32 v15, v13;
	_ =	sdelay $0x1  }
0x2e: {  	v16 =	vmul.f32 v15, v14  }
0x2f: {  	v63 =	vimm.s32 $0x3  }
0x30: {  	v1 =	vimm.s32 $0x0;
	vm0 =	vge.f32 v16, $1.914062500e-01;
	vm1 =	vge.f32 v16, $7.656250000e-01  }
0x31: {  	vm10 =	vge.f32 v16, $3.062500000e+00;
	v17 =	vsel vm0, $0x4, v63;
	v18 =	vsel vm1, $0x1, v1  }
0x32: {  	v9 =	vsel vm10, $0x1, v1;
	v8 =	vadd.s32 v18, v17  }
0x33: {  	v2 =	vimm.s32 $0x1FF;
	v16 =	vadd.s32 v9, v8  }
0x34: {  	v17 =	vshrl.u32 v2, v16  }
0x35: {  	v10 =	vcvt.s32.f32 v17  }
0x36: {  	v4 =	vld [tilespmem:$0x1FFB0]  }
0x37: {  	v22 =	vld [tilespmem:$0x1FFC0];
	v12 =	vmul.f32 v10, v12  }
0x38: {  	v24 =	vld [tilespmem:$0x1FFD0];
	[tilespmem:$0x1800] =	vst v17;
	v14 =	vmul.f32 v10, v14  }
0x39: {  	v3 =	vimm.s32 $0x1500;
	v25 =	vld [tilespmem:$0x1FFF0];
	vm11 =	veq.s32 v16, $0x5;
	v11 =	vmul.f32 v10, v13;
	[tilespmem:$0x1580] =	vst v12  }
0x3a: {  	vm12 =	veq.s32 v16, $0x4;
	v19 =	vsel vm11, $0x1400, v3;
	v20 =	vmul.f32 v10, v15;
	[tilespmem:$0x1600] =	vst v14  }
0x3b: {  	vm13 =	veq.s32 v16, $0x3;
	v13 =	vsel vm12, $0x1000, v19;
	[tilespmem:$0x1680] =	vst v11  }
0x3c: {  	v21 =	vsel vm13, $0x0, v13;
	[tilespmem:$0x1700] =	vst v20  }
0x3d: {  	[tilespmem:$0x1780] =	vst v21  }
0x3e: {  	v12 =	vld.idx.msk [tilespmem:v4+s3+$0x0], $0xffff  }
0x3f: {  	v23 =	vld.idx.msk [tilespmem:v22+s3+$0x0], $0xffff  }
0x40: {  	v14 =	vld.idx.msk [tilespmem:v24+s3+$0x0], $0xffff  }
0x41: {  	v26 =	vld.idx.msk [tilespmem:v25+s3+$0x0], $0xffff;
	_ =	sdelay $0x4  }
0x42: {  	v14 =	vsub.f32 v14, v12;
	v15 =	vsub.f32 v26, v23;
	_ =	sdelay $0x1  }
0x43: {  	v27 =	vmul.f32 v15, v14;
	_ =	sdelay $0x1  }
0x44: {  	vm14 =	vge.f32 v27, $1.914062500e-01;
	vm15 =	vge.f32 v27, $7.656250000e-01  }
0x45: {  	vm4 =	vge.f32 v27, $3.062500000e+00;
	v28 =	vsel vm14, $0x4, v63;
	v29 =	vsel vm15, $0x1, v1  }
0x46: {  	v31 =	vsel vm4, $0x1, v1;
	v30 =	vadd.s32 v29, v28  }
0x47: {  	v16 =	vadd.s32 v31, v30  }
0x48: {  	v17 =	vshrl.u32 v2, v16;
	vm5 =	veq.s32 v16, $0x5  }
0x49: {  	v19 =	vld [tilespmem:$0x80];
	vm6 =	veq.s32 v16, $0x4;
	v32 =	vcvt.s32.f32 v17;
	v34 =	vsel vm5, $0x1400, v3  }
0x4a: {  	vm7 =	veq.s32 v16, $0x3;
	v13 =	vsel vm6, $0x1000, v34  }
0x4b: {  	[tilespmem:$0x1810] =	vst v17;
	v12 =	vmul.f32 v32, v12;
	v36 =	vsel vm7, $0x0, v13  }
0x4c: {  	v14 =	vmul.f32 v32, v14;
	[tilespmem:$0x1790] =	vst v36  }
0x4d: {  	v33 =	vmul.f32 v32, v23;
	[tilespmem:$0x1590] =	vst v12  }
0x4e: {  	v35 =	vmul.f32 v32, v15;
	[tilespmem:$0x1610] =	vst v14  }
0x4f: {  	v37 =	vld [tilespmem:$0x780];
	[tilespmem:$0x1690] =	vst v33  }
0x50: {  	v38 =	vld [tilespmem:$0xE80];
	[tilespmem:$0x1710] =	vst v35  }
0x51: {  	v14 =	vld.idx.msk [tilespmem:v19+s19+$0x0], $0xffff  }
0x52: {  	v40 =	vld.idx.msk [tilespmem:v19+s21+$0x0], $0xffff  }
0x53: {  	v39 =	vld.idx.msk [tilespmem:v19+s18+$0x0], $0xffff  }
0x54: {  	v17 =	vld.idx.msk [tilespmem:v19+s20+$0x0], $0xffff;
	_ =	sdelay $0x1  }
0x55: {  	v12 =	vmul.f32 v14, v37  }
0x56: {  	v13 =	vmul.f32 v40, v38  }
0x57: {  	v41 =	vld.idx.msk [tilespmem:v19+s23+$0x0], $0xffff;
	v12 =	vadd.f32 v12, v39  }
0x58: {  	v13 =	vadd.f32 v13, v17  }
0x59: {  	v15 =	vtrunc.f32 v12  }
0x5a: {  	v42 =	vtrunc.f32 v13;
	v15 =	vcvt.f32.s32 v15  }
0x5b: {  	v43 =	vld.idx.msk [tilespmem:v19+s22+$0x0], $0xffff;
	v16 =	vcvt.f32.s32 v42  }
0x5c: {  	vm8 =	vlt.s32 v15, v41  }
0x5d: {  	v45 =	vadd.s32 $0x1, v41;
	vm9 =	vlt.s32 v16, v41;
	v15 =	vsel vm8, v15, v41  }
0x5e: {  	v16 =	vsel vm9, v16, v41;
	v44 =	vadd.s32 $0x1, v15;
	v20 =	vmul.u32 v45, v15  }
0x5f: {  	v21 =	vadd.s32 $0x1, v16;
	v15 =	vcvt.s32.f32 v15;
	v49 =	vcvt.s32.f32 v16  }
0x60: {  	v46 =	vld [tilespmem:$0x90];
	vm10 =	vlt.s32 v44, v41;
	vm11 =	vlt.s32 v21, v41;
	v20 =	vadd.s32 v43, v20  }
0x61: {  	v18 =	vsel vm10, v44, v41;
	v14 =	vsel vm11, v21, v41;
	v47 =	vadd.s32 v16, v20  }
0x62: {  	v12 =	vsub.f32 v12, v15;
	v18 =	vmul.u32 v45, v18;
	v48 =	vadd.s32 v20, v14;
	[tilespmem:$0x1880] =	vst v47  }
0x63: {  	v13 =	vsub.f32 v13, v49;
	[tilespmem:$0x18A0] =	vst v48  }
0x64: {  	[tilespmem:$0x1980] =	vst v12;
	v17 =	vadd.s32 v43, v18  }
0x65: {  	[tilespmem:$0x1A80] =	vst v13;
	v16 =	vadd.s32 v16, v17  }
0x66: {  	v50 =	vld [tilespmem:$0x790];
	v14 =	vadd.s32 v14, v17;
	[tilespmem:$0x18C0] =	vst v16  }
0x67: {  	v51 =	vld [tilespmem:$0xE90];
	[tilespmem:$0x18E0] =	vst v14  }
0x68: {  	v14 =	vld.idx.msk [tilespmem:v46+s19+$0x0], $0xffff  }
0x69: {  	v16 =	vld.idx.msk [tilespmem:v46+s21+$0x0], $0xffff  }
0x6a: {  	v52 =	vld.idx.msk [tilespmem:v46+s18+$0x0], $0xffff  }
0x6b: {  	v53 =	vld.idx.msk [tilespmem:v46+s20+$0x0], $0xffff;
	_ =	sdelay $0x1  }
0x6c: {  	v12 =	vmul.f32 v14, v50  }
0x6d: {  	v13 =	vmul.f32 v16, v51  }
0x6e: {  	v54 =	vld.idx.msk [tilespmem:v46+s23+$0x0], $0xffff;
	v12 =	vadd.f32 v12, v52  }
0x6f: {  	v13 =	vadd.f32 v13, v53  }
0x70: {  	v15 =	vtrunc.f32 v12  }
0x71: {  	v55 =	vtrunc.f32 v13;
	v15 =	vcvt.f32.s32 v15  }
0x72: {  	v56 =	vld.idx.msk [tilespmem:v46+s22+$0x0], $0xffff;
	v16 =	vcvt.f32.s32 v55  }
0x73: {  	vm12 =	vlt.s32 v15, v54  }
0x74: {  	v58 =	vadd.s32 $0x1, v54;
	vm13 =	vlt.s32 v16, v54;
	v15 =	vsel vm12, v15, v54  }
0x75: {  	v16 =	vsel vm13, v16, v54;
	v57 =	vadd.s32 $0x1, v15;
	v59 =	vmul.u32 v58, v15  }
0x76: {  	v60 =	vadd.s32 $0x1, v16;
	v15 =	vcvt.s32.f32 v15;
	v63 =	vcvt.s32.f32 v16  }
0x77: {  	vm14 =	vlt.s32 v57, v54;
	vm15 =	vlt.s32 v60, v54;
	v61 =	vadd.s32 v56, v59  }
0x78: {  	v18 =	vsel vm14, v57, v54;
	v14 =	vsel vm15, v60, v54;
	v20 =	vadd.s32 v16, v61  }
0x79: {  	v12 =	vsub.f32 v12, v15;
	v18 =	vmul.u32 v58, v18;
	v62 =	vadd.s32 v61, v14;
	[tilespmem:$0x1890] =	vst v20  }
0x7a: {  	v13 =	vsub.f32 v13, v63;
	[tilespmem:$0x18B0] =	vst v62  }
0x7b: {  	[tilespmem:$0x1990] =	vst v12;
	v17 =	vadd.s32 v56, v18  }
0x7c: {  	[tilespmem:$0x1A90] =	vst v13;
	v16 =	vadd.s32 v16, v17  }
0x7d: {  	v14 =	vadd.s32 v14, v17;
	[tilespmem:$0x18D0] =	vst v16  }
0x7e: {  	s8 =	simm.s32 $0x0;
	[tilespmem:$0x18F0] =	vst v14  }
0x7f: {  	[tilespmem:s25], [sflag:$0x1] =	stream.indirect.gather [hbm4b:s4+s15], $0x80, s24, s15, $0xb8;
	[tilespmem:$0xBB80] =	vst v63  }
.LBB2_2:
0x80: {  	s11 =	sshll.u32 s8, $0x6  }
0x81: {  	v12 =	vld [tilespmem:s11+$0xA0];
	_ =	sdelay $0x5  }
0x82: {  	v13 =	vld [tilespmem:s11+$0x7A0]  }
0x83: {  	v14 =	vld [tilespmem:s11+$0xEA0]  }
0x84: {  	v15 =	vld.idx.msk [tilespmem:v12+s19+$0x0], $0xffff  }
0x85: {  	v17 =	vld.idx.msk [tilespmem:v12+s21+$0x0], $0xffff  }
0x86: {  	v16 =	vld.idx.msk [tilespmem:v12+s18+$0x0], $0xffff  }
0x87: {  	v18 =	vld.idx.msk [tilespmem:v12+s20+$0x0], $0xffff;
	_ =	sdelay $0x1  }
0x88: {  	v13 =	vmul.f32 v15, v13  }
0x89: {  	v14 =	vmul.f32 v17, v14  }
0x8a: {  	v15 =	vld.idx.msk [tilespmem:v12+s23+$0x0], $0xffff;
	v13 =	vadd.f32 v13, v16  }
0x8b: {  	v14 =	vadd.f32 v14, v18  }
0x8c: {  	v16 =	vtrunc.f32 v13  }
0x8d: {  	v17 =	vtrunc.f32 v14;
	v16 =	vcvt.f32.s32 v16  }
0x8e: {  	v12 =	vld.idx.msk [tilespmem:v12+s22+$0x0], $0xffff;
	v17 =	vcvt.f32.s32 v17  }
0x8f: {  	vm0 =	vlt.s32 v16, v15  }
0x90: {  	v19 =	vadd.s32 $0x1, v15;
	vm9 =	vlt.s32 v17, v15;
	v16 =	vsel vm0, v16, v15  }
0x91: {  	v17 =	vsel vm9, v17, v15;
	v18 =	vadd.s32 $0x1, v16;
	v20 =	vmul.u32 v19, v16  }
0x92: {  	v21 =	vadd.s32 $0x1, v17;
	v16 =	vcvt.s32.f32 v16;
	vm10 =	vlt.s32 v18, v15  }
0x93: {  	vm11 =	vlt.s32 v21, v15;
	v18 =	vsel vm10, v18, v15;
	v20 =	vadd.s32 v12, v20  }
0x94: {  	v13 =	vsub.f32 v13, v16;
	v18 =	vmul.u32 v19, v18;
	v19 =	vadd.s32 v17, v20  }
0x95: {  	v15 =	vsel vm11, v21, v15;
	[tilespmem:$0x1900] =	vst v19  }
0x96: {  	v19 =	vcvt.s32.f32 v17;
	[tilespmem:$0x1A00] =	vst v13;
	v12 =	vadd.s32 v12, v18;
	v18 =	vadd.s32 v20, v15  }
0x97: {  	[tilespmem:$0x1920] =	vst v18;
	v17 =	vadd.s32 v17, v12  }
0x98: {  	v12 =	vadd.s32 v15, v12;
	v14 =	vsub.f32 v14, v19;
	[tilespmem:$0x1940] =	vst v17  }
0x99: {  	[tilespmem:$0x1960] =	vst v12  }
0x9a: {  	[tilespmem:$0x1B00] =	vst v14  }
0x9b: {  	v12 =	vld [tilespmem:s11+$0xB0];
	_ =	sdelay $0x5  }
0x9c: {  	v13 =	vld [tilespmem:s11+$0x7B0]  }
0x9d: {  	v14 =	vld [tilespmem:s11+$0xEB0]  }
0x9e: {  	v15 =	vld.idx.msk [tilespmem:v12+s19+$0x0], $0xffff  }
0x9f: {  	v17 =	vld.idx.msk [tilespmem:v12+s21+$0x0], $0xffff  }
0xa0: {  	v16 =	vld.idx.msk [tilespmem:v12+s18+$0x0], $0xffff  }
0xa1: {  	v18 =	vld.idx.msk [tilespmem:v12+s20+$0x0], $0xffff;
	_ =	sdelay $0x1  }
0xa2: {  	v13 =	vmul.f32 v15, v13  }
0xa3: {  	v14 =	vmul.f32 v17, v14  }
0xa4: {  	v15 =	vld.idx.msk [tilespmem:v12+s23+$0x0], $0xffff;
	v13 =	vadd.f32 v13, v16  }
0xa5: {  	v14 =	vadd.f32 v14, v18  }
0xa6: {  	v16 =	vtrunc.f32 v13  }
0xa7: {  	v17 =	vtrunc.f32 v14;
	v16 =	vcvt.f32.s32 v16  }
0xa8: {  	v12 =	vld.idx.msk [tilespmem:v12+s22+$0x0], $0xffff;
	v17 =	vcvt.f32.s32 v17  }
0xa9: {  	vm12 =	vlt.s32 v16, v15  }
0xaa: {  	v19 =	vadd.s32 $0x1, v15;
	vm13 =	vlt.s32 v17, v15;
	v16 =	vsel vm12, v16, v15  }
0xab: {  	v17 =	vsel vm13, v17, v15;
	v18 =	vadd.s32 $0x1, v16;
	v20 =	vmul.u32 v19, v16  }
0xac: {  	v44 =	vadd.s32 $0x1, v17;
	v16 =	vcvt.s32.f32 v16;
	vm14 =	vlt.s32 v18, v15  }
0xad: {  	vm15 =	vlt.s32 v44, v15;
	v18 =	vsel vm14, v18, v15;
	v20 =	vadd.s32 v12, v20  }
0xae: {  	v13 =	vsub.f32 v13, v16;
	v18 =	vmul.u32 v19, v18;
	v19 =	vadd.s32 v17, v20  }
0xaf: {  	v15 =	vsel vm15, v44, v15;
	[tilespmem:$0x1910] =	vst v19  }
0xb0: {  	v19 =	vcvt.s32.f32 v17;
	[tilespmem:$0x1A10] =	vst v13;
	v12 =	vadd.s32 v12, v18;
	v18 =	vadd.s32 v20, v15  }
0xb1: {  	[tilespmem:$0x1930] =	vst v18;
	v17 =	vadd.s32 v17, v12  }
0xb2: {  	v12 =	vadd.s32 v15, v12;
	v14 =	vsub.f32 v14, v19;
	[tilespmem:$0x1950] =	vst v17  }
0xb3: {  	[tilespmem:$0x1970] =	vst v12  }
0xb4: {  	[tilespmem:$0x1B10] =	vst v14  }
0xb5: {  	[tilespmem:s28], [sflag:$0x2] =	stream.indirect.gather [hbm4b:s4+s15], $0x80, s26, s15, $0xb8;
	[tilespmem:$0xBB80] =	vst v63  }
0xb6: {  	s6 =	simm.s32 $0x0;
	_ =	swait.ge [sflag:s29], $0x4000  }
0xb7: {  	p0 =	seq.s32 s8, $0x0;
	v12 =	vmov s6;
	[sflag:s29] =	ssyncset.done $0x0  }
0xb8: {  	s6 =	simm.s32 @!p0 $0x3;
	[sflag:s29] =	ssyncadd.s32 $0xFFFFC000  }
0xb9: {  	_ =	swait.ge @!p0 [sflag:s6], $0x1000  }
0xba: {  	[sflag:s6] =	ssyncset.done @!p0 $0x0  }
0xbb: {  	[sflag:s6] =	ssyncadd.s32 @!p0 $0xFFFFF000  }
0xbc: {  	v13 =	vld.idx.msk [tilespmem:v12+s30+$0x0], $0xffff  }
0xbd: {  	s12 =	simm.s32 $0x3B80;
	v14 =	vld.idx.msk [tilespmem:v12+s31+$0x0], $0xffff  }
0xbe: {  	v16 =	vld [tilespmem:s12+$0xFFFFF000]  }
0xbf: {  	v17 =	vld [tilespmem:s12+$0xFFFFE000];
	_ =	sdelay $0x1  }
0xc0: {  	v15 =	vsub.f32 $1.000000000e+00, v13  }
0xc1: {  	v18 =	vld [tilespmem:s12+$0x0];
	v12 =	vmul.f32 v14, v13  }
0xc2: {  	v19 =	vld [tilespmem:s12+$0x1000];
	v15 =	vsub.f32 v15, v14  }
0xc3: {  	v20 =	vand.u32 $0xFFFF0000, v16;
	v45 =	vshll.u32 v17, $0x10;
	v14 =	vsub.f32 v14, v12  }
0xc4: {  	v16 =	vshll.u32 v16, $0x10;
	v17 =	vand.u32 $0xFFFF0000, v17;
	v15 =	vadd.f32 v12, v15  }
0xc5: {  	v13 =	vsub.f32 v13, v12;
	v16 =	vmul.f32 v16, v14;
	v20 =	vmul.f32 v20, v14  }
0xc6: {  	v22 =	vand.u32 $0xFFFF0000, v18;
	v21 =	vmul.f32 v45, v15;
	v17 =	vmul.f32 v17, v15  }
0xc7: {  	v18 =	vshll.u32 v18, $0x10;
	v46 =	vand.u32 $0xFFFF0000, v19;
	v22 =	vmul.f32 v22, v13  }
0xc8: {  	v18 =	vmul.f32 v18, v13;
	v16 =	vadd.f32 v16, v21;
	v17 =	vadd.f32 v20, v17  }
0xc9: {  	v19 =	vshll.u32 v19, $0x10;
	v20 =	vmul.f32 v46, v12  }
0xca: {  	v16 =	vadd.f32 v18, v16;
	v18 =	vmul.f32 v19, v12;
	v17 =	vadd.f32 v22, v17;
	_ =	sdelay $0x1  }
0xcb: {  	v16 =	vadd.f32 v18, v16;
	v17 =	vadd.f32 v20, v17;
	_ =	sdelay $0x1  }
0xcc: {  	v16 =	vadd.s32 $0x8000, v16;
	v17 =	vadd.s32 $0x8000, v17  }
0xcd: {  	v16 =	vshrl.u32 v16, $0x10;
	v17 =	vand.u32 $0xFFFF0000, v17  }
0xce: {  	s13 =	simm.s32 $0x9BC0;
	v16 =	vor.u32 v17, v16  }
0xcf: {  	[tilespmem:s13+$0xFFFFFFC0] =	vst v16  }
0xd0: {  	v16 =	vld [tilespmem:s12+$0xFFFFE010]  }
0xd1: {  	v17 =	vld [tilespmem:s12+$0xFFFFF010]  }
0xd2: {  	v18 =	vld [tilespmem:s12+$0x10]  }
0xd3: {  	v19 =	vld [tilespmem:s12+$0x1010];
	_ =	sdelay $0x1  }
0xd4: {  	v20 =	vshll.u32 v16, $0x10  }
0xd5: {  	v16 =	vand.u32 $0xFFFF0000, v16;
	v47 =	vshll.u32 v17, $0x10;
	v17 =	vand.u32 $0xFFFF0000, v17  }
0xd6: {  	v48 =	vshll.u32 v18, $0x10;
	v20 =	vmul.f32 v20, v15;
	v21 =	vmul.f32 v47, v14  }
0xd7: {  	v23 =	vshll.u32 v19, $0x10;
	v17 =	vmul.f32 v17, v14;
	v16 =	vmul.f32 v16, v15  }
0xd8: {  	v18 =	vand.u32 $0xFFFF0000, v18;
	v19 =	vand.u32 $0xFFFF0000, v19;
	v22 =	vmul.f32 v48, v13  }
0xd9: {  	v20 =	vadd.f32 v21, v20;
	v16 =	vadd.f32 v17, v16;
	v17 =	vmul.f32 v18, v13  }
0xda: {  	v19 =	vmul.f32 v19, v12  }
0xdb: {  	v18 =	vmul.f32 v23, v12;
	v20 =	vadd.f32 v22, v20;
	v16 =	vadd.f32 v17, v16;
	_ =	sdelay $0x1  }
0xdc: {  	v17 =	vadd.f32 v18, v20;
	v16 =	vadd.f32 v19, v16;
	_ =	sdelay $0x1  }
0xdd: {  	v17 =	vadd.s32 $0x8000, v17;
	v16 =	vadd.s32 $0x8000, v16  }
0xde: {  	v17 =	vshrl.u32 v17, $0x10;
	v16 =	vand.u32 $0xFFFF0000, v16  }
0xdf: {  	v16 =	vor.u32 v16, v17  }
0xe0: {  	[tilespmem:s13+$0xFFFFFFD0] =	vst v16  }
0xe1: {  	v16 =	vld [tilespmem:s12+$0xFFFFE020]  }
0xe2: {  	v17 =	vld [tilespmem:s12+$0xFFFFF020]  }
0xe3: {  	v18 =	vld [tilespmem:s12+$0x20]  }
0xe4: {  	v19 =	vld [tilespmem:s12+$0x1020];
	_ =	sdelay $0x1  }
0xe5: {  	v20 =	vshll.u32 v16, $0x10  }
0xe6: {  	v16 =	vand.u32 $0xFFFF0000, v16;
	v49 =	vshll.u32 v17, $0x10;
	v17 =	vand.u32 $0xFFFF0000, v17  }
0xe7: {  	v50 =	vand.u32 $0xFFFF0000, v18;
	v16 =	vmul.f32 v16, v15;
	v21 =	vmul.f32 v49, v14  }
0xe8: {  	v51 =	vand.u32 $0xFFFF0000, v19;
	v17 =	vmul.f32 v17, v14;
	v20 =	vmul.f32 v20, v15  }
0xe9: {  	v18 =	vshll.u32 v18, $0x10;
	v19 =	vshll.u32 v19, $0x10;
	v22 =	vmul.f32 v50, v13  }
0xea: {  	v18 =	vmul.f32 v18, v13;
	v16 =	vadd.f32 v17, v16;
	v17 =	vadd.f32 v21, v20  }
0xeb: {  	v19 =	vmul.f32 v19, v12  }
0xec: {  	v20 =	vmul.f32 v51, v12;
	v16 =	vadd.f32 v22, v16;
	v17 =	vadd.f32 v18, v17;
	_ =	sdelay $0x1  }
0xed: {  	v16 =	vadd.f32 v20, v16;
	v17 =	vadd.f32 v19, v17;
	_ =	sdelay $0x1  }
0xee: {  	v16 =	vadd.s32 $0x8000, v16;
	v17 =	vadd.s32 $0x8000, v17  }
0xef: {  	v16 =	vand.u32 $0xFFFF0000, v16;
	v17 =	vshrl.u32 v17, $0x10  }
0xf0: {  	v16 =	vor.u32 v16, v17  }
0xf1: {  	[tilespmem:s13+$0xFFFFFFE0] =	vst v16  }
0xf2: {  	v16 =	vld [tilespmem:s12+$0xFFFFE030]  }
0xf3: {  	v17 =	vld [tilespmem:s12+$0xFFFFF030]  }
0xf4: {  	v18 =	vld [tilespmem:s12+$0x30]  }
0xf5: {  	v19 =	vld [tilespmem:s12+$0x1030];
	_ =	sdelay $0x1  }
0xf6: {  	v20 =	vshll.u32 v16, $0x10  }
0xf7: {  	v16 =	vand.u32 $0xFFFF0000, v16;
	v52 =	vshll.u32 v17, $0x10;
	v17 =	vand.u32 $0xFFFF0000, v17  }
0xf8: {  	v53 =	vshll.u32 v18, $0x10;
	v20 =	vmul.f32 v20, v15;
	v21 =	vmul.f32 v52, v14  }
0xf9: {  	v54 =	vshll.u32 v19, $0x10;
	v17 =	vmul.f32 v17, v14;
	v16 =	vmul.f32 v16, v15  }
0xfa: {  	v18 =	vand.u32 $0xFFFF0000, v18;
	v19 =	vand.u32 $0xFFFF0000, v19;
	v22 =	vmul.f32 v53, v13  }
0xfb: {  	v20 =	vadd.f32 v21, v20;
	v16 =	vadd.f32 v17, v16;
	v17 =	vmul.f32 v18, v13  }
0xfc: {  	v19 =	vmul.f32 v19, v12  }
0xfd: {  	v18 =	vmul.f32 v54, v12;
	v20 =	vadd.f32 v22, v20;
	v16 =	vadd.f32 v17, v16;
	_ =	sdelay $0x1  }
0xfe: {  	v17 =	vadd.f32 v18, v20;
	v16 =	vadd.f32 v19, v16;
	_ =	sdelay $0x1  }
0xff: {  	v17 =	vadd.s32 $0x8000, v17;
	v16 =	vadd.s32 $0x8000, v16  }
0x100: {  	v17 =	vshrl.u32 v17, $0x10;
	v16 =	vand.u32 $0xFFFF0000, v16  }
0x101: {  	v16 =	vor.u32 v16, v17  }
0x102: {  	[tilespmem:s13+$0xFFFFFFF0] =	vst v16  }
0x103: {  	v16 =	vld [tilespmem:s12+$0xFFFFE040]  }
0x104: {  	v17 =	vld [tilespmem:s12+$0xFFFFF040]  }
0x105: {  	v18 =	vld [tilespmem:s12+$0x40]  }
0x106: {  	v19 =	vld [tilespmem:s12+$0x1040];
	_ =	sdelay $0x1  }
0x107: {  	v20 =	vshll.u32 v16, $0x10  }
0x108: {  	v16 =	vand.u32 $0xFFFF0000, v16;
	v55 =	vshll.u32 v17, $0x10;
	v17 =	vand.u32 $0xFFFF0000, v17  }
0x109: {  	v56 =	vshll.u32 v18, $0x10;
	v20 =	vmul.f32 v20, v15;
	v21 =	vmul.f32 v55, v14  }
0x10a: {  	v57 =	vshll.u32 v19, $0x10;
	v17 =	vmul.f32 v17, v14;
	v16 =	vmul.f32 v16, v15  }
0x10b: {  	v18 =	vand.u32 $0xFFFF0000, v18;
	v19 =	vand.u32 $0xFFFF0000, v19;
	v22 =	vmul.f32 v56, v13  }
0x10c: {  	v20 =	vadd.f32 v21, v20;
	v16 =	vadd.f32 v17, v16;
	v17 =	vmul.f32 v18, v13  }
0x10d: {  	v19 =	vmul.f32 v19, v12  }
0x10e: {  	v18 =	vmul.f32 v57, v12;
	v20 =	vadd.f32 v22, v20;
	v16 =	vadd.f32 v17, v16;
	_ =	sdelay $0x1  }
0x10f: {  	v17 =	vadd.f32 v18, v20;
	v16 =	vadd.f32 v19, v16;
	_ =	sdelay $0x1  }
0x110: {  	v17 =	vadd.s32 $0x8000, v17;
	v16 =	vadd.s32 $0x8000, v16  }
0x111: {  	v17 =	vshrl.u32 v17, $0x10;
	v16 =	vand.u32 $0xFFFF0000, v16  }
0x112: {  	v16 =	vor.u32 v16, v17  }
0x113: {  	[tilespmem:s13+$0x0] =	vst v16  }
0x114: {  	v16 =	vld [tilespmem:s12+$0xFFFFE050]  }
0x115: {  	v17 =	vld [tilespmem:s12+$0xFFFFF050];
	_ =	sdelay $0x1  }
0x116: {  	v18 =	vld [tilespmem:s12+$0x50]  }
0x117: {  	v19 =	vld [tilespmem:s12+$0x1050];
	_ =	sdelay $0x1  }
0x118: {  	v20 =	vshll.u32 v16, $0x10;
	v16 =	vand.u32 $0xFFFF0000, v16;
	v58 =	vshll.u32 v17, $0x10  }
0x119: {  	v17 =	vand.u32 $0xFFFF0000, v17;
	v20 =	vmul.f32 v20, v15;
	v21 =	vmul.f32 v58, v14  }
0x11a: {  	v59 =	vshll.u32 v18, $0x10;
	v17 =	vmul.f32 v17, v14;
	v16 =	vmul.f32 v16, v15  }
0x11b: {  	v18 =	vand.u32 $0xFFFF0000, v18;
	v60 =	vshll.u32 v19, $0x10;
	v22 =	vmul.f32 v59, v13  }
0x11c: {  	v18 =	vmul.f32 v18, v13;
	v20 =	vadd.f32 v21, v20;
	v16 =	vadd.f32 v17, v16  }
0x11d: {  	v19 =	vand.u32 $0xFFFF0000, v19;
	v17 =	vmul.f32 v60, v12  }
0x11e: {  	v20 =	vadd.f32 v22, v20;
	v16 =	vadd.f32 v18, v16;
	v18 =	vmul.f32 v19, v12;
	_ =	sdelay $0x1  }
0x11f: {  	v17 =	vadd.f32 v17, v20;
	v16 =	vadd.f32 v18, v16;
	_ =	sdelay $0x1  }
0x120: {  	v17 =	vadd.s32 $0x8000, v17;
	v16 =	vadd.s32 $0x8000, v16  }
0x121: {  	v17 =	vshrl.u32 v17, $0x10;
	v16 =	vand.u32 $0xFFFF0000, v16  }
0x122: {  	v16 =	vor.u32 v16, v17  }
0x123: {  	[tilespmem:s13+$0x10] =	vst v16  }
0x124: {  	v16 =	vld [tilespmem:s12+$0xFFFFE060]  }
0x125: {  	v17 =	vld [tilespmem:s12+$0xFFFFF060]  }
0x126: {  	v18 =	vld [tilespmem:s12+$0x60];
	_ =	sdelay $0x1  }
0x127: {  	v19 =	vld [tilespmem:s12+$0x1060]  }
0x128: {  	v20 =	vshll.u32 v16, $0x10  }
0x129: {  	v16 =	vand.u32 $0xFFFF0000, v16;
	v61 =	vshll.u32 v17, $0x10;
	v17 =	vand.u32 $0xFFFF0000, v17  }
0x12a: {  	v62 =	vshll.u32 v18, $0x10;
	v20 =	vmul.f32 v20, v15;
	v21 =	vmul.f32 v61, v14  }
0x12b: {  	v18 =	vand.u32 $0xFFFF0000, v18;
	v17 =	vmul.f32 v17, v14;
	v16 =	vmul.f32 v16, v15  }
0x12c: {  	v63 =	vshll.u32 v19, $0x10;
	v19 =	vand.u32 $0xFFFF0000, v19;
	v22 =	vmul.f32 v62, v13  }
0x12d: {  	v18 =	vmul.f32 v18, v13;
	v20 =	vadd.f32 v21, v20;
	v16 =	vadd.f32 v17, v16  }
0x12e: {  	v19 =	vmul.f32 v19, v12  }
0x12f: {  	v17 =	vmul.f32 v63, v12;
	v20 =	vadd.f32 v22, v20;
	v16 =	vadd.f32 v18, v16;
	_ =	sdelay $0x1  }
0x130: {  	v17 =	vadd.f32 v17, v20;
	v16 =	vadd.f32 v19, v16;
	_ =	sdelay $0x1  }
0x131: {  	v17 =	vadd.s32 $0x8000, v17;
	v16 =	vadd.s32 $0x8000, v16  }
0x132: {  	v17 =	vshrl.u32 v17, $0x10;
	v16 =	vand.u32 $0xFFFF0000, v16  }
0x133: {  	v16 =	vor.u32 v16, v17  }
0x134: {  	[tilespmem:s13+$0x20] =	vst v16  }
0x135: {  	v17 =	vld [tilespmem:s12+$0xFFFFE070]  }
0x136: {  	v18 =	vld [tilespmem:s12+$0xFFFFF070]  }
0x137: {  	s17 =	simm.s32 $0x9BC0;
	s9 =	sor.u32 $0x20, s11;
	s6 =	simm.s32 $0x1;
	v16 =	vld [tilespmem:s12+$0x70]  }
.LBB2_3:
0x138: {  	p1 =	sne.s32 s6, $0x1F;
	v19 =	vld [tilespmem:s12+$0x1070];
	s12 =	sadd.s32 $0x80, s12;
	s13 =	sadd.s32 $0x80, s13  }
0x139: {  	s14 =	smov.u32 s6;
	s6 =	sadd.s32 $0x1, s6  }
0x13a: {  	v20 =	vshll.u32 v17, $0x10;
	v17 =	vand.u32 $0xFFFF0000, v17  }
0x13b: {  	v21 =	vshll.u32 v18, $0x10;
	v17 =	vmul.f32 v17, v15;
	v18 =	vand.u32 $0xFFFF0000, v18  }
0x13c: {  	v21 =	vmul.f32 v21, v14;
	v14 =	vmul.f32 v18, v14;
	v18 =	vand.u32 $0xFFFF0000, v16  }
0x13d: {  	v15 =	vmul.f32 v20, v15;
	v16 =	vshll.u32 v16, $0x10;
	v18 =	vmul.f32 v18, v13  }
0x13e: {  	v13 =	vmul.f32 v16, v13;
	v16 =	vand.u32 $0xFFFF0000, v19;
	v14 =	vadd.f32 v14, v17  }
0x13f: {  	v15 =	vadd.f32 v21, v15;
	v17 =	vshll.u32 v19, $0x10;
	v16 =	vmul.f32 v16, v12  }
0x140: {  	v12 =	vmul.f32 v17, v12;
	v14 =	vadd.f32 v18, v14  }
0x141: {  	v13 =	vadd.f32 v13, v15  }
0x142: {  	v14 =	vadd.f32 v16, v14  }
0x143: {  	v15 =	vmov s14;
	v12 =	vadd.f32 v12, v13  }
0x144: {  	v13 =	vadd.s32 $0x8000, v14  }
0x145: {  	v12 =	vadd.s32 $0x8000, v12  }
0x146: {  	v12 =	vshrl.u32 v12, $0x10;
	v13 =	vand.u32 $0xFFFF0000, v13  }
0x147: {  	v12 =	vor.u32 v13, v12  }
0x148: {  	[tilespmem:s17+$0x30] =	vst v12;
	s17 =	smov.u32 s13  }
0x149: {  	v13 =	vld.idx.msk [tilespmem:v15+s30+$0x0], $0xffff  }
0x14a: {  	v14 =	vld.idx.msk [tilespmem:v15+s31+$0x0], $0xffff  }
0x14b: {  	v16 =	vld [tilespmem:s12+$0xFFFFF000]  }
0x14c: {  	v17 =	vld [tilespmem:s12+$0xFFFFE000]  }
0x14d: {  	v18 =	vld [tilespmem:s12+$0x0]  }
0x14e: {  	v19 =	vld [tilespmem:s12+$0x1000]  }
0x14f: {  	v15 =	vsub.f32 $1.000000000e+00, v13  }
0x150: {  	v12 =	vmul.f32 v14, v13  }
0x151: {  	v15 =	vsub.f32 v15, v14  }
0x152: {  	v14 =	vsub.f32 v14, v12;
	v20 =	vand.u32 $0xFFFF0000, v18  }
0x153: {  	v21 =	vand.u32 $0xFFFF0000, v16;
	v13 =	vsub.f32 v13, v12;
	v15 =	vadd.f32 v12, v15  }
0x154: {  	v16 =	vshll.u32 v16, $0x10;
	v22 =	vshll.u32 v17, $0x10;
	v21 =	vmul.f32 v21, v14  }
0x155: {  	v17 =	vand.u32 $0xFFFF0000, v17;
	v16 =	vmul.f32 v16, v14;
	v22 =	vmul.f32 v22, v15  }
0x156: {  	v18 =	vshll.u32 v18, $0x10;
	v20 =	vmul.f32 v20, v13;
	v17 =	vmul.f32 v17, v15  }
0x157: {  	v18 =	vmul.f32 v18, v13;
	v16 =	vadd.f32 v16, v22;
	v22 =	vand.u32 $0xFFFF0000, v19  }
0x158: {  	v19 =	vshll.u32 v19, $0x10;
	v17 =	vadd.f32 v21, v17;
	v21 =	vmul.f32 v22, v12  }
0x159: {  	v16 =	vadd.f32 v18, v16;
	v18 =	vmul.f32 v19, v12  }
0x15a: {  	v17 =	vadd.f32 v20, v17  }
0x15b: {  	v16 =	vadd.f32 v18, v16  }
0x15c: {  	v17 =	vadd.f32 v21, v17  }
0x15d: {  	v16 =	vadd.s32 $0x8000, v16  }
0x15e: {  	v17 =	vadd.s32 $0x8000, v17;
	v16 =	vshrl.u32 v16, $0x10  }
0x15f: {  	v17 =	vand.u32 $0xFFFF0000, v17  }
0x160: {  	v16 =	vor.u32 v17, v16  }
0x161: {  	[tilespmem:s13+$0xFFFFFFC0] =	vst v16  }
0x162: {  	v16 =	vld [tilespmem:s12+$0xFFFFE010]  }
0x163: {  	v17 =	vld [tilespmem:s12+$0xFFFFF010]  }
0x164: {  	v18 =	vld [tilespmem:s12+$0x10]  }
0x165: {  	v19 =	vld [tilespmem:s12+$0x1010];
	_ =	sdelay $0x1  }
0x166: {  	v20 =	vshll.u32 v16, $0x10;
	v16 =	vand.u32 $0xFFFF0000, v16  }
0x167: {  	v20 =	vmul.f32 v20, v15;
	v21 =	vshll.u32 v17, $0x10;
	v17 =	vand.u32 $0xFFFF0000, v17  }
0x168: {  	v21 =	vmul.f32 v21, v14;
	v22 =	vshll.u32 v18, $0x10;
	v17 =	vmul.f32 v17, v14  }
0x169: {  	v16 =	vmul.f32 v16, v15;
	v22 =	vmul.f32 v22, v13;
	v23 =	vshll.u32 v19, $0x10  }
0x16a: {  	v18 =	vand.u32 $0xFFFF0000, v18;
	v20 =	vadd.f32 v21, v20;
	v21 =	vmul.f32 v23, v12  }
0x16b: {  	v16 =	vadd.f32 v17, v16;
	v17 =	vmul.f32 v18, v13;
	v18 =	vand.u32 $0xFFFF0000, v19  }
0x16c: {  	v18 =	vmul.f32 v18, v12;
	v19 =	vadd.f32 v22, v20  }
0x16d: {  	v16 =	vadd.f32 v17, v16  }
0x16e: {  	v17 =	vadd.f32 v21, v19  }
0x16f: {  	v16 =	vadd.f32 v18, v16  }
0x170: {  	v17 =	vadd.s32 $0x8000, v17  }
0x171: {  	v16 =	vadd.s32 $0x8000, v16;
	v17 =	vshrl.u32 v17, $0x10  }
0x172: {  	v16 =	vand.u32 $0xFFFF0000, v16  }
0x173: {  	v16 =	vor.u32 v16, v17  }
0x174: {  	[tilespmem:s13+$0xFFFFFFD0] =	vst v16  }
0x175: {  	v16 =	vld [tilespmem:s12+$0xFFFFE020]  }
0x176: {  	v17 =	vld [tilespmem:s12+$0xFFFFF020]  }
0x177: {  	v18 =	vld [tilespmem:s12+$0x20]  }
0x178: {  	v19 =	vld [tilespmem:s12+$0x1020];
	_ =	sdelay $0x1  }
0x179: {  	v20 =	vshll.u32 v16, $0x10;
	v16 =	vand.u32 $0xFFFF0000, v16  }
0x17a: {  	v21 =	vshll.u32 v17, $0x10;
	v16 =	vmul.f32 v16, v15;
	v17 =	vand.u32 $0xFFFF0000, v17  }
0x17b: {  	v21 =	vmul.f32 v21, v14;
	v17 =	vmul.f32 v17, v14;
	v22 =	vand.u32 $0xFFFF0000, v18  }
0x17c: {  	v20 =	vmul.f32 v20, v15;
	v22 =	vmul.f32 v22, v13;
	v23 =	vand.u32 $0xFFFF0000, v19  }
0x17d: {  	v18 =	vshll.u32 v18, $0x10;
	v16 =	vadd.f32 v17, v16;
	v17 =	vmul.f32 v23, v12  }
0x17e: {  	v18 =	vmul.f32 v18, v13;
	v19 =	vshll.u32 v19, $0x10;
	v20 =	vadd.f32 v21, v20  }
0x17f: {  	v19 =	vmul.f32 v19, v12;
	v16 =	vadd.f32 v22, v16  }
0x180: {  	v18 =	vadd.f32 v18, v20  }
0x181: {  	v16 =	vadd.f32 v17, v16  }
0x182: {  	v17 =	vadd.f32 v19, v18  }
0x183: {  	v16 =	vadd.s32 $0x8000, v16  }
0x184: {  	v17 =	vadd.s32 $0x8000, v17;
	v16 =	vand.u32 $0xFFFF0000, v16  }
0x185: {  	v17 =	vshrl.u32 v17, $0x10  }
0x186: {  	v16 =	vor.u32 v16, v17  }
0x187: {  	[tilespmem:s13+$0xFFFFFFE0] =	vst v16  }
0x188: {  	v16 =	vld [tilespmem:s12+$0xFFFFE030]  }
0x189: {  	v17 =	vld [tilespmem:s12+$0xFFFFF030]  }
0x18a: {  	v18 =	vld [tilespmem:s12+$0x30]  }
0x18b: {  	v19 =	vld [tilespmem:s12+$0x1030];
	_ =	sdelay $0x1  }
0x18c: {  	v20 =	vshll.u32 v16, $0x10;
	v16 =	vand.u32 $0xFFFF0000, v16  }
0x18d: {  	v20 =	vmul.f32 v20, v15;
	v21 =	vshll.u32 v17, $0x10;
	v17 =	vand.u32 $0xFFFF0000, v17  }
0x18e: {  	v21 =	vmul.f32 v21, v14;
	v22 =	vshll.u32 v18, $0x10;
	v17 =	vmul.f32 v17, v14  }
0x18f: {  	v16 =	vmul.f32 v16, v15;
	v22 =	vmul.f32 v22, v13;
	v23 =	vshll.u32 v19, $0x10  }
0x190: {  	v18 =	vand.u32 $0xFFFF0000, v18;
	v20 =	vadd.f32 v21, v20;
	v21 =	vmul.f32 v23, v12  }
0x191: {  	v16 =	vadd.f32 v17, v16;
	v17 =	vmul.f32 v18, v13;
	v18 =	vand.u32 $0xFFFF0000, v19  }
0x192: {  	v18 =	vmul.f32 v18, v12;
	v19 =	vadd.f32 v22, v20  }
0x193: {  	v16 =	vadd.f32 v17, v16  }
0x194: {  	v17 =	vadd.f32 v21, v19  }
0x195: {  	v16 =	vadd.f32 v18, v16  }
0x196: {  	v17 =	vadd.s32 $0x8000, v17  }
0x197: {  	v16 =	vadd.s32 $0x8000, v16;
	v17 =	vshrl.u32 v17, $0x10  }
0x198: {  	v16 =	vand.u32 $0xFFFF0000, v16  }
0x199: {  	v16 =	vor.u32 v16, v17  }
0x19a: {  	[tilespmem:s13+$0xFFFFFFF0] =	vst v16  }
0x19b: {  	v16 =	vld [tilespmem:s12+$0xFFFFE040]  }
0x19c: {  	v17 =	vld [tilespmem:s12+$0xFFFFF040]  }
0x19d: {  	v18 =	vld [tilespmem:s12+$0x40]  }
0x19e: {  	v19 =	vld [tilespmem:s12+$0x1040];
	_ =	sdelay $0x1  }
0x19f: {  	v20 =	vshll.u32 v16, $0x10;
	v16 =	vand.u32 $0xFFFF0000, v16  }
0x1a0: {  	v20 =	vmul.f32 v20, v15;
	v21 =	vshll.u32 v17, $0x10;
	v17 =	vand.u32 $0xFFFF0000, v17  }
0x1a1: {  	v21 =	vmul.f32 v21, v14;
	v22 =	vshll.u32 v18, $0x10;
	v17 =	vmul.f32 v17, v14  }
0x1a2: {  	v16 =	vmul.f32 v16, v15;
	v22 =	vmul.f32 v22, v13;
	v23 =	vshll.u32 v19, $0x10  }
0x1a3: {  	v18 =	vand.u32 $0xFFFF0000, v18;
	v20 =	vadd.f32 v21, v20;
	v21 =	vmul.f32 v23, v12  }
0x1a4: {  	v16 =	vadd.f32 v17, v16;
	v17 =	vmul.f32 v18, v13;
	v18 =	vand.u32 $0xFFFF0000, v19  }
0x1a5: {  	v18 =	vmul.f32 v18, v12;
	v19 =	vadd.f32 v22, v20  }
0x1a6: {  	v16 =	vadd.f32 v17, v16  }
0x1a7: {  	v17 =	vadd.f32 v21, v19  }
0x1a8: {  	v16 =	vadd.f32 v18, v16  }
0x1a9: {  	v17 =	vadd.s32 $0x8000, v17  }
0x1aa: {  	v16 =	vadd.s32 $0x8000, v16;
	v17 =	vshrl.u32 v17, $0x10  }
0x1ab: {  	v16 =	vand.u32 $0xFFFF0000, v16  }
0x1ac: {  	v16 =	vor.u32 v16, v17  }
0x1ad: {  	[tilespmem:s13+$0x0] =	vst v16  }
0x1ae: {  	v16 =	vld [tilespmem:s12+$0xFFFFE050]  }
0x1af: {  	v17 =	vld [tilespmem:s12+$0xFFFFF050]  }
0x1b0: {  	v18 =	vld [tilespmem:s12+$0x50]  }
0x1b1: {  	v19 =	vld [tilespmem:s12+$0x1050];
	_ =	sdelay $0x1  }
0x1b2: {  	v20 =	vshll.u32 v16, $0x10;
	v16 =	vand.u32 $0xFFFF0000, v16  }
0x1b3: {  	v20 =	vmul.f32 v20, v15;
	v21 =	vshll.u32 v17, $0x10;
	v17 =	vand.u32 $0xFFFF0000, v17  }
0x1b4: {  	v21 =	vmul.f32 v21, v14;
	v22 =	vshll.u32 v18, $0x10;
	v17 =	vmul.f32 v17, v14  }
0x1b5: {  	v16 =	vmul.f32 v16, v15;
	v18 =	vand.u32 $0xFFFF0000, v18;
	v22 =	vmul.f32 v22, v13  }
0x1b6: {  	v18 =	vmul.f32 v18, v13;
	v20 =	vadd.f32 v21, v20;
	v21 =	vshll.u32 v19, $0x10  }
0x1b7: {  	v16 =	vadd.f32 v17, v16;
	v21 =	vmul.f32 v21, v12  }
0x1b8: {  	v19 =	vand.u32 $0xFFFF0000, v19;
	v17 =	vadd.f32 v22, v20  }
0x1b9: {  	v16 =	vadd.f32 v18, v16;
	v18 =	vmul.f32 v19, v12  }
0x1ba: {  	v17 =	vadd.f32 v21, v17  }
0x1bb: {  	v16 =	vadd.f32 v18, v16;
	_ =	sdelay $0x1  }
0x1bc: {  	v17 =	vadd.s32 $0x8000, v17;
	v16 =	vadd.s32 $0x8000, v16  }
0x1bd: {  	v17 =	vshrl.u32 v17, $0x10;
	v16 =	vand.u32 $0xFFFF0000, v16  }
0x1be: {  	v16 =	vor.u32 v16, v17  }
0x1bf: {  	[tilespmem:s13+$0x10] =	vst v16  }
0x1c0: {  	v16 =	vld [tilespmem:s12+$0xFFFFE060]  }
0x1c1: {  	v17 =	vld [tilespmem:s12+$0xFFFFF060]  }
0x1c2: {  	v18 =	vld [tilespmem:s12+$0x60]  }
0x1c3: {  	v19 =	vld [tilespmem:s12+$0x1060];
	_ =	sdelay $0x1  }
0x1c4: {  	v20 =	vshll.u32 v16, $0x10;
	v16 =	vand.u32 $0xFFFF0000, v16  }
0x1c5: {  	v20 =	vmul.f32 v20, v15;
	v21 =	vshll.u32 v17, $0x10;
	v17 =	vand.u32 $0xFFFF0000, v17  }
0x1c6: {  	v21 =	vmul.f32 v21, v14;
	v22 =	vshll.u32 v18, $0x10;
	v17 =	vmul.f32 v17, v14  }
0x1c7: {  	v16 =	vmul.f32 v16, v15;
	v18 =	vand.u32 $0xFFFF0000, v18;
	v22 =	vmul.f32 v22, v13  }
0x1c8: {  	v18 =	vmul.f32 v18, v13;
	v20 =	vadd.f32 v21, v20;
	v21 =	vshll.u32 v19, $0x10  }
0x1c9: {  	v16 =	vadd.f32 v17, v16;
	v17 =	vand.u32 $0xFFFF0000, v19;
	v21 =	vmul.f32 v21, v12  }
0x1ca: {  	v17 =	vmul.f32 v17, v12;
	v19 =	vadd.f32 v22, v20  }
0x1cb: {  	v16 =	vadd.f32 v18, v16  }
0x1cc: {  	v18 =	vadd.f32 v21, v19  }
0x1cd: {  	v16 =	vadd.f32 v17, v16  }
0x1ce: {  	v17 =	vadd.s32 $0x8000, v18  }
0x1cf: {  	v16 =	vadd.s32 $0x8000, v16;
	v17 =	vshrl.u32 v17, $0x10  }
0x1d0: {  	v16 =	vand.u32 $0xFFFF0000, v16  }
.Ltmp0:
0x1d1: {  	v16 =	vor.u32 v16, v17;
	(pc) =	sbr.rel @p1 .LBB2_3-.Ltmp0, $4  }
0x1d2: {  	[tilespmem:s13+$0x20] =	vst v16  }
0x1d3: {  	v17 =	vld [tilespmem:s12+$0xFFFFE070]  }
0x1d4: {  	v18 =	vld [tilespmem:s12+$0xFFFFF070]  }
0x1d5: {  	v16 =	vld [tilespmem:s12+$0x70]  }
0x1d6: {  	_ =	sdelay $0x1  }
0x1d7: {  	v19 =	vld [tilespmem:s12+$0x1070];
	v20 =	vand.u32 $0xFFFF0000, v17  }
0x1d8: {  	v17 =	vshll.u32 v17, $0x10;
	v21 =	vshll.u32 v18, $0x10;
	v20 =	vmul.f32 v20, v15  }
0x1d9: {  	v18 =	vand.u32 $0xFFFF0000, v18;
	v15 =	vmul.f32 v17, v15;
	v21 =	vmul.f32 v21, v14  }
0x1da: {  	v14 =	vmul.f32 v18, v14;
	v18 =	vand.u32 $0xFFFF0000, v16;
	v16 =	vshll.u32 v16, $0x10  }
0x1db: {  	v17 =	vmul.f32 v18, v13;
	v13 =	vmul.f32 v16, v13  }
0x1dc: {  	v16 =	vand.u32 $0xFFFF0000, v19;
	v14 =	vadd.f32 v14, v20;
	v15 =	vadd.f32 v21, v15  }
0x1dd: {  	v18 =	vshll.u32 v19, $0x10;
	v16 =	vmul.f32 v16, v12  }
0x1de: {  	v12 =	vmul.f32 v18, v12;
	v14 =	vadd.f32 v17, v14;
	v13 =	vadd.f32 v13, v15;
	_ =	sdelay $0x1  }
0x1df: {  	v14 =	vadd.f32 v16, v14;
	v12 =	vadd.f32 v12, v13;
	_ =	sdelay $0x1  }
0x1e0: {  	s6 =	sshll.u32 s8, $0xD;
	v13 =	vadd.s32 $0x8000, v14;
	v12 =	vadd.s32 $0x8000, v12  }
0x1e1: {  	s6 =	sadd.s32 s5, s6;
	v12 =	vshrl.u32 v12, $0x10;
	v13 =	vand.u32 $0xFFFF0000, v13  }
0x1e2: {  	s6 =	sshrl.u32 s6, $0x3;
	v12 =	vor.u32 v13, v12  }
0x1e3: {  	s6 =	sadd.s32 s2, s6;
	[tilespmem:s17+$0x30] =	vst v12  }
0x1e4: {  	[hbm4b:s6+s3] =	stream.linear.scatter [tilespmem:s0], [sflag:$0x3], $0x1000, $0x38;
	[tilespmem:$0xBB80] =	vst v63  }
0x1e5: {  	v12 =	vld [tilespmem:s11+$0xC0];
	_ =	sdelay $0x5  }
0x1e6: {  	v13 =	vld [tilespmem:s11+$0x7C0]  }
0x1e7: {  	v14 =	vld [tilespmem:s11+$0xEC0]  }
0x1e8: {  	v15 =	vld.idx.msk [tilespmem:v12+s19+$0x0], $0xffff  }
0x1e9: {  	v17 =	vld.idx.msk [tilespmem:v12+s21+$0x0], $0xffff  }
0x1ea: {  	v16 =	vld.idx.msk [tilespmem:v12+s18+$0x0], $0xffff  }
0x1eb: {  	v18 =	vld.idx.msk [tilespmem:v12+s20+$0x0], $0xffff;
	_ =	sdelay $0x1  }
0x1ec: {  	v13 =	vmul.f32 v15, v13  }
0x1ed: {  	v14 =	vmul.f32 v17, v14  }
0x1ee: {  	v15 =	vld.idx.msk [tilespmem:v12+s23+$0x0], $0xffff;
	v13 =	vadd.f32 v13, v16  }
0x1ef: {  	v14 =	vadd.f32 v14, v18  }
0x1f0: {  	v16 =	vtrunc.f32 v13  }
0x1f1: {  	v17 =	vtrunc.f32 v14;
	v16 =	vcvt.f32.s32 v16  }
0x1f2: {  	v12 =	vld.idx.msk [tilespmem:v12+s22+$0x0], $0xffff;
	v17 =	vcvt.f32.s32 v17  }
0x1f3: {  	vm0 =	vlt.s32 v16, v15  }
0x1f4: {  	v19 =	vadd.s32 $0x1, v15;
	vm9 =	vlt.s32 v17, v15;
	v16 =	vsel vm0, v16, v15  }
0x1f5: {  	v17 =	vsel vm9, v17, v15;
	v18 =	vadd.s32 $0x1, v16;
	v20 =	vmul.u32 v19, v16  }
0x1f6: {  	v21 =	vadd.s32 $0x1, v17;
	v16 =	vcvt.s32.f32 v16;
	vm10 =	vlt.s32 v18, v15  }
0x1f7: {  	vm11 =	vlt.s32 v21, v15;
	v18 =	vsel vm10, v18, v15;
	v20 =	vadd.s32 v12, v20  }
0x1f8: {  	v13 =	vsub.f32 v13, v16;
	v18 =	vmul.u32 v19, v18;
	v19 =	vadd.s32 v17, v20  }
0x1f9: {  	v15 =	vsel vm11, v21, v15;
	[tilespmem:$0x1880] =	vst v19  }
0x1fa: {  	v19 =	vcvt.s32.f32 v17;
	[tilespmem:$0x1980] =	vst v13;
	v12 =	vadd.s32 v12, v18;
	v18 =	vadd.s32 v20, v15  }
0x1fb: {  	[tilespmem:$0x18A0] =	vst v18;
	v17 =	vadd.s32 v17, v12  }
0x1fc: {  	v12 =	vadd.s32 v15, v12;
	v14 =	vsub.f32 v14, v19;
	[tilespmem:$0x18C0] =	vst v17  }
0x1fd: {  	[tilespmem:$0x18E0] =	vst v12  }
0x1fe: {  	[tilespmem:$0x1A80] =	vst v14  }
0x1ff: {  	v12 =	vld [tilespmem:s11+$0xD0];
	_ =	sdelay $0x5  }
0x200: {  	v13 =	vld [tilespmem:s11+$0x7D0]  }
0x201: {  	v14 =	vld [tilespmem:s11+$0xED0]  }
0x202: {  	v15 =	vld.idx.msk [tilespmem:v12+s19+$0x0], $0xffff  }
0x203: {  	v17 =	vld.idx.msk [tilespmem:v12+s21+$0x0], $0xffff  }
0x204: {  	v16 =	vld.idx.msk [tilespmem:v12+s18+$0x0], $0xffff  }
0x205: {  	v18 =	vld.idx.msk [tilespmem:v12+s20+$0x0], $0xffff;
	_ =	sdelay $0x1  }
0x206: {  	v13 =	vmul.f32 v15, v13  }
0x207: {  	v14 =	vmul.f32 v17, v14  }
0x208: {  	v15 =	vld.idx.msk [tilespmem:v12+s23+$0x0], $0xffff;
	v13 =	vadd.f32 v13, v16  }
0x209: {  	v14 =	vadd.f32 v14, v18  }
0x20a: {  	v16 =	vtrunc.f32 v13  }
0x20b: {  	v17 =	vtrunc.f32 v14;
	v16 =	vcvt.f32.s32 v16  }
0x20c: {  	v12 =	vld.idx.msk [tilespmem:v12+s22+$0x0], $0xffff;
	v17 =	vcvt.f32.s32 v17  }
0x20d: {  	vm12 =	vlt.s32 v16, v15  }
0x20e: {  	v19 =	vadd.s32 $0x1, v15;
	vm13 =	vlt.s32 v17, v15;
	v16 =	vsel vm12, v16, v15  }
0x20f: {  	v17 =	vsel vm13, v17, v15;
	v18 =	vadd.s32 $0x1, v16;
	v20 =	vmul.u32 v19, v16  }
0x210: {  	v21 =	vadd.s32 $0x1, v17;
	v16 =	vcvt.s32.f32 v16;
	vm14 =	vlt.s32 v18, v15  }
0x211: {  	vm15 =	vlt.s32 v21, v15;
	v18 =	vsel vm14, v18, v15;
	v20 =	vadd.s32 v12, v20  }
0x212: {  	v13 =	vsub.f32 v13, v16;
	v18 =	vmul.u32 v19, v18;
	v19 =	vadd.s32 v17, v20  }
0x213: {  	v15 =	vsel vm15, v21, v15;
	[tilespmem:$0x1890] =	vst v19  }
0x214: {  	v19 =	vcvt.s32.f32 v17;
	[tilespmem:$0x1990] =	vst v13;
	v12 =	vadd.s32 v12, v18;
	v18 =	vadd.s32 v20, v15  }
0x215: {  	[tilespmem:$0x18B0] =	vst v18;
	v17 =	vadd.s32 v17, v12  }
0x216: {  	v12 =	vadd.s32 v15, v12;
	v14 =	vsub.f32 v14, v19;
	[tilespmem:$0x18D0] =	vst v17  }
0x217: {  	[tilespmem:$0x18F0] =	vst v12  }
0x218: {  	[tilespmem:$0x1A90] =	vst v14  }
0x219: {  	[tilespmem:s25], [sflag:$0x1] =	stream.indirect.gather [hbm4b:s4+s15], $0x80, s24, s15, $0xb8;
	[tilespmem:$0xBB80] =	vst v63  }
0x21a: {  	_ =	swait.ge [sflag:s1], $0x4000  }
0x21b: {  	[sflag:s1] =	ssyncset.done $0x0  }
0x21c: {  	s6 =	simm.s32 @!p0 $0x4;
	[sflag:s1] =	ssyncadd.s32 $0xFFFFC000  }
0x21d: {  	_ =	swait.ge @!p0 [sflag:s6], $0x1000  }
0x21e: {  	[sflag:s6] =	ssyncset.done @!p0 $0x0  }
0x21f: {  	s11 =	simm.s32 $0x0;
	[sflag:s6] =	ssyncadd.s32 @!p0 $0xFFFFF000  }
0x220: {  	v12 =	vld [tilespmem:s11+$0x8B80]  }
0x221: {  	v14 =	vld [tilespmem:s11+$0x8B90]  }
0x222: {  	v16 =	vld [tilespmem:s11+$0x8BA0]  }
0x223: {  	v18 =	vld [tilespmem:s11+$0x8BB0]  }
0x224: {  	v20 =	vld [tilespmem:s11+$0x8BC0]  }
0x225: {  	v27 =	vld [tilespmem:s11+$0x8BD0]  }
0x226: {  	v28 =	vld [tilespmem:s11+$0x8BE0]  }
0x227: {  	v38 =	vld [tilespmem:s11+$0x8BF0]  }
0x228: {  	v37 =	vld [tilespmem:s11+$0x7B80]  }
0x229: {  	v21 =	vld [tilespmem:s11+$0x7B90]  }
0x22a: {  	v22 =	vld [tilespmem:s11+$0x7BA0]  }
0x22b: {  	v25 =	vld [tilespmem:s11+$0x7BB0]  }
0x22c: {  	v29 =	vld [tilespmem:s11+$0x7BC0]  }
0x22d: {  	s6 =	simm.s32 $0x0;
	v30 =	vld [tilespmem:s11+$0x7BD0]  }
0x22e: {  	v13 =	vmov s6;
	v34 =	vld [tilespmem:s11+$0x7BE0]  }
0x22f: {  	v46 =	vld [tilespmem:s11+$0x7BF0];
	v13 =	vand.u32 $0x7F, v13  }
0x230: {  	v45 =	vld [tilespmem:s11+$0x5B80];
	v13 =	vor.u32 $0x80, v13  }
0x231: {  	v44 =	vld [tilespmem:s11+$0x6B80];
	v35 =	vbroadcast v13, $0x0;
	v36 =	vshll.u32 v12, $0x10;
	v41 =	vand.u32 $0xFFFF0000, v12  }
0x232: {  	v24 =	vld [tilespmem:s11+$0x5B90];
	v39 =	vshll.u32 v14, $0x10;
	v23 =	vand.u32 $0xFFFF0000, v14;
	v15 =	vshll.u32 v16, $0x10  }
0x233: {  	v26 =	vld [tilespmem:s11+$0x6B90];
	v40 =	vand.u32 $0xFFFF0000, v16;
	v17 =	vshll.u32 v18, $0x10;
	v16 =	vand.u32 $0xFFFF0000, v18  }
0x234: {  	s12 =	simm.s32 $0x200;
	v31 =	vld [tilespmem:s11+$0x5BA0];
	v19 =	vshll.u32 v20, $0x10;
	v18 =	vand.u32 $0xFFFF0000, v20;
	v20 =	vshll.u32 v27, $0x10  }
.LBB2_5:
0x235: {  	[tilespmem:$0x1FF70] =	vst v39;
	v39 =	vand.u32 $0xFFFF0000, v27  }
0x236: {  	v50 =	vshll.u32 v28, $0x10;
	v51 =	vand.u32 $0xFFFF0000, v28;
	v52 =	vshll.u32 v37, $0x10  }
0x237: {  	v47 =	vld [tilespmem:s11+$0x6BA0];
	v54 =	vshll.u32 v38, $0x10;
	v55 =	vand.u32 $0xFFFF0000, v38;
	v56 =	vand.u32 $0xFFFF0000, v37  }
0x238: {  	v53 =	vld [tilespmem:s11+$0x5BB0];
	v0 =	vshll.u32 v21, $0x10;
	v49 =	vand.u32 $0xFFFF0000, v21;
	v27 =	vshll.u32 v22, $0x10  }
0x239: {  	v57 =	vld [tilespmem:s11+$0x6BB0];
	v28 =	vand.u32 $0xFFFF0000, v22;
	v32 =	vshll.u32 v25, $0x10;
	v33 =	vand.u32 $0xFFFF0000, v25  }
0x23a: {  	[tilespmem:$0x1FF40] =	vst v40;
	v58 =	vld [tilespmem:s11+$0x5BC0];
	v42 =	vshll.u32 v29, $0x10;
	v40 =	vand.u32 $0xFFFF0000, v29;
	v48 =	vshll.u32 v30, $0x10  }
0x23b: {  	v43 =	vld [tilespmem:s11+$0x6BC0];
	[tilespmem:$0x1FF60] =	vst v49;
	v49 =	vand.u32 $0xFFFF0000, v30;
	v60 =	vshll.u32 v34, $0x10;
	v62 =	vand.u32 $0xFFFF0000, v34  }
0x23c: {  	v3 =	vld.idx.msk [tilespmem:v35+s30+$0x0], $0xffff;
	v63 =	vshll.u32 v46, $0x10;
	v4 =	vand.u32 $0xFFFF0000, v46;
	v6 =	vshll.u32 v45, $0x10  }
0x23d: {  	v9 =	vld.idx.msk [tilespmem:v35+s31+$0x0], $0xffff;
	v7 =	vshll.u32 v44, $0x10;
	v1 =	vand.u32 $0xFFFF0000, v45;
	v8 =	vand.u32 $0xFFFF0000, v44  }
0x23e: {  	v59 =	vld [tilespmem:s11+$0x5BD0];
	v30 =	vshll.u32 v24, $0x10;
	v21 =	vand.u32 $0xFFFF0000, v24;
	v25 =	vshll.u32 v26, $0x10  }
0x23f: {  	v22 =	vand.u32 $0xFFFF0000, v26;
	v37 =	vshll.u32 v31, $0x10;
	v38 =	vand.u32 $0xFFFF0000, v31  }
0x240: {  	v26 =	vld [tilespmem:s11+$0x6BF0];
	v34 =	vshll.u32 v47, $0x10;
	v35 =	vand.u32 $0xFFFF0000, v47;
	v46 =	vshll.u32 v53, $0x10  }
0x241: {  	v61 =	vld [tilespmem:s11+$0x6BD0];
	v44 =	vshll.u32 v57, $0x10;
	v47 =	vand.u32 $0xFFFF0000, v53;
	v45 =	vand.u32 $0xFFFF0000, v57  }
0x242: {  	v53 =	vshll.u32 v58, $0x10;
	v31 =	vsub.f32 $1.000000000e+00, v3;
	v24 =	vmul.f32 v9, v3  }
0x243: {  	v2 =	vld [tilespmem:s11+$0x5BF0];
	v57 =	vshll.u32 v43, $0x10;
	v58 =	vand.u32 $0xFFFF0000, v58;
	v10 =	vshll.u32 v59, $0x10  }
0x244: {  	v31 =	vsub.f32 v31, v9;
	v41 =	vmul.f32 v41, v24;
	v50 =	vmul.f32 v50, v24  }
0x245: {  	v12 =	vshll.u32 v26, $0x10;
	v13 =	vand.u32 $0xFFFF0000, v26;
	v26 =	vsub.f32 v9, v24  }
0x246: {  	[tilespmem:$0x1FF50] =	vst v0;
	v0 =	vld [tilespmem:s11+$0x5BE0];
	v11 =	vshll.u32 v61, $0x10;
	v51 =	vmul.f32 v51, v24;
	v9 =	vmul.f32 v36, v24  }
0x247: {  	v36 =	vadd.f32 v24, v31;
	v31 =	vsub.f32 v3, v24;
	v3 =	vmul.f32 v12, v26  }
0x248: {  	v5 =	vshll.u32 v2, $0x10;
	v12 =	vmul.f32 v13, v26;
	v7 =	vmul.f32 v7, v26  }
0x249: {  	v29 =	vmovc v23;
	v23 =	vld [tilespmem:s11+$0x6BE0];
	v2 =	vand.u32 $0xFFFF0000, v2;
	v8 =	vmul.f32 v8, v26;
	v57 =	vmul.f32 v57, v26  }
0x24a: {  	v59 =	vand.u32 $0xFFFF0000, v59;
	v5 =	vmul.f32 v5, v36;
	v2 =	vmul.f32 v2, v36  }
0x24b: {  	v13 =	vshll.u32 v0, $0x10;
	v6 =	vmul.f32 v6, v36;
	v63 =	vmul.f32 v63, v31  }
0x24c: {  	v0 =	vand.u32 $0xFFFF0000, v0;
	v4 =	vmul.f32 v4, v31;
	v1 =	vmul.f32 v1, v36  }
0x24d: {  	v61 =	vand.u32 $0xFFFF0000, v61;
	v0 =	vmul.f32 v0, v36;
	v60 =	vmul.f32 v60, v31  }
0x24e: {  	v14 =	vshll.u32 v23, $0x10;
	v58 =	vmul.f32 v58, v36;
	v32 =	vmul.f32 v32, v31  }
0x24f: {  	v3 =	vadd.f32 v3, v5;
	v2 =	vadd.f32 v12, v2;
	v5 =	vmul.f32 v54, v24  }
0x250: {  	v54 =	vmul.f32 v55, v24;
	v12 =	vand.u32 $0xFFFF0000, v23;
	v23 =	vmul.f32 v52, v31  }
0x251: {  	v55 =	vadd.f32 v7, v6;
	v1 =	vadd.f32 v8, v1;
	v52 =	vmul.f32 v13, v36  }
0x252: {  	v3 =	vadd.f32 v63, v3;
	v2 =	vadd.f32 v4, v2;
	v63 =	vmul.f32 v56, v31  }
0x253: {  	v4 =	vadd.f32 v23, v55;
	v55 =	vmul.f32 v14, v26;
	v56 =	vmul.f32 v12, v26  }
0x254: {  	v12 =	vmul.f32 v21, v36;
	v2 =	vadd.f32 v54, v2;
	v1 =	vadd.f32 v63, v1  }
0x255: {  	v54 =	vadd.f32 v9, v4;
	v63 =	vmul.f32 v62, v31;
	v9 =	vmul.f32 v10, v36  }
0x256: {  	v4 =	vadd.f32 v55, v52;
	v10 =	vmul.f32 v11, v26;
	v11 =	vmul.f32 v59, v36  }
0x257: {  	v0 =	vadd.f32 v56, v0;
	v52 =	vmul.f32 v20, v24;
	v56 =	vmul.f32 v39, v24  }
0x258: {  	v3 =	vadd.f32 v5, v3;
	v59 =	vmul.f32 v42, v31;
	v62 =	vmul.f32 v18, v24  }
0x259: {  	v55 =	vand.u32 $0xFFFF0000, v43;
	v39 =	vmul.f32 v33, v31;
	v43 =	vmul.f32 v38, v36  }
0x25a: {  	v5 =	vmul.f32 v55, v26;
	v3 =	vadd.s32 $0x8000, v3;
	v2 =	vadd.s32 $0x8000, v2  }
0x25b: {  	v1 =	vadd.f32 v41, v1;
	v3 =	vshrl.u32 v3, $0x10;
	v2 =	vand.u32 $0xFFFF0000, v2  }
0x25c: {  	v0 =	vadd.f32 v63, v0;
	v41 =	vmul.f32 v61, v26;
	v2 =	vor.u32 v2, v3  }
0x25d: {  	v61 =	vmul.f32 v19, v24;
	v3 =	vadd.s32 $0x8000, v54;
	[tilespmem:s11+$0xABF0] =	vst v2;
	v2 =	vadd.f32 v60, v4  }
0x25e: {  	v1 =	vadd.s32 $0x8000, v1;
	v0 =	vadd.f32 v51, v0;
	v51 =	vmul.f32 v49, v31  }
0x25f: {  	v3 =	vshrl.u32 v3, $0x10;
	v1 =	vand.u32 $0xFFFF0000, v1;
	v2 =	vadd.f32 v50, v2  }
0x260: {  	v1 =	vor.u32 v1, v3;
	v3 =	vadd.f32 v10, v9;
	v0 =	vadd.s32 $0x8000, v0  }
0x261: {  	[tilespmem:s11+$0xAB80] =	vst v1;
	v50 =	vmul.f32 v48, v31;
	v1 =	vadd.f32 v41, v11;
	v2 =	vadd.s32 $0x8000, v2  }
0x262: {  	v54 =	vmul.f32 v53, v36;
	v0 =	vand.u32 $0xFFFF0000, v0;
	v2 =	vshrl.u32 v2, $0x10  }
0x263: {  	v3 =	vadd.f32 v50, v3;
	v1 =	vadd.f32 v51, v1;
	v0 =	vor.u32 v0, v2  }
0x264: {  	v5 =	vadd.f32 v5, v58;
	v60 =	vmul.f32 v40, v31;
	[tilespmem:s11+$0xABE0] =	vst v0;
	v0 =	vadd.f32 v57, v54  }
0x265: {  	v63 =	vmul.f32 v46, v36;
	v3 =	vadd.f32 v52, v3;
	v1 =	vadd.f32 v56, v1  }
0x266: {  	v9 =	vmul.f32 v47, v36;
	v2 =	vadd.f32 v60, v5;
	v0 =	vadd.f32 v59, v0  }
0x267: {  	v10 =	vmul.f32 v44, v26;
	v11 =	vmul.f32 v45, v26;
	v3 =	vadd.s32 $0x8000, v3  }
0x268: {  	v1 =	vadd.s32 $0x8000, v1;
	v2 =	vadd.f32 v62, v2;
	v0 =	vadd.f32 v61, v0  }
0x269: {  	v4 =	vadd.f32 v11, v9;
	v3 =	vshrl.u32 v3, $0x10;
	v1 =	vand.u32 $0xFFFF0000, v1  }
0x26a: {  	v55 =	vld [tilespmem:$0x1FF50];
	v1 =	vor.u32 v1, v3;
	v2 =	vadd.s32 $0x8000, v2;
	v0 =	vadd.s32 $0x8000, v0  }
0x26b: {  	v58 =	vld [tilespmem:$0x1FF70];
	[tilespmem:s11+$0xABD0] =	vst v1;
	v1 =	vadd.f32 v10, v63;
	v2 =	vand.u32 $0xFFFF0000, v2;
	v0 =	vshrl.u32 v0, $0x10  }
0x26c: {  	v53 =	vld [tilespmem:$0x1FF40];
	v40 =	vmul.f32 v17, v24;
	v45 =	vmul.f32 v35, v26;
	v0 =	vor.u32 v2, v0  }
0x26d: {  	s13 =	sshra.s32 s12, $0x2;
	v41 =	vmul.f32 v16, v24;
	v4 =	vadd.f32 v39, v4;
	v57 =	vld [tilespmem:$0x1FF60];
	v1 =	vadd.f32 v32, v1;
	[tilespmem:s11+$0xABC0] =	vst v0  }
0x26e: {  	v42 =	vmul.f32 v37, v36;
	v47 =	vmul.f32 v28, v31;
	v6 =	vadd.f32 v45, v43;
	v0 =	vld [tilespmem:s13+$0x8B80]  }
0x26f: {  	v44 =	vmul.f32 v34, v26;
	v4 =	vadd.f32 v41, v4;
	v1 =	vadd.f32 v40, v1;
	v3 =	vld [tilespmem:s13+$0x8B90]  }
0x270: {  	v46 =	vmul.f32 v27, v31;
	v50 =	vmul.f32 v15, v24;
	v6 =	vadd.f32 v47, v6;
	v48 =	vld [tilespmem:s13+$0x8BA0]  }
0x271: {  	v4 =	vadd.s32 $0x8000, v4;
	v2 =	vadd.f32 v44, v42;
	v1 =	vadd.s32 $0x8000, v1;
	v49 =	vld [tilespmem:s13+$0x8BB0]  }
0x272: {  	v4 =	vand.u32 $0xFFFF0000, v4;
	v10 =	vmul.f32 v53, v24;
	v51 =	vld [tilespmem:s13+$0x8BC0];
	v1 =	vshrl.u32 v1, $0x10  }
0x273: {  	v56 =	vmul.f32 v22, v26;
	v2 =	vadd.f32 v46, v2;
	v27 =	vld [tilespmem:s13+$0x8BD0];
	v1 =	vor.u32 v4, v1  }
0x274: {  	v52 =	vmul.f32 v30, v36;
	v6 =	vadd.f32 v10, v6;
	v28 =	vld [tilespmem:s13+$0x8BE0];
	[tilespmem:s11+$0xABB0] =	vst v1  }
0x275: {  	v54 =	vmul.f32 v25, v26;
	v8 =	vadd.f32 v56, v12;
	v2 =	vadd.f32 v50, v2;
	v38 =	vld [tilespmem:s13+$0x8BF0]  }
0x276: {  	v59 =	vmul.f32 v29, v24;
	v9 =	vmul.f32 v57, v31;
	v6 =	vadd.s32 $0x8000, v6;
	v37 =	vld [tilespmem:s13+$0x7B80]  }
0x277: {  	v4 =	vadd.f32 v54, v52;
	v1 =	vmul.f32 v55, v31;
	v2 =	vadd.s32 $0x8000, v2;
	v21 =	vld [tilespmem:s13+$0x7B90]  }
0x278: {  	v8 =	vadd.f32 v9, v8;
	v6 =	vand.u32 $0xFFFF0000, v6;
	v22 =	vld [tilespmem:s13+$0x7BA0];
	v2 =	vshrl.u32 v2, $0x10  }
0x279: {  	v25 =	vld [tilespmem:s13+$0x7BB0];
	v1 =	vadd.f32 v1, v4;
	v4 =	vmul.f32 v58, v24;
	v2 =	vor.u32 v6, v2  }
0x27a: {  	v29 =	vld [tilespmem:s13+$0x7BC0];
	[tilespmem:s11+$0xABA0] =	vst v2  }
0x27b: {  	s6 =	sadd.s32 $0x1, s6;
	v61 =	vadd.f32 v59, v8;
	v1 =	vadd.f32 v4, v1;
	v30 =	vld [tilespmem:s13+$0x7BD0]  }
0x27c: {  	v60 =	vmov s6;
	v36 =	vshll.u32 v0, $0x10;
	v34 =	vld [tilespmem:s13+$0x7BE0]  }
0x27d: {  	p0 =	sne.s32 s12, $0x3E00;
	v41 =	vand.u32 $0xFFFF0000, v0;
	v4 =	vadd.s32 $0x8000, v61;
	v46 =	vld [tilespmem:s13+$0x7BF0];
	v1 =	vadd.s32 $0x8000, v1  }
.Ltmp1:
0x27e: {  	v39 =	vshll.u32 v3, $0x10;
	v45 =	vld [tilespmem:s13+$0x5B80];
	v62 =	vand.u32 $0xFFFF0000, v4;
	v1 =	vshrl.u32 v1, $0x10;
	(pc) =	sbr.rel @p0 .LBB2_5-.Ltmp1, $4  }
0x27f: {  	v23 =	vand.u32 $0xFFFF0000, v3;
	v15 =	vshll.u32 v48, $0x10;
	v44 =	vld [tilespmem:s13+$0x6B80];
	v63 =	vor.u32 v62, v1  }
0x280: {  	v40 =	vand.u32 $0xFFFF0000, v48;
	v17 =	vshll.u32 v49, $0x10;
	v2 =	vand.u32 $0x7F, v60;
	v24 =	vld [tilespmem:s13+$0x5B90];
	[tilespmem:s11+$0xAB90] =	vst v63;
	s11 =	smov.u32 s13  }
0x281: {  	v16 =	vand.u32 $0xFFFF0000, v49;
	v19 =	vshll.u32 v51, $0x10;
	v2 =	vor.u32 $0x80, v2;
	v26 =	vld [tilespmem:s11+$0x6B90]  }
0x282: {  	s12 =	sadd.s32 $0x200, s12;
	v18 =	vand.u32 $0xFFFF0000, v51;
	v20 =	vshll.u32 v27, $0x10;
	v35 =	vbroadcast v2, $0x0;
	v31 =	vld [tilespmem:s11+$0x5BA0]  }
0x283: {  	_ =	sdelay $0x2  }
0x284: {  	v3 =	vld [tilespmem:s11+$0x5BF0]  }
0x285: {  	v4 =	vld [tilespmem:s11+$0x6BF0]  }
0x286: {  	v55 =	vshll.u32 v46, $0x10;
	v56 =	vshll.u32 v38, $0x10;
	v57 =	vand.u32 $0xFFFF0000, v38;
	v1 =	vld.idx.msk [tilespmem:v35+s30+$0x0], $0xffff  }
0x287: {  	v7 =	vand.u32 $0xFFFF0000, v46;
	v58 =	vshll.u32 v45, $0x10;
	v8 =	vand.u32 $0xFFFF0000, v45;
	v2 =	vld.idx.msk [tilespmem:v35+s31+$0x0], $0xffff  }
0x288: {  	v60 =	vld [tilespmem:s11+$0x5BE0];
	v61 =	vshll.u32 v37, $0x10;
	v12 =	vand.u32 $0xFFFF0000, v37;
	v45 =	vshll.u32 v28, $0x10  }
0x289: {  	v46 =	vand.u32 $0xFFFF0000, v28;
	v11 =	vand.u32 $0xFFFF0000, v34;
	v51 =	vshll.u32 v30, $0x10  }
0x28a: {  	v59 =	vshll.u32 v44, $0x10;
	v9 =	vand.u32 $0xFFFF0000, v44;
	v44 =	vshll.u32 v34, $0x10  }
0x28b: {  	v62 =	vld [tilespmem:s11+$0x6BE0];
	v38 =	vshll.u32 v24, $0x10;
	v6 =	vshll.u32 v3, $0x10;
	v5 =	vsub.f32 $1.000000000e+00, v1  }
0x28c: {  	v52 =	vshll.u32 v4, $0x10;
	v3 =	vand.u32 $0xFFFF0000, v3;
	v0 =	vmul.f32 v2, v1  }
0x28d: {  	v43 =	vld [tilespmem:s11+$0x6BD0];
	v4 =	vand.u32 $0xFFFF0000, v4;
	v14 =	vshll.u32 v60, $0x10;
	v5 =	vsub.f32 v5, v2  }
0x28e: {  	v33 =	vsub.f32 v2, v0;
	v2 =	vmul.f32 v56, v0;
	v13 =	vmul.f32 v36, v0  }
0x28f: {  	v32 =	vsub.f32 v1, v0;
	v10 =	vmul.f32 v41, v0;
	v16 =	vmul.f32 v16, v0  }
0x290: {  	v42 =	vshll.u32 v62, $0x10;
	v41 =	vld [tilespmem:s11+$0x5BD0];
	v15 =	vmul.f32 v15, v0;
	v53 =	vmul.f32 v52, v33  }
0x291: {  	v35 =	vadd.f32 v0, v5;
	v4 =	vmul.f32 v4, v33;
	v5 =	vmul.f32 v55, v32  }
0x292: {  	v49 =	vld [tilespmem:s11+$0x5BC0];
	v48 =	vshll.u32 v43, $0x10;
	v7 =	vmul.f32 v7, v32;
	v9 =	vmul.f32 v9, v33  }
0x293: {  	v50 =	vld [tilespmem:s11+$0x6BC0];
	v56 =	vand.u32 $0xFFFF0000, v27;
	v11 =	vmul.f32 v11, v32;
	v55 =	vmul.f32 v20, v0  }
0x294: {  	v27 =	vshll.u32 v31, $0x10;
	v54 =	vmul.f32 v6, v35;
	v3 =	vmul.f32 v3, v35  }
0x295: {  	v6 =	vmul.f32 v57, v0;
	v8 =	vmul.f32 v8, v35;
	v47 =	vshll.u32 v41, $0x10  }
0x296: {  	v1 =	vadd.f32 v53, v54;
	v3 =	vadd.f32 v4, v3;
	v4 =	vmul.f32 v58, v35  }
0x297: {  	v63 =	vadd.f32 v9, v8;
	v8 =	vmul.f32 v12, v32;
	v9 =	vmul.f32 v44, v32  }
0x298: {  	v12 =	vand.u32 $0xFFFF0000, v30;
	v53 =	vshll.u32 v49, $0x10;
	v54 =	vshll.u32 v50, $0x10  }
0x299: {  	v30 =	vmul.f32 v17, v0;
	v44 =	vand.u32 $0xFFFF0000, v22;
	v52 =	vmul.f32 v12, v32  }
0x29a: {  	v1 =	vadd.f32 v5, v1;
	v3 =	vadd.f32 v7, v3;
	v5 =	vmul.f32 v59, v33  }
0x29b: {  	v57 =	vld [tilespmem:s11+$0x5BB0];
	v7 =	vand.u32 $0xFFFF0000, v60;
	v59 =	vshll.u32 v29, $0x10;
	v60 =	vand.u32 $0xFFFF0000, v29  }
0x29c: {  	v29 =	vand.u32 $0xFFFF0000, v31;
	v31 =	vshll.u32 v22, $0x10;
	v7 =	vmul.f32 v7, v35  }
0x29d: {  	v58 =	vld [tilespmem:s11+$0x6BB0];
	v12 =	vmul.f32 v60, v32;
	v34 =	vmul.f32 v31, v32;
	v1 =	vadd.f32 v2, v1  }
0x29e: {  	v3 =	vadd.f32 v6, v3;
	v4 =	vadd.f32 v5, v4;
	v2 =	vmul.f32 v61, v32  }
0x29f: {  	v6 =	vadd.f32 v8, v63;
	v5 =	vand.u32 $0xFFFF0000, v62;
	v8 =	vand.u32 $0xFFFF0000, v41  }
0x2a0: {  	v61 =	vshll.u32 v25, $0x10;
	v62 =	vshll.u32 v57, $0x10;
	v25 =	vand.u32 $0xFFFF0000, v25  }
0x2a1: {  	v41 =	vand.u32 $0xFFFF0000, v24;
	v5 =	vmul.f32 v5, v33;
	v8 =	vmul.f32 v8, v35  }
0x2a2: {  	v63 =	vshll.u32 v58, $0x10;
	v20 =	vmul.f32 v61, v32;
	v2 =	vadd.f32 v2, v4  }
0x2a3: {  	v1 =	vadd.s32 $0x8000, v1;
	v3 =	vadd.s32 $0x8000, v3;
	v4 =	vmul.f32 v14, v35  }
0x2a4: {  	v6 =	vadd.f32 v10, v6;
	v10 =	vmul.f32 v46, v0;
	v14 =	vmul.f32 v18, v0  }
0x2a5: {  	v46 =	vand.u32 $0xFFFF0000, v21;
	v1 =	vshrl.u32 v1, $0x10;
	v3 =	vand.u32 $0xFFFF0000, v3  }
0x2a6: {  	v5 =	vadd.f32 v5, v7;
	v7 =	vmul.f32 v47, v35;
	v36 =	vor.u32 v3, v1  }
0x2a7: {  	v2 =	vadd.f32 v13, v2;
	v1 =	vmul.f32 v42, v33;
	v6 =	vadd.s32 $0x8000, v6  }
0x2a8: {  	v3 =	vand.u32 $0xFFFF0000, v43;
	v13 =	vmul.f32 v19, v0;
	v42 =	vshll.u32 v26, $0x10  }
0x2a9: {  	v43 =	vand.u32 $0xFFFF0000, v26;
	v6 =	vand.u32 $0xFFFF0000, v6;
	v5 =	vadd.f32 v11, v5  }
0x2aa: {  	v3 =	vmul.f32 v3, v33;
	v11 =	vand.u32 $0xFFFF0000, v49;
	v1 =	vadd.f32 v1, v4  }
0x2ab: {  	v2 =	vadd.s32 $0x8000, v2;
	v4 =	vmul.f32 v45, v0;
	v11 =	vmul.f32 v11, v35  }
0x2ac: {  	v19 =	vld [tilespmem:s11+$0x6BA0];
	v45 =	vshll.u32 v21, $0x10;
	v2 =	vshrl.u32 v2, $0x10;
	v3 =	vadd.f32 v3, v8  }
0x2ad: {  	v5 =	vadd.f32 v10, v5;
	v8 =	vmul.f32 v53, v35;
	v10 =	vmul.f32 v56, v0  }
0x2ae: {  	v47 =	vmul.f32 v45, v32;
	v1 =	vadd.f32 v9, v1;
	v9 =	vmul.f32 v48, v33  }
0x2af: {  	v2 =	vor.u32 v6, v2;
	v6 =	vand.u32 $0xFFFF0000, v50;
	v48 =	vmul.f32 v46, v32  }
0x2b0: {  	v3 =	vadd.f32 v52, v3;
	v5 =	vadd.s32 $0x8000, v5;
	v6 =	vmul.f32 v6, v33  }
0x2b1: {  	v28 =	vshll.u32 v19, $0x10;
	v52 =	vmul.f32 v39, v0;
	v7 =	vadd.f32 v9, v7  }
0x2b2: {  	v9 =	vmul.f32 v51, v32;
	v1 =	vadd.f32 v4, v1;
	v4 =	vmul.f32 v54, v33  }
0x2b3: {  	v5 =	vand.u32 $0xFFFF0000, v5;
	v51 =	vmul.f32 v40, v0;
	v0 =	vmul.f32 v23, v0  }
0x2b4: {  	v6 =	vadd.f32 v6, v11;
	v3 =	vadd.f32 v10, v3;
	v10 =	vmul.f32 v62, v35  }
0x2b5: {  	v11 =	vmul.f32 v25, v32;
	v7 =	vadd.f32 v9, v7;
	v1 =	vadd.s32 $0x8000, v1  }
0x2b6: {  	v4 =	vadd.f32 v4, v8;
	v8 =	vmul.f32 v59, v32;
	v9 =	vand.u32 $0xFFFF0000, v58  }
0x2b7: {  	v1 =	vshrl.u32 v1, $0x10;
	v6 =	vadd.f32 v12, v6;
	v9 =	vmul.f32 v9, v33  }
0x2b8: {  	v12 =	vand.u32 $0xFFFF0000, v19;
	v3 =	vadd.s32 $0x8000, v3;
	v1 =	vor.u32 v5, v1  }
0x2b9: {  	v7 =	vadd.f32 v55, v7;
	v4 =	vadd.f32 v8, v4;
	v5 =	vand.u32 $0xFFFF0000, v57  }
0x2ba: {  	v8 =	vmul.f32 v63, v33;
	v12 =	vmul.f32 v12, v33;
	v3 =	vand.u32 $0xFFFF0000, v3  }
0x2bb: {  	v5 =	vmul.f32 v5, v35;
	v6 =	vadd.f32 v14, v6;
	v14 =	vmul.f32 v43, v33  }
0x2bc: {  	v8 =	vadd.f32 v8, v10;
	v4 =	vadd.f32 v13, v4;
	v10 =	vmul.f32 v28, v33  }
0x2bd: {  	v13 =	vmul.f32 v29, v35;
	v7 =	vadd.s32 $0x8000, v7;
	v5 =	vadd.f32 v9, v5  }
0x2be: {  	v9 =	vmul.f32 v27, v35;
	v7 =	vshrl.u32 v7, $0x10;
	v6 =	vadd.s32 $0x8000, v6  }
0x2bf: {  	v8 =	vadd.f32 v20, v8;
	v37 =	vadd.f32 v12, v13;
	v12 =	vmul.f32 v38, v35  }
0x2c0: {  	v13 =	vmul.f32 v42, v33;
	v3 =	vor.u32 v3, v7;
	v4 =	vadd.s32 $0x8000, v4  }
0x2c1: {  	v6 =	vand.u32 $0xFFFF0000, v6;
	v5 =	vadd.f32 v11, v5;
	v9 =	vadd.f32 v10, v9  }
0x2c2: {  	v10 =	vmul.f32 v41, v35;
	v4 =	vshrl.u32 v4, $0x10;
	v8 =	vadd.f32 v30, v8  }
0x2c3: {  	v12 =	vadd.f32 v13, v12;
	v5 =	vadd.f32 v16, v5;
	v16 =	vmul.f32 v44, v32  }
0x2c4: {  	v4 =	vor.u32 v6, v4;
	v9 =	vadd.f32 v34, v9;
	v10 =	vadd.f32 v14, v10  }
0x2c5: {  	v50 =	vadd.f32 v47, v12;
	v55 =	vadd.s32 $0x8000, v8;
	v49 =	vadd.f32 v16, v37  }
0x2c6: {  	[tilespmem:s11+$0xABF0] =	vst v36;
	v9 =	vadd.f32 v15, v9;
	v10 =	vadd.f32 v48, v10;
	v5 =	vadd.s32 $0x8000, v5  }
0x2c7: {  	[tilespmem:s11+$0xAB80] =	vst v2;
	v56 =	vshrl.u32 v55, $0x10;
	v54 =	vadd.f32 v52, v50;
	v53 =	vadd.f32 v51, v49  }
0x2c8: {  	s8 =	sadd.s32 $0x1, s8;
	[tilespmem:s11+$0xABE0] =	vst v1;
	v57 =	vand.u32 $0xFFFF0000, v5;
	v0 =	vadd.f32 v0, v10;
	v58 =	vadd.s32 $0x8000, v9  }
0x2c9: {  	p0 =	sne.s32 s8, $0x1B;
	[tilespmem:s11+$0xABD0] =	vst v3;
	v1 =	vor.u32 v57, v56;
	v60 =	vshrl.u32 v58, $0x10;
	v59 =	vadd.s32 $0x8000, v53  }
.Ltmp2:
0x2ca: {  	[tilespmem:s11+$0xABC0] =	vst v4;
	v61 =	vadd.s32 $0x8000, v54;
	v0 =	vadd.s32 $0x8000, v0;
	v2 =	vand.u32 $0xFFFF0000, v59;
	(pc) =	sbr.rel @p0 .LBB2_2-.Ltmp2, $4  }
0x2cb: {  	s6 =	sadd.s32 s10, s9;
	[tilespmem:s11+$0xABB0] =	vst v1;
	v63 =	vshrl.u32 v61, $0x10;
	v0 =	vand.u32 $0xFFFF0000, v0;
	v62 =	vor.u32 v2, v60  }
0x2cc: {  	s6 =	sshll.u32 s6, $0x4;
	v0 =	vor.u32 v0, v63;
	[tilespmem:s11+$0xABA0] =	vst v62  }
0x2cd: {  	s6 =	sadd.s32 s2, s6;
	[tilespmem:s11+$0xAB90] =	vst v0  }
0x2ce: {  	[hbm4b:s6+s3] =	stream.linear.scatter [tilespmem:s16], [sflag:$0x4], $0x1000, $0x38;
	[tilespmem:$0xBB80] =	vst v63  }
0x2cf: {  	v0 =	vld [tilespmem:$0x760];
	_ =	sdelay $0x5  }
0x2d0: {  	v1 =	vld [tilespmem:$0xE60]  }
0x2d1: {  	v2 =	vld [tilespmem:$0x1560]  }
0x2d2: {  	v3 =	vld.idx.msk [tilespmem:v0+s19+$0x0], $0xffff  }
0x2d3: {  	v5 =	vld.idx.msk [tilespmem:v0+s21+$0x0], $0xffff  }
0x2d4: {  	v4 =	vld.idx.msk [tilespmem:v0+s18+$0x0], $0xffff  }
0x2d5: {  	v6 =	vld.idx.msk [tilespmem:v0+s20+$0x0], $0xffff;
	_ =	sdelay $0x1  }
0x2d6: {  	v1 =	vmul.f32 v3, v1  }
0x2d7: {  	v2 =	vmul.f32 v5, v2  }
0x2d8: {  	v21 =	vld.idx.msk [tilespmem:v0+s23+$0x0], $0xffff;
	v1 =	vadd.f32 v1, v4  }
0x2d9: {  	v2 =	vadd.f32 v2, v6  }
0x2da: {  	v4 =	vtrunc.f32 v1  }
0x2db: {  	v22 =	vtrunc.f32 v2;
	v4 =	vcvt.f32.s32 v4  }
0x2dc: {  	v0 =	vld.idx.msk [tilespmem:v0+s22+$0x0], $0xffff;
	v5 =	vcvt.f32.s32 v22  }
0x2dd: {  	vm0 =	vlt.s32 v4, v21  }
0x2de: {  	v7 =	vadd.s32 $0x1, v21;
	vm9 =	vlt.s32 v5, v21;
	v4 =	vsel vm0, v4, v21  }
0x2df: {  	v5 =	vsel vm9, v5, v21;
	v23 =	vadd.s32 $0x1, v4;
	v8 =	vmul.u32 v7, v4  }
0x2e0: {  	v9 =	vadd.s32 $0x1, v5;
	v4 =	vcvt.s32.f32 v4;
	v27 =	vcvt.s32.f32 v5  }
0x2e1: {  	v24 =	vld [tilespmem:$0x770];
	vm10 =	vlt.s32 v23, v21;
	vm11 =	vlt.s32 v9, v21;
	v8 =	vadd.s32 v0, v8  }
0x2e2: {  	v6 =	vsel vm10, v23, v21;
	v3 =	vsel vm11, v9, v21;
	v25 =	vadd.s32 v5, v8  }
0x2e3: {  	v1 =	vsub.f32 v1, v4;
	v6 =	vmul.u32 v7, v6;
	v26 =	vadd.s32 v8, v3;
	[tilespmem:$0x1900] =	vst v25  }
0x2e4: {  	v2 =	vsub.f32 v2, v27;
	[tilespmem:$0x1920] =	vst v26  }
0x2e5: {  	[tilespmem:$0x1A00] =	vst v1;
	v0 =	vadd.s32 v0, v6  }
0x2e6: {  	[tilespmem:$0x1B00] =	vst v2;
	v5 =	vadd.s32 v5, v0  }
0x2e7: {  	v28 =	vld [tilespmem:$0xE70];
	v0 =	vadd.s32 v3, v0;
	[tilespmem:$0x1940] =	vst v5  }
0x2e8: {  	v29 =	vld [tilespmem:$0x1570];
	[tilespmem:$0x1960] =	vst v0  }
0x2e9: {  	v2 =	vld.idx.msk [tilespmem:v24+s19+$0x0], $0xffff  }
0x2ea: {  	v31 =	vld.idx.msk [tilespmem:v24+s21+$0x0], $0xffff  }
0x2eb: {  	v30 =	vld.idx.msk [tilespmem:v24+s18+$0x0], $0xffff  }
0x2ec: {  	v5 =	vld.idx.msk [tilespmem:v24+s20+$0x0], $0xffff;
	_ =	sdelay $0x1  }
0x2ed: {  	v0 =	vmul.f32 v2, v28  }
0x2ee: {  	v1 =	vmul.f32 v31, v29  }
0x2ef: {  	v32 =	vld.idx.msk [tilespmem:v24+s23+$0x0], $0xffff;
	v0 =	vadd.f32 v0, v30  }
0x2f0: {  	v1 =	vadd.f32 v1, v5  }
0x2f1: {  	v3 =	vtrunc.f32 v0  }
0x2f2: {  	v33 =	vtrunc.f32 v1;
	v3 =	vcvt.f32.s32 v3  }
0x2f3: {  	v34 =	vld.idx.msk [tilespmem:v24+s22+$0x0], $0xffff;
	v4 =	vcvt.f32.s32 v33  }
0x2f4: {  	vm12 =	vlt.s32 v3, v32  }
0x2f5: {  	v36 =	vadd.s32 $0x1, v32;
	vm13 =	vlt.s32 v4, v32;
	v3 =	vsel vm12, v3, v32  }
0x2f6: {  	v4 =	vsel vm13, v4, v32;
	v35 =	vadd.s32 $0x1, v3;
	v37 =	vmul.u32 v36, v3  }
0x2f7: {  	v38 =	vadd.s32 $0x1, v4;
	v3 =	vcvt.s32.f32 v3;
	v41 =	vcvt.s32.f32 v4  }
0x2f8: {  	vm14 =	vlt.s32 v35, v32;
	vm15 =	vlt.s32 v38, v32;
	v8 =	vadd.s32 v34, v37  }
0x2f9: {  	v6 =	vsel vm14, v35, v32;
	v2 =	vsel vm15, v38, v32;
	v39 =	vadd.s32 v4, v8  }
0x2fa: {  	v0 =	vsub.f32 v0, v3;
	v6 =	vmul.u32 v36, v6;
	v40 =	vadd.s32 v8, v2;
	[tilespmem:$0x1910] =	vst v39  }
0x2fb: {  	v1 =	vsub.f32 v1, v41;
	[tilespmem:$0x1930] =	vst v40  }
0x2fc: {  	[tilespmem:$0x1A10] =	vst v0;
	v5 =	vadd.s32 v34, v6  }
0x2fd: {  	[tilespmem:$0x1B10] =	vst v1;
	v4 =	vadd.s32 v4, v5  }
0x2fe: {  	v2 =	vadd.s32 v2, v5;
	[tilespmem:$0x1950] =	vst v4  }
0x2ff: {  	[tilespmem:$0x1970] =	vst v2  }
0x300: {  	[tilespmem:s28], [sflag:$0x2] =	stream.indirect.gather [hbm4b:s4+s15], $0x80, s26, s15, $0xb8;
	[tilespmem:$0xBB80] =	vst v63  }
0x301: {  	s6 =	simm.s32 $0x0;
	_ =	swait.ge [sflag:s29], $0x4000  }
0x302: {  	v42 =	vmov s6;
	[sflag:s29] =	ssyncset.done $0x0  }
0x303: {  	s13 =	simm.s32 $0x3;
	[sflag:s29] =	ssyncadd.s32 $0xFFFFC000  }
0x304: {  	_ =	swait.ge [sflag:s13], $0x1000  }
0x305: {  	[sflag:s13] =	ssyncset.done $0x0  }
0x306: {  	[sflag:s13] =	ssyncadd.s32 $0xFFFFF000  }
0x307: {  	v43 =	vld.idx.msk [tilespmem:v42+s30+$0x0], $0xffff  }
0x308: {  	s8 =	simm.s32 $0x3B80;
	v0 =	vld.idx.msk [tilespmem:v42+s31+$0x0], $0xffff  }
0x309: {  	v44 =	vld [tilespmem:s8+$0xFFFFF000]  }
0x30a: {  	v45 =	vld [tilespmem:s8+$0xFFFFE000];
	_ =	sdelay $0x1  }
0x30b: {  	v46 =	vsub.f32 $1.000000000e+00, v43  }
0x30c: {  	v47 =	vld [tilespmem:s8+$0x0];
	v12 =	vmul.f32 v0, v43  }
0x30d: {  	v48 =	vld [tilespmem:s8+$0x1000];
	v4 =	vsub.f32 v46, v0  }
0x30e: {  	v49 =	vand.u32 $0xFFFF0000, v44;
	v50 =	vshll.u32 v45, $0x10;
	v14 =	vsub.f32 v0, v12  }
0x30f: {  	v2 =	vshll.u32 v44, $0x10;
	v3 =	vand.u32 $0xFFFF0000, v45;
	v15 =	vadd.f32 v12, v4  }
0x310: {  	v13 =	vsub.f32 v43, v12;
	v2 =	vmul.f32 v2, v14;
	v1 =	vmul.f32 v49, v14  }
0x311: {  	v51 =	vand.u32 $0xFFFF0000, v47;
	v4 =	vmul.f32 v50, v15;
	v3 =	vmul.f32 v3, v15  }
0x312: {  	v5 =	vshll.u32 v47, $0x10;
	v53 =	vand.u32 $0xFFFF0000, v48;
	v6 =	vmul.f32 v51, v13  }
0x313: {  	v52 =	vmul.f32 v5, v13;
	v2 =	vadd.f32 v2, v4;
	v1 =	vadd.f32 v1, v3  }
0x314: {  	v0 =	vshll.u32 v48, $0x10;
	v54 =	vmul.f32 v53, v12  }
0x315: {  	v0 =	vmul.f32 v0, v12;
	v2 =	vadd.f32 v52, v2;
	v1 =	vadd.f32 v6, v1;
	_ =	sdelay $0x1  }
0x316: {  	v0 =	vadd.f32 v0, v2;
	v1 =	vadd.f32 v54, v1;
	_ =	sdelay $0x1  }
0x317: {  	v0 =	vadd.s32 $0x8000, v0;
	v1 =	vadd.s32 $0x8000, v1  }
0x318: {  	v0 =	vshrl.u32 v0, $0x10;
	v1 =	vand.u32 $0xFFFF0000, v1  }
0x319: {  	s9 =	simm.s32 $0x9BC0;
	v0 =	vor.u32 v1, v0  }
0x31a: {  	[tilespmem:s9+$0xFFFFFFC0] =	vst v0  }
0x31b: {  	v0 =	vld [tilespmem:s8+$0xFFFFE010]  }
0x31c: {  	v55 =	vld [tilespmem:s8+$0xFFFFF010];
	_ =	sdelay $0x1  }
0x31d: {  	v56 =	vld [tilespmem:s8+$0x10]  }
0x31e: {  	v57 =	vld [tilespmem:s8+$0x1010];
	_ =	sdelay $0x1  }
0x31f: {  	v58 =	vshll.u32 v0, $0x10;
	v0 =	vand.u32 $0xFFFF0000, v0;
	v59 =	vshll.u32 v55, $0x10  }
0x320: {  	v1 =	vand.u32 $0xFFFF0000, v55;
	v4 =	vmul.f32 v58, v15;
	v5 =	vmul.f32 v59, v14  }
0x321: {  	v60 =	vshll.u32 v56, $0x10;
	v1 =	vmul.f32 v1, v14;
	v0 =	vmul.f32 v0, v15  }
0x322: {  	v61 =	vshll.u32 v57, $0x10;
	v2 =	vand.u32 $0xFFFF0000, v56;
	v6 =	vmul.f32 v60, v13  }
0x323: {  	v62 =	vmul.f32 v2, v13;
	v4 =	vadd.f32 v5, v4;
	v0 =	vadd.f32 v1, v0  }
0x324: {  	v3 =	vand.u32 $0xFFFF0000, v57;
	v63 =	vmul.f32 v61, v12  }
0x325: {  	v3 =	vmul.f32 v3, v12;
	v4 =	vadd.f32 v6, v4;
	v0 =	vadd.f32 v62, v0;
	_ =	sdelay $0x1  }
0x326: {  	v8 =	vadd.f32 v63, v4;
	v0 =	vadd.f32 v3, v0;
	_ =	sdelay $0x1  }
0x327: {  	v1 =	vadd.s32 $0x8000, v8;
	v0 =	vadd.s32 $0x8000, v0  }
0x328: {  	v1 =	vshrl.u32 v1, $0x10;
	v0 =	vand.u32 $0xFFFF0000, v0  }
0x329: {  	v0 =	vor.u32 v0, v1  }
0x32a: {  	[tilespmem:s9+$0xFFFFFFD0] =	vst v0  }
0x32b: {  	v0 =	vld [tilespmem:s8+$0xFFFFE020]  }
0x32c: {  	v9 =	vld [tilespmem:s8+$0xFFFFF020];
	_ =	sdelay $0x1  }
0x32d: {  	v10 =	vld [tilespmem:s8+$0x20]  }
0x32e: {  	v11 =	vld [tilespmem:s8+$0x1020];
	_ =	sdelay $0x1  }
0x32f: {  	v21 =	vshll.u32 v0, $0x10;
	v0 =	vand.u32 $0xFFFF0000, v0;
	v22 =	vshll.u32 v9, $0x10  }
0x330: {  	v1 =	vand.u32 $0xFFFF0000, v9;
	v0 =	vmul.f32 v0, v15;
	v5 =	vmul.f32 v22, v14  }
0x331: {  	v23 =	vand.u32 $0xFFFF0000, v10;
	v1 =	vmul.f32 v1, v14;
	v4 =	vmul.f32 v21, v15  }
0x332: {  	v24 =	vand.u32 $0xFFFF0000, v11;
	v2 =	vshll.u32 v10, $0x10;
	v6 =	vmul.f32 v23, v13  }
0x333: {  	v2 =	vmul.f32 v2, v13;
	v0 =	vadd.f32 v1, v0;
	v25 =	vadd.f32 v5, v4  }
0x334: {  	v3 =	vshll.u32 v11, $0x10;
	v26 =	vmul.f32 v24, v12  }
0x335: {  	v3 =	vmul.f32 v3, v12;
	v0 =	vadd.f32 v6, v0;
	v1 =	vadd.f32 v2, v25;
	_ =	sdelay $0x1  }
0x336: {  	v0 =	vadd.f32 v26, v0;
	v1 =	vadd.f32 v3, v1;
	_ =	sdelay $0x1  }
0x337: {  	v0 =	vadd.s32 $0x8000, v0;
	v1 =	vadd.s32 $0x8000, v1  }
0x338: {  	v0 =	vand.u32 $0xFFFF0000, v0;
	v1 =	vshrl.u32 v1, $0x10  }
0x339: {  	v0 =	vor.u32 v0, v1  }
0x33a: {  	[tilespmem:s9+$0xFFFFFFE0] =	vst v0  }
0x33b: {  	v0 =	vld [tilespmem:s8+$0xFFFFE030]  }
0x33c: {  	v27 =	vld [tilespmem:s8+$0xFFFFF030];
	_ =	sdelay $0x1  }
0x33d: {  	v28 =	vld [tilespmem:s8+$0x30]  }
0x33e: {  	v29 =	vld [tilespmem:s8+$0x1030];
	_ =	sdelay $0x1  }
0x33f: {  	v30 =	vshll.u32 v0, $0x10;
	v0 =	vand.u32 $0xFFFF0000, v0;
	v31 =	vshll.u32 v27, $0x10  }
0x340: {  	v1 =	vand.u32 $0xFFFF0000, v27;
	v4 =	vmul.f32 v30, v15;
	v5 =	vmul.f32 v31, v14  }
0x341: {  	v32 =	vshll.u32 v28, $0x10;
	v1 =	vmul.f32 v1, v14;
	v0 =	vmul.f32 v0, v15  }
0x342: {  	v33 =	vshll.u32 v29, $0x10;
	v2 =	vand.u32 $0xFFFF0000, v28;
	v6 =	vmul.f32 v32, v13  }
0x343: {  	v34 =	vmul.f32 v2, v13;
	v4 =	vadd.f32 v5, v4;
	v0 =	vadd.f32 v1, v0  }
0x344: {  	v3 =	vand.u32 $0xFFFF0000, v29;
	v35 =	vmul.f32 v33, v12  }
0x345: {  	v3 =	vmul.f32 v3, v12;
	v4 =	vadd.f32 v6, v4;
	v0 =	vadd.f32 v34, v0;
	_ =	sdelay $0x1  }
0x346: {  	v36 =	vadd.f32 v35, v4;
	v0 =	vadd.f32 v3, v0;
	_ =	sdelay $0x1  }
0x347: {  	v1 =	vadd.s32 $0x8000, v36;
	v0 =	vadd.s32 $0x8000, v0  }
0x348: {  	v1 =	vshrl.u32 v1, $0x10;
	v0 =	vand.u32 $0xFFFF0000, v0  }
0x349: {  	v0 =	vor.u32 v0, v1  }
0x34a: {  	[tilespmem:s9+$0xFFFFFFF0] =	vst v0  }
0x34b: {  	v0 =	vld [tilespmem:s8+$0xFFFFE040]  }
0x34c: {  	v37 =	vld [tilespmem:s8+$0xFFFFF040];
	_ =	sdelay $0x1  }
0x34d: {  	v38 =	vld [tilespmem:s8+$0x40]  }
0x34e: {  	v39 =	vld [tilespmem:s8+$0x1040];
	_ =	sdelay $0x1  }
0x34f: {  	v40 =	vshll.u32 v0, $0x10;
	v0 =	vand.u32 $0xFFFF0000, v0;
	v41 =	vshll.u32 v37, $0x10  }
0x350: {  	v1 =	vand.u32 $0xFFFF0000, v37;
	v4 =	vmul.f32 v40, v15;
	v5 =	vmul.f32 v41, v14  }
0x351: {  	v42 =	vshll.u32 v38, $0x10;
	v1 =	vmul.f32 v1, v14;
	v0 =	vmul.f32 v0, v15  }
0x352: {  	v43 =	vshll.u32 v39, $0x10;
	v2 =	vand.u32 $0xFFFF0000, v38;
	v6 =	vmul.f32 v42, v13  }
0x353: {  	v44 =	vmul.f32 v2, v13;
	v4 =	vadd.f32 v5, v4;
	v0 =	vadd.f32 v1, v0  }
0x354: {  	v3 =	vand.u32 $0xFFFF0000, v39;
	v45 =	vmul.f32 v43, v12  }
0x355: {  	v3 =	vmul.f32 v3, v12;
	v4 =	vadd.f32 v6, v4;
	v0 =	vadd.f32 v44, v0;
	_ =	sdelay $0x1  }
0x356: {  	v46 =	vadd.f32 v45, v4;
	v0 =	vadd.f32 v3, v0;
	_ =	sdelay $0x1  }
0x357: {  	v1 =	vadd.s32 $0x8000, v46;
	v0 =	vadd.s32 $0x8000, v0  }
0x358: {  	v1 =	vshrl.u32 v1, $0x10;
	v0 =	vand.u32 $0xFFFF0000, v0  }
0x359: {  	v0 =	vor.u32 v0, v1  }
0x35a: {  	[tilespmem:s9+$0x0] =	vst v0  }
0x35b: {  	v0 =	vld [tilespmem:s8+$0xFFFFE050]  }
0x35c: {  	v47 =	vld [tilespmem:s8+$0xFFFFF050];
	_ =	sdelay $0x1  }
0x35d: {  	v48 =	vld [tilespmem:s8+$0x50]  }
0x35e: {  	v49 =	vld [tilespmem:s8+$0x1050];
	_ =	sdelay $0x1  }
0x35f: {  	v50 =	vshll.u32 v0, $0x10;
	v0 =	vand.u32 $0xFFFF0000, v0;
	v51 =	vshll.u32 v47, $0x10  }
0x360: {  	v1 =	vand.u32 $0xFFFF0000, v47;
	v4 =	vmul.f32 v50, v15;
	v5 =	vmul.f32 v51, v14  }
0x361: {  	v52 =	vshll.u32 v48, $0x10;
	v1 =	vmul.f32 v1, v14;
	v0 =	vmul.f32 v0, v15  }
0x362: {  	v2 =	vand.u32 $0xFFFF0000, v48;
	v53 =	vshll.u32 v49, $0x10;
	v6 =	vmul.f32 v52, v13  }
0x363: {  	v2 =	vmul.f32 v2, v13;
	v4 =	vadd.f32 v5, v4;
	v0 =	vadd.f32 v1, v0  }
0x364: {  	v3 =	vand.u32 $0xFFFF0000, v49;
	v54 =	vmul.f32 v53, v12  }
0x365: {  	v55 =	vmul.f32 v3, v12;
	v4 =	vadd.f32 v6, v4;
	v0 =	vadd.f32 v2, v0;
	_ =	sdelay $0x1  }
0x366: {  	v1 =	vadd.f32 v54, v4;
	v0 =	vadd.f32 v55, v0;
	_ =	sdelay $0x1  }
0x367: {  	v1 =	vadd.s32 $0x8000, v1;
	v0 =	vadd.s32 $0x8000, v0  }
0x368: {  	v1 =	vshrl.u32 v1, $0x10;
	v0 =	vand.u32 $0xFFFF0000, v0  }
0x369: {  	v0 =	vor.u32 v0, v1  }
0x36a: {  	[tilespmem:s9+$0x10] =	vst v0  }
0x36b: {  	v0 =	vld [tilespmem:s8+$0xFFFFE060]  }
0x36c: {  	v56 =	vld [tilespmem:s8+$0xFFFFF060];
	_ =	sdelay $0x1  }
0x36d: {  	v57 =	vld [tilespmem:s8+$0x60]  }
0x36e: {  	v58 =	vld [tilespmem:s8+$0x1060];
	_ =	sdelay $0x1  }
0x36f: {  	v59 =	vshll.u32 v0, $0x10;
	v0 =	vand.u32 $0xFFFF0000, v0;
	v60 =	vshll.u32 v56, $0x10  }
0x370: {  	v1 =	vand.u32 $0xFFFF0000, v56;
	v4 =	vmul.f32 v59, v15;
	v5 =	vmul.f32 v60, v14  }
0x371: {  	v61 =	vshll.u32 v57, $0x10;
	v1 =	vmul.f32 v1, v14;
	v0 =	vmul.f32 v0, v15  }
0x372: {  	v2 =	vand.u32 $0xFFFF0000, v57;
	v62 =	vshll.u32 v58, $0x10;
	v6 =	vmul.f32 v61, v13  }
0x373: {  	v2 =	vmul.f32 v2, v13;
	v4 =	vadd.f32 v5, v4;
	v0 =	vadd.f32 v1, v0  }
0x374: {  	v3 =	vand.u32 $0xFFFF0000, v58;
	v63 =	vmul.f32 v62, v12  }
0x375: {  	v3 =	vmul.f32 v3, v12;
	v4 =	vadd.f32 v6, v4;
	v0 =	vadd.f32 v2, v0;
	_ =	sdelay $0x1  }
0x376: {  	v1 =	vadd.f32 v63, v4;
	v0 =	vadd.f32 v3, v0;
	_ =	sdelay $0x1  }
0x377: {  	v1 =	vadd.s32 $0x8000, v1;
	v0 =	vadd.s32 $0x8000, v0  }
0x378: {  	v1 =	vshrl.u32 v1, $0x10;
	v0 =	vand.u32 $0xFFFF0000, v0  }
0x379: {  	v0 =	vor.u32 v0, v1  }
0x37a: {  	[tilespmem:s9+$0x20] =	vst v0  }
0x37b: {  	v17 =	vld [tilespmem:s8+$0xFFFFE070]  }
0x37c: {  	v18 =	vld [tilespmem:s8+$0xFFFFF070]  }
0x37d: {  	s11 =	simm.s32 $0x9BC0;
	s6 =	simm.s32 $0x1;
	v16 =	vld [tilespmem:s8+$0x70]  }
.LBB2_8:
0x37e: {  	p0 =	sne.s32 s6, $0x1F;
	v0 =	vld [tilespmem:s8+$0x1070];
	s8 =	sadd.s32 $0x80, s8;
	s9 =	sadd.s32 $0x80, s9  }
0x37f: {  	s12 =	smov.u32 s6;
	s6 =	sadd.s32 $0x1, s6  }
0x380: {  	v1 =	vshll.u32 v17, $0x10;
	v2 =	vand.u32 $0xFFFF0000, v17  }
0x381: {  	v3 =	vshll.u32 v18, $0x10;
	v2 =	vmul.f32 v2, v15;
	v4 =	vand.u32 $0xFFFF0000, v18  }
0x382: {  	v3 =	vmul.f32 v3, v14;
	v4 =	vmul.f32 v4, v14;
	v5 =	vand.u32 $0xFFFF0000, v16  }
0x383: {  	v1 =	vmul.f32 v1, v15;
	v6 =	vshll.u32 v16, $0x10;
	v5 =	vmul.f32 v5, v13  }
0x384: {  	v6 =	vmul.f32 v6, v13;
	v2 =	vadd.f32 v4, v2;
	v4 =	vand.u32 $0xFFFF0000, v0  }
0x385: {  	v1 =	vadd.f32 v3, v1;
	v0 =	vshll.u32 v0, $0x10;
	v3 =	vmul.f32 v4, v12  }
0x386: {  	v0 =	vmul.f32 v0, v12;
	v2 =	vadd.f32 v5, v2  }
0x387: {  	v1 =	vadd.f32 v6, v1  }
0x388: {  	v2 =	vadd.f32 v3, v2  }
0x389: {  	v3 =	vmov s12;
	v0 =	vadd.f32 v0, v1  }
0x38a: {  	v1 =	vadd.s32 $0x8000, v2  }
0x38b: {  	v0 =	vadd.s32 $0x8000, v0  }
0x38c: {  	v0 =	vshrl.u32 v0, $0x10;
	v1 =	vand.u32 $0xFFFF0000, v1  }
0x38d: {  	v0 =	vor.u32 v1, v0  }
0x38e: {  	[tilespmem:s11+$0x30] =	vst v0;
	s11 =	smov.u32 s9  }
0x38f: {  	v0 =	vld.idx.msk [tilespmem:v3+s30+$0x0], $0xffff  }
0x390: {  	v1 =	vld.idx.msk [tilespmem:v3+s31+$0x0], $0xffff  }
0x391: {  	v2 =	vld [tilespmem:s8+$0xFFFFF000]  }
0x392: {  	v3 =	vld [tilespmem:s8+$0xFFFFE000]  }
0x393: {  	v4 =	vld [tilespmem:s8+$0x0]  }
0x394: {  	v5 =	vld [tilespmem:s8+$0x1000]  }
0x395: {  	v6 =	vsub.f32 $1.000000000e+00, v0  }
0x396: {  	v12 =	vmul.f32 v1, v0  }
0x397: {  	v6 =	vsub.f32 v6, v1  }
0x398: {  	v14 =	vsub.f32 v1, v12;
	v1 =	vand.u32 $0xFFFF0000, v4  }
0x399: {  	v13 =	vsub.f32 v0, v12;
	v0 =	vand.u32 $0xFFFF0000, v2;
	v15 =	vadd.f32 v12, v6  }
0x39a: {  	v2 =	vshll.u32 v2, $0x10;
	v6 =	vshll.u32 v3, $0x10;
	v0 =	vmul.f32 v0, v14  }
0x39b: {  	v3 =	vand.u32 $0xFFFF0000, v3;
	v2 =	vmul.f32 v2, v14;
	v6 =	vmul.f32 v6, v15  }
0x39c: {  	v4 =	vshll.u32 v4, $0x10;
	v1 =	vmul.f32 v1, v13;
	v3 =	vmul.f32 v3, v15  }
0x39d: {  	v4 =	vmul.f32 v4, v13;
	v2 =	vadd.f32 v2, v6;
	v6 =	vand.u32 $0xFFFF0000, v5  }
0x39e: {  	v5 =	vshll.u32 v5, $0x10;
	v0 =	vadd.f32 v0, v3;
	v3 =	vmul.f32 v6, v12  }
0x39f: {  	v2 =	vadd.f32 v4, v2;
	v4 =	vmul.f32 v5, v12  }
0x3a0: {  	v0 =	vadd.f32 v1, v0  }
0x3a1: {  	v1 =	vadd.f32 v4, v2  }
0x3a2: {  	v0 =	vadd.f32 v3, v0  }
0x3a3: {  	v1 =	vadd.s32 $0x8000, v1  }
0x3a4: {  	v0 =	vadd.s32 $0x8000, v0;
	v1 =	vshrl.u32 v1, $0x10  }
0x3a5: {  	v0 =	vand.u32 $0xFFFF0000, v0  }
0x3a6: {  	v0 =	vor.u32 v0, v1  }
0x3a7: {  	[tilespmem:s9+$0xFFFFFFC0] =	vst v0  }
0x3a8: {  	v0 =	vld [tilespmem:s8+$0xFFFFE010]  }
0x3a9: {  	v1 =	vld [tilespmem:s8+$0xFFFFF010]  }
0x3aa: {  	v2 =	vld [tilespmem:s8+$0x10]  }
0x3ab: {  	v3 =	vld [tilespmem:s8+$0x1010];
	_ =	sdelay $0x1  }
0x3ac: {  	v4 =	vshll.u32 v0, $0x10;
	v0 =	vand.u32 $0xFFFF0000, v0  }
0x3ad: {  	v4 =	vmul.f32 v4, v15;
	v5 =	vshll.u32 v1, $0x10;
	v1 =	vand.u32 $0xFFFF0000, v1  }
0x3ae: {  	v5 =	vmul.f32 v5, v14;
	v6 =	vshll.u32 v2, $0x10;
	v1 =	vmul.f32 v1, v14  }
0x3af: {  	v0 =	vmul.f32 v0, v15;
	v6 =	vmul.f32 v6, v13;
	v7 =	vshll.u32 v3, $0x10  }
0x3b0: {  	v2 =	vand.u32 $0xFFFF0000, v2;
	v4 =	vadd.f32 v5, v4;
	v5 =	vmul.f32 v7, v12  }
0x3b1: {  	v0 =	vadd.f32 v1, v0;
	v1 =	vmul.f32 v2, v13;
	v2 =	vand.u32 $0xFFFF0000, v3  }
0x3b2: {  	v2 =	vmul.f32 v2, v12;
	v3 =	vadd.f32 v6, v4  }
0x3b3: {  	v0 =	vadd.f32 v1, v0  }
0x3b4: {  	v1 =	vadd.f32 v5, v3  }
0x3b5: {  	v0 =	vadd.f32 v2, v0  }
0x3b6: {  	v1 =	vadd.s32 $0x8000, v1  }
0x3b7: {  	v0 =	vadd.s32 $0x8000, v0;
	v1 =	vshrl.u32 v1, $0x10  }
0x3b8: {  	v0 =	vand.u32 $0xFFFF0000, v0  }
0x3b9: {  	v0 =	vor.u32 v0, v1  }
0x3ba: {  	[tilespmem:s9+$0xFFFFFFD0] =	vst v0  }
0x3bb: {  	v0 =	vld [tilespmem:s8+$0xFFFFE020]  }
0x3bc: {  	v1 =	vld [tilespmem:s8+$0xFFFFF020]  }
0x3bd: {  	v2 =	vld [tilespmem:s8+$0x20]  }
0x3be: {  	v3 =	vld [tilespmem:s8+$0x1020];
	_ =	sdelay $0x1  }
0x3bf: {  	v4 =	vshll.u32 v0, $0x10;
	v0 =	vand.u32 $0xFFFF0000, v0  }
0x3c0: {  	v5 =	vshll.u32 v1, $0x10;
	v0 =	vmul.f32 v0, v15;
	v1 =	vand.u32 $0xFFFF0000, v1  }
0x3c1: {  	v5 =	vmul.f32 v5, v14;
	v1 =	vmul.f32 v1, v14;
	v6 =	vand.u32 $0xFFFF0000, v2  }
0x3c2: {  	v4 =	vmul.f32 v4, v15;
	v6 =	vmul.f32 v6, v13;
	v7 =	vand.u32 $0xFFFF0000, v3  }
0x3c3: {  	v2 =	vshll.u32 v2, $0x10;
	v0 =	vadd.f32 v1, v0;
	v1 =	vmul.f32 v7, v12  }
0x3c4: {  	v2 =	vmul.f32 v2, v13;
	v3 =	vshll.u32 v3, $0x10;
	v4 =	vadd.f32 v5, v4  }
0x3c5: {  	v3 =	vmul.f32 v3, v12;
	v0 =	vadd.f32 v6, v0  }
0x3c6: {  	v2 =	vadd.f32 v2, v4  }
0x3c7: {  	v0 =	vadd.f32 v1, v0  }
0x3c8: {  	v1 =	vadd.f32 v3, v2  }
0x3c9: {  	v0 =	vadd.s32 $0x8000, v0  }
0x3ca: {  	v1 =	vadd.s32 $0x8000, v1;
	v0 =	vand.u32 $0xFFFF0000, v0  }
0x3cb: {  	v1 =	vshrl.u32 v1, $0x10  }
0x3cc: {  	v0 =	vor.u32 v0, v1  }
0x3cd: {  	[tilespmem:s9+$0xFFFFFFE0] =	vst v0  }
0x3ce: {  	v0 =	vld [tilespmem:s8+$0xFFFFE030]  }
0x3cf: {  	v1 =	vld [tilespmem:s8+$0xFFFFF030]  }
0x3d0: {  	v2 =	vld [tilespmem:s8+$0x30]  }
0x3d1: {  	v3 =	vld [tilespmem:s8+$0x1030];
	_ =	sdelay $0x1  }
0x3d2: {  	v4 =	vshll.u32 v0, $0x10;
	v0 =	vand.u32 $0xFFFF0000, v0  }
0x3d3: {  	v4 =	vmul.f32 v4, v15;
	v5 =	vshll.u32 v1, $0x10;
	v1 =	vand.u32 $0xFFFF0000, v1  }
0x3d4: {  	v5 =	vmul.f32 v5, v14;
	v6 =	vshll.u32 v2, $0x10;
	v1 =	vmul.f32 v1, v14  }
0x3d5: {  	v0 =	vmul.f32 v0, v15;
	v6 =	vmul.f32 v6, v13;
	v7 =	vshll.u32 v3, $0x10  }
0x3d6: {  	v2 =	vand.u32 $0xFFFF0000, v2;
	v4 =	vadd.f32 v5, v4;
	v5 =	vmul.f32 v7, v12  }
0x3d7: {  	v0 =	vadd.f32 v1, v0;
	v1 =	vmul.f32 v2, v13;
	v2 =	vand.u32 $0xFFFF0000, v3  }
0x3d8: {  	v2 =	vmul.f32 v2, v12;
	v3 =	vadd.f32 v6, v4  }
0x3d9: {  	v0 =	vadd.f32 v1, v0  }
0x3da: {  	v1 =	vadd.f32 v5, v3  }
0x3db: {  	v0 =	vadd.f32 v2, v0  }
0x3dc: {  	v1 =	vadd.s32 $0x8000, v1  }
0x3dd: {  	v0 =	vadd.s32 $0x8000, v0;
	v1 =	vshrl.u32 v1, $0x10  }
0x3de: {  	v0 =	vand.u32 $0xFFFF0000, v0  }
0x3df: {  	v0 =	vor.u32 v0, v1  }
0x3e0: {  	[tilespmem:s9+$0xFFFFFFF0] =	vst v0  }
0x3e1: {  	v0 =	vld [tilespmem:s8+$0xFFFFE040]  }
0x3e2: {  	v1 =	vld [tilespmem:s8+$0xFFFFF040]  }
0x3e3: {  	v2 =	vld [tilespmem:s8+$0x40]  }
0x3e4: {  	v3 =	vld [tilespmem:s8+$0x1040];
	_ =	sdelay $0x1  }
0x3e5: {  	v4 =	vshll.u32 v0, $0x10;
	v0 =	vand.u32 $0xFFFF0000, v0  }
0x3e6: {  	v4 =	vmul.f32 v4, v15;
	v5 =	vshll.u32 v1, $0x10;
	v1 =	vand.u32 $0xFFFF0000, v1  }
0x3e7: {  	v5 =	vmul.f32 v5, v14;
	v6 =	vshll.u32 v2, $0x10;
	v1 =	vmul.f32 v1, v14  }
0x3e8: {  	v0 =	vmul.f32 v0, v15;
	v6 =	vmul.f32 v6, v13;
	v7 =	vshll.u32 v3, $0x10  }
0x3e9: {  	v2 =	vand.u32 $0xFFFF0000, v2;
	v4 =	vadd.f32 v5, v4;
	v5 =	vmul.f32 v7, v12  }
0x3ea: {  	v0 =	vadd.f32 v1, v0;
	v1 =	vmul.f32 v2, v13;
	v2 =	vand.u32 $0xFFFF0000, v3  }
0x3eb: {  	v2 =	vmul.f32 v2, v12;
	v3 =	vadd.f32 v6, v4  }
0x3ec: {  	v0 =	vadd.f32 v1, v0  }
0x3ed: {  	v1 =	vadd.f32 v5, v3  }
0x3ee: {  	v0 =	vadd.f32 v2, v0  }
0x3ef: {  	v1 =	vadd.s32 $0x8000, v1  }
0x3f0: {  	v0 =	vadd.s32 $0x8000, v0;
	v1 =	vshrl.u32 v1, $0x10  }
0x3f1: {  	v0 =	vand.u32 $0xFFFF0000, v0  }
0x3f2: {  	v0 =	vor.u32 v0, v1  }
0x3f3: {  	[tilespmem:s9+$0x0] =	vst v0  }
0x3f4: {  	v0 =	vld [tilespmem:s8+$0xFFFFE050]  }
0x3f5: {  	v1 =	vld [tilespmem:s8+$0xFFFFF050]  }
0x3f6: {  	v2 =	vld [tilespmem:s8+$0x50]  }
0x3f7: {  	v3 =	vld [tilespmem:s8+$0x1050];
	_ =	sdelay $0x1  }
0x3f8: {  	v4 =	vshll.u32 v0, $0x10;
	v0 =	vand.u32 $0xFFFF0000, v0  }
0x3f9: {  	v4 =	vmul.f32 v4, v15;
	v5 =	vshll.u32 v1, $0x10;
	v1 =	vand.u32 $0xFFFF0000, v1  }
0x3fa: {  	v5 =	vmul.f32 v5, v14;
	v6 =	vshll.u32 v2, $0x10;
	v1 =	vmul.f32 v1, v14  }
0x3fb: {  	v0 =	vmul.f32 v0, v15;
	v2 =	vand.u32 $0xFFFF0000, v2;
	v6 =	vmul.f32 v6, v13  }
0x3fc: {  	v2 =	vmul.f32 v2, v13;
	v4 =	vadd.f32 v5, v4;
	v5 =	vshll.u32 v3, $0x10  }
0x3fd: {  	v0 =	vadd.f32 v1, v0;
	v5 =	vmul.f32 v5, v12  }
0x3fe: {  	v3 =	vand.u32 $0xFFFF0000, v3;
	v1 =	vadd.f32 v6, v4  }
0x3ff: {  	v0 =	vadd.f32 v2, v0;
	v2 =	vmul.f32 v3, v12  }
0x400: {  	v1 =	vadd.f32 v5, v1  }
0x401: {  	v0 =	vadd.f32 v2, v0;
	_ =	sdelay $0x1  }
0x402: {  	v1 =	vadd.s32 $0x8000, v1;
	v0 =	vadd.s32 $0x8000, v0  }
0x403: {  	v1 =	vshrl.u32 v1, $0x10;
	v0 =	vand.u32 $0xFFFF0000, v0  }
0x404: {  	v0 =	vor.u32 v0, v1  }
0x405: {  	[tilespmem:s9+$0x10] =	vst v0  }
0x406: {  	v0 =	vld [tilespmem:s8+$0xFFFFE060]  }
0x407: {  	v1 =	vld [tilespmem:s8+$0xFFFFF060]  }
0x408: {  	v2 =	vld [tilespmem:s8+$0x60]  }
0x409: {  	v3 =	vld [tilespmem:s8+$0x1060];
	_ =	sdelay $0x1  }
0x40a: {  	v4 =	vshll.u32 v0, $0x10;
	v0 =	vand.u32 $0xFFFF0000, v0  }
0x40b: {  	v4 =	vmul.f32 v4, v15;
	v5 =	vshll.u32 v1, $0x10;
	v1 =	vand.u32 $0xFFFF0000, v1  }
0x40c: {  	v5 =	vmul.f32 v5, v14;
	v6 =	vshll.u32 v2, $0x10;
	v1 =	vmul.f32 v1, v14  }
0x40d: {  	v0 =	vmul.f32 v0, v15;
	v2 =	vand.u32 $0xFFFF0000, v2;
	v6 =	vmul.f32 v6, v13  }
0x40e: {  	v2 =	vmul.f32 v2, v13;
	v4 =	vadd.f32 v5, v4;
	v5 =	vshll.u32 v3, $0x10  }
0x40f: {  	v0 =	vadd.f32 v1, v0;
	v1 =	vand.u32 $0xFFFF0000, v3;
	v5 =	vmul.f32 v5, v12  }
0x410: {  	v1 =	vmul.f32 v1, v12;
	v3 =	vadd.f32 v6, v4  }
0x411: {  	v0 =	vadd.f32 v2, v0  }
0x412: {  	v2 =	vadd.f32 v5, v3  }
0x413: {  	v0 =	vadd.f32 v1, v0  }
0x414: {  	v1 =	vadd.s32 $0x8000, v2  }
0x415: {  	v0 =	vadd.s32 $0x8000, v0;
	v1 =	vshrl.u32 v1, $0x10  }
0x416: {  	v0 =	vand.u32 $0xFFFF0000, v0  }
.Ltmp3:
0x417: {  	v0 =	vor.u32 v0, v1;
	(pc) =	sbr.rel @p0 .LBB2_8-.Ltmp3, $4  }
0x418: {  	[tilespmem:s9+$0x20] =	vst v0  }
0x419: {  	v17 =	vld [tilespmem:s8+$0xFFFFE070]  }
0x41a: {  	v18 =	vld [tilespmem:s8+$0xFFFFF070]  }
0x41b: {  	v16 =	vld [tilespmem:s8+$0x70]  }
0x41c: {  	_ =	sdelay $0x1  }
0x41d: {  	v0 =	vld [tilespmem:s8+$0x1070];
	v1 =	vand.u32 $0xFFFF0000, v17  }
0x41e: {  	v4 =	vshll.u32 v17, $0x10;
	v2 =	vshll.u32 v18, $0x10;
	v1 =	vmul.f32 v1, v15  }
0x41f: {  	v3 =	vand.u32 $0xFFFF0000, v18;
	v4 =	vmul.f32 v4, v15;
	v2 =	vmul.f32 v2, v14  }
0x420: {  	v3 =	vmul.f32 v3, v14;
	v5 =	vand.u32 $0xFFFF0000, v16;
	v6 =	vshll.u32 v16, $0x10  }
0x421: {  	v5 =	vmul.f32 v5, v13;
	v6 =	vmul.f32 v6, v13  }
0x422: {  	v57 =	vand.u32 $0xFFFF0000, v0;
	v1 =	vadd.f32 v3, v1;
	v2 =	vadd.f32 v2, v4  }
0x423: {  	v0 =	vshll.u32 v0, $0x10;
	v3 =	vmul.f32 v57, v12  }
0x424: {  	v0 =	vmul.f32 v0, v12;
	v1 =	vadd.f32 v5, v1;
	v2 =	vadd.f32 v6, v2;
	_ =	sdelay $0x1  }
0x425: {  	v1 =	vadd.f32 v3, v1;
	v0 =	vadd.f32 v0, v2;
	_ =	sdelay $0x1  }
0x426: {  	v1 =	vadd.s32 $0x8000, v1;
	v0 =	vadd.s32 $0x8000, v0  }
0x427: {  	v0 =	vshrl.u32 v0, $0x10;
	v1 =	vand.u32 $0xFFFF0000, v1  }
0x428: {  	v0 =	vor.u32 v1, v0  }
0x429: {  	s6 =	simm.s32 $0x0;
	s17 =	rddreg [dreg:$0x7];
	[tilespmem:s11+$0x30] =	vst v0  }
0x42a: {  	[hbm4b:s17+s6] =	stream.linear.scatter [tilespmem:s0], [sflag:$0x3], $0x1000, $0x38;
	[tilespmem:$0xBB80] =	vst v63  }
0x42b: {  	_ =	swait.ge [sflag:s1], $0x4000  }
0x42c: {  	[sflag:s1] =	ssyncset.done $0x0  }
0x42d: {  	s12 =	simm.s32 $0x4;
	[sflag:s1] =	ssyncadd.s32 $0xFFFFC000  }
0x42e: {  	_ =	swait.ge [sflag:s12], $0x1000  }
0x42f: {  	[sflag:s12] =	ssyncset.done $0x0  }
0x430: {  	s8 =	simm.s32 $0x0;
	[sflag:s12] =	ssyncadd.s32 $0xFFFFF000  }
0x431: {  	v58 =	vld [tilespmem:s8+$0x8B80]  }
0x432: {  	v59 =	vld [tilespmem:s8+$0x8B90]  }
0x433: {  	v60 =	vld [tilespmem:s8+$0x8BA0]  }
0x434: {  	v61 =	vld [tilespmem:s8+$0x8BB0]  }
0x435: {  	v62 =	vld [tilespmem:s8+$0x8BC0]  }
0x436: {  	v27 =	vld [tilespmem:s8+$0x8BD0]  }
0x437: {  	v28 =	vld [tilespmem:s8+$0x8BE0]  }
0x438: {  	v38 =	vld [tilespmem:s8+$0x8BF0]  }
0x439: {  	v37 =	vld [tilespmem:s8+$0x7B80]  }
0x43a: {  	v21 =	vld [tilespmem:s8+$0x7B90]  }
0x43b: {  	v22 =	vld [tilespmem:s8+$0x7BA0]  }
0x43c: {  	v25 =	vld [tilespmem:s8+$0x7BB0]  }
0x43d: {  	v29 =	vld [tilespmem:s8+$0x7BC0]  }
0x43e: {  	v30 =	vld [tilespmem:s8+$0x7BD0]  }
0x43f: {  	v63 =	vmov s6;
	v34 =	vld [tilespmem:s8+$0x7BE0]  }
0x440: {  	v5 =	vand.u32 $0x7F, v63;
	v46 =	vld [tilespmem:s8+$0x7BF0]  }
0x441: {  	v5 =	vor.u32 $0x80, v5;
	v45 =	vld [tilespmem:s8+$0x5B80]  }
0x442: {  	v35 =	vbroadcast v5, $0x0;
	v44 =	vld [tilespmem:s8+$0x6B80];
	v36 =	vshll.u32 v58, $0x10;
	v41 =	vand.u32 $0xFFFF0000, v58  }
0x443: {  	v24 =	vld [tilespmem:s8+$0x5B90];
	v39 =	vshll.u32 v59, $0x10;
	v23 =	vand.u32 $0xFFFF0000, v59;
	v15 =	vshll.u32 v60, $0x10  }
0x444: {  	v26 =	vld [tilespmem:s8+$0x6B90];
	v40 =	vand.u32 $0xFFFF0000, v60;
	v17 =	vshll.u32 v61, $0x10;
	v16 =	vand.u32 $0xFFFF0000, v61  }
0x445: {  	s9 =	simm.s32 $0x200;
	v31 =	vld [tilespmem:s8+$0x5BA0];
	v19 =	vshll.u32 v62, $0x10;
	v18 =	vand.u32 $0xFFFF0000, v62;
	v20 =	vshll.u32 v27, $0x10  }
.LBB2_10:
0x446: {  	[tilespmem:$0x1FF30] =	vst v39;
	v39 =	vand.u32 $0xFFFF0000, v27;
	v1 =	vshll.u32 v28, $0x10;
	v2 =	vand.u32 $0xFFFF0000, v28  }
0x447: {  	v3 =	vshll.u32 v37, $0x10;
	v5 =	vshll.u32 v38, $0x10;
	v6 =	vand.u32 $0xFFFF0000, v38  }
0x448: {  	v0 =	vld [tilespmem:s8+$0x6BA0];
	v7 =	vand.u32 $0xFFFF0000, v37;
	v8 =	vshll.u32 v21, $0x10;
	v62 =	vand.u32 $0xFFFF0000, v21  }
0x449: {  	v4 =	vld [tilespmem:s8+$0x5BB0];
	v27 =	vshll.u32 v22, $0x10;
	v28 =	vand.u32 $0xFFFF0000, v22;
	v32 =	vshll.u32 v25, $0x10  }
0x44a: {  	[tilespmem:$0x1FF00] =	vst v40;
	v9 =	vld [tilespmem:s8+$0x5BC0];
	v33 =	vand.u32 $0xFFFF0000, v25;
	v42 =	vshll.u32 v29, $0x10;
	v40 =	vand.u32 $0xFFFF0000, v29  }
0x44b: {  	v10 =	vld [tilespmem:s8+$0x5BD0];
	v48 =	vshll.u32 v30, $0x10;
	v49 =	vand.u32 $0xFFFF0000, v30;
	v11 =	vshll.u32 v34, $0x10  }
0x44c: {  	v50 =	vld [tilespmem:s8+$0x6BD0];
	v51 =	vand.u32 $0xFFFF0000, v34;
	v52 =	vshll.u32 v46, $0x10;
	v53 =	vand.u32 $0xFFFF0000, v46  }
0x44d: {  	v58 =	vld.idx.msk [tilespmem:v35+s30+$0x0], $0xffff;
	v54 =	vshll.u32 v45, $0x10;
	v55 =	vshll.u32 v44, $0x10;
	v56 =	vand.u32 $0xFFFF0000, v45  }
0x44e: {  	v60 =	vld.idx.msk [tilespmem:v35+s31+$0x0], $0xffff;
	v59 =	vand.u32 $0xFFFF0000, v44;
	v30 =	vshll.u32 v24, $0x10;
	v21 =	vand.u32 $0xFFFF0000, v24  }
0x44f: {  	v57 =	vld [tilespmem:s8+$0x5BF0];
	v25 =	vshll.u32 v26, $0x10;
	v22 =	vand.u32 $0xFFFF0000, v26;
	v37 =	vshll.u32 v31, $0x10  }
0x450: {  	v38 =	vand.u32 $0xFFFF0000, v31;
	v34 =	vshll.u32 v0, $0x10;
	v35 =	vand.u32 $0xFFFF0000, v0  }
0x451: {  	v13 =	vld [tilespmem:s8+$0x6BE0];
	v46 =	vshll.u32 v4, $0x10;
	v47 =	vand.u32 $0xFFFF0000, v4;
	v4 =	vshll.u32 v9, $0x10  }
0x452: {  	[tilespmem:$0x1FF20] =	vst v62;
	v0 =	vld [tilespmem:s8+$0x6BF0];
	v61 =	vshll.u32 v10, $0x10;
	v62 =	vshll.u32 v50, $0x10;
	v26 =	vsub.f32 $1.000000000e+00, v58  }
0x453: {  	v10 =	vand.u32 $0xFFFF0000, v10;
	v50 =	vand.u32 $0xFFFF0000, v50;
	v24 =	vmul.f32 v60, v58  }
0x454: {  	v12 =	vshll.u32 v57, $0x10;
	v57 =	vand.u32 $0xFFFF0000, v57;
	v31 =	vsub.f32 v26, v60  }
0x455: {  	v26 =	vsub.f32 v60, v24;
	v60 =	vmul.f32 v36, v24;
	v41 =	vmul.f32 v41, v24  }
0x456: {  	[tilespmem:$0x1FF10] =	vst v8;
	v8 =	vld [tilespmem:s8+$0x6BB0];
	v14 =	vshll.u32 v13, $0x10;
	v1 =	vmul.f32 v1, v24;
	v2 =	vmul.f32 v2, v24  }
0x457: {  	v63 =	vld [tilespmem:s8+$0x5BE0];
	v29 =	vmovc v23;
	v5 =	vmul.f32 v5, v24;
	v6 =	vmul.f32 v6, v24;
	v23 =	vshll.u32 v0, $0x10  }
0x458: {  	v0 =	vand.u32 $0xFFFF0000, v0;
	v36 =	vadd.f32 v24, v31;
	v50 =	vmul.f32 v50, v26  }
0x459: {  	v31 =	vsub.f32 v58, v24;
	v23 =	vmul.f32 v23, v26;
	v0 =	vmul.f32 v0, v26  }
0x45a: {  	v13 =	vand.u32 $0xFFFF0000, v13;
	v12 =	vmul.f32 v12, v36;
	v57 =	vmul.f32 v57, v36  }
0x45b: {  	v44 =	vshll.u32 v8, $0x10;
	v54 =	vmul.f32 v54, v36;
	v52 =	vmul.f32 v52, v31  }
0x45c: {  	v43 =	vld [tilespmem:s8+$0x6BC0];
	v58 =	vshll.u32 v63, $0x10;
	v3 =	vmul.f32 v3, v31;
	v7 =	vmul.f32 v7, v31  }
0x45d: {  	v12 =	vadd.f32 v23, v12;
	v0 =	vadd.f32 v0, v57;
	v23 =	vmul.f32 v53, v31  }
0x45e: {  	v53 =	vmul.f32 v56, v36;
	v56 =	vand.u32 $0xFFFF0000, v63;
	v63 =	vmul.f32 v59, v26  }
0x45f: {  	v45 =	vand.u32 $0xFFFF0000, v8;
	v57 =	vmul.f32 v14, v26;
	v59 =	vmul.f32 v11, v31  }
0x460: {  	v11 =	vmul.f32 v62, v26;
	v12 =	vadd.f32 v52, v12;
	v0 =	vadd.f32 v23, v0  }
0x461: {  	v8 =	vshll.u32 v43, $0x10;
	v62 =	vmul.f32 v18, v24;
	v23 =	vmul.f32 v55, v26  }
0x462: {  	v56 =	vmul.f32 v56, v36;
	v5 =	vadd.f32 v5, v12;
	v0 =	vadd.f32 v6, v0  }
0x463: {  	v52 =	vmul.f32 v49, v31;
	v54 =	vadd.f32 v23, v54;
	v12 =	vadd.f32 v63, v53  }
0x464: {  	v23 =	vmul.f32 v58, v36;
	v53 =	vmul.f32 v20, v24;
	v5 =	vadd.s32 $0x8000, v5  }
0x465: {  	v0 =	vadd.s32 $0x8000, v0;
	v3 =	vadd.f32 v3, v54;
	v55 =	vadd.f32 v7, v12  }
0x466: {  	v12 =	vmul.f32 v13, v26;
	v5 =	vshrl.u32 v5, $0x10;
	v0 =	vand.u32 $0xFFFF0000, v0  }
0x467: {  	v54 =	vmul.f32 v4, v36;
	v0 =	vor.u32 v0, v5;
	v3 =	vadd.f32 v60, v3  }
0x468: {  	v60 =	vmul.f32 v51, v31;
	v7 =	vadd.f32 v12, v56;
	v12 =	vmul.f32 v61, v36  }
0x469: {  	v58 =	vadd.f32 v41, v55;
	v41 =	vmul.f32 v10, v36;
	v51 =	vmul.f32 v48, v31  }
0x46a: {  	v5 =	vadd.f32 v57, v23;
	v56 =	vmul.f32 v39, v24;
	v57 =	vmul.f32 v8, v26  }
0x46b: {  	v9 =	vand.u32 $0xFFFF0000, v9;
	v61 =	vmul.f32 v19, v24;
	v10 =	vmul.f32 v44, v26  }
0x46c: {  	v55 =	vand.u32 $0xFFFF0000, v43;
	v39 =	vmul.f32 v32, v31;
	v44 =	vmul.f32 v38, v36  }
0x46d: {  	v3 =	vadd.s32 $0x8000, v3;
	v5 =	vadd.f32 v59, v5;
	v63 =	vadd.f32 v60, v7  }
0x46e: {  	[tilespmem:s8+$0xABF0] =	vst v0;
	v4 =	vmul.f32 v55, v26;
	v0 =	vadd.s32 $0x8000, v58;
	v3 =	vshrl.u32 v3, $0x10  }
0x46f: {  	v0 =	vand.u32 $0xFFFF0000, v0;
	v1 =	vadd.f32 v1, v5;
	v2 =	vadd.f32 v2, v63  }
0x470: {  	v58 =	vmul.f32 v9, v36;
	v60 =	vmul.f32 v40, v31;
	v0 =	vor.u32 v0, v3  }
0x471: {  	v3 =	vadd.f32 v11, v12;
	v1 =	vadd.s32 $0x8000, v1;
	v2 =	vadd.s32 $0x8000, v2  }
0x472: {  	[tilespmem:s8+$0xAB80] =	vst v0;
	v0 =	vadd.f32 v50, v41;
	v1 =	vshrl.u32 v1, $0x10;
	v2 =	vand.u32 $0xFFFF0000, v2  }
0x473: {  	v4 =	vadd.f32 v4, v58;
	v3 =	vadd.f32 v51, v3;
	v1 =	vor.u32 v2, v1  }
0x474: {  	v59 =	vmul.f32 v42, v31;
	v0 =	vadd.f32 v52, v0;
	[tilespmem:s8+$0xABE0] =	vst v1;
	v1 =	vadd.f32 v57, v54  }
0x475: {  	v9 =	vmul.f32 v47, v36;
	v3 =	vadd.f32 v53, v3;
	v2 =	vadd.f32 v60, v4  }
0x476: {  	v40 =	vmul.f32 v33, v31;
	v0 =	vadd.f32 v56, v0;
	v1 =	vadd.f32 v59, v1  }
0x477: {  	v63 =	vmul.f32 v46, v36;
	v11 =	vmul.f32 v45, v26;
	v3 =	vadd.s32 $0x8000, v3  }
0x478: {  	v2 =	vadd.f32 v62, v2;
	v0 =	vadd.s32 $0x8000, v0;
	v1 =	vadd.f32 v61, v1  }
0x479: {  	v5 =	vadd.f32 v11, v9;
	v3 =	vshrl.u32 v3, $0x10;
	v0 =	vand.u32 $0xFFFF0000, v0  }
0x47a: {  	v58 =	vld [tilespmem:$0x1FF20];
	v2 =	vadd.s32 $0x8000, v2;
	v0 =	vor.u32 v0, v3;
	v1 =	vadd.s32 $0x8000, v1  }
0x47b: {  	v54 =	vld [tilespmem:$0x1FF00];
	v2 =	vand.u32 $0xFFFF0000, v2;
	[tilespmem:s8+$0xABD0] =	vst v0;
	v0 =	vadd.f32 v10, v63;
	v1 =	vshrl.u32 v1, $0x10  }
0x47c: {  	v42 =	vmul.f32 v16, v24;
	v46 =	vmul.f32 v35, v26;
	v56 =	vld [tilespmem:$0x1FF10];
	v1 =	vor.u32 v2, v1  }
0x47d: {  	s11 =	sshra.s32 s9, $0x2;
	v41 =	vmul.f32 v17, v24;
	v5 =	vadd.f32 v40, v5;
	v59 =	vld [tilespmem:$0x1FF30];
	v0 =	vadd.f32 v39, v0;
	[tilespmem:s8+$0xABC0] =	vst v1  }
0x47e: {  	v43 =	vmul.f32 v37, v36;
	v48 =	vmul.f32 v28, v31;
	v6 =	vadd.f32 v46, v44;
	v1 =	vld [tilespmem:s11+$0x8B80]  }
0x47f: {  	v45 =	vmul.f32 v34, v26;
	v4 =	vadd.f32 v42, v5;
	v0 =	vadd.f32 v41, v0;
	v3 =	vld [tilespmem:s11+$0x8B90]  }
0x480: {  	v55 =	vmul.f32 v25, v26;
	v47 =	vmul.f32 v27, v31;
	v6 =	vadd.f32 v48, v6;
	v49 =	vld [tilespmem:s11+$0x8BA0]  }
0x481: {  	v4 =	vadd.s32 $0x8000, v4;
	v2 =	vadd.f32 v45, v43;
	v50 =	vld [tilespmem:s11+$0x8BB0];
	v0 =	vadd.s32 $0x8000, v0  }
0x482: {  	v4 =	vand.u32 $0xFFFF0000, v4;
	v10 =	vmul.f32 v54, v24;
	v52 =	vld [tilespmem:s11+$0x8BC0];
	v0 =	vshrl.u32 v0, $0x10  }
0x483: {  	v51 =	vmul.f32 v15, v24;
	v2 =	vadd.f32 v47, v2;
	v27 =	vld [tilespmem:s11+$0x8BD0];
	v0 =	vor.u32 v4, v0  }
0x484: {  	v12 =	vmul.f32 v21, v36;
	v57 =	vmul.f32 v22, v26;
	v6 =	vadd.f32 v10, v6;
	v28 =	vld [tilespmem:s11+$0x8BE0];
	[tilespmem:s8+$0xABB0] =	vst v0  }
0x485: {  	v53 =	vmul.f32 v30, v36;
	v60 =	vmul.f32 v29, v24;
	v2 =	vadd.f32 v51, v2;
	v38 =	vld [tilespmem:s11+$0x8BF0]  }
0x486: {  	v9 =	vmul.f32 v58, v31;
	v8 =	vadd.f32 v57, v12;
	v6 =	vadd.s32 $0x8000, v6;
	v37 =	vld [tilespmem:s11+$0x7B80]  }
0x487: {  	v4 =	vadd.f32 v55, v53;
	v0 =	vmul.f32 v56, v31;
	v2 =	vadd.s32 $0x8000, v2;
	v21 =	vld [tilespmem:s11+$0x7B90]  }
0x488: {  	v8 =	vadd.f32 v9, v8;
	v6 =	vand.u32 $0xFFFF0000, v6;
	v2 =	vshrl.u32 v2, $0x10;
	v22 =	vld [tilespmem:s11+$0x7BA0]  }
0x489: {  	v25 =	vld [tilespmem:s11+$0x7BB0];
	v0 =	vadd.f32 v0, v4;
	v4 =	vmul.f32 v59, v24;
	v2 =	vor.u32 v6, v2  }
0x48a: {  	v29 =	vld [tilespmem:s11+$0x7BC0];
	[tilespmem:s8+$0xABA0] =	vst v2  }
0x48b: {  	s6 =	sadd.s32 $0x1, s6;
	v62 =	vadd.f32 v60, v8;
	v0 =	vadd.f32 v4, v0;
	v30 =	vld [tilespmem:s11+$0x7BD0]  }
0x48c: {  	v61 =	vmov s6;
	v36 =	vshll.u32 v1, $0x10;
	v34 =	vld [tilespmem:s11+$0x7BE0]  }
0x48d: {  	p0 =	sne.s32 s9, $0x3E00;
	v41 =	vand.u32 $0xFFFF0000, v1;
	v46 =	vld [tilespmem:s11+$0x7BF0];
	v4 =	vadd.s32 $0x8000, v62;
	v0 =	vadd.s32 $0x8000, v0  }
.Ltmp4:
0x48e: {  	v39 =	vshll.u32 v3, $0x10;
	v45 =	vld [tilespmem:s11+$0x5B80];
	v63 =	vand.u32 $0xFFFF0000, v4;
	v0 =	vshrl.u32 v0, $0x10;
	(pc) =	sbr.rel @p0 .LBB2_10-.Ltmp4, $4  }
0x48f: {  	v23 =	vand.u32 $0xFFFF0000, v3;
	v15 =	vshll.u32 v49, $0x10;
	v44 =	vld [tilespmem:s11+$0x6B80];
	v0 =	vor.u32 v63, v0  }
0x490: {  	v40 =	vand.u32 $0xFFFF0000, v49;
	v17 =	vshll.u32 v50, $0x10;
	v2 =	vand.u32 $0x7F, v61;
	v24 =	vld [tilespmem:s11+$0x5B90];
	[tilespmem:s8+$0xAB90] =	vst v0;
	s8 =	smov.u32 s11  }
0x491: {  	v16 =	vand.u32 $0xFFFF0000, v50;
	v19 =	vshll.u32 v52, $0x10;
	v2 =	vor.u32 $0x80, v2;
	v26 =	vld [tilespmem:s8+$0x6B90]  }
0x492: {  	s9 =	sadd.s32 $0x200, s9;
	v18 =	vand.u32 $0xFFFF0000, v52;
	v20 =	vshll.u32 v27, $0x10;
	v35 =	vbroadcast v2, $0x0;
	v31 =	vld [tilespmem:s8+$0x5BA0]  }
0x493: {  	_ =	sdelay $0x2  }
0x494: {  	v3 =	vld [tilespmem:s8+$0x5BF0]  }
0x495: {  	v4 =	vld [tilespmem:s8+$0x6BF0]  }
0x496: {  	v55 =	vshll.u32 v46, $0x10;
	v56 =	vshll.u32 v38, $0x10;
	v57 =	vand.u32 $0xFFFF0000, v38;
	v1 =	vld.idx.msk [tilespmem:v35+s30+$0x0], $0xffff  }
0x497: {  	v7 =	vand.u32 $0xFFFF0000, v46;
	v58 =	vshll.u32 v45, $0x10;
	v8 =	vand.u32 $0xFFFF0000, v45;
	v2 =	vld.idx.msk [tilespmem:v35+s31+$0x0], $0xffff  }
0x498: {  	v60 =	vld [tilespmem:s8+$0x5BE0];
	v61 =	vshll.u32 v37, $0x10;
	v12 =	vand.u32 $0xFFFF0000, v37;
	v45 =	vshll.u32 v28, $0x10  }
0x499: {  	v46 =	vand.u32 $0xFFFF0000, v28;
	v11 =	vand.u32 $0xFFFF0000, v34;
	v51 =	vshll.u32 v30, $0x10  }
0x49a: {  	v59 =	vshll.u32 v44, $0x10;
	v9 =	vand.u32 $0xFFFF0000, v44;
	v44 =	vshll.u32 v34, $0x10  }
0x49b: {  	v62 =	vld [tilespmem:s8+$0x6BE0];
	v38 =	vshll.u32 v24, $0x10;
	v6 =	vshll.u32 v3, $0x10;
	v5 =	vsub.f32 $1.000000000e+00, v1  }
0x49c: {  	v52 =	vshll.u32 v4, $0x10;
	v3 =	vand.u32 $0xFFFF0000, v3;
	v0 =	vmul.f32 v2, v1  }
0x49d: {  	v43 =	vld [tilespmem:s8+$0x6BD0];
	v4 =	vand.u32 $0xFFFF0000, v4;
	v14 =	vshll.u32 v60, $0x10;
	v5 =	vsub.f32 v5, v2  }
0x49e: {  	v33 =	vsub.f32 v2, v0;
	v2 =	vmul.f32 v56, v0;
	v13 =	vmul.f32 v36, v0  }
0x49f: {  	v32 =	vsub.f32 v1, v0;
	v10 =	vmul.f32 v41, v0;
	v16 =	vmul.f32 v16, v0  }
0x4a0: {  	v42 =	vshll.u32 v62, $0x10;
	v41 =	vld [tilespmem:s8+$0x5BD0];
	v15 =	vmul.f32 v15, v0;
	v53 =	vmul.f32 v52, v33  }
0x4a1: {  	v35 =	vadd.f32 v0, v5;
	v4 =	vmul.f32 v4, v33;
	v5 =	vmul.f32 v55, v32  }
0x4a2: {  	v49 =	vld [tilespmem:s8+$0x5BC0];
	v48 =	vshll.u32 v43, $0x10;
	v7 =	vmul.f32 v7, v32;
	v9 =	vmul.f32 v9, v33  }
0x4a3: {  	v50 =	vld [tilespmem:s8+$0x6BC0];
	v56 =	vand.u32 $0xFFFF0000, v27;
	v11 =	vmul.f32 v11, v32;
	v55 =	vmul.f32 v20, v0  }
0x4a4: {  	v27 =	vshll.u32 v31, $0x10;
	v54 =	vmul.f32 v6, v35;
	v3 =	vmul.f32 v3, v35  }
0x4a5: {  	v6 =	vmul.f32 v57, v0;
	v8 =	vmul.f32 v8, v35;
	v47 =	vshll.u32 v41, $0x10  }
0x4a6: {  	v1 =	vadd.f32 v53, v54;
	v3 =	vadd.f32 v4, v3;
	v4 =	vmul.f32 v58, v35  }
0x4a7: {  	v63 =	vadd.f32 v9, v8;
	v8 =	vmul.f32 v12, v32;
	v9 =	vmul.f32 v44, v32  }
0x4a8: {  	v12 =	vand.u32 $0xFFFF0000, v30;
	v53 =	vshll.u32 v49, $0x10;
	v54 =	vshll.u32 v50, $0x10  }
0x4a9: {  	v30 =	vmul.f32 v17, v0;
	v44 =	vand.u32 $0xFFFF0000, v22;
	v52 =	vmul.f32 v12, v32  }
0x4aa: {  	v1 =	vadd.f32 v5, v1;
	v3 =	vadd.f32 v7, v3;
	v5 =	vmul.f32 v59, v33  }
0x4ab: {  	v57 =	vld [tilespmem:s8+$0x5BB0];
	v7 =	vand.u32 $0xFFFF0000, v60;
	v59 =	vshll.u32 v29, $0x10;
	v60 =	vand.u32 $0xFFFF0000, v29  }
0x4ac: {  	v29 =	vand.u32 $0xFFFF0000, v31;
	v31 =	vshll.u32 v22, $0x10;
	v7 =	vmul.f32 v7, v35  }
0x4ad: {  	v58 =	vld [tilespmem:s8+$0x6BB0];
	v12 =	vmul.f32 v60, v32;
	v34 =	vmul.f32 v31, v32;
	v1 =	vadd.f32 v2, v1  }
0x4ae: {  	v3 =	vadd.f32 v6, v3;
	v4 =	vadd.f32 v5, v4;
	v2 =	vmul.f32 v61, v32  }
0x4af: {  	v6 =	vadd.f32 v8, v63;
	v5 =	vand.u32 $0xFFFF0000, v62;
	v8 =	vand.u32 $0xFFFF0000, v41  }
0x4b0: {  	v61 =	vshll.u32 v25, $0x10;
	v62 =	vshll.u32 v57, $0x10;
	v25 =	vand.u32 $0xFFFF0000, v25  }
0x4b1: {  	v41 =	vand.u32 $0xFFFF0000, v24;
	v5 =	vmul.f32 v5, v33;
	v8 =	vmul.f32 v8, v35  }
0x4b2: {  	v63 =	vshll.u32 v58, $0x10;
	v20 =	vmul.f32 v61, v32;
	v2 =	vadd.f32 v2, v4  }
0x4b3: {  	v1 =	vadd.s32 $0x8000, v1;
	v3 =	vadd.s32 $0x8000, v3;
	v4 =	vmul.f32 v14, v35  }
0x4b4: {  	v6 =	vadd.f32 v10, v6;
	v10 =	vmul.f32 v46, v0;
	v14 =	vmul.f32 v18, v0  }
0x4b5: {  	v46 =	vand.u32 $0xFFFF0000, v21;
	v1 =	vshrl.u32 v1, $0x10;
	v3 =	vand.u32 $0xFFFF0000, v3  }
0x4b6: {  	v5 =	vadd.f32 v5, v7;
	v7 =	vmul.f32 v47, v35;
	v36 =	vor.u32 v3, v1  }
0x4b7: {  	v2 =	vadd.f32 v13, v2;
	v1 =	vmul.f32 v42, v33;
	v6 =	vadd.s32 $0x8000, v6  }
0x4b8: {  	v3 =	vand.u32 $0xFFFF0000, v43;
	v13 =	vmul.f32 v19, v0;
	v42 =	vshll.u32 v26, $0x10  }
0x4b9: {  	v43 =	vand.u32 $0xFFFF0000, v26;
	v6 =	vand.u32 $0xFFFF0000, v6;
	v5 =	vadd.f32 v11, v5  }
0x4ba: {  	v3 =	vmul.f32 v3, v33;
	v11 =	vand.u32 $0xFFFF0000, v49;
	v1 =	vadd.f32 v1, v4  }
0x4bb: {  	v2 =	vadd.s32 $0x8000, v2;
	v4 =	vmul.f32 v45, v0;
	v11 =	vmul.f32 v11, v35  }
0x4bc: {  	v19 =	vld [tilespmem:s8+$0x6BA0];
	v45 =	vshll.u32 v21, $0x10;
	v2 =	vshrl.u32 v2, $0x10;
	v3 =	vadd.f32 v3, v8  }
0x4bd: {  	v5 =	vadd.f32 v10, v5;
	v8 =	vmul.f32 v53, v35;
	v10 =	vmul.f32 v56, v0  }
0x4be: {  	v47 =	vmul.f32 v45, v32;
	v1 =	vadd.f32 v9, v1;
	v9 =	vmul.f32 v48, v33  }
0x4bf: {  	v2 =	vor.u32 v6, v2;
	v6 =	vand.u32 $0xFFFF0000, v50;
	v48 =	vmul.f32 v46, v32  }
0x4c0: {  	v3 =	vadd.f32 v52, v3;
	v5 =	vadd.s32 $0x8000, v5;
	v6 =	vmul.f32 v6, v33  }
0x4c1: {  	v28 =	vshll.u32 v19, $0x10;
	v52 =	vmul.f32 v39, v0;
	v7 =	vadd.f32 v9, v7  }
0x4c2: {  	v9 =	vmul.f32 v51, v32;
	v1 =	vadd.f32 v4, v1;
	v4 =	vmul.f32 v54, v33  }
0x4c3: {  	v5 =	vand.u32 $0xFFFF0000, v5;
	v51 =	vmul.f32 v40, v0;
	v0 =	vmul.f32 v23, v0  }
0x4c4: {  	v6 =	vadd.f32 v6, v11;
	v3 =	vadd.f32 v10, v3;
	v10 =	vmul.f32 v62, v35  }
0x4c5: {  	v11 =	vmul.f32 v25, v32;
	v7 =	vadd.f32 v9, v7;
	v1 =	vadd.s32 $0x8000, v1  }
0x4c6: {  	v4 =	vadd.f32 v4, v8;
	v8 =	vmul.f32 v59, v32;
	v9 =	vand.u32 $0xFFFF0000, v58  }
0x4c7: {  	v1 =	vshrl.u32 v1, $0x10;
	v6 =	vadd.f32 v12, v6;
	v9 =	vmul.f32 v9, v33  }
0x4c8: {  	v12 =	vand.u32 $0xFFFF0000, v19;
	v3 =	vadd.s32 $0x8000, v3;
	v1 =	vor.u32 v5, v1  }
0x4c9: {  	v7 =	vadd.f32 v55, v7;
	v4 =	vadd.f32 v8, v4;
	v5 =	vand.u32 $0xFFFF0000, v57  }
0x4ca: {  	v8 =	vmul.f32 v63, v33;
	v12 =	vmul.f32 v12, v33;
	v3 =	vand.u32 $0xFFFF0000, v3  }
0x4cb: {  	v5 =	vmul.f32 v5, v35;
	v6 =	vadd.f32 v14, v6;
	v14 =	vmul.f32 v43, v33  }
0x4cc: {  	v8 =	vadd.f32 v8, v10;
	v4 =	vadd.f32 v13, v4;
	v10 =	vmul.f32 v28, v33  }
0x4cd: {  	v13 =	vmul.f32 v29, v35;
	v7 =	vadd.s32 $0x8000, v7;
	v5 =	vadd.f32 v9, v5  }
0x4ce: {  	v9 =	vmul.f32 v27, v35;
	v7 =	vshrl.u32 v7, $0x10;
	v6 =	vadd.s32 $0x8000, v6  }
0x4cf: {  	v8 =	vadd.f32 v20, v8;
	v37 =	vadd.f32 v12, v13;
	v12 =	vmul.f32 v38, v35  }
0x4d0: {  	v13 =	vmul.f32 v42, v33;
	v3 =	vor.u32 v3, v7;
	v4 =	vadd.s32 $0x8000, v4  }
0x4d1: {  	v6 =	vand.u32 $0xFFFF0000, v6;
	v5 =	vadd.f32 v11, v5;
	v9 =	vadd.f32 v10, v9  }
0x4d2: {  	v10 =	vmul.f32 v41, v35;
	v4 =	vshrl.u32 v4, $0x10;
	v8 =	vadd.f32 v30, v8  }
0x4d3: {  	v12 =	vadd.f32 v13, v12;
	v5 =	vadd.f32 v16, v5;
	v16 =	vmul.f32 v44, v32  }
0x4d4: {  	v4 =	vor.u32 v6, v4;
	v9 =	vadd.f32 v34, v9;
	v10 =	vadd.f32 v14, v10  }
0x4d5: {  	v50 =	vadd.f32 v47, v12;
	v55 =	vadd.s32 $0x8000, v8;
	v49 =	vadd.f32 v16, v37  }
0x4d6: {  	[tilespmem:s8+$0xABF0] =	vst v36;
	v9 =	vadd.f32 v15, v9;
	v10 =	vadd.f32 v48, v10;
	v5 =	vadd.s32 $0x8000, v5  }
0x4d7: {  	[tilespmem:s8+$0xAB80] =	vst v2;
	v56 =	vshrl.u32 v55, $0x10;
	v54 =	vadd.f32 v52, v50;
	v53 =	vadd.f32 v51, v49  }
0x4d8: {  	[tilespmem:s8+$0xABE0] =	vst v1;
	v57 =	vand.u32 $0xFFFF0000, v5;
	v0 =	vadd.f32 v0, v10;
	v58 =	vadd.s32 $0x8000, v9  }
0x4d9: {  	[tilespmem:s8+$0xABD0] =	vst v3;
	v1 =	vor.u32 v57, v56;
	v60 =	vshrl.u32 v58, $0x10;
	v59 =	vadd.s32 $0x8000, v53  }
0x4da: {  	[tilespmem:s8+$0xABC0] =	vst v4;
	v61 =	vadd.s32 $0x8000, v54;
	v0 =	vadd.s32 $0x8000, v0;
	v2 =	vand.u32 $0xFFFF0000, v59  }
0x4db: {  	[tilespmem:s8+$0xABB0] =	vst v1;
	v63 =	vshrl.u32 v61, $0x10;
	v0 =	vand.u32 $0xFFFF0000, v0;
	v62 =	vor.u32 v2, v60  }
0x4dc: {  	v0 =	vor.u32 v0, v63;
	[tilespmem:s8+$0xABA0] =	vst v62  }
0x4dd: {  	s6 =	rddreg [dreg:$0x8];
	[tilespmem:s8+$0xAB90] =	vst v0  }
0x4de: {  	[hbm4b:s6+s3] =	stream.linear.scatter [tilespmem:s16], [sflag:$0x4], $0x1000, $0x38;
	[tilespmem:$0xBB80] =	vst v63  }
0x4df: {  	_ =	swait.ge [sflag:s13], $0x1000  }
0x4e0: {  	[sflag:s13] =	ssyncset.done $0x0  }
0x4e1: {  	[sflag:s13] =	ssyncadd.s32 $0xFFFFF000  }
0x4e2: {  	_ =	swait.ge [sflag:s12], $0x1000  }
0x4e3: {  	s7 =	sadd.s32 $0x1, s7;
	s17 =	rddreg [dreg:$0x9]  }
0x4e4: {  	p0 =	sne.s32 s7, s17  }
.Ltmp5:
0x4e5: {  	_ = 	snop;
	(pc) =	sbr.rel @p0 .LBB2_1-.Ltmp5, $3  }
0x4e6: {  	_ =	sdelay $0x1  }
0x4e7: {  	[sflag:s12] =	ssyncset.done $0x0  }
0x4e8: {  	[sflag:s12] =	ssyncadd.s32 $0xFFFFF000  }
0x4e9: {  	_ =	sfence.sel $0x180000  }
0x4ea: {  	[bflag:$0x0] =	sbarrier.arrive $0xFFFF  }
0x4eb: {  	_ =	strace $0x90000047  }
0x4ec: {  	s0 =	stileid.u32;
	[bflag:$0x2] =	sbarrier.arrive $0xFFFF  }
0x4ed: {  	p0 =	sne.s32 s0, $0x0;
	s0 =	rddreg [dreg:$0x2]  }
0x4ee: {  	s0 =	sadd.s32 @!p0 $0x100000, s0  }
0x4ef: {  	[sflag:s0] =	ssyncadd.tile.s32 @!p0 $0x1;
	_ =	shalt  }
.Lfunc_end2:
_tile_overlayer_lowered:
.L_overlay_start_2:
0x4f0: {  	(tag) =	ssettag $0x2  }
0x4f1: {  	s0 =	rddreg [dreg:$0x0];
	s2 =	stileid.u32  }
0x4f2: {  	s1 =	rddreg [dreg:$0x1];
	p0 =	sne.s32 s2, $0x0  }
0x4f3: {  	s3 =	rddreg [dreg:$0x2];
	[bflag:$0x3] =	sbarrier.arrive $0xFFFF;
	s2 =	simm.s32 @!p0 $0x1C05  }
0x4f4: {  	[timem:s3], [sflag:s2] =	dma.local @!p0 [hbm:s0], s1  }
0x4f5: {  	s0 =	simm.s32 @!p0 $0x5  }
0x4f6: {  	_ =	swait.ge @!p0 [sflag:s0], s1  }
0x4f7: {  	s1 =	ssub.s32 @!p0 $0x0, s1;
	[sflag:s0] =	ssyncset.done @!p0 $0x0  }
0x4f8: {  	[sflag:s0] =	ssyncadd.s32 @!p0 s1  }
0x4f9: {  	[bflag:$0x3] =	sbarrier.arrive $0xFFFF  }
0x4fa: {  	_ =	shalt  }

// kernel: sparse-core-data-format-call.cloned.1.call-start
scs
called_computation_lowered:
.L_overlay_start_0:
0x0: {  	s2 =	sld [smem:$0x3FD9]  }
0x1: {  	s3 =	sld [smem:$0x3FFE];
	_ =	sdelay $0x1  }
0x2: {  	s1 =	srdreg.scid  }
0x3: {  	s0 =	sand.u32 $0x1, s1  }
0x4: {  	s18 =	sshll.u32 s0, $0xA;
	s2 =	sadd.s32 s3, s2  }
0x5: {  	s2 =	sadd.s32 s2, s18  }
0x6: {  	[smem:$0x3FC3] =	sst s2  }
0x7: {  	_ = 	snop  }
0x8: {  	s2 =	sld [smem:$0x3FD0];
	(tm) =	ssettm $0x1  }
0x9: {  	s19 =	sld [smem:$0x3FFB];
	_ =	sdelay $0x3  }
0xa: {  	_ =	strace s19  }
0xb: {  	s3 =	sld [smem:$0x3FFC];
	_ =	sdelay $0x3  }
0xc: {  	_ =	strace s3  }
0xd: {  	s3 =	sld [smem:$0x3FFD];
	_ =	sdelay $0x3  }
0xe: {  	_ =	strace s3  }
0xf: {  	_ =	strace $0x8FFFFFFF  }
0x10: {  	s20 =	sld [smem:$0x3FDB];
	_ =	sdelay $0x1  }
0x11: {  	s4 =	simm.s32 $_scs_section_size  }
0x12: {  	s5 =	simm.s32 $_size__tile_overlayer_lowered;
	s6 =	simm.s32 $_tile_overlayer_lowered  }
0x13: {  	s23 =	simm.s32 $0x1BFF;
	s22 =	sshll.u32 s6, $0x1;
	s3 =	sadd.s32 s4, s20  }
0x14: {  	s7 =	simm.s32 $0x0;
	s21 =	sshll.u32 s5, $0x1;
	s5 =	sadd.s32 s22, s3  }
0x15: {  	[timem:s7], [sflag:s23] =	dma.local [hbm:s5], s21  }
0x16: {  	_ =	swait.ge [sflag:s23], s21  }
0x17: {  	s4 =	ssub.s32 $0x0, s21;
	[sflag:s23] =	ssyncset.done $0x0  }
0x18: {  	[sflag:s23] =	ssyncadd.s32 s4;
	_ =	sdelay $0x1  }
0x19: {  	s24 =	simm.s32 $0x1B8B  }
0x1a: {  	_ =	swait.ge [sflag:s24], $0x1  }
0x1b: {  	[sflag:s24] =	ssyncset.done $0x0  }
0x1c: {  	s26 =	simm.s32 $0x1B8E;
	s25 =	sld [smem:$0x3FFE];
	[sflag:s24] =	ssyncadd.s32 $0xFFFFFFFF  }
0x1d: {  	s27 =	simm.s32 $execute0_lowered;
	[smem:$0x3FD2] =	sst s26  }
0x1e: {  	s5 =	sshll.u32 s27, $0x1;
	_ =	strace $0x80000049;
	[dreg:$0x1] =	wrdreg $0xFFFFFFFF  }
0x1f: {  	s28 =	simm.s32 $_size_execute0_lowered;
	s3 =	sadd.s32 s3, s5;
	[dreg:$0x0] =	wrdreg $0x0  }
0x20: {  	s5 =	sshll.u32 s28, $0x1;
	[dreg:$0x2] =	wrdreg s3  }
0x21: {  	[dreg:$0x3] =	wrdreg s5  }
0x22: {  	[dreg:$0x4] =	wrdreg $0xC0  }
0x23: {  	_ =	task [dreg:s7], $0x5FFFF  }
0x24: {  	[dreg:$0x1] =	wrdreg $0xFFFFFFFF  }
0x25: {  	[dreg:$0x0] =	wrdreg $0x60  }
0x26: {  	[dreg:$0x2] =	wrdreg s25  }
0x27: {  	[dreg:$0x3] =	wrdreg s2  }
0x28: {  	[dreg:$0x4] =	wrdreg $0x9  }
0x29: {  	_ =	task.clear_ibuf [dreg:s7], $0x5FFFF;
	_ =	strace $0x90000049  }
0x2a: {  	s29 =	simm.s32 $0x9;
	_ =	strace $0x8000004B  }
0x2b: {  	_ =	swait.ge [sflag:s29], $0x1  }
0x2c: {  	[sflag:s29] =	ssyncadd.s32 $0xFFFFFFFF  }
0x2d: {  	_ =	strace $0x9000004B  }
0x2e: {  	_ =	sfence  }
0x2f: {  	s30 =	sld [smem:$0x0];
	_ =	sdelay $0x2  }
0x30: {  	s31 =	sshll.u32 s1, $0xD;
	s1 =	sshrl.u32 s1, $0x2  }
0x31: {  	s3 =	sand.u32 $0x4000, s31;
	s1 =	sadd.s32 s1, s30  }
0x32: {  	s0 =	sor.u32 s3, s0;
	s1 =	sshll.u32 s1, $0x11  }
0x33: {  	s0 =	sor.u32 s1, s0  }
0x34: {  	s0 =	sadd.s32 $0x8F2B, s0  }
0x35: {  	[sflag:s0] =	ssyncadd.remote.s32 $0x1  }
0x36: {  	_ =	sfence.sel $0xFFFF  }
0x37: {  	[dreg:$0x0] =	wrdreg $0xFFFFFFFF;
	(pc) =	sbr.abs _section_cstart, $3  }
0x38: {  	[dreg:$0x1] =	wrdreg $0xFFFFFFFF  }
0x39: {  	_ =	task.clear_ibuf [dreg:s7], $0x2FFFF;
	_ =	strace $0x9FFFFFFF  }
0x3a: {  	(tm) =	ssettm $0x7FFFFFFF  }
0x3b: {  	_ =	shalt  }
tec
execute0_lowered:
.L_overlay_start_1:
0x0: {  	(tag) =	ssettag $0x1  }
0x1: {  	s0 =	srdreg.scid  }
0x2: {  	s1 =	rddreg [dreg:$0x0];
	s4 =	stileid.u32  }
0x3: {  	_ =	strace $0x8000004A;
	s3 =	simm.s32 $0x1C;
	s30 =	simm.s32 $0x1  }
0x4: {  	s31 =	simm.s32 $0x2;
	s20 =	simm.s32 $0x0;
	s12 =	simm.s32 $0x0  }
0x5: {  	s22 =	simm.s32 $0x0;
	s21 =	simm.s32 $0x0;
	s23 =	simm.s32 $0x0  }
0x6: {  	s13 =	simm.s32 $0x0;
	s14 =	simm.s32 $0x0;
	s0 =	sshll.u32 s0, $0x7  }
0x7: {  	s15 =	simm.s32 $0x0;
	s16 =	simm.s32 $0x0;
	s5 =	sand.u32 $0x80, s0  }
0x8: {  	s19 =	simm.s32 $0x0;
	s7 =	sshrl.u32 s4, $0x3;
	s0 =	ssub.s32 $0x100, s5  }
0x9: {  	s29 =	sshll.u32 s4, $0x7;
	p0 =	seq.s32 s7, $0x0;
	s2 =	sshrl.u32 s0, $0x7  }
0xa: {  	s8 =	sand.u32 $0x380, s29;
	s0 =	sshrl.u32 s0, $0x8;
	s2 =	sand.u32 $0x1, s2  }
.Ltmp0:
0xb: {  	s3 =	simm.s32 @!p0 $0x15;
	s0 =	sadd.s32 s0, s2;
	(pc) =	sbr.rel .LBB1_1-.Ltmp0, $4  }
0xc: {  	[dreg:$0x3] =	wrdreg s7;
	s1 =	sadd.s32 s5, s1;
	s6 =	smul.u32 s3, s0  }
0xd: {  	[sflag:s30] =	ssyncpa.u1 $0x0;
	[dreg:$0x4] =	wrdreg s8;
	s9 =	sadd.s32 $0x1C1000, s1  }
0xe: {  	[sflag:s31] =	ssyncpa.u1 $0x0;
	[dreg:$0x5] =	wrdreg s9;
	s10 =	sadd.s32 $0x1, s6  }
0xf: {  	s17 =	smov.u32 s7;
	s18 =	smov.u32 s8;
	[dreg:$0x6] =	wrdreg s10  }
.LBB1_11:
0x10: {  	s0 =	sshll.u32 s15, $0x8;
	s1 =	sshll.u32 s23, $0x3;
	s26 =	smul.u32 $0x36B00, s14  }
0x11: {  	s2 =	sshll.u32 s15, $0x7;
	p0 =	sgt.s32 s13, $0x6;
	s27 =	smul.u32 $0x7D00, s13  }
0x12: {  	s4 =	sshll.u32 s15, $0x4;
	s5 =	rddreg [dreg:$0x1];
	s0 =	sand.u32 $0xFFFFF800, s0  }
0x13: {  	s28 =	sshll.u32 s19, $0xE;
	s11 =	sand.u32 $0x300, s2;
	s0 =	sor.u32 s0, s1  }
0x14: {  	s30 =	simm.s32 $0x400;
	s31 =	simm.s32 $0x800;
	s0 =	sor.u32 s11, s0  }
0x15: {  	s8 =	rddreg [dreg:$0x4];
	s2 =	smov.u32 s13;
	s0 =	sshrl.u32 s0, $0x8  }
0x16: {  	s9 =	rddreg [dreg:$0x5];
	s2 =	simm.s32 @!p0 $0x6;
	s23 =	smulhi.u32 $0x83126F, s0  }
0x17: {  	s10 =	rddreg [dreg:$0x6];
	s4 =	sand.u32 $0x10, s4;
	s2 =	sadd.s32 s24, s2  }
0x18: {  	s29 =	sand.u32 $0x4000, s28;
	s3 =	sadd.s32 $0xFFFFFFFA, s2;
	s1 =	sshrl.u32 s23, $0x1  }
0x19: {  	s2 =	ssub.s32 $0x7, s2;
	p0 =	sgt.s32 s3, $0x0;
	s1 =	smul.u32 $0x3E8, s1  }
0x1a: {  	s3 =	sadd.s32 s5, s26;
	s5 =	smov.u32 s7;
	s2 =	simm.s32 @p0 $0x0  }
0x1b: {  	s2 =	smul.u32 s2, s25;
	s0 =	ssub.s32 s0, s1;
	s1 =	sadd.s32 s27, s3  }
0x1c: {  	s7 =	rddreg [dreg:$0x3];
	s0 =	sshll.u32 s0, $0x5;
	s1 =	sadd.s32 s4, s1  }
0x1d: {  	s2 =	sand.u32 $0x3FFFFF80, s2;
	s3 =	sor.u32 $0x8000, s29;
	s0 =	sadd.s32 s0, s1  }
0x1e: {  	[hbm4b:s0+s30] =	stream.strided.scatter [tilespmem:s3], [sflag:$0x2], s2, s31, s30, $0x38;
	[tilespmem:$0x10000] =	vst v63  }
.LBB1_12:
0x1f: {  	p0 =	slt.u32 s19, $0x2  }
0x20: {  	p1 =	sgt.s32 @!p0 s22, $0x6  }
0x21: {  	s0 =	smov.u32 s22;
	s1 =	sshra.s32 @!p0 s22, $0x1F;
	p1 =	por !p1, p0  }
0x22: {  	s1 =	sand.u32 @!p0 s1, s22;
	s0 =	simm.s32 @p1 $0x6  }
0x23: {  	s0 =	ssub.s32 @!p0 s0, s1  }
0x24: {  	s3 =	smov.u32 s20;
	s1 =	sadd.s32 @!p0 $0xFFFFFFFA, s0  }
0x25: {  	s4 =	smov.u32 s17;
	p2 =	sgt.s32 @!p0 s21, $0x368;
	p1 =	sgt.s32 @!p0 s1, $0x0  }
0x26: {  	s2 =	sshra.s32 @!p0 s21, $0x1F;
	s0 =	ssub.s32 @!p0 $0x7, s0;
	p1 =	por !p1, p0  }
0x27: {  	s1 =	smov.u32 s21;
	s0 =	simm.s32 @!p1 $0x0;
	p1 =	por !p2, p0  }
0x28: {  	s2 =	sand.u32 @!p0 s2, s21;
	p2 =	sgt.s32 @!p0 s20, $0x6;
	s1 =	simm.s32 @p1 $0x368  }
0x29: {  	p1 =	por !p2, p0;
	s1 =	ssub.s32 @!p0 s1, s2;
	s2 =	sshra.s32 @!p0 s20, $0x1F  }
0x2a: {  	s3 =	simm.s32 @p1 $0x6;
	s2 =	sand.u32 @!p0 s2, s20;
	s1 =	sadd.s32 @!p0 $0xFFFFFC98, s1  }
0x2b: {  	s2 =	ssub.s32 @!p0 s3, s2;
	p1 =	sgt.s32 @!p0 s1, $0x7F;
	s1 =	sshll.u32 @!p0 s1, $0x7  }
0x2c: {  	s3 =	sadd.s32 @!p0 $0xFFFFFFFA, s2;
	s1 =	ssub.s32 @!p0 $0x4000, s1;
	p1 =	por !p1, p0  }
0x2d: {  	s2 =	ssub.s32 @!p0 $0x7, s2;
	p2 =	sgt.s32 @!p0 s3, $0x0;
	s1 =	simm.s32 @!p1 $0x0  }
0x2e: {  	p1 =	por !p2, p0;
	s0 =	smul.u32 @!p0 s0, s1;
	s1 =	sadd.s32 $0x1, s16  }
0x2f: {  	s3 =	sadd.s32 $0x2, s17;
	s2 =	simm.s32 @!p1 $0x0;
	p1 =	sgt.s32 s1, $0x6  }
0x30: {  	s12 =	sadd.s32 $0x4000, s12;
	s0 =	smul.u32 @!p0 s2, s0;
	s4 =	smov.u32 @p1 s3  }
0x31: {  	s2 =	sadd.s32 $0x400, s18;
	s3 =	smov.u32 s18;
	p2 =	sgt.s32 s4, $0x6  }
0x32: {  	s23 =	smov.u32 s5;
	s22 =	smov.u32 s14;
	s3 =	smov.u32 @p2 s2  }
0x33: {  	s14 =	smov.u32 s17;
	s1 =	simm.s32 @p1 $0x0;
	p1 =	sgt.s32 s3, $0x3E7  }
0x34: {  	s21 =	smov.u32 s15;
	s3 =	smov.u32 @p1 s8;
	p1 =	sne.s32 s19, s10  }
.Ltmp1:
0x35: {  	s15 =	smov.u32 s18;
	s20 =	smov.u32 s13;
	(pc) =	sbr.rel @!p1 .LBB1_13-.Ltmp1, $4  }
0x36: {  	s13 =	smov.u32 s16;
	s0 =	sand.u32 @!p0 $0x3FFFFF80, s0;
	s2 =	simm.s32 @!p0 $0x2  }
0x37: {  	s16 =	smov.u32 s1;
	s4 =	smov.u32 @p2 s7;
	_ =	swait.ge @!p0 [sflag:s2], s0  }
0x38: {  	s0 =	ssub.s32 @!p0 $0x0, s0;
	s17 =	smov.u32 s4;
	[sflag:s2] =	ssyncset.done @!p0 $0x0  }
0x39: {  	s19 =	sadd.s32 $0x1, s19;
	[sflag:s2] =	ssyncadd.s32 @!p0 s0;
	s18 =	smov.u32 s3  }
.LBB1_1:
0x3a: {  	p0 =	sge.u32 s19, s6;
	s0 =	smov.u32 s18;
	s3 =	smov.u32 s17  }
0x3b: {  	s31 =	sadd.s32 $0xFFFFFFFF, s19;
	p1 =	sgt.s32 @!p0 s18, $0x368;
	s1 =	sxor.u32 @!p0 $0xFFFFFFFF, s19  }
0x3c: {  	s2 =	sshra.s32 @!p0 s18, $0x1F;
	s4 =	sshra.s32 @!p0 s17, $0x1F;
	p1 =	por !p1, p0  }
0x3d: {  	s2 =	sand.u32 @!p0 s2, s18;
	s0 =	simm.s32 @p1 $0x368;
	p1 =	sgt.s32 @!p0 s17, $0x6  }
0x3e: {  	s4 =	sand.u32 @!p0 s4, s17;
	p1 =	por !p1, p0;
	s0 =	ssub.s32 @!p0 s0, s2  }
0x3f: {  	s3 =	simm.s32 @p1 $0x6;
	p1 =	sgt.s32 @!p0 s16, $0x7;
	s0 =	sadd.s32 @!p0 $0xFFFFFC98, s0  }
0x40: {  	s2 =	ssub.s32 @!p0 s3, s4;
	p1 =	por !p1, p0;
	s4 =	smov.u32 s16  }
0x41: {  	s3 =	sadd.s32 @!p0 $0xFFFFFFFA, s2;
	s4 =	simm.s32 @p1 $0x7;
	p1 =	sgt.s32 @!p0 s0, $0x7F  }
0x42: {  	s0 =	sshll.u32 @!p0 s0, $0x7;
	p2 =	sgt.s32 @!p0 s3, $0x0;
	s3 =	sshra.s32 @!p0 s16, $0x1F  }
0x43: {  	s2 =	ssub.s32 @!p0 $0x7, s2;
	s0 =	ssub.s32 @!p0 $0x4000, s0;
	s3 =	sand.u32 @!p0 s3, s16  }
0x44: {  	p1 =	por !p1, p0;
	p2 =	por !p2, p0;
	s3 =	ssub.s32 @!p0 s4, s3  }
0x45: {  	s0 =	simm.s32 @!p1 $0x0;
	s2 =	simm.s32 @!p2 $0x0;
	s4 =	sadd.s32 @!p0 $0xFFFFFFF9, s3  }
0x46: {  	s1 =	sshll.u32 @!p0 s1, $0xE;
	s0 =	smul.u32 @!p0 s2, s0;
	p2 =	sgt.s32 @!p0 s4, $0x0  }
0x47: {  	s3 =	ssub.s32 @!p0 $0x8, s3;
	s2 =	smul.u32 @!p0 $0x700, s18;
	p1 =	por !p2, p0  }
0x48: {  	s1 =	sand.u32 @!p0 $0x4000, s1;
	s4 =	sshll.u32 @!p0 s16, $0x4;
	s3 =	simm.s32 @!p1 $0x0  }
0x49: {  	s2 =	sadd.s32 @!p0 s2, s9;
	s0 =	smul.u32 @!p0 s3, s0;
	s3 =	sshll.u32 @!p0 s17, $0x8  }
0x4a: {  	s4 =	sand.u32 @!p0 $0x70, s4;
	s2 =	sadd.s32 @!p0 s3, s2;
	s3 =	simm.s32 @!p0 $0x80  }
0x4b: {  	s0 =	sand.u32 @!p0 $0x3FFFFF80, s0;
	s2 =	sadd.s32 @!p0 s4, s2;
	s4 =	simm.s32 @!p0 $0x3800  }
0x4c: {  	[tilespmem:s1], [sflag:$0x1] =	stream.strided.gather @!p0 [hbm4b:s2+s3], s0, s4, s3, $0x38;
	[tilespmem:$0x10000] =	vst v63  }
0x4d: {  	p0 =	sge.u32 s31, s6  }
.Ltmp2:
0x4e: {  	_ = 	snop;
	(pc) =	sbr.rel @p0 .LBB1_12-.Ltmp2, $1  }
0x4f: {  	_ =	sdelay $0x3  }
0x50: {  	p0 =	sgt.s32 s15, $0x368  }
0x51: {  	s0 =	smov.u32 s15;
	s1 =	sshra.s32 s15, $0x1F;
	s2 =	sshra.s32 s14, $0x1F  }
0x52: {  	s24 =	ssub.s32 $0x0, s13;
	s25 =	sshra.s32 s13, $0x1F;
	p1 =	sgt.s32 s13, $0x7  }
0x53: {  	s4 =	smov.u32 s13;
	s0 =	simm.s32 @!p0 $0x368;
	s1 =	sand.u32 s1, s15  }
0x54: {  	p0 =	sgt.s32 s14, $0x6;
	s0 =	ssub.s32 s0, s1;
	s1 =	smov.u32 s14  }
0x55: {  	s2 =	sand.u32 s2, s14;
	s24 =	sand.u32 s24, s25;
	s1 =	simm.s32 @!p0 $0x6  }
0x56: {  	s4 =	simm.s32 @!p1 $0x7;
	s3 =	sadd.s32 $0xFFFFFC98, s0;
	s1 =	ssub.s32 s1, s2  }
0x57: {  	s0 =	ssub.s32 $0x3E8, s0;
	p0 =	sgt.s32 s3, $0x7F;
	s26 =	sadd.s32 $0xFFFFFFFA, s1  }
0x58: {  	s2 =	sadd.s32 s24, s4;
	s1 =	ssub.s32 $0x7, s1;
	p1 =	sgt.s32 s26, $0x0  }
0x59: {  	s0 =	simm.s32 @p0 $0x0;
	s29 =	sadd.s32 $0xFFFFFFF9, s2;
	s1 =	simm.s32 @p1 $0x0  }
0x5a: {  	p0 =	sgt.s32 s29, $0x0;
	s0 =	smul.u32 s0, s1;
	s1 =	ssub.s32 $0x8, s2  }
0x5b: {  	s2 =	sadd.s32 $0x80, s15;
	s1 =	simm.s32 @p0 $0x0  }
0x5c: {  	p0 =	slt.s32 s2, $0x3E8;
	s25 =	sshll.u32 s0, $0x7;
	s0 =	sadd.s32 $0x1, s14  }
0x5d: {  	s2 =	simm.s32 @!p0 $0x3E8;
	p0 =	slt.s32 s0, $0x7  }
0x5e: {  	s26 =	ssub.s32 s2, s15;
	s2 =	sadd.s32 $0x1, s13;
	s0 =	simm.s32 @!p0 $0x7  }
0x5f: {  	p0 =	slt.s32 s2, $0x7;
	p1 =	slt.s32 s26, $0x1;
	s27 =	ssub.s32 s0, s14  }
0x60: {  	s2 =	simm.s32 @!p0 $0x7;
	p0 =	slt.s32 @!p1 s27, $0x1  }
0x61: {  	s28 =	ssub.s32 s2, s13;
	p0 =	por p1, p0  }
0x62: {  	p1 =	slt.s32 @!p0 s28, $0x1  }
0x63: {  	s1 =	smul.u32 s1, s25;
	p0 =	por p0, p1  }
.Ltmp3:
0x64: {  	_ = 	snop;
	(pc) =	sbr.rel @p0 .LBB1_11-.Ltmp3, $4  }
0x65: {  	s31 =	simm.s32 $0x1;
	s30 =	sand.u32 $0x3FFFFF80, s1  }
0x66: {  	_ =	swait.ge [sflag:s31], s30  }
0x67: {  	s0 =	ssub.s32 $0x0, s30;
	[sflag:s31] =	ssyncset.done $0x0  }
0x68: {  	s7 =	smov.u32 s5;
	[sflag:s31] =	ssyncadd.s32 s0  }
0x69: {  	s0 =	sshll.u32 s12, $0x2  }
0x6a: {  	s0 =	sand.u32 $0x10000, s0  }
0x6b: {  	s29 =	sshrl.u32 s0, $0x2  }
0x6c: {  	s2 =	simm.s32 $0x0;
	s0 =	simm.s32 $0x0;
	s30 =	sor.u32 $0x8000, s29  }
.LBB1_4:
0x6d: {  	s1 =	sand.u32 $0x3F80, s0  }
0x6e: {  	s31 =	smov.u32 s2;
	s10 =	simm.s32 $0x0;
	s4 =	sadd.s32 s1, s30  }
.LBB1_5:
0x6f: {  	s11 =	simm.s32 $0x0;
	s5 =	smov.u32 s4;
	s8 =	simm.s32 $0x0  }
.LBB1_6:
0x70: {  	s1 =	sand.u32 $0x7, s11  }
0x71: {  	s1 =	sadd.s32 s1, s31  }
0x72: {  	s1 =	sshll.u32 s1, $0x9  }
0x73: {  	s1 =	sshra.s32 s1, $0x2  }
0x74: {  	s3 =	simm.s32 $0xFFFFFFF0;
	s9 =	sadd.s32 s1, s29;
	s1 =	smov.u32 s5  }
.LBB1_7:
0x75: {  	s3 =	sadd.s32 $0x10, s3  }
0x76: {  	v0 =	vld [tilespmem:s9+$0x0];
	p0 =	slt.u32 s3, $0x70  }
.Ltmp4:
0x77: {  	_ = 	snop;
	(pc) =	sbr.rel @p0 .LBB1_7-.Ltmp4, $2  }
0x78: {  	_ =	sdelay $0x2  }
0x79: {  	s9 =	sadd.s32 $0x10, s9;
	[tilespmem:s1+$0x0] =	vst v0;
	s1 =	sadd.s32 $0x10, s1  }
0x7a: {  	s8 =	sadd.s32 $0x1, s8  }
0x7b: {  	p0 =	sne.s32 s8, s28  }
.Ltmp5:
0x7c: {  	_ = 	snop;
	(pc) =	sbr.rel @p0 .LBB1_6-.Ltmp5, $2  }
0x7d: {  	_ =	sdelay $0x2  }
0x7e: {  	s5 =	sadd.s32 $0x4000, s5;
	s11 =	sadd.s32 $0x1, s11  }
0x7f: {  	s10 =	sadd.s32 $0x1, s10  }
0x80: {  	p0 =	sne.s32 s10, s27  }
.Ltmp6:
0x81: {  	_ = 	snop;
	(pc) =	sbr.rel @p0 .LBB1_5-.Ltmp6, $2  }
0x82: {  	_ =	sdelay $0x2  }
0x83: {  	s4 =	sadd.s32 $0x4000, s4;
	s31 =	sadd.s32 $0x1, s31  }
0x84: {  	s2 =	sadd.s32 $0x1, s2  }
0x85: {  	p0 =	sne.s32 s2, s26  }
.Ltmp7:
0x86: {  	_ = 	snop;
	(pc) =	sbr.rel @p0 .LBB1_4-.Ltmp7, $4  }
.Ltmp8:
0x87: {  	_ = 	snop;
	(pc) =	sbr.rel @!p0 .LBB1_11-.Ltmp8, $4  }
0x88: {  	_ = 	snop  }
0x89: {  	_ = 	snop  }
0x8a: {  	s0 =	sadd.s32 $0x80, s0  }
0x8b: {  	_ = 	snop  }
.LBB1_13:
0x8c: {  	_ =	sfence.sel $0x180000  }
0x8d: {  	s0 =	simm.s32 $0x1;
	[bflag:$0x0] =	sbarrier.arrive $0xFFFF  }
0x8e: {  	s30 =	simm.s32 $0x2;
	[sflag:s0] =	ssyncpa.u1 $0x1  }
0x8f: {  	[sflag:s30] =	ssyncpa.u1 $0x1  }
0x90: {  	_ =	strace $0x9000004A  }
0x91: {  	s31 =	stileid.u32;
	[bflag:$0x2] =	sbarrier.arrive $0xFFFF  }
0x92: {  	p0 =	sne.s32 s31, $0x0;
	s0 =	rddreg [dreg:$0x2]  }
0x93: {  	s0 =	sadd.s32 @!p0 $0x100000, s0  }
0x94: {  	[sflag:s0] =	ssyncadd.tile.s32 @!p0 $0x1;
	_ =	shalt  }
.Lfunc_end1:
_tile_overlayer_lowered:
.L_overlay_start_2:
0x95: {  	(tag) =	ssettag $0x2  }
0x96: {  	s0 =	rddreg [dreg:$0x0];
	s2 =	stileid.u32  }
0x97: {  	s1 =	rddreg [dreg:$0x1];
	p0 =	sne.s32 s2, $0x0  }
0x98: {  	s3 =	rddreg [dreg:$0x2];
	[bflag:$0x3] =	sbarrier.arrive $0xFFFF;
	s2 =	simm.s32 @!p0 $0x1C01  }
0x99: {  	[timem:s3], [sflag:s2] =	dma.local @!p0 [hbm:s0], s1  }
0x9a: {  	s0 =	simm.s32 @!p0 $0x1  }
0x9b: {  	_ =	swait.ge @!p0 [sflag:s0], s1  }
0x9c: {  	s1 =	ssub.s32 @!p0 $0x0, s1;
	[sflag:s0] =	ssyncset.done @!p0 $0x0  }
0x9d: {  	[sflag:s0] =	ssyncadd.s32 @!p0 s1  }
0x9e: {  	[bflag:$0x3] =	sbarrier.arrive $0xFFFF  }
0x9f: {  	_ =	shalt  }

</sc_bundles>
